<compile_context>
chip_gen: v7x
topology: tpu7x:2x2x1
jax: 0.10.2.dev20260603
libtpu: 0.0.44.dev20260713+nightly
codegen_flags: <defaults>
</compile_context>

<pallas_src>
import functools

import jax
import jax.numpy as jnp
from jax import lax
from jax.experimental import pallas as pl
from jax.experimental.pallas import tpu as pltpu
from jax.experimental.pallas import tpu_sc as plsc

B = 16384
D = 32
NW = 32
B_PER_W = B // NW
LANES = 128
BC = 8
N_BATCH = B_PER_W // BC


def _sc_gather(uid, iid, uembT, iembT):
    mesh = plsc.VectorSubcoreMesh(core_axis_name="c", subcore_axis_name="s")
    nc = mesh.num_cores

    @functools.partial(
        pl.kernel,
        out_type=(
            jax.ShapeDtypeStruct((D, B), jnp.float32),
            jax.ShapeDtypeStruct((D, B), jnp.float32),
        ),
        mesh=mesh,
        compiler_params=pltpu.CompilerParams(needs_layout_passes=False),
        scratch_types=[
            pltpu.VMEM((B_PER_W + 2 * BC,), jnp.int32),
            pltpu.VMEM((B_PER_W + 2 * BC,), jnp.int32),
            pltpu.VMEM((D, BC * LANES), jnp.float32),
            pltpu.VMEM((D, BC * LANES), jnp.float32),
            pltpu.VMEM((D, BC * LANES), jnp.float32),
            pltpu.VMEM((D, B_PER_W), jnp.float32),
            pltpu.SemaphoreType.DMA,
            pltpu.SemaphoreType.DMA,
            pltpu.SemaphoreType.DMA,
        ],
    )
    def body(uid_ref, iid_ref, ue_tab, ie_tab, ue_out, ie_out,
             uidx_s, iidx_s, wins0, wins1, wins2, outT, sem0, sem1, sem2):
        wid = lax.axis_index("s") * nc + lax.axis_index("c")
        base = pl.multiple_of(wid * B_PER_W, B_PER_W)
        pltpu.sync_copy(uid_ref.at[pl.ds(base, B_PER_W)],
                        uidx_s.at[pl.ds(0, B_PER_W)])
        pltpu.sync_copy(iid_ref.at[pl.ds(base, B_PER_W)],
                        iidx_s.at[pl.ds(0, B_PER_W)])

        rows_lo = lax.iota(jnp.int32, 16)
        rows_hi = rows_lo + 16
        bufs = (wins0, wins1, wins2)
        sems = (sem0, sem1, sem2)
        NB3 = N_BATCH // 3 + 1

        def gather_table(tab, idx_v, out_hbm):
            def batch_ids(b):
                v = idx_v[pl.ds(pl.multiple_of(b * BC, BC), 2 * BC)]
                return [v[j] for j in range(BC)]

            def fire(b, buf, sem):
                ids8 = batch_ids(b)
                for j in range(BC):
                    col = pl.multiple_of((ids8[j] >> 7) * LANES, LANES)
                    pltpu.async_copy(
                        tab.at[:, pl.ds(col, LANES)],
                        buf.at[:, pl.ds(j * LANES, LANES)], sem)

            def drain(buf, sem):
                pltpu.make_async_copy(
                    tab.at[:, pl.ds(0, BC * LANES)], buf, sem).wait()

            def extract(b, buf):
                ids8 = batch_ids(b)
                for j in range(BC):
                    lane = jnp.full((16,), (ids8[j] & 127) + j * LANES,
                                    jnp.int32)
                    dst = jnp.full((16,), b * BC + j, jnp.int32)
                    lo = plsc.load_gather(buf, [rows_lo, lane])
                    hi = plsc.load_gather(buf, [rows_hi, lane])
                    plsc.store_scatter(outT, [rows_lo, dst], lo)
                    plsc.store_scatter(outT, [rows_hi, dst], hi)

            clamp = lambda b: jnp.minimum(b, N_BATCH - 1)
            fire(0, bufs[0], sems[0])
            fire(1, bufs[1], sems[1])

            def trip(t, _):
                for k in range(3):
                    b = 3 * t + k
                    fire(clamp(b + 2), bufs[(k + 2) % 3], sems[(k + 2) % 3])
                    drain(bufs[k], sems[k])
                    extract(clamp(b), bufs[k])
                return 0

            lax.fori_loop(0, NB3, trip, 0)
            drain(bufs[(3 * NB3) % 3], sems[(3 * NB3) % 3])
            drain(bufs[(3 * NB3 + 1) % 3], sems[(3 * NB3 + 1) % 3])
            pltpu.sync_copy(outT, out_hbm.at[:, pl.ds(base, B_PER_W)])

        gather_table(ue_tab, uidx_s, ue_out)
        gather_table(ie_tab, iidx_s, ie_out)

    return body(uid, iid, uembT, iembT)


def _mlp_body(ueT_ref, ieT_ref, w1, b1, w2, b2, w3, b3,
              pred_ref, score_ref):
    ueT = ueT_ref[...]
    ieT = ieT_ref[...]
    prodT = ueT * ieT
    inter = jnp.sum(prodT, axis=0)
    pred_ref[...] = jax.nn.sigmoid(inter)
    x = jnp.concatenate([ueT, ieT, prodT], axis=0)
    h1 = jnp.dot(w1[...], x, preferred_element_type=jnp.float32) + b1[...]
    h1 = jnp.maximum(h1, 0.0)
    h2 = jnp.dot(w2[...], h1, preferred_element_type=jnp.float32) + b2[...]
    h2 = jnp.maximum(h2, 0.0)
    score_ref[...] = jnp.sum(h2 * w3[...], axis=0) + b3[0, 0]


def _tc_mlp(ueT, ieT, w1, b1, w2, b2, w3, b3):
    blk = 2048
    grid = (B // blk,)
    full = lambda shape: pl.BlockSpec(shape, lambda i: (0, 0))
    return pl.pallas_call(
        _mlp_body,
        grid=grid,
        in_specs=[
            pl.BlockSpec((D, blk), lambda i: (0, i)),
            pl.BlockSpec((D, blk), lambda i: (0, i)),
            full((96, 96)),
            full((96, 1)),
            full((64, 96)),
            full((64, 1)),
            full((64, 1)),
            full((1, 1)),
        ],
        out_specs=[
            pl.BlockSpec((blk,), lambda i: (i,)),
            pl.BlockSpec((blk,), lambda i: (i,)),
        ],
        out_shape=[
            jax.ShapeDtypeStruct((B,), jnp.float32),
            jax.ShapeDtypeStruct((B,), jnp.float32),
        ],
    )(ueT, ieT, w1, b1, w2, b2, w3, b3)


def kernel(user_ids, item_ids, user_emb, item_emb, user_bias, item_bias,
           W1, b1, W2, b2, W3, b3):
    del user_bias, item_bias
    uid = user_ids.astype(jnp.int32)
    iid = item_ids.astype(jnp.int32)
    ueT, ieT = _sc_gather(uid, iid, user_emb.T, item_emb.T)
    pred, score = _tc_mlp(ueT, ieT, W1, b1.reshape(96, 1),
                          W2, b2.reshape(64, 1), W3.T, b3.reshape(1, 1))
    return (pred, score)

# --- scband reference (transcript-rebuilt; emitter-appended) ---
"""Pipeline reference for scband-multi-task-net-27882927685955 (READ-ONLY COPY).

The authoritative reference and input builder live on the scoring server;
editing this copy changes nothing except your own understanding.
"""

import jax, jax.numpy as jnp
import numpy as np

NUM_USERS = 1000000
NUM_ITEMS = 1000000
EMB_DIM = 32
BATCH = 16384

def setup_inputs(seed: int = 0) -> dict:
    key = jax.random.key(seed)
    ks = jax.random.split(key, 10)
    user_ids = jax.random.randint(ks[0], (BATCH,), 0, NUM_USERS, dtype=jnp.int64 if jax.config.jax_enable_x64 else jnp.int32)
    item_ids = jax.random.randint(ks[1], (BATCH,), 0, NUM_ITEMS, dtype=jnp.int64 if jax.config.jax_enable_x64 else jnp.int32)
    # ScaledEmbedding: normal with std 1/embedding_dim
    user_emb = jax.random.normal(ks[2], (NUM_USERS, EMB_DIM), dtype=jnp.float32) / EMB_DIM
    item_emb = jax.random.normal(ks[3], (NUM_ITEMS, EMB_DIM), dtype=jnp.float32) / EMB_DIM
    # ZeroEmbedding biases
    user_bias = jnp.zeros((NUM_USERS, 1), dtype=jnp.float32)
    item_bias = jnp.zeros((NUM_ITEMS, 1), dtype=jnp.float32)
    # Regression MLP: Linear(3*32 -> 96) -> ReLU -> Linear(96 -> 64) -> ReLU -> Linear(64 -> 1)
    def linear_init(k, out_f, in_f):
        bound = 1.0 / np.sqrt(in_f)
        kw, kb = jax.random.split(k)
        W = jax.random.uniform(kw, (out_f, in_f), minval=-bound, maxval=bound, dtype=jnp.float32)
        b = jax.random.uniform(kb, (out_f,), minval=-bound, maxval=bound, dtype=jnp.float32)
        return W, b
    W1, b1 = linear_init(ks[4], 96, 3 * EMB_DIM)
    W2, b2 = linear_init(ks[5], 64, 96)
    W3, b3 = linear_init(ks[6], 1, 64)
    return {
        'user_ids': user_ids, 'item_ids': item_ids,
        'user_emb': user_emb, 'item_emb': item_emb,
        'user_bias': user_bias, 'item_bias': item_bias,
        'W1': W1, 'b1': b1, 'W2': W2, 'b2': b2, 'W3': W3, 'b3': b3,
    }

def reference(user_ids, item_ids, user_emb, item_emb, user_bias, item_bias, W1, b1, W2, b2, W3, b3):
    # Factorization branch (embedding_sharing=True: same tables reused for regression)
    ue = jnp.take(user_emb, user_ids, axis=0)          # [B, D]
    ie = jnp.take(item_emb, item_ids, axis=0)          # [B, D]
    ub = jnp.take(user_bias, user_ids, axis=0)[:, 0]   # [B]
    ib = jnp.take(item_bias, item_ids, axis=0)[:, 0]   # [B]
    interaction = jnp.sum(ue * ie, axis=1)
    prediction = interaction + ub + ib
    predictions = jax.nn.sigmoid(prediction)
    # Regression branch (shared embeddings)
    combined = jnp.concatenate([ue, ie, ue * ie], axis=1)  # [B, 3D]
    h = jax.nn.relu(combined @ W1.T + b1)
    h = jax.nn.relu(h @ W2.T + b2)
    score = (h @ W3.T + b3)[:, 0]
    return (predictions, score)

if __name__ == "__main__":
    import jax
    _d = setup_inputs()
    print(jax.jit(kernel)(*tuple(_d.values())))

</pallas_src>

<mosaic_0001>
#map = affine_map<(d0, d1) -> (0)>
#map1 = affine_map<(d0, d1) -> (0, 0)>
module attributes {stable_mosaic.version = 14 : i64} {
  func.func @body(%arg0: i32, %arg1: i32, %arg2: memref<16384xi32, #tpu.memory_space<hbm>>, %arg3: memref<16384xi32, #tpu.memory_space<hbm>>, %arg4: memref<32x1000000xf32, #tpu.memory_space<hbm>>, %arg5: memref<32x1000000xf32, #tpu.memory_space<hbm>>, %arg6: memref<32x16384xf32, #tpu.memory_space<hbm>>, %arg7: memref<32x16384xf32, #tpu.memory_space<hbm>>, %arg8: memref<528xi32, #tpu.memory_space<vmem>>, %arg9: memref<528xi32, #tpu.memory_space<vmem>>, %arg10: memref<32x1024xf32, #tpu.memory_space<vmem>>, %arg11: memref<32x1024xf32, #tpu.memory_space<vmem>>, %arg12: memref<32x1024xf32, #tpu.memory_space<vmem>>, %arg13: memref<32x512xf32, #tpu.memory_space<vmem>>, %arg14: memref<!tpu.dma_semaphore, #tpu.memory_space<semaphore_mem>>, %arg15: memref<!tpu.dma_semaphore, #tpu.memory_space<semaphore_mem>>, %arg16: memref<!tpu.dma_semaphore, #tpu.memory_space<semaphore_mem>>) attributes {dimension_semantics = [#tpu.dimension_semantics<core_parallel>, #tpu.dimension_semantics<subcore_parallel>], iteration_bounds = array<i64: 2, 16>, scalar_prefetch = 0 : i64, scratch_operands = 9 : i64, tpu.core_type = #tpu.core_type<sc_vector_subcore>, window_params = [{transform_indices = #map}, {transform_indices = #map}, {transform_indices = #map1}, {transform_indices = #map1}, {transform_indices = #map1}, {transform_indices = #map1}]} {
    %mul3A = arith.constant 2 : i32
    %mul3A_0 = arith.muli %arg1, %mul3A : i32
    %add3A = arith.addi %mul3A_0, %arg0 : i32
    %mul3A_1 = arith.constant 512 : i32
    %mul3A_2 = arith.muli %add3A, %mul3A_1 : i32
    %multiple_of3A = tpu.assume_multiple %mul3A_2, 512 : i32
    "tpu.region"() ({
      %run_scoped3A = tpu.sem_alloc : memref<!tpu.dma_semaphore, #tpu.memory_space<semaphore_mem>>
      %dma_start3A_597 = arith.constant 0 : i32
      %dma_start3A_598 = tpu.memref_slice %arg8[%dma_start3A_597] : memref<528xi32, #tpu.memory_space<vmem>> -> memref<512xi32, #tpu.memory_space<vmem>>
      %dma_start3A_599 = tpu.memref_slice %arg2[%multiple_of3A] : memref<16384xi32, #tpu.memory_space<hbm>> -> memref<512xi32, #tpu.memory_space<hbm>>
      %dma_start3A_600 = arith.constant 0 : i32
      %dma_start3A_601 = tpu.memref_slice %arg8[%dma_start3A_600] : memref<528xi32, #tpu.memory_space<vmem>> -> memref<512xi32, #tpu.memory_space<vmem>>
      %dma_start3A_602 = tpu.memref_slice %arg2[%multiple_of3A] : memref<16384xi32, #tpu.memory_space<hbm>> -> memref<512xi32, #tpu.memory_space<hbm>>
      tpu.enqueue_dma source(%dma_start3A_602 : memref<512xi32, #tpu.memory_space<hbm>>) target(%dma_start3A_601 : memref<512xi32, #tpu.memory_space<vmem>>) target_semaphore(%run_scoped3A : memref<!tpu.dma_semaphore, #tpu.memory_space<semaphore_mem>>)
      %dma_wait3A_603 = arith.constant 0 : i32
      %dma_wait3A_604 = tpu.memref_slice %arg8[%dma_wait3A_603] : memref<528xi32, #tpu.memory_space<vmem>> -> memref<512xi32, #tpu.memory_space<vmem>>
      %dma_wait3A_605 = tpu.memref_slice %arg2[%multiple_of3A] : memref<16384xi32, #tpu.memory_space<hbm>> -> memref<512xi32, #tpu.memory_space<hbm>>
      %dma_wait3A_606 = arith.constant 0 : i32
      %dma_wait3A_607 = tpu.memref_slice %arg8[%dma_wait3A_606] : memref<528xi32, #tpu.memory_space<vmem>> -> memref<512xi32, #tpu.memory_space<vmem>>
      %dma_wait3A_608 = tpu.memref_slice %arg2[%multiple_of3A] : memref<16384xi32, #tpu.memory_space<hbm>> -> memref<512xi32, #tpu.memory_space<hbm>>
      tpu.wait_dma2 semaphore(%run_scoped3A : memref<!tpu.dma_semaphore, #tpu.memory_space<semaphore_mem>>) src(%dma_wait3A_608 : memref<512xi32, #tpu.memory_space<hbm>>) dst(%dma_wait3A_607 : memref<512xi32, #tpu.memory_space<vmem>>)
      tpu.yield
    }) : () -> ()
    "tpu.region"() ({
      %run_scoped3A = tpu.sem_alloc : memref<!tpu.dma_semaphore, #tpu.memory_space<semaphore_mem>>
      %dma_start3A_597 = arith.constant 0 : i32
      %dma_start3A_598 = tpu.memref_slice %arg9[%dma_start3A_597] : memref<528xi32, #tpu.memory_space<vmem>> -> memref<512xi32, #tpu.memory_space<vmem>>
      %dma_start3A_599 = tpu.memref_slice %arg3[%multiple_of3A] : memref<16384xi32, #tpu.memory_space<hbm>> -> memref<512xi32, #tpu.memory_space<hbm>>
      %dma_start3A_600 = arith.constant 0 : i32
      %dma_start3A_601 = tpu.memref_slice %arg9[%dma_start3A_600] : memref<528xi32, #tpu.memory_space<vmem>> -> memref<512xi32, #tpu.memory_space<vmem>>
      %dma_start3A_602 = tpu.memref_slice %arg3[%multiple_of3A] : memref<16384xi32, #tpu.memory_space<hbm>> -> memref<512xi32, #tpu.memory_space<hbm>>
      tpu.enqueue_dma source(%dma_start3A_602 : memref<512xi32, #tpu.memory_space<hbm>>) target(%dma_start3A_601 : memref<512xi32, #tpu.memory_space<vmem>>) target_semaphore(%run_scoped3A : memref<!tpu.dma_semaphore, #tpu.memory_space<semaphore_mem>>)
      %dma_wait3A_603 = arith.constant 0 : i32
      %dma_wait3A_604 = tpu.memref_slice %arg9[%dma_wait3A_603] : memref<528xi32, #tpu.memory_space<vmem>> -> memref<512xi32, #tpu.memory_space<vmem>>
      %dma_wait3A_605 = tpu.memref_slice %arg3[%multiple_of3A] : memref<16384xi32, #tpu.memory_space<hbm>> -> memref<512xi32, #tpu.memory_space<hbm>>
      %dma_wait3A_606 = arith.constant 0 : i32
      %dma_wait3A_607 = tpu.memref_slice %arg9[%dma_wait3A_606] : memref<528xi32, #tpu.memory_space<vmem>> -> memref<512xi32, #tpu.memory_space<vmem>>
      %dma_wait3A_608 = tpu.memref_slice %arg3[%multiple_of3A] : memref<16384xi32, #tpu.memory_space<hbm>> -> memref<512xi32, #tpu.memory_space<hbm>>
      tpu.wait_dma2 semaphore(%run_scoped3A : memref<!tpu.dma_semaphore, #tpu.memory_space<semaphore_mem>>) src(%dma_wait3A_608 : memref<512xi32, #tpu.memory_space<hbm>>) dst(%dma_wait3A_607 : memref<512xi32, #tpu.memory_space<vmem>>)
      tpu.yield
    }) : () -> ()
    %iota3A = tpu.iota {dimensions = array<i32: 0>} : vector<16xi32>
    %add3A_3 = arith.constant 16 : i32
    %add3A_4 = vector.broadcast %add3A_3 : i32 to vector<16xi32>
    %add3A_5 = arith.addi %iota3A, %add3A_4 : vector<16xi32>
    %multiple_of3A_6 = arith.constant 0 : i32
    %multiple_of3A_7 = tpu.assume_multiple %multiple_of3A_6, 8 : i32
    %get3A = arith.index_cast %multiple_of3A_7 : i32 to index
    %get3A_8 = tpu.vector_load %arg8[%get3A] {strides = array<i32>} : memref<528xi32, #tpu.memory_space<vmem>>, vector<16xi32>,
    %slice3A = vector.extract_strided_slice %get3A_8 {offsets = [0], sizes = [1], strides = [1]} : vector<16xi32> to vector<1xi32>
    %squeeze3A = vector.extract %slice3A[0] : i32 from vector<1xi32>
    %slice3A_9 = vector.extract_strided_slice %get3A_8 {offsets = [1], sizes = [1], strides = [1]} : vector<16xi32> to vector<1xi32>
    %squeeze3A_10 = vector.extract %slice3A_9[0] : i32 from vector<1xi32>
    %slice3A_11 = vector.extract_strided_slice %get3A_8 {offsets = [2], sizes = [1], strides = [1]} : vector<16xi32> to vector<1xi32>
    %squeeze3A_12 = vector.extract %slice3A_11[0] : i32 from vector<1xi32>
    %slice3A_13 = vector.extract_strided_slice %get3A_8 {offsets = [3], sizes = [1], strides = [1]} : vector<16xi32> to vector<1xi32>
    %squeeze3A_14 = vector.extract %slice3A_13[0] : i32 from vector<1xi32>
    %slice3A_15 = vector.extract_strided_slice %get3A_8 {offsets = [4], sizes = [1], strides = [1]} : vector<16xi32> to vector<1xi32>
    %squeeze3A_16 = vector.extract %slice3A_15[0] : i32 from vector<1xi32>
    %slice3A_17 = vector.extract_strided_slice %get3A_8 {offsets = [5], sizes = [1], strides = [1]} : vector<16xi32> to vector<1xi32>
    %squeeze3A_18 = vector.extract %slice3A_17[0] : i32 from vector<1xi32>
    %slice3A_19 = vector.extract_strided_slice %get3A_8 {offsets = [6], sizes = [1], strides = [1]} : vector<16xi32> to vector<1xi32>
    %squeeze3A_20 = vector.extract %slice3A_19[0] : i32 from vector<1xi32>
    %slice3A_21 = vector.extract_strided_slice %get3A_8 {offsets = [7], sizes = [1], strides = [1]} : vector<16xi32> to vector<1xi32>
    %squeeze3A_22 = vector.extract %slice3A_21[0] : i32 from vector<1xi32>
    %shift_right_arithmetic3A = arith.constant 7 : i32
    %shift_right_arithmetic3A_23 = arith.shrsi %squeeze3A, %shift_right_arithmetic3A : i32
    %mul3A_24 = arith.constant 128 : i32
    %mul3A_25 = arith.muli %shift_right_arithmetic3A_23, %mul3A_24 : i32
    %multiple_of3A_26 = tpu.assume_multiple %mul3A_25, 128 : i32
    %dma_start3A = arith.constant 0 : i32
    %dma_start3A_27 = arith.constant 0 : i32
    %dma_start3A_28 = tpu.memref_slice %arg10[%dma_start3A, %dma_start3A_27] : memref<32x1024xf32, #tpu.memory_space<vmem>> -> memref<32x128xf32, #tpu.memory_space<vmem>>
    %dma_start3A_29 = arith.constant 0 : i32
    %dma_start3A_30 = tpu.memref_slice %arg4[%dma_start3A_29, %multiple_of3A_26] : memref<32x1000000xf32, #tpu.memory_space<hbm>> -> memref<32x128xf32, #tpu.memory_space<hbm>>
    %dma_start3A_31 = arith.constant 0 : i32
    %dma_start3A_32 = arith.constant 0 : i32
    %dma_start3A_33 = tpu.memref_slice %arg10[%dma_start3A_31, %dma_start3A_32] : memref<32x1024xf32, #tpu.memory_space<vmem>> -> memref<32x128xf32, #tpu.memory_space<vmem>>
    %dma_start3A_34 = arith.constant 0 : i32
    %dma_start3A_35 = tpu.memref_slice %arg4[%dma_start3A_34, %multiple_of3A_26] : memref<32x1000000xf32, #tpu.memory_space<hbm>> -> memref<32x128xf32, #tpu.memory_space<hbm>>
    tpu.enqueue_dma source(%dma_start3A_35 : memref<32x128xf32, #tpu.memory_space<hbm>>) target(%dma_start3A_33 : memref<32x128xf32, #tpu.memory_space<vmem>>) target_semaphore(%arg14 : memref<!tpu.dma_semaphore, #tpu.memory_space<semaphore_mem>>)
    %shift_right_arithmetic3A_36 = arith.constant 7 : i32
    %shift_right_arithmetic3A_37 = arith.shrsi %squeeze3A_10, %shift_right_arithmetic3A_36 : i32
    %mul3A_38 = arith.constant 128 : i32
    %mul3A_39 = arith.muli %shift_right_arithmetic3A_37, %mul3A_38 : i32
    %multiple_of3A_40 = tpu.assume_multiple %mul3A_39, 128 : i32
    %dma_start3A_41 = arith.constant 0 : i32
    %dma_start3A_42 = arith.constant 128 : i32
    %dma_start3A_43 = tpu.memref_slice %arg10[%dma_start3A_41, %dma_start3A_42] : memref<32x1024xf32, #tpu.memory_space<vmem>> -> memref<32x128xf32, #tpu.memory_space<vmem>>
    %dma_start3A_44 = arith.constant 0 : i32
    %dma_start3A_45 = tpu.memref_slice %arg4[%dma_start3A_44, %multiple_of3A_40] : memref<32x1000000xf32, #tpu.memory_space<hbm>> -> memref<32x128xf32, #tpu.memory_space<hbm>>
    %dma_start3A_46 = arith.constant 0 : i32
    %dma_start3A_47 = arith.constant 128 : i32
    %dma_start3A_48 = tpu.memref_slice %arg10[%dma_start3A_46, %dma_start3A_47] : memref<32x1024xf32, #tpu.memory_space<vmem>> -> memref<32x128xf32, #tpu.memory_space<vmem>>
    %dma_start3A_49 = arith.constant 0 : i32
    %dma_start3A_50 = tpu.memref_slice %arg4[%dma_start3A_49, %multiple_of3A_40] : memref<32x1000000xf32, #tpu.memory_space<hbm>> -> memref<32x128xf32, #tpu.memory_space<hbm>>
    tpu.enqueue_dma source(%dma_start3A_50 : memref<32x128xf32, #tpu.memory_space<hbm>>) target(%dma_start3A_48 : memref<32x128xf32, #tpu.memory_space<vmem>>) target_semaphore(%arg14 : memref<!tpu.dma_semaphore, #tpu.memory_space<semaphore_mem>>)
    %shift_right_arithmetic3A_51 = arith.constant 7 : i32
    %shift_right_arithmetic3A_52 = arith.shrsi %squeeze3A_12, %shift_right_arithmetic3A_51 : i32
    %mul3A_53 = arith.constant 128 : i32
    %mul3A_54 = arith.muli %shift_right_arithmetic3A_52, %mul3A_53 : i32
    %multiple_of3A_55 = tpu.assume_multiple %mul3A_54, 128 : i32
    %dma_start3A_56 = arith.constant 0 : i32
    %dma_start3A_57 = arith.constant 256 : i32
    %dma_start3A_58 = tpu.memref_slice %arg10[%dma_start3A_56, %dma_start3A_57] : memref<32x1024xf32, #tpu.memory_space<vmem>> -> memref<32x128xf32, #tpu.memory_space<vmem>>
    %dma_start3A_59 = arith.constant 0 : i32
    %dma_start3A_60 = tpu.memref_slice %arg4[%dma_start3A_59, %multiple_of3A_55] : memref<32x1000000xf32, #tpu.memory_space<hbm>> -> memref<32x128xf32, #tpu.memory_space<hbm>>
    %dma_start3A_61 = arith.constant 0 : i32
    %dma_start3A_62 = arith.constant 256 : i32
    %dma_start3A_63 = tpu.memref_slice %arg10[%dma_start3A_61, %dma_start3A_62] : memref<32x1024xf32, #tpu.memory_space<vmem>> -> memref<32x128xf32, #tpu.memory_space<vmem>>
    %dma_start3A_64 = arith.constant 0 : i32
    %dma_start3A_65 = tpu.memref_slice %arg4[%dma_start3A_64, %multiple_of3A_55] : memref<32x1000000xf32, #tpu.memory_space<hbm>> -> memref<32x128xf32, #tpu.memory_space<hbm>>
    tpu.enqueue_dma source(%dma_start3A_65 : memref<32x128xf32, #tpu.memory_space<hbm>>) target(%dma_start3A_63 : memref<32x128xf32, #tpu.memory_space<vmem>>) target_semaphore(%arg14 : memref<!tpu.dma_semaphore, #tpu.memory_space<semaphore_mem>>)
    %shift_right_arithmetic3A_66 = arith.constant 7 : i32
    %shift_right_arithmetic3A_67 = arith.shrsi %squeeze3A_14, %shift_right_arithmetic3A_66 : i32
    %mul3A_68 = arith.constant 128 : i32
    %mul3A_69 = arith.muli %shift_right_arithmetic3A_67, %mul3A_68 : i32
    %multiple_of3A_70 = tpu.assume_multiple %mul3A_69, 128 : i32
    %dma_start3A_71 = arith.constant 0 : i32
    %dma_start3A_72 = arith.constant 384 : i32
    %dma_start3A_73 = tpu.memref_slice %arg10[%dma_start3A_71, %dma_start3A_72] : memref<32x1024xf32, #tpu.memory_space<vmem>> -> memref<32x128xf32, #tpu.memory_space<vmem>>
    %dma_start3A_74 = arith.constant 0 : i32
    %dma_start3A_75 = tpu.memref_slice %arg4[%dma_start3A_74, %multiple_of3A_70] : memref<32x1000000xf32, #tpu.memory_space<hbm>> -> memref<32x128xf32, #tpu.memory_space<hbm>>
    %dma_start3A_76 = arith.constant 0 : i32
    %dma_start3A_77 = arith.constant 384 : i32
    %dma_start3A_78 = tpu.memref_slice %arg10[%dma_start3A_76, %dma_start3A_77] : memref<32x1024xf32, #tpu.memory_space<vmem>> -> memref<32x128xf32, #tpu.memory_space<vmem>>
    %dma_start3A_79 = arith.constant 0 : i32
    %dma_start3A_80 = tpu.memref_slice %arg4[%dma_start3A_79, %multiple_of3A_70] : memref<32x1000000xf32, #tpu.memory_space<hbm>> -> memref<32x128xf32, #tpu.memory_space<hbm>>
    tpu.enqueue_dma source(%dma_start3A_80 : memref<32x128xf32, #tpu.memory_space<hbm>>) target(%dma_start3A_78 : memref<32x128xf32, #tpu.memory_space<vmem>>) target_semaphore(%arg14 : memref<!tpu.dma_semaphore, #tpu.memory_space<semaphore_mem>>)
    %shift_right_arithmetic3A_81 = arith.constant 7 : i32
    %shift_right_arithmetic3A_82 = arith.shrsi %squeeze3A_16, %shift_right_arithmetic3A_81 : i32
    %mul3A_83 = arith.constant 128 : i32
    %mul3A_84 = arith.muli %shift_right_arithmetic3A_82, %mul3A_83 : i32
    %multiple_of3A_85 = tpu.assume_multiple %mul3A_84, 128 : i32
    %dma_start3A_86 = arith.constant 0 : i32
    %dma_start3A_87 = arith.constant 512 : i32
    %dma_start3A_88 = tpu.memref_slice %arg10[%dma_start3A_86, %dma_start3A_87] : memref<32x1024xf32, #tpu.memory_space<vmem>> -> memref<32x128xf32, #tpu.memory_space<vmem>>
    %dma_start3A_89 = arith.constant 0 : i32
    %dma_start3A_90 = tpu.memref_slice %arg4[%dma_start3A_89, %multiple_of3A_85] : memref<32x1000000xf32, #tpu.memory_space<hbm>> -> memref<32x128xf32, #tpu.memory_space<hbm>>
    %dma_start3A_91 = arith.constant 0 : i32
    %dma_start3A_92 = arith.constant 512 : i32
    %dma_start3A_93 = tpu.memref_slice %arg10[%dma_start3A_91, %dma_start3A_92] : memref<32x1024xf32, #tpu.memory_space<vmem>> -> memref<32x128xf32, #tpu.memory_space<vmem>>
    %dma_start3A_94 = arith.constant 0 : i32
    %dma_start3A_95 = tpu.memref_slice %arg4[%dma_start3A_94, %multiple_of3A_85] : memref<32x1000000xf32, #tpu.memory_space<hbm>> -> memref<32x128xf32, #tpu.memory_space<hbm>>
    tpu.enqueue_dma source(%dma_start3A_95 : memref<32x128xf32, #tpu.memory_space<hbm>>) target(%dma_start3A_93 : memref<32x128xf32, #tpu.memory_space<vmem>>) target_semaphore(%arg14 : memref<!tpu.dma_semaphore, #tpu.memory_space<semaphore_mem>>)
    %shift_right_arithmetic3A_96 = arith.constant 7 : i32
    %shift_right_arithmetic3A_97 = arith.shrsi %squeeze3A_18, %shift_right_arithmetic3A_96 : i32
    %mul3A_98 = arith.constant 128 : i32
    %mul3A_99 = arith.muli %shift_right_arithmetic3A_97, %mul3A_98 : i32
    %multiple_of3A_100 = tpu.assume_multiple %mul3A_99, 128 : i32
    %dma_start3A_101 = arith.constant 0 : i32
    %dma_start3A_102 = arith.constant 640 : i32
    %dma_start3A_103 = tpu.memref_slice %arg10[%dma_start3A_101, %dma_start3A_102] : memref<32x1024xf32, #tpu.memory_space<vmem>> -> memref<32x128xf32, #tpu.memory_space<vmem>>
    %dma_start3A_104 = arith.constant 0 : i32
    %dma_start3A_105 = tpu.memref_slice %arg4[%dma_start3A_104, %multiple_of3A_100] : memref<32x1000000xf32, #tpu.memory_space<hbm>> -> memref<32x128xf32, #tpu.memory_space<hbm>>
    %dma_start3A_106 = arith.constant 0 : i32
    %dma_start3A_107 = arith.constant 640 : i32
    %dma_start3A_108 = tpu.memref_slice %arg10[%dma_start3A_106, %dma_start3A_107] : memref<32x1024xf32, #tpu.memory_space<vmem>> -> memref<32x128xf32, #tpu.memory_space<vmem>>
    %dma_start3A_109 = arith.constant 0 : i32
    %dma_start3A_110 = tpu.memref_slice %arg4[%dma_start3A_109, %multiple_of3A_100] : memref<32x1000000xf32, #tpu.memory_space<hbm>> -> memref<32x128xf32, #tpu.memory_space<hbm>>
    tpu.enqueue_dma source(%dma_start3A_110 : memref<32x128xf32, #tpu.memory_space<hbm>>) target(%dma_start3A_108 : memref<32x128xf32, #tpu.memory_space<vmem>>) target_semaphore(%arg14 : memref<!tpu.dma_semaphore, #tpu.memory_space<semaphore_mem>>)
    %shift_right_arithmetic3A_111 = arith.constant 7 : i32
    %shift_right_arithmetic3A_112 = arith.shrsi %squeeze3A_20, %shift_right_arithmetic3A_111 : i32
    %mul3A_113 = arith.constant 128 : i32
    %mul3A_114 = arith.muli %shift_right_arithmetic3A_112, %mul3A_113 : i32
    %multiple_of3A_115 = tpu.assume_multiple %mul3A_114, 128 : i32
    %dma_start3A_116 = arith.constant 0 : i32
    %dma_start3A_117 = arith.constant 768 : i32
    %dma_start3A_118 = tpu.memref_slice %arg10[%dma_start3A_116, %dma_start3A_117] : memref<32x1024xf32, #tpu.memory_space<vmem>> -> memref<32x128xf32, #tpu.memory_space<vmem>>
    %dma_start3A_119 = arith.constant 0 : i32
    %dma_start3A_120 = tpu.memref_slice %arg4[%dma_start3A_119, %multiple_of3A_115] : memref<32x1000000xf32, #tpu.memory_space<hbm>> -> memref<32x128xf32, #tpu.memory_space<hbm>>
    %dma_start3A_121 = arith.constant 0 : i32
    %dma_start3A_122 = arith.constant 768 : i32
    %dma_start3A_123 = tpu.memref_slice %arg10[%dma_start3A_121, %dma_start3A_122] : memref<32x1024xf32, #tpu.memory_space<vmem>> -> memref<32x128xf32, #tpu.memory_space<vmem>>
    %dma_start3A_124 = arith.constant 0 : i32
    %dma_start3A_125 = tpu.memref_slice %arg4[%dma_start3A_124, %multiple_of3A_115] : memref<32x1000000xf32, #tpu.memory_space<hbm>> -> memref<32x128xf32, #tpu.memory_space<hbm>>
    tpu.enqueue_dma source(%dma_start3A_125 : memref<32x128xf32, #tpu.memory_space<hbm>>) target(%dma_start3A_123 : memref<32x128xf32, #tpu.memory_space<vmem>>) target_semaphore(%arg14 : memref<!tpu.dma_semaphore, #tpu.memory_space<semaphore_mem>>)
    %shift_right_arithmetic3A_126 = arith.constant 7 : i32
    %shift_right_arithmetic3A_127 = arith.shrsi %squeeze3A_22, %shift_right_arithmetic3A_126 : i32
    %mul3A_128 = arith.constant 128 : i32
    %mul3A_129 = arith.muli %shift_right_arithmetic3A_127, %mul3A_128 : i32
    %multiple_of3A_130 = tpu.assume_multiple %mul3A_129, 128 : i32
    %dma_start3A_131 = arith.constant 0 : i32
    %dma_start3A_132 = arith.constant 896 : i32
    %dma_start3A_133 = tpu.memref_slice %arg10[%dma_start3A_131, %dma_start3A_132] : memref<32x1024xf32, #tpu.memory_space<vmem>> -> memref<32x128xf32, #tpu.memory_space<vmem>>
    %dma_start3A_134 = arith.constant 0 : i32
    %dma_start3A_135 = tpu.memref_slice %arg4[%dma_start3A_134, %multiple_of3A_130] : memref<32x1000000xf32, #tpu.memory_space<hbm>> -> memref<32x128xf32, #tpu.memory_space<hbm>>
    %dma_start3A_136 = arith.constant 0 : i32
    %dma_start3A_137 = arith.constant 896 : i32
    %dma_start3A_138 = tpu.memref_slice %arg10[%dma_start3A_136, %dma_start3A_137] : memref<32x1024xf32, #tpu.memory_space<vmem>> -> memref<32x128xf32, #tpu.memory_space<vmem>>
    %dma_start3A_139 = arith.constant 0 : i32
    %dma_start3A_140 = tpu.memref_slice %arg4[%dma_start3A_139, %multiple_of3A_130] : memref<32x1000000xf32, #tpu.memory_space<hbm>> -> memref<32x128xf32, #tpu.memory_space<hbm>>
    tpu.enqueue_dma source(%dma_start3A_140 : memref<32x128xf32, #tpu.memory_space<hbm>>) target(%dma_start3A_138 : memref<32x128xf32, #tpu.memory_space<vmem>>) target_semaphore(%arg14 : memref<!tpu.dma_semaphore, #tpu.memory_space<semaphore_mem>>)
    %multiple_of3A_141 = arith.constant 8 : i32
    %multiple_of3A_142 = tpu.assume_multiple %multiple_of3A_141, 8 : i32
    %get3A_143 = arith.index_cast %multiple_of3A_142 : i32 to index
    %get3A_144 = tpu.vector_load %arg8[%get3A_143] {strides = array<i32>} : memref<528xi32, #tpu.memory_space<vmem>>, vector<16xi32>,
    %slice3A_145 = vector.extract_strided_slice %get3A_144 {offsets = [0], sizes = [1], strides = [1]} : vector<16xi32> to vector<1xi32>
    %squeeze3A_146 = vector.extract %slice3A_145[0] : i32 from vector<1xi32>
    %slice3A_147 = vector.extract_strided_slice %get3A_144 {offsets = [1], sizes = [1], strides = [1]} : vector<16xi32> to vector<1xi32>
    %squeeze3A_148 = vector.extract %slice3A_147[0] : i32 from vector<1xi32>
    %slice3A_149 = vector.extract_strided_slice %get3A_144 {offsets = [2], sizes = [1], strides = [1]} : vector<16xi32> to vector<1xi32>
    %squeeze3A_150 = vector.extract %slice3A_149[0] : i32 from vector<1xi32>
    %slice3A_151 = vector.extract_strided_slice %get3A_144 {offsets = [3], sizes = [1], strides = [1]} : vector<16xi32> to vector<1xi32>
    %squeeze3A_152 = vector.extract %slice3A_151[0] : i32 from vector<1xi32>
    %slice3A_153 = vector.extract_strided_slice %get3A_144 {offsets = [4], sizes = [1], strides = [1]} : vector<16xi32> to vector<1xi32>
    %squeeze3A_154 = vector.extract %slice3A_153[0] : i32 from vector<1xi32>
    %slice3A_155 = vector.extract_strided_slice %get3A_144 {offsets = [5], sizes = [1], strides = [1]} : vector<16xi32> to vector<1xi32>
    %squeeze3A_156 = vector.extract %slice3A_155[0] : i32 from vector<1xi32>
    %slice3A_157 = vector.extract_strided_slice %get3A_144 {offsets = [6], sizes = [1], strides = [1]} : vector<16xi32> to vector<1xi32>
    %squeeze3A_158 = vector.extract %slice3A_157[0] : i32 from vector<1xi32>
    %slice3A_159 = vector.extract_strided_slice %get3A_144 {offsets = [7], sizes = [1], strides = [1]} : vector<16xi32> to vector<1xi32>
    %squeeze3A_160 = vector.extract %slice3A_159[0] : i32 from vector<1xi32>
    %shift_right_arithmetic3A_161 = arith.constant 7 : i32
    %shift_right_arithmetic3A_162 = arith.shrsi %squeeze3A_146, %shift_right_arithmetic3A_161 : i32
    %mul3A_163 = arith.constant 128 : i32
    %mul3A_164 = arith.muli %shift_right_arithmetic3A_162, %mul3A_163 : i32
    %multiple_of3A_165 = tpu.assume_multiple %mul3A_164, 128 : i32
    %dma_start3A_166 = arith.constant 0 : i32
    %dma_start3A_167 = arith.constant 0 : i32
    %dma_start3A_168 = tpu.memref_slice %arg11[%dma_start3A_166, %dma_start3A_167] : memref<32x1024xf32, #tpu.memory_space<vmem>> -> memref<32x128xf32, #tpu.memory_space<vmem>>
    %dma_start3A_169 = arith.constant 0 : i32
    %dma_start3A_170 = tpu.memref_slice %arg4[%dma_start3A_169, %multiple_of3A_165] : memref<32x1000000xf32, #tpu.memory_space<hbm>> -> memref<32x128xf32, #tpu.memory_space<hbm>>
    %dma_start3A_171 = arith.constant 0 : i32
    %dma_start3A_172 = arith.constant 0 : i32
    %dma_start3A_173 = tpu.memref_slice %arg11[%dma_start3A_171, %dma_start3A_172] : memref<32x1024xf32, #tpu.memory_space<vmem>> -> memref<32x128xf32, #tpu.memory_space<vmem>>
    %dma_start3A_174 = arith.constant 0 : i32
    %dma_start3A_175 = tpu.memref_slice %arg4[%dma_start3A_174, %multiple_of3A_165] : memref<32x1000000xf32, #tpu.memory_space<hbm>> -> memref<32x128xf32, #tpu.memory_space<hbm>>
    tpu.enqueue_dma source(%dma_start3A_175 : memref<32x128xf32, #tpu.memory_space<hbm>>) target(%dma_start3A_173 : memref<32x128xf32, #tpu.memory_space<vmem>>) target_semaphore(%arg15 : memref<!tpu.dma_semaphore, #tpu.memory_space<semaphore_mem>>)
    %shift_right_arithmetic3A_176 = arith.constant 7 : i32
    %shift_right_arithmetic3A_177 = arith.shrsi %squeeze3A_148, %shift_right_arithmetic3A_176 : i32
    %mul3A_178 = arith.constant 128 : i32
    %mul3A_179 = arith.muli %shift_right_arithmetic3A_177, %mul3A_178 : i32
    %multiple_of3A_180 = tpu.assume_multiple %mul3A_179, 128 : i32
    %dma_start3A_181 = arith.constant 0 : i32
    %dma_start3A_182 = arith.constant 128 : i32
    %dma_start3A_183 = tpu.memref_slice %arg11[%dma_start3A_181, %dma_start3A_182] : memref<32x1024xf32, #tpu.memory_space<vmem>> -> memref<32x128xf32, #tpu.memory_space<vmem>>
    %dma_start3A_184 = arith.constant 0 : i32
    %dma_start3A_185 = tpu.memref_slice %arg4[%dma_start3A_184, %multiple_of3A_180] : memref<32x1000000xf32, #tpu.memory_space<hbm>> -> memref<32x128xf32, #tpu.memory_space<hbm>>
    %dma_start3A_186 = arith.constant 0 : i32
    %dma_start3A_187 = arith.constant 128 : i32
    %dma_start3A_188 = tpu.memref_slice %arg11[%dma_start3A_186, %dma_start3A_187] : memref<32x1024xf32, #tpu.memory_space<vmem>> -> memref<32x128xf32, #tpu.memory_space<vmem>>
    %dma_start3A_189 = arith.constant 0 : i32
    %dma_start3A_190 = tpu.memref_slice %arg4[%dma_start3A_189, %multiple_of3A_180] : memref<32x1000000xf32, #tpu.memory_space<hbm>> -> memref<32x128xf32, #tpu.memory_space<hbm>>
    tpu.enqueue_dma source(%dma_start3A_190 : memref<32x128xf32, #tpu.memory_space<hbm>>) target(%dma_start3A_188 : memref<32x128xf32, #tpu.memory_space<vmem>>) target_semaphore(%arg15 : memref<!tpu.dma_semaphore, #tpu.memory_space<semaphore_mem>>)
    %shift_right_arithmetic3A_191 = arith.constant 7 : i32
    %shift_right_arithmetic3A_192 = arith.shrsi %squeeze3A_150, %shift_right_arithmetic3A_191 : i32
    %mul3A_193 = arith.constant 128 : i32
    %mul3A_194 = arith.muli %shift_right_arithmetic3A_192, %mul3A_193 : i32
    %multiple_of3A_195 = tpu.assume_multiple %mul3A_194, 128 : i32
    %dma_start3A_196 = arith.constant 0 : i32
    %dma_start3A_197 = arith.constant 256 : i32
    %dma_start3A_198 = tpu.memref_slice %arg11[%dma_start3A_196, %dma_start3A_197] : memref<32x1024xf32, #tpu.memory_space<vmem>> -> memref<32x128xf32, #tpu.memory_space<vmem>>
    %dma_start3A_199 = arith.constant 0 : i32
    %dma_start3A_200 = tpu.memref_slice %arg4[%dma_start3A_199, %multiple_of3A_195] : memref<32x1000000xf32, #tpu.memory_space<hbm>> -> memref<32x128xf32, #tpu.memory_space<hbm>>
    %dma_start3A_201 = arith.constant 0 : i32
    %dma_start3A_202 = arith.constant 256 : i32
    %dma_start3A_203 = tpu.memref_slice %arg11[%dma_start3A_201, %dma_start3A_202] : memref<32x1024xf32, #tpu.memory_space<vmem>> -> memref<32x128xf32, #tpu.memory_space<vmem>>
    %dma_start3A_204 = arith.constant 0 : i32
    %dma_start3A_205 = tpu.memref_slice %arg4[%dma_start3A_204, %multiple_of3A_195] : memref<32x1000000xf32, #tpu.memory_space<hbm>> -> memref<32x128xf32, #tpu.memory_space<hbm>>
    tpu.enqueue_dma source(%dma_start3A_205 : memref<32x128xf32, #tpu.memory_space<hbm>>) target(%dma_start3A_203 : memref<32x128xf32, #tpu.memory_space<vmem>>) target_semaphore(%arg15 : memref<!tpu.dma_semaphore, #tpu.memory_space<semaphore_mem>>)
    %shift_right_arithmetic3A_206 = arith.constant 7 : i32
    %shift_right_arithmetic3A_207 = arith.shrsi %squeeze3A_152, %shift_right_arithmetic3A_206 : i32
    %mul3A_208 = arith.constant 128 : i32
    %mul3A_209 = arith.muli %shift_right_arithmetic3A_207, %mul3A_208 : i32
    %multiple_of3A_210 = tpu.assume_multiple %mul3A_209, 128 : i32
    %dma_start3A_211 = arith.constant 0 : i32
    %dma_start3A_212 = arith.constant 384 : i32
    %dma_start3A_213 = tpu.memref_slice %arg11[%dma_start3A_211, %dma_start3A_212] : memref<32x1024xf32, #tpu.memory_space<vmem>> -> memref<32x128xf32, #tpu.memory_space<vmem>>
    %dma_start3A_214 = arith.constant 0 : i32
    %dma_start3A_215 = tpu.memref_slice %arg4[%dma_start3A_214, %multiple_of3A_210] : memref<32x1000000xf32, #tpu.memory_space<hbm>> -> memref<32x128xf32, #tpu.memory_space<hbm>>
    %dma_start3A_216 = arith.constant 0 : i32
    %dma_start3A_217 = arith.constant 384 : i32
    %dma_start3A_218 = tpu.memref_slice %arg11[%dma_start3A_216, %dma_start3A_217] : memref<32x1024xf32, #tpu.memory_space<vmem>> -> memref<32x128xf32, #tpu.memory_space<vmem>>
    %dma_start3A_219 = arith.constant 0 : i32
    %dma_start3A_220 = tpu.memref_slice %arg4[%dma_start3A_219, %multiple_of3A_210] : memref<32x1000000xf32, #tpu.memory_space<hbm>> -> memref<32x128xf32, #tpu.memory_space<hbm>>
    tpu.enqueue_dma source(%dma_start3A_220 : memref<32x128xf32, #tpu.memory_space<hbm>>) target(%dma_start3A_218 : memref<32x128xf32, #tpu.memory_space<vmem>>) target_semaphore(%arg15 : memref<!tpu.dma_semaphore, #tpu.memory_space<semaphore_mem>>)
    %shift_right_arithmetic3A_221 = arith.constant 7 : i32
    %shift_right_arithmetic3A_222 = arith.shrsi %squeeze3A_154, %shift_right_arithmetic3A_221 : i32
    %mul3A_223 = arith.constant 128 : i32
    %mul3A_224 = arith.muli %shift_right_arithmetic3A_222, %mul3A_223 : i32
    %multiple_of3A_225 = tpu.assume_multiple %mul3A_224, 128 : i32
    %dma_start3A_226 = arith.constant 0 : i32
    %dma_start3A_227 = arith.constant 512 : i32
    %dma_start3A_228 = tpu.memref_slice %arg11[%dma_start3A_226, %dma_start3A_227] : memref<32x1024xf32, #tpu.memory_space<vmem>> -> memref<32x128xf32, #tpu.memory_space<vmem>>
    %dma_start3A_229 = arith.constant 0 : i32
    %dma_start3A_230 = tpu.memref_slice %arg4[%dma_start3A_229, %multiple_of3A_225] : memref<32x1000000xf32, #tpu.memory_space<hbm>> -> memref<32x128xf32, #tpu.memory_space<hbm>>
    %dma_start3A_231 = arith.constant 0 : i32
    %dma_start3A_232 = arith.constant 512 : i32
    %dma_start3A_233 = tpu.memref_slice %arg11[%dma_start3A_231, %dma_start3A_232] : memref<32x1024xf32, #tpu.memory_space<vmem>> -> memref<32x128xf32, #tpu.memory_space<vmem>>
    %dma_start3A_234 = arith.constant 0 : i32
    %dma_start3A_235 = tpu.memref_slice %arg4[%dma_start3A_234, %multiple_of3A_225] : memref<32x1000000xf32, #tpu.memory_space<hbm>> -> memref<32x128xf32, #tpu.memory_space<hbm>>
    tpu.enqueue_dma source(%dma_start3A_235 : memref<32x128xf32, #tpu.memory_space<hbm>>) target(%dma_start3A_233 : memref<32x128xf32, #tpu.memory_space<vmem>>) target_semaphore(%arg15 : memref<!tpu.dma_semaphore, #tpu.memory_space<semaphore_mem>>)
    %shift_right_arithmetic3A_236 = arith.constant 7 : i32
    %shift_right_arithmetic3A_237 = arith.shrsi %squeeze3A_156, %shift_right_arithmetic3A_236 : i32
    %mul3A_238 = arith.constant 128 : i32
    %mul3A_239 = arith.muli %shift_right_arithmetic3A_237, %mul3A_238 : i32
    %multiple_of3A_240 = tpu.assume_multiple %mul3A_239, 128 : i32
    %dma_start3A_241 = arith.constant 0 : i32
    %dma_start3A_242 = arith.constant 640 : i32
    %dma_start3A_243 = tpu.memref_slice %arg11[%dma_start3A_241, %dma_start3A_242] : memref<32x1024xf32, #tpu.memory_space<vmem>> -> memref<32x128xf32, #tpu.memory_space<vmem>>
    %dma_start3A_244 = arith.constant 0 : i32
    %dma_start3A_245 = tpu.memref_slice %arg4[%dma_start3A_244, %multiple_of3A_240] : memref<32x1000000xf32, #tpu.memory_space<hbm>> -> memref<32x128xf32, #tpu.memory_space<hbm>>
    %dma_start3A_246 = arith.constant 0 : i32
    %dma_start3A_247 = arith.constant 640 : i32
    %dma_start3A_248 = tpu.memref_slice %arg11[%dma_start3A_246, %dma_start3A_247] : memref<32x1024xf32, #tpu.memory_space<vmem>> -> memref<32x128xf32, #tpu.memory_space<vmem>>
    %dma_start3A_249 = arith.constant 0 : i32
    %dma_start3A_250 = tpu.memref_slice %arg4[%dma_start3A_249, %multiple_of3A_240] : memref<32x1000000xf32, #tpu.memory_space<hbm>> -> memref<32x128xf32, #tpu.memory_space<hbm>>
    tpu.enqueue_dma source(%dma_start3A_250 : memref<32x128xf32, #tpu.memory_space<hbm>>) target(%dma_start3A_248 : memref<32x128xf32, #tpu.memory_space<vmem>>) target_semaphore(%arg15 : memref<!tpu.dma_semaphore, #tpu.memory_space<semaphore_mem>>)
    %shift_right_arithmetic3A_251 = arith.constant 7 : i32
    %shift_right_arithmetic3A_252 = arith.shrsi %squeeze3A_158, %shift_right_arithmetic3A_251 : i32
    %mul3A_253 = arith.constant 128 : i32
    %mul3A_254 = arith.muli %shift_right_arithmetic3A_252, %mul3A_253 : i32
    %multiple_of3A_255 = tpu.assume_multiple %mul3A_254, 128 : i32
    %dma_start3A_256 = arith.constant 0 : i32
    %dma_start3A_257 = arith.constant 768 : i32
    %dma_start3A_258 = tpu.memref_slice %arg11[%dma_start3A_256, %dma_start3A_257] : memref<32x1024xf32, #tpu.memory_space<vmem>> -> memref<32x128xf32, #tpu.memory_space<vmem>>
    %dma_start3A_259 = arith.constant 0 : i32
    %dma_start3A_260 = tpu.memref_slice %arg4[%dma_start3A_259, %multiple_of3A_255] : memref<32x1000000xf32, #tpu.memory_space<hbm>> -> memref<32x128xf32, #tpu.memory_space<hbm>>
    %dma_start3A_261 = arith.constant 0 : i32
    %dma_start3A_262 = arith.constant 768 : i32
    %dma_start3A_263 = tpu.memref_slice %arg11[%dma_start3A_261, %dma_start3A_262] : memref<32x1024xf32, #tpu.memory_space<vmem>> -> memref<32x128xf32, #tpu.memory_space<vmem>>
    %dma_start3A_264 = arith.constant 0 : i32
    %dma_start3A_265 = tpu.memref_slice %arg4[%dma_start3A_264, %multiple_of3A_255] : memref<32x1000000xf32, #tpu.memory_space<hbm>> -> memref<32x128xf32, #tpu.memory_space<hbm>>
    tpu.enqueue_dma source(%dma_start3A_265 : memref<32x128xf32, #tpu.memory_space<hbm>>) target(%dma_start3A_263 : memref<32x128xf32, #tpu.memory_space<vmem>>) target_semaphore(%arg15 : memref<!tpu.dma_semaphore, #tpu.memory_space<semaphore_mem>>)
    %shift_right_arithmetic3A_266 = arith.constant 7 : i32
    %shift_right_arithmetic3A_267 = arith.shrsi %squeeze3A_160, %shift_right_arithmetic3A_266 : i32
    %mul3A_268 = arith.constant 128 : i32
    %mul3A_269 = arith.muli %shift_right_arithmetic3A_267, %mul3A_268 : i32
    %multiple_of3A_270 = tpu.assume_multiple %mul3A_269, 128 : i32
    %dma_start3A_271 = arith.constant 0 : i32
    %dma_start3A_272 = arith.constant 896 : i32
    %dma_start3A_273 = tpu.memref_slice %arg11[%dma_start3A_271, %dma_start3A_272] : memref<32x1024xf32, #tpu.memory_space<vmem>> -> memref<32x128xf32, #tpu.memory_space<vmem>>
    %dma_start3A_274 = arith.constant 0 : i32
    %dma_start3A_275 = tpu.memref_slice %arg4[%dma_start3A_274, %multiple_of3A_270] : memref<32x1000000xf32, #tpu.memory_space<hbm>> -> memref<32x128xf32, #tpu.memory_space<hbm>>
    %dma_start3A_276 = arith.constant 0 : i32
    %dma_start3A_277 = arith.constant 896 : i32
    %dma_start3A_278 = tpu.memref_slice %arg11[%dma_start3A_276, %dma_start3A_277] : memref<32x1024xf32, #tpu.memory_space<vmem>> -> memref<32x128xf32, #tpu.memory_space<vmem>>
    %dma_start3A_279 = arith.constant 0 : i32
    %dma_start3A_280 = tpu.memref_slice %arg4[%dma_start3A_279, %multiple_of3A_270] : memref<32x1000000xf32, #tpu.memory_space<hbm>> -> memref<32x128xf32, #tpu.memory_space<hbm>>
    tpu.enqueue_dma source(%dma_start3A_280 : memref<32x128xf32, #tpu.memory_space<hbm>>) target(%dma_start3A_278 : memref<32x128xf32, #tpu.memory_space<vmem>>) target_semaphore(%arg15 : memref<!tpu.dma_semaphore, #tpu.memory_space<semaphore_mem>>)
    %scan3A = arith.constant 0 : i32
    %scan3A_281 = arith.constant 0 : i32
    %scan3A_282 = arith.constant 22 : i32
    %scan3A_283 = arith.addi %scan3A_281, %scan3A_282 : i32
    %scan3A_284 = arith.constant 1 : i32
    %scan3A_285 = scf.for %scan3A_597 = %scan3A_281 to %scan3A_283 step %scan3A_284 iter_args(%scan3A_598 = %scan3A) -> (i32)  : i32 {
      %mul3A_599 = arith.constant 3 : i32
      %mul3A_600 = arith.muli %mul3A_599, %scan3A_597 : i32
      %add3A_601 = arith.constant 0 : i32
      %add3A_602 = arith.addi %mul3A_600, %add3A_601 : i32
      %add3A_603 = arith.constant 2 : i32
      %add3A_604 = arith.addi %add3A_602, %add3A_603 : i32
      %min3A = arith.constant 63 : i32
      %min3A_605 = arith.minsi %add3A_604, %min3A : i32
      %mul3A_606 = arith.constant 8 : i32
      %mul3A_607 = arith.muli %min3A_605, %mul3A_606 : i32
      %multiple_of3A_608 = tpu.assume_multiple %mul3A_607, 8 : i32
      %get3A_609 = arith.index_cast %multiple_of3A_608 : i32 to index
      %get3A_610 = tpu.vector_load %arg8[%get3A_609] {strides = array<i32>} : memref<528xi32, #tpu.memory_space<vmem>>, vector<16xi32>,
      %slice3A_611 = vector.extract_strided_slice %get3A_610 {offsets = [0], sizes = [1], strides = [1]} : vector<16xi32> to vector<1xi32>
      %squeeze3A_612 = vector.extract %slice3A_611[0] : i32 from vector<1xi32>
      %slice3A_613 = vector.extract_strided_slice %get3A_610 {offsets = [1], sizes = [1], strides = [1]} : vector<16xi32> to vector<1xi32>
      %squeeze3A_614 = vector.extract %slice3A_613[0] : i32 from vector<1xi32>
      %slice3A_615 = vector.extract_strided_slice %get3A_610 {offsets = [2], sizes = [1], strides = [1]} : vector<16xi32> to vector<1xi32>
      %squeeze3A_616 = vector.extract %slice3A_615[0] : i32 from vector<1xi32>
      %slice3A_617 = vector.extract_strided_slice %get3A_610 {offsets = [3], sizes = [1], strides = [1]} : vector<16xi32> to vector<1xi32>
      %squeeze3A_618 = vector.extract %slice3A_617[0] : i32 from vector<1xi32>
      %slice3A_619 = vector.extract_strided_slice %get3A_610 {offsets = [4], sizes = [1], strides = [1]} : vector<16xi32> to vector<1xi32>
      %squeeze3A_620 = vector.extract %slice3A_619[0] : i32 from vector<1xi32>
      %slice3A_621 = vector.extract_strided_slice %get3A_610 {offsets = [5], sizes = [1], strides = [1]} : vector<16xi32> to vector<1xi32>
      %squeeze3A_622 = vector.extract %slice3A_621[0] : i32 from vector<1xi32>
      %slice3A_623 = vector.extract_strided_slice %get3A_610 {offsets = [6], sizes = [1], strides = [1]} : vector<16xi32> to vector<1xi32>
      %squeeze3A_624 = vector.extract %slice3A_623[0] : i32 from vector<1xi32>
      %slice3A_625 = vector.extract_strided_slice %get3A_610 {offsets = [7], sizes = [1], strides = [1]} : vector<16xi32> to vector<1xi32>
      %squeeze3A_626 = vector.extract %slice3A_625[0] : i32 from vector<1xi32>
      %shift_right_arithmetic3A_627 = arith.constant 7 : i32
      %shift_right_arithmetic3A_628 = arith.shrsi %squeeze3A_612, %shift_right_arithmetic3A_627 : i32
      %mul3A_629 = arith.constant 128 : i32
      %mul3A_630 = arith.muli %shift_right_arithmetic3A_628, %mul3A_629 : i32
      %multiple_of3A_631 = tpu.assume_multiple %mul3A_630, 128 : i32
      %dma_start3A_632 = arith.constant 0 : i32
      %dma_start3A_633 = arith.constant 0 : i32
      %dma_start3A_634 = tpu.memref_slice %arg12[%dma_start3A_632, %dma_start3A_633] : memref<32x1024xf32, #tpu.memory_space<vmem>> -> memref<32x128xf32, #tpu.memory_space<vmem>>
      %dma_start3A_635 = arith.constant 0 : i32
      %dma_start3A_636 = tpu.memref_slice %arg4[%dma_start3A_635, %multiple_of3A_631] : memref<32x1000000xf32, #tpu.memory_space<hbm>> -> memref<32x128xf32, #tpu.memory_space<hbm>>
      %dma_start3A_637 = arith.constant 0 : i32
      %dma_start3A_638 = arith.constant 0 : i32
      %dma_start3A_639 = tpu.memref_slice %arg12[%dma_start3A_637, %dma_start3A_638] : memref<32x1024xf32, #tpu.memory_space<vmem>> -> memref<32x128xf32, #tpu.memory_space<vmem>>
      %dma_start3A_640 = arith.constant 0 : i32
      %dma_start3A_641 = tpu.memref_slice %arg4[%dma_start3A_640, %multiple_of3A_631] : memref<32x1000000xf32, #tpu.memory_space<hbm>> -> memref<32x128xf32, #tpu.memory_space<hbm>>
      tpu.enqueue_dma source(%dma_start3A_641 : memref<32x128xf32, #tpu.memory_space<hbm>>) target(%dma_start3A_639 : memref<32x128xf32, #tpu.memory_space<vmem>>) target_semaphore(%arg16 : memref<!tpu.dma_semaphore, #tpu.memory_space<semaphore_mem>>)
      %shift_right_arithmetic3A_642 = arith.constant 7 : i32
      %shift_right_arithmetic3A_643 = arith.shrsi %squeeze3A_614, %shift_right_arithmetic3A_642 : i32
      %mul3A_644 = arith.constant 128 : i32
      %mul3A_645 = arith.muli %shift_right_arithmetic3A_643, %mul3A_644 : i32
      %multiple_of3A_646 = tpu.assume_multiple %mul3A_645, 128 : i32
      %dma_start3A_647 = arith.constant 0 : i32
      %dma_start3A_648 = arith.constant 128 : i32
      %dma_start3A_649 = tpu.memref_slice %arg12[%dma_start3A_647, %dma_start3A_648] : memref<32x1024xf32, #tpu.memory_space<vmem>> -> memref<32x128xf32, #tpu.memory_space<vmem>>
      %dma_start3A_650 = arith.constant 0 : i32
      %dma_start3A_651 = tpu.memref_slice %arg4[%dma_start3A_650, %multiple_of3A_646] : memref<32x1000000xf32, #tpu.memory_space<hbm>> -> memref<32x128xf32, #tpu.memory_space<hbm>>
      %dma_start3A_652 = arith.constant 0 : i32
      %dma_start3A_653 = arith.constant 128 : i32
      %dma_start3A_654 = tpu.memref_slice %arg12[%dma_start3A_652, %dma_start3A_653] : memref<32x1024xf32, #tpu.memory_space<vmem>> -> memref<32x128xf32, #tpu.memory_space<vmem>>
      %dma_start3A_655 = arith.constant 0 : i32
      %dma_start3A_656 = tpu.memref_slice %arg4[%dma_start3A_655, %multiple_of3A_646] : memref<32x1000000xf32, #tpu.memory_space<hbm>> -> memref<32x128xf32, #tpu.memory_space<hbm>>
      tpu.enqueue_dma source(%dma_start3A_656 : memref<32x128xf32, #tpu.memory_space<hbm>>) target(%dma_start3A_654 : memref<32x128xf32, #tpu.memory_space<vmem>>) target_semaphore(%arg16 : memref<!tpu.dma_semaphore, #tpu.memory_space<semaphore_mem>>)
      %shift_right_arithmetic3A_657 = arith.constant 7 : i32
      %shift_right_arithmetic3A_658 = arith.shrsi %squeeze3A_616, %shift_right_arithmetic3A_657 : i32
      %mul3A_659 = arith.constant 128 : i32
      %mul3A_660 = arith.muli %shift_right_arithmetic3A_658, %mul3A_659 : i32
      %multiple_of3A_661 = tpu.assume_multiple %mul3A_660, 128 : i32
      %dma_start3A_662 = arith.constant 0 : i32
      %dma_start3A_663 = arith.constant 256 : i32
      %dma_start3A_664 = tpu.memref_slice %arg12[%dma_start3A_662, %dma_start3A_663] : memref<32x1024xf32, #tpu.memory_space<vmem>> -> memref<32x128xf32, #tpu.memory_space<vmem>>
      %dma_start3A_665 = arith.constant 0 : i32
      %dma_start3A_666 = tpu.memref_slice %arg4[%dma_start3A_665, %multiple_of3A_661] : memref<32x1000000xf32, #tpu.memory_space<hbm>> -> memref<32x128xf32, #tpu.memory_space<hbm>>
      %dma_start3A_667 = arith.constant 0 : i32
      %dma_start3A_668 = arith.constant 256 : i32
      %dma_start3A_669 = tpu.memref_slice %arg12[%dma_start3A_667, %dma_start3A_668] : memref<32x1024xf32, #tpu.memory_space<vmem>> -> memref<32x128xf32, #tpu.memory_space<vmem>>
      %dma_start3A_670 = arith.constant 0 : i32
      %dma_start3A_671 = tpu.memref_slice %arg4[%dma_start3A_670, %multiple_of3A_661] : memref<32x1000000xf32, #tpu.memory_space<hbm>> -> memref<32x128xf32, #tpu.memory_space<hbm>>
      tpu.enqueue_dma source(%dma_start3A_671 : memref<32x128xf32, #tpu.memory_space<hbm>>) target(%dma_start3A_669 : memref<32x128xf32, #tpu.memory_space<vmem>>) target_semaphore(%arg16 : memref<!tpu.dma_semaphore, #tpu.memory_space<semaphore_mem>>)
      %shift_right_arithmetic3A_672 = arith.constant 7 : i32
      %shift_right_arithmetic3A_673 = arith.shrsi %squeeze3A_618, %shift_right_arithmetic3A_672 : i32
      %mul3A_674 = arith.constant 128 : i32
      %mul3A_675 = arith.muli %shift_right_arithmetic3A_673, %mul3A_674 : i32
      %multiple_of3A_676 = tpu.assume_multiple %mul3A_675, 128 : i32
      %dma_start3A_677 = arith.constant 0 : i32
      %dma_start3A_678 = arith.constant 384 : i32
      %dma_start3A_679 = tpu.memref_slice %arg12[%dma_start3A_677, %dma_start3A_678] : memref<32x1024xf32, #tpu.memory_space<vmem>> -> memref<32x128xf32, #tpu.memory_space<vmem>>
      %dma_start3A_680 = arith.constant 0 : i32
      %dma_start3A_681 = tpu.memref_slice %arg4[%dma_start3A_680, %multiple_of3A_676] : memref<32x1000000xf32, #tpu.memory_space<hbm>> -> memref<32x128xf32, #tpu.memory_space<hbm>>
      %dma_start3A_682 = arith.constant 0 : i32
      %dma_start3A_683 = arith.constant 384 : i32
      %dma_start3A_684 = tpu.memref_slice %arg12[%dma_start3A_682, %dma_start3A_683] : memref<32x1024xf32, #tpu.memory_space<vmem>> -> memref<32x128xf32, #tpu.memory_space<vmem>>
      %dma_start3A_685 = arith.constant 0 : i32
      %dma_start3A_686 = tpu.memref_slice %arg4[%dma_start3A_685, %multiple_of3A_676] : memref<32x1000000xf32, #tpu.memory_space<hbm>> -> memref<32x128xf32, #tpu.memory_space<hbm>>
      tpu.enqueue_dma source(%dma_start3A_686 : memref<32x128xf32, #tpu.memory_space<hbm>>) target(%dma_start3A_684 : memref<32x128xf32, #tpu.memory_space<vmem>>) target_semaphore(%arg16 : memref<!tpu.dma_semaphore, #tpu.memory_space<semaphore_mem>>)
      %shift_right_arithmetic3A_687 = arith.constant 7 : i32
      %shift_right_arithmetic3A_688 = arith.shrsi %squeeze3A_620, %shift_right_arithmetic3A_687 : i32
      %mul3A_689 = arith.constant 128 : i32
      %mul3A_690 = arith.muli %shift_right_arithmetic3A_688, %mul3A_689 : i32
      %multiple_of3A_691 = tpu.assume_multiple %mul3A_690, 128 : i32
      %dma_start3A_692 = arith.constant 0 : i32
      %dma_start3A_693 = arith.constant 512 : i32
      %dma_start3A_694 = tpu.memref_slice %arg12[%dma_start3A_692, %dma_start3A_693] : memref<32x1024xf32, #tpu.memory_space<vmem>> -> memref<32x128xf32, #tpu.memory_space<vmem>>
      %dma_start3A_695 = arith.constant 0 : i32
      %dma_start3A_696 = tpu.memref_slice %arg4[%dma_start3A_695, %multiple_of3A_691] : memref<32x1000000xf32, #tpu.memory_space<hbm>> -> memref<32x128xf32, #tpu.memory_space<hbm>>
      %dma_start3A_697 = arith.constant 0 : i32
      %dma_start3A_698 = arith.constant 512 : i32
      %dma_start3A_699 = tpu.memref_slice %arg12[%dma_start3A_697, %dma_start3A_698] : memref<32x1024xf32, #tpu.memory_space<vmem>> -> memref<32x128xf32, #tpu.memory_space<vmem>>
      %dma_start3A_700 = arith.constant 0 : i32
      %dma_start3A_701 = tpu.memref_slice %arg4[%dma_start3A_700, %multiple_of3A_691] : memref<32x1000000xf32, #tpu.memory_space<hbm>> -> memref<32x128xf32, #tpu.memory_space<hbm>>
      tpu.enqueue_dma source(%dma_start3A_701 : memref<32x128xf32, #tpu.memory_space<hbm>>) target(%dma_start3A_699 : memref<32x128xf32, #tpu.memory_space<vmem>>) target_semaphore(%arg16 : memref<!tpu.dma_semaphore, #tpu.memory_space<semaphore_mem>>)
      %shift_right_arithmetic3A_702 = arith.constant 7 : i32
      %shift_right_arithmetic3A_703 = arith.shrsi %squeeze3A_622, %shift_right_arithmetic3A_702 : i32
      %mul3A_704 = arith.constant 128 : i32
      %mul3A_705 = arith.muli %shift_right_arithmetic3A_703, %mul3A_704 : i32
      %multiple_of3A_706 = tpu.assume_multiple %mul3A_705, 128 : i32
      %dma_start3A_707 = arith.constant 0 : i32
      %dma_start3A_708 = arith.constant 640 : i32
      %dma_start3A_709 = tpu.memref_slice %arg12[%dma_start3A_707, %dma_start3A_708] : memref<32x1024xf32, #tpu.memory_space<vmem>> -> memref<32x128xf32, #tpu.memory_space<vmem>>
      %dma_start3A_710 = arith.constant 0 : i32
      %dma_start3A_711 = tpu.memref_slice %arg4[%dma_start3A_710, %multiple_of3A_706] : memref<32x1000000xf32, #tpu.memory_space<hbm>> -> memref<32x128xf32, #tpu.memory_space<hbm>>
      %dma_start3A_712 = arith.constant 0 : i32
      %dma_start3A_713 = arith.constant 640 : i32
      %dma_start3A_714 = tpu.memref_slice %arg12[%dma_start3A_712, %dma_start3A_713] : memref<32x1024xf32, #tpu.memory_space<vmem>> -> memref<32x128xf32, #tpu.memory_space<vmem>>
      %dma_start3A_715 = arith.constant 0 : i32
      %dma_start3A_716 = tpu.memref_slice %arg4[%dma_start3A_715, %multiple_of3A_706] : memref<32x1000000xf32, #tpu.memory_space<hbm>> -> memref<32x128xf32, #tpu.memory_space<hbm>>
      tpu.enqueue_dma source(%dma_start3A_716 : memref<32x128xf32, #tpu.memory_space<hbm>>) target(%dma_start3A_714 : memref<32x128xf32, #tpu.memory_space<vmem>>) target_semaphore(%arg16 : memref<!tpu.dma_semaphore, #tpu.memory_space<semaphore_mem>>)
      %shift_right_arithmetic3A_717 = arith.constant 7 : i32
      %shift_right_arithmetic3A_718 = arith.shrsi %squeeze3A_624, %shift_right_arithmetic3A_717 : i32
      %mul3A_719 = arith.constant 128 : i32
      %mul3A_720 = arith.muli %shift_right_arithmetic3A_718, %mul3A_719 : i32
      %multiple_of3A_721 = tpu.assume_multiple %mul3A_720, 128 : i32
      %dma_start3A_722 = arith.constant 0 : i32
      %dma_start3A_723 = arith.constant 768 : i32
      %dma_start3A_724 = tpu.memref_slice %arg12[%dma_start3A_722, %dma_start3A_723] : memref<32x1024xf32, #tpu.memory_space<vmem>> -> memref<32x128xf32, #tpu.memory_space<vmem>>
      %dma_start3A_725 = arith.constant 0 : i32
      %dma_start3A_726 = tpu.memref_slice %arg4[%dma_start3A_725, %multiple_of3A_721] : memref<32x1000000xf32, #tpu.memory_space<hbm>> -> memref<32x128xf32, #tpu.memory_space<hbm>>
      %dma_start3A_727 = arith.constant 0 : i32
      %dma_start3A_728 = arith.constant 768 : i32
      %dma_start3A_729 = tpu.memref_slice %arg12[%dma_start3A_727, %dma_start3A_728] : memref<32x1024xf32, #tpu.memory_space<vmem>> -> memref<32x128xf32, #tpu.memory_space<vmem>>
      %dma_start3A_730 = arith.constant 0 : i32
      %dma_start3A_731 = tpu.memref_slice %arg4[%dma_start3A_730, %multiple_of3A_721] : memref<32x1000000xf32, #tpu.memory_space<hbm>> -> memref<32x128xf32, #tpu.memory_space<hbm>>
      tpu.enqueue_dma source(%dma_start3A_731 : memref<32x128xf32, #tpu.memory_space<hbm>>) target(%dma_start3A_729 : memref<32x128xf32, #tpu.memory_space<vmem>>) target_semaphore(%arg16 : memref<!tpu.dma_semaphore, #tpu.memory_space<semaphore_mem>>)
      %shift_right_arithmetic3A_732 = arith.constant 7 : i32
      %shift_right_arithmetic3A_733 = arith.shrsi %squeeze3A_626, %shift_right_arithmetic3A_732 : i32
      %mul3A_734 = arith.constant 128 : i32
      %mul3A_735 = arith.muli %shift_right_arithmetic3A_733, %mul3A_734 : i32
      %multiple_of3A_736 = tpu.assume_multiple %mul3A_735, 128 : i32
      %dma_start3A_737 = arith.constant 0 : i32
      %dma_start3A_738 = arith.constant 896 : i32
      %dma_start3A_739 = tpu.memref_slice %arg12[%dma_start3A_737, %dma_start3A_738] : memref<32x1024xf32, #tpu.memory_space<vmem>> -> memref<32x128xf32, #tpu.memory_space<vmem>>
      %dma_start3A_740 = arith.constant 0 : i32
      %dma_start3A_741 = tpu.memref_slice %arg4[%dma_start3A_740, %multiple_of3A_736] : memref<32x1000000xf32, #tpu.memory_space<hbm>> -> memref<32x128xf32, #tpu.memory_space<hbm>>
      %dma_start3A_742 = arith.constant 0 : i32
      %dma_start3A_743 = arith.constant 896 : i32
      %dma_start3A_744 = tpu.memref_slice %arg12[%dma_start3A_742, %dma_start3A_743] : memref<32x1024xf32, #tpu.memory_space<vmem>> -> memref<32x128xf32, #tpu.memory_space<vmem>>
      %dma_start3A_745 = arith.constant 0 : i32
      %dma_start3A_746 = tpu.memref_slice %arg4[%dma_start3A_745, %multiple_of3A_736] : memref<32x1000000xf32, #tpu.memory_space<hbm>> -> memref<32x128xf32, #tpu.memory_space<hbm>>
      tpu.enqueue_dma source(%dma_start3A_746 : memref<32x128xf32, #tpu.memory_space<hbm>>) target(%dma_start3A_744 : memref<32x128xf32, #tpu.memory_space<vmem>>) target_semaphore(%arg16 : memref<!tpu.dma_semaphore, #tpu.memory_space<semaphore_mem>>)
      %dma_wait3A_747 = arith.constant 0 : i32
      %dma_wait3A_748 = arith.constant 0 : i32
      %dma_wait3A_749 = tpu.memref_slice %arg4[%dma_wait3A_747, %dma_wait3A_748] : memref<32x1000000xf32, #tpu.memory_space<hbm>> -> memref<32x1024xf32, #tpu.memory_space<hbm>>
      %dma_wait3A_750 = arith.constant 0 : i32
      %dma_wait3A_751 = arith.constant 0 : i32
      %dma_wait3A_752 = tpu.memref_slice %arg4[%dma_wait3A_750, %dma_wait3A_751] : memref<32x1000000xf32, #tpu.memory_space<hbm>> -> memref<32x1024xf32, #tpu.memory_space<hbm>>
      tpu.wait_dma2 semaphore(%arg14 : memref<!tpu.dma_semaphore, #tpu.memory_space<semaphore_mem>>) src(%dma_wait3A_752 : memref<32x1024xf32, #tpu.memory_space<hbm>>) dst(%arg10 : memref<32x1024xf32, #tpu.memory_space<vmem>>)
      %min3A_753 = arith.constant 63 : i32
      %min3A_754 = arith.minsi %add3A_602, %min3A_753 : i32
      %mul3A_755 = arith.constant 8 : i32
      %mul3A_756 = arith.muli %min3A_754, %mul3A_755 : i32
      %multiple_of3A_757 = tpu.assume_multiple %mul3A_756, 8 : i32
      %get3A_758 = arith.index_cast %multiple_of3A_757 : i32 to index
      %get3A_759 = tpu.vector_load %arg8[%get3A_758] {strides = array<i32>} : memref<528xi32, #tpu.memory_space<vmem>>, vector<16xi32>,
      %slice3A_760 = vector.extract_strided_slice %get3A_759 {offsets = [0], sizes = [1], strides = [1]} : vector<16xi32> to vector<1xi32>
      %squeeze3A_761 = vector.extract %slice3A_760[0] : i32 from vector<1xi32>
      %slice3A_762 = vector.extract_strided_slice %get3A_759 {offsets = [1], sizes = [1], strides = [1]} : vector<16xi32> to vector<1xi32>
      %squeeze3A_763 = vector.extract %slice3A_762[0] : i32 from vector<1xi32>
      %slice3A_764 = vector.extract_strided_slice %get3A_759 {offsets = [2], sizes = [1], strides = [1]} : vector<16xi32> to vector<1xi32>
      %squeeze3A_765 = vector.extract %slice3A_764[0] : i32 from vector<1xi32>
      %slice3A_766 = vector.extract_strided_slice %get3A_759 {offsets = [3], sizes = [1], strides = [1]} : vector<16xi32> to vector<1xi32>
      %squeeze3A_767 = vector.extract %slice3A_766[0] : i32 from vector<1xi32>
      %slice3A_768 = vector.extract_strided_slice %get3A_759 {offsets = [4], sizes = [1], strides = [1]} : vector<16xi32> to vector<1xi32>
      %squeeze3A_769 = vector.extract %slice3A_768[0] : i32 from vector<1xi32>
      %slice3A_770 = vector.extract_strided_slice %get3A_759 {offsets = [5], sizes = [1], strides = [1]} : vector<16xi32> to vector<1xi32>
      %squeeze3A_771 = vector.extract %slice3A_770[0] : i32 from vector<1xi32>
      %slice3A_772 = vector.extract_strided_slice %get3A_759 {offsets = [6], sizes = [1], strides = [1]} : vector<16xi32> to vector<1xi32>
      %squeeze3A_773 = vector.extract %slice3A_772[0] : i32 from vector<1xi32>
      %slice3A_774 = vector.extract_strided_slice %get3A_759 {offsets = [7], sizes = [1], strides = [1]} : vector<16xi32> to vector<1xi32>
      %squeeze3A_775 = vector.extract %slice3A_774[0] : i32 from vector<1xi32>
      %and3A = arith.constant 127 : i32
      %and3A_776 = arith.andi %squeeze3A_761, %and3A : i32
      %add3A_777 = arith.constant 0 : i32
      %add3A_778 = arith.addi %and3A_776, %add3A_777 : i32
      %broadcast_in_dim3A = vector.broadcast %add3A_778 : i32 to vector<16xi32>
      %mul3A_779 = arith.constant 8 : i32
      %mul3A_780 = arith.muli %min3A_754, %mul3A_779 : i32
      %add3A_781 = arith.constant 0 : i32
      %add3A_782 = arith.addi %mul3A_780, %add3A_781 : i32
      %broadcast_in_dim3A_783 = vector.broadcast %add3A_782 : i32 to vector<16xi32>
      %gather3A = tpu.vector_load_idx %arg10[%iota3A, %broadcast_in_dim3A] : memref<32x1024xf32, #tpu.memory_space<vmem>>[vector<16xi32>, vector<16xi32>], vector<16xf32>,
      %gather3A_784 = tpu.vector_load_idx %arg10[%add3A_5, %broadcast_in_dim3A] : memref<32x1024xf32, #tpu.memory_space<vmem>>[vector<16xi32>, vector<16xi32>], vector<16xf32>,
      tpu.vector_store_idx %arg13[%iota3A, %broadcast_in_dim3A_783], %gather3A : memref<32x512xf32, #tpu.memory_space<vmem>>[vector<16xi32>, vector<16xi32>], vector<16xf32>,
      tpu.vector_store_idx %arg13[%add3A_5, %broadcast_in_dim3A_783], %gather3A_784 : memref<32x512xf32, #tpu.memory_space<vmem>>[vector<16xi32>, vector<16xi32>], vector<16xf32>,
      %and3A_785 = arith.constant 127 : i32
      %and3A_786 = arith.andi %squeeze3A_763, %and3A_785 : i32
      %add3A_787 = arith.constant 128 : i32
      %add3A_788 = arith.addi %and3A_786, %add3A_787 : i32
      %broadcast_in_dim3A_789 = vector.broadcast %add3A_788 : i32 to vector<16xi32>
      %mul3A_790 = arith.constant 8 : i32
      %mul3A_791 = arith.muli %min3A_754, %mul3A_790 : i32
      %add3A_792 = arith.constant 1 : i32
      %add3A_793 = arith.addi %mul3A_791, %add3A_792 : i32
      %broadcast_in_dim3A_794 = vector.broadcast %add3A_793 : i32 to vector<16xi32>
      %gather3A_795 = tpu.vector_load_idx %arg10[%iota3A, %broadcast_in_dim3A_789] : memref<32x1024xf32, #tpu.memory_space<vmem>>[vector<16xi32>, vector<16xi32>], vector<16xf32>,
      %gather3A_796 = tpu.vector_load_idx %arg10[%add3A_5, %broadcast_in_dim3A_789] : memref<32x1024xf32, #tpu.memory_space<vmem>>[vector<16xi32>, vector<16xi32>], vector<16xf32>,
      tpu.vector_store_idx %arg13[%iota3A, %broadcast_in_dim3A_794], %gather3A_795 : memref<32x512xf32, #tpu.memory_space<vmem>>[vector<16xi32>, vector<16xi32>], vector<16xf32>,
      tpu.vector_store_idx %arg13[%add3A_5, %broadcast_in_dim3A_794], %gather3A_796 : memref<32x512xf32, #tpu.memory_space<vmem>>[vector<16xi32>, vector<16xi32>], vector<16xf32>,
      %and3A_797 = arith.constant 127 : i32
      %and3A_798 = arith.andi %squeeze3A_765, %and3A_797 : i32
      %add3A_799 = arith.constant 256 : i32
      %add3A_800 = arith.addi %and3A_798, %add3A_799 : i32
      %broadcast_in_dim3A_801 = vector.broadcast %add3A_800 : i32 to vector<16xi32>
      %mul3A_802 = arith.constant 8 : i32
      %mul3A_803 = arith.muli %min3A_754, %mul3A_802 : i32
      %add3A_804 = arith.constant 2 : i32
      %add3A_805 = arith.addi %mul3A_803, %add3A_804 : i32
      %broadcast_in_dim3A_806 = vector.broadcast %add3A_805 : i32 to vector<16xi32>
      %gather3A_807 = tpu.vector_load_idx %arg10[%iota3A, %broadcast_in_dim3A_801] : memref<32x1024xf32, #tpu.memory_space<vmem>>[vector<16xi32>, vector<16xi32>], vector<16xf32>,
      %gather3A_808 = tpu.vector_load_idx %arg10[%add3A_5, %broadcast_in_dim3A_801] : memref<32x1024xf32, #tpu.memory_space<vmem>>[vector<16xi32>, vector<16xi32>], vector<16xf32>,
      tpu.vector_store_idx %arg13[%iota3A, %broadcast_in_dim3A_806], %gather3A_807 : memref<32x512xf32, #tpu.memory_space<vmem>>[vector<16xi32>, vector<16xi32>], vector<16xf32>,
      tpu.vector_store_idx %arg13[%add3A_5, %broadcast_in_dim3A_806], %gather3A_808 : memref<32x512xf32, #tpu.memory_space<vmem>>[vector<16xi32>, vector<16xi32>], vector<16xf32>,
      %and3A_809 = arith.constant 127 : i32
      %and3A_810 = arith.andi %squeeze3A_767, %and3A_809 : i32
      %add3A_811 = arith.constant 384 : i32
      %add3A_812 = arith.addi %and3A_810, %add3A_811 : i32
      %broadcast_in_dim3A_813 = vector.broadcast %add3A_812 : i32 to vector<16xi32>
      %mul3A_814 = arith.constant 8 : i32
      %mul3A_815 = arith.muli %min3A_754, %mul3A_814 : i32
      %add3A_816 = arith.constant 3 : i32
      %add3A_817 = arith.addi %mul3A_815, %add3A_816 : i32
      %broadcast_in_dim3A_818 = vector.broadcast %add3A_817 : i32 to vector<16xi32>
      %gather3A_819 = tpu.vector_load_idx %arg10[%iota3A, %broadcast_in_dim3A_813] : memref<32x1024xf32, #tpu.memory_space<vmem>>[vector<16xi32>, vector<16xi32>], vector<16xf32>,
      %gather3A_820 = tpu.vector_load_idx %arg10[%add3A_5, %broadcast_in_dim3A_813] : memref<32x1024xf32, #tpu.memory_space<vmem>>[vector<16xi32>, vector<16xi32>], vector<16xf32>,
      tpu.vector_store_idx %arg13[%iota3A, %broadcast_in_dim3A_818], %gather3A_819 : memref<32x512xf32, #tpu.memory_space<vmem>>[vector<16xi32>, vector<16xi32>], vector<16xf32>,
      tpu.vector_store_idx %arg13[%add3A_5, %broadcast_in_dim3A_818], %gather3A_820 : memref<32x512xf32, #tpu.memory_space<vmem>>[vector<16xi32>, vector<16xi32>], vector<16xf32>,
      %and3A_821 = arith.constant 127 : i32
      %and3A_822 = arith.andi %squeeze3A_769, %and3A_821 : i32
      %add3A_823 = arith.constant 512 : i32
      %add3A_824 = arith.addi %and3A_822, %add3A_823 : i32
      %broadcast_in_dim3A_825 = vector.broadcast %add3A_824 : i32 to vector<16xi32>
      %mul3A_826 = arith.constant 8 : i32
      %mul3A_827 = arith.muli %min3A_754, %mul3A_826 : i32
      %add3A_828 = arith.constant 4 : i32
      %add3A_829 = arith.addi %mul3A_827, %add3A_828 : i32
      %broadcast_in_dim3A_830 = vector.broadcast %add3A_829 : i32 to vector<16xi32>
      %gather3A_831 = tpu.vector_load_idx %arg10[%iota3A, %broadcast_in_dim3A_825] : memref<32x1024xf32, #tpu.memory_space<vmem>>[vector<16xi32>, vector<16xi32>], vector<16xf32>,
      %gather3A_832 = tpu.vector_load_idx %arg10[%add3A_5, %broadcast_in_dim3A_825] : memref<32x1024xf32, #tpu.memory_space<vmem>>[vector<16xi32>, vector<16xi32>], vector<16xf32>,
      tpu.vector_store_idx %arg13[%iota3A, %broadcast_in_dim3A_830], %gather3A_831 : memref<32x512xf32, #tpu.memory_space<vmem>>[vector<16xi32>, vector<16xi32>], vector<16xf32>,
      tpu.vector_store_idx %arg13[%add3A_5, %broadcast_in_dim3A_830], %gather3A_832 : memref<32x512xf32, #tpu.memory_space<vmem>>[vector<16xi32>, vector<16xi32>], vector<16xf32>,
      %and3A_833 = arith.constant 127 : i32
      %and3A_834 = arith.andi %squeeze3A_771, %and3A_833 : i32
      %add3A_835 = arith.constant 640 : i32
      %add3A_836 = arith.addi %and3A_834, %add3A_835 : i32
      %broadcast_in_dim3A_837 = vector.broadcast %add3A_836 : i32 to vector<16xi32>
      %mul3A_838 = arith.constant 8 : i32
      %mul3A_839 = arith.muli %min3A_754, %mul3A_838 : i32
      %add3A_840 = arith.constant 5 : i32
      %add3A_841 = arith.addi %mul3A_839, %add3A_840 : i32
      %broadcast_in_dim3A_842 = vector.broadcast %add3A_841 : i32 to vector<16xi32>
      %gather3A_843 = tpu.vector_load_idx %arg10[%iota3A, %broadcast_in_dim3A_837] : memref<32x1024xf32, #tpu.memory_space<vmem>>[vector<16xi32>, vector<16xi32>], vector<16xf32>,
      %gather3A_844 = tpu.vector_load_idx %arg10[%add3A_5, %broadcast_in_dim3A_837] : memref<32x1024xf32, #tpu.memory_space<vmem>>[vector<16xi32>, vector<16xi32>], vector<16xf32>,
      tpu.vector_store_idx %arg13[%iota3A, %broadcast_in_dim3A_842], %gather3A_843 : memref<32x512xf32, #tpu.memory_space<vmem>>[vector<16xi32>, vector<16xi32>], vector<16xf32>,
      tpu.vector_store_idx %arg13[%add3A_5, %broadcast_in_dim3A_842], %gather3A_844 : memref<32x512xf32, #tpu.memory_space<vmem>>[vector<16xi32>, vector<16xi32>], vector<16xf32>,
      %and3A_845 = arith.constant 127 : i32
      %and3A_846 = arith.andi %squeeze3A_773, %and3A_845 : i32
      %add3A_847 = arith.constant 768 : i32
      %add3A_848 = arith.addi %and3A_846, %add3A_847 : i32
      %broadcast_in_dim3A_849 = vector.broadcast %add3A_848 : i32 to vector<16xi32>
      %mul3A_850 = arith.constant 8 : i32
      %mul3A_851 = arith.muli %min3A_754, %mul3A_850 : i32
      %add3A_852 = arith.constant 6 : i32
      %add3A_853 = arith.addi %mul3A_851, %add3A_852 : i32
      %broadcast_in_dim3A_854 = vector.broadcast %add3A_853 : i32 to vector<16xi32>
      %gather3A_855 = tpu.vector_load_idx %arg10[%iota3A, %broadcast_in_dim3A_849] : memref<32x1024xf32, #tpu.memory_space<vmem>>[vector<16xi32>, vector<16xi32>], vector<16xf32>,
      %gather3A_856 = tpu.vector_load_idx %arg10[%add3A_5, %broadcast_in_dim3A_849] : memref<32x1024xf32, #tpu.memory_space<vmem>>[vector<16xi32>, vector<16xi32>], vector<16xf32>,
      tpu.vector_store_idx %arg13[%iota3A, %broadcast_in_dim3A_854], %gather3A_855 : memref<32x512xf32, #tpu.memory_space<vmem>>[vector<16xi32>, vector<16xi32>], vector<16xf32>,
      tpu.vector_store_idx %arg13[%add3A_5, %broadcast_in_dim3A_854], %gather3A_856 : memref<32x512xf32, #tpu.memory_space<vmem>>[vector<16xi32>, vector<16xi32>], vector<16xf32>,
      %and3A_857 = arith.constant 127 : i32
      %and3A_858 = arith.andi %squeeze3A_775, %and3A_857 : i32
      %add3A_859 = arith.constant 896 : i32
      %add3A_860 = arith.addi %and3A_858, %add3A_859 : i32
      %broadcast_in_dim3A_861 = vector.broadcast %add3A_860 : i32 to vector<16xi32>
      %mul3A_862 = arith.constant 8 : i32
      %mul3A_863 = arith.muli %min3A_754, %mul3A_862 : i32
      %add3A_864 = arith.constant 7 : i32
      %add3A_865 = arith.addi %mul3A_863, %add3A_864 : i32
      %broadcast_in_dim3A_866 = vector.broadcast %add3A_865 : i32 to vector<16xi32>
      %gather3A_867 = tpu.vector_load_idx %arg10[%iota3A, %broadcast_in_dim3A_861] : memref<32x1024xf32, #tpu.memory_space<vmem>>[vector<16xi32>, vector<16xi32>], vector<16xf32>,
      %gather3A_868 = tpu.vector_load_idx %arg10[%add3A_5, %broadcast_in_dim3A_861] : memref<32x1024xf32, #tpu.memory_space<vmem>>[vector<16xi32>, vector<16xi32>], vector<16xf32>,
      tpu.vector_store_idx %arg13[%iota3A, %broadcast_in_dim3A_866], %gather3A_867 : memref<32x512xf32, #tpu.memory_space<vmem>>[vector<16xi32>, vector<16xi32>], vector<16xf32>,
      tpu.vector_store_idx %arg13[%add3A_5, %broadcast_in_dim3A_866], %gather3A_868 : memref<32x512xf32, #tpu.memory_space<vmem>>[vector<16xi32>, vector<16xi32>], vector<16xf32>,
      %mul3A_869 = arith.constant 3 : i32
      %mul3A_870 = arith.muli %mul3A_869, %scan3A_597 : i32
      %add3A_871 = arith.constant 1 : i32
      %add3A_872 = arith.addi %mul3A_870, %add3A_871 : i32
      %add3A_873 = arith.constant 2 : i32
      %add3A_874 = arith.addi %add3A_872, %add3A_873 : i32
      %min3A_875 = arith.constant 63 : i32
      %min3A_876 = arith.minsi %add3A_874, %min3A_875 : i32
      %mul3A_877 = arith.constant 8 : i32
      %mul3A_878 = arith.muli %min3A_876, %mul3A_877 : i32
      %multiple_of3A_879 = tpu.assume_multiple %mul3A_878, 8 : i32
      %get3A_880 = arith.index_cast %multiple_of3A_879 : i32 to index
      %get3A_881 = tpu.vector_load %arg8[%get3A_880] {strides = array<i32>} : memref<528xi32, #tpu.memory_space<vmem>>, vector<16xi32>,
      %slice3A_882 = vector.extract_strided_slice %get3A_881 {offsets = [0], sizes = [1], strides = [1]} : vector<16xi32> to vector<1xi32>
      %squeeze3A_883 = vector.extract %slice3A_882[0] : i32 from vector<1xi32>
      %slice3A_884 = vector.extract_strided_slice %get3A_881 {offsets = [1], sizes = [1], strides = [1]} : vector<16xi32> to vector<1xi32>
      %squeeze3A_885 = vector.extract %slice3A_884[0] : i32 from vector<1xi32>
      %slice3A_886 = vector.extract_strided_slice %get3A_881 {offsets = [2], sizes = [1], strides = [1]} : vector<16xi32> to vector<1xi32>
      %squeeze3A_887 = vector.extract %slice3A_886[0] : i32 from vector<1xi32>
      %slice3A_888 = vector.extract_strided_slice %get3A_881 {offsets = [3], sizes = [1], strides = [1]} : vector<16xi32> to vector<1xi32>
      %squeeze3A_889 = vector.extract %slice3A_888[0] : i32 from vector<1xi32>
      %slice3A_890 = vector.extract_strided_slice %get3A_881 {offsets = [4], sizes = [1], strides = [1]} : vector<16xi32> to vector<1xi32>
      %squeeze3A_891 = vector.extract %slice3A_890[0] : i32 from vector<1xi32>
      %slice3A_892 = vector.extract_strided_slice %get3A_881 {offsets = [5], sizes = [1], strides = [1]} : vector<16xi32> to vector<1xi32>
      %squeeze3A_893 = vector.extract %slice3A_892[0] : i32 from vector<1xi32>
      %slice3A_894 = vector.extract_strided_slice %get3A_881 {offsets = [6], sizes = [1], strides = [1]} : vector<16xi32> to vector<1xi32>
      %squeeze3A_895 = vector.extract %slice3A_894[0] : i32 from vector<1xi32>
      %slice3A_896 = vector.extract_strided_slice %get3A_881 {offsets = [7], sizes = [1], strides = [1]} : vector<16xi32> to vector<1xi32>
      %squeeze3A_897 = vector.extract %slice3A_896[0] : i32 from vector<1xi32>
      %shift_right_arithmetic3A_898 = arith.constant 7 : i32
      %shift_right_arithmetic3A_899 = arith.shrsi %squeeze3A_883, %shift_right_arithmetic3A_898 : i32
      %mul3A_900 = arith.constant 128 : i32
      %mul3A_901 = arith.muli %shift_right_arithmetic3A_899, %mul3A_900 : i32
      %multiple_of3A_902 = tpu.assume_multiple %mul3A_901, 128 : i32
      %dma_start3A_903 = arith.constant 0 : i32
      %dma_start3A_904 = arith.constant 0 : i32
      %dma_start3A_905 = tpu.memref_slice %arg10[%dma_start3A_903, %dma_start3A_904] : memref<32x1024xf32, #tpu.memory_space<vmem>> -> memref<32x128xf32, #tpu.memory_space<vmem>>
      %dma_start3A_906 = arith.constant 0 : i32
      %dma_start3A_907 = tpu.memref_slice %arg4[%dma_start3A_906, %multiple_of3A_902] : memref<32x1000000xf32, #tpu.memory_space<hbm>> -> memref<32x128xf32, #tpu.memory_space<hbm>>
      %dma_start3A_908 = arith.constant 0 : i32
      %dma_start3A_909 = arith.constant 0 : i32
      %dma_start3A_910 = tpu.memref_slice %arg10[%dma_start3A_908, %dma_start3A_909] : memref<32x1024xf32, #tpu.memory_space<vmem>> -> memref<32x128xf32, #tpu.memory_space<vmem>>
      %dma_start3A_911 = arith.constant 0 : i32
      %dma_start3A_912 = tpu.memref_slice %arg4[%dma_start3A_911, %multiple_of3A_902] : memref<32x1000000xf32, #tpu.memory_space<hbm>> -> memref<32x128xf32, #tpu.memory_space<hbm>>
      tpu.enqueue_dma source(%dma_start3A_912 : memref<32x128xf32, #tpu.memory_space<hbm>>) target(%dma_start3A_910 : memref<32x128xf32, #tpu.memory_space<vmem>>) target_semaphore(%arg14 : memref<!tpu.dma_semaphore, #tpu.memory_space<semaphore_mem>>)
      %shift_right_arithmetic3A_913 = arith.constant 7 : i32
      %shift_right_arithmetic3A_914 = arith.shrsi %squeeze3A_885, %shift_right_arithmetic3A_913 : i32
      %mul3A_915 = arith.constant 128 : i32
      %mul3A_916 = arith.muli %shift_right_arithmetic3A_914, %mul3A_915 : i32
      %multiple_of3A_917 = tpu.assume_multiple %mul3A_916, 128 : i32
      %dma_start3A_918 = arith.constant 0 : i32
      %dma_start3A_919 = arith.constant 128 : i32
      %dma_start3A_920 = tpu.memref_slice %arg10[%dma_start3A_918, %dma_start3A_919] : memref<32x1024xf32, #tpu.memory_space<vmem>> -> memref<32x128xf32, #tpu.memory_space<vmem>>
      %dma_start3A_921 = arith.constant 0 : i32
      %dma_start3A_922 = tpu.memref_slice %arg4[%dma_start3A_921, %multiple_of3A_917] : memref<32x1000000xf32, #tpu.memory_space<hbm>> -> memref<32x128xf32, #tpu.memory_space<hbm>>
      %dma_start3A_923 = arith.constant 0 : i32
      %dma_start3A_924 = arith.constant 128 : i32
      %dma_start3A_925 = tpu.memref_slice %arg10[%dma_start3A_923, %dma_start3A_924] : memref<32x1024xf32, #tpu.memory_space<vmem>> -> memref<32x128xf32, #tpu.memory_space<vmem>>
      %dma_start3A_926 = arith.constant 0 : i32
      %dma_start3A_927 = tpu.memref_slice %arg4[%dma_start3A_926, %multiple_of3A_917] : memref<32x1000000xf32, #tpu.memory_space<hbm>> -> memref<32x128xf32, #tpu.memory_space<hbm>>
      tpu.enqueue_dma source(%dma_start3A_927 : memref<32x128xf32, #tpu.memory_space<hbm>>) target(%dma_start3A_925 : memref<32x128xf32, #tpu.memory_space<vmem>>) target_semaphore(%arg14 : memref<!tpu.dma_semaphore, #tpu.memory_space<semaphore_mem>>)
      %shift_right_arithmetic3A_928 = arith.constant 7 : i32
      %shift_right_arithmetic3A_929 = arith.shrsi %squeeze3A_887, %shift_right_arithmetic3A_928 : i32
      %mul3A_930 = arith.constant 128 : i32
      %mul3A_931 = arith.muli %shift_right_arithmetic3A_929, %mul3A_930 : i32
      %multiple_of3A_932 = tpu.assume_multiple %mul3A_931, 128 : i32
      %dma_start3A_933 = arith.constant 0 : i32
      %dma_start3A_934 = arith.constant 256 : i32
      %dma_start3A_935 = tpu.memref_slice %arg10[%dma_start3A_933, %dma_start3A_934] : memref<32x1024xf32, #tpu.memory_space<vmem>> -> memref<32x128xf32, #tpu.memory_space<vmem>>
      %dma_start3A_936 = arith.constant 0 : i32
      %dma_start3A_937 = tpu.memref_slice %arg4[%dma_start3A_936, %multiple_of3A_932] : memref<32x1000000xf32, #tpu.memory_space<hbm>> -> memref<32x128xf32, #tpu.memory_space<hbm>>
      %dma_start3A_938 = arith.constant 0 : i32
      %dma_start3A_939 = arith.constant 256 : i32
      %dma_start3A_940 = tpu.memref_slice %arg10[%dma_start3A_938, %dma_start3A_939] : memref<32x1024xf32, #tpu.memory_space<vmem>> -> memref<32x128xf32, #tpu.memory_space<vmem>>
      %dma_start3A_941 = arith.constant 0 : i32
      %dma_start3A_942 = tpu.memref_slice %arg4[%dma_start3A_941, %multiple_of3A_932] : memref<32x1000000xf32, #tpu.memory_space<hbm>> -> memref<32x128xf32, #tpu.memory_space<hbm>>
      tpu.enqueue_dma source(%dma_start3A_942 : memref<32x128xf32, #tpu.memory_space<hbm>>) target(%dma_start3A_940 : memref<32x128xf32, #tpu.memory_space<vmem>>) target_semaphore(%arg14 : memref<!tpu.dma_semaphore, #tpu.memory_space<semaphore_mem>>)
      %shift_right_arithmetic3A_943 = arith.constant 7 : i32
      %shift_right_arithmetic3A_944 = arith.shrsi %squeeze3A_889, %shift_right_arithmetic3A_943 : i32
      %mul3A_945 = arith.constant 128 : i32
      %mul3A_946 = arith.muli %shift_right_arithmetic3A_944, %mul3A_945 : i32
      %multiple_of3A_947 = tpu.assume_multiple %mul3A_946, 128 : i32
      %dma_start3A_948 = arith.constant 0 : i32
      %dma_start3A_949 = arith.constant 384 : i32
      %dma_start3A_950 = tpu.memref_slice %arg10[%dma_start3A_948, %dma_start3A_949] : memref<32x1024xf32, #tpu.memory_space<vmem>> -> memref<32x128xf32, #tpu.memory_space<vmem>>
      %dma_start3A_951 = arith.constant 0 : i32
      %dma_start3A_952 = tpu.memref_slice %arg4[%dma_start3A_951, %multiple_of3A_947] : memref<32x1000000xf32, #tpu.memory_space<hbm>> -> memref<32x128xf32, #tpu.memory_space<hbm>>
      %dma_start3A_953 = arith.constant 0 : i32
      %dma_start3A_954 = arith.constant 384 : i32
      %dma_start3A_955 = tpu.memref_slice %arg10[%dma_start3A_953, %dma_start3A_954] : memref<32x1024xf32, #tpu.memory_space<vmem>> -> memref<32x128xf32, #tpu.memory_space<vmem>>
      %dma_start3A_956 = arith.constant 0 : i32
      %dma_start3A_957 = tpu.memref_slice %arg4[%dma_start3A_956, %multiple_of3A_947] : memref<32x1000000xf32, #tpu.memory_space<hbm>> -> memref<32x128xf32, #tpu.memory_space<hbm>>
      tpu.enqueue_dma source(%dma_start3A_957 : memref<32x128xf32, #tpu.memory_space<hbm>>) target(%dma_start3A_955 : memref<32x128xf32, #tpu.memory_space<vmem>>) target_semaphore(%arg14 : memref<!tpu.dma_semaphore, #tpu.memory_space<semaphore_mem>>)
      %shift_right_arithmetic3A_958 = arith.constant 7 : i32
      %shift_right_arithmetic3A_959 = arith.shrsi %squeeze3A_891, %shift_right_arithmetic3A_958 : i32
      %mul3A_960 = arith.constant 128 : i32
      %mul3A_961 = arith.muli %shift_right_arithmetic3A_959, %mul3A_960 : i32
      %multiple_of3A_962 = tpu.assume_multiple %mul3A_961, 128 : i32
      %dma_start3A_963 = arith.constant 0 : i32
      %dma_start3A_964 = arith.constant 512 : i32
      %dma_start3A_965 = tpu.memref_slice %arg10[%dma_start3A_963, %dma_start3A_964] : memref<32x1024xf32, #tpu.memory_space<vmem>> -> memref<32x128xf32, #tpu.memory_space<vmem>>
      %dma_start3A_966 = arith.constant 0 : i32
      %dma_start3A_967 = tpu.memref_slice %arg4[%dma_start3A_966, %multiple_of3A_962] : memref<32x1000000xf32, #tpu.memory_space<hbm>> -> memref<32x128xf32, #tpu.memory_space<hbm>>
      %dma_start3A_968 = arith.constant 0 : i32
      %dma_start3A_969 = arith.constant 512 : i32
      %dma_start3A_970 = tpu.memref_slice %arg10[%dma_start3A_968, %dma_start3A_969] : memref<32x1024xf32, #tpu.memory_space<vmem>> -> memref<32x128xf32, #tpu.memory_space<vmem>>
      %dma_start3A_971 = arith.constant 0 : i32
      %dma_start3A_972 = tpu.memref_slice %arg4[%dma_start3A_971, %multiple_of3A_962] : memref<32x1000000xf32, #tpu.memory_space<hbm>> -> memref<32x128xf32, #tpu.memory_space<hbm>>
      tpu.enqueue_dma source(%dma_start3A_972 : memref<32x128xf32, #tpu.memory_space<hbm>>) target(%dma_start3A_970 : memref<32x128xf32, #tpu.memory_space<vmem>>) target_semaphore(%arg14 : memref<!tpu.dma_semaphore, #tpu.memory_space<semaphore_mem>>)
      %shift_right_arithmetic3A_973 = arith.constant 7 : i32
      %shift_right_arithmetic3A_974 = arith.shrsi %squeeze3A_893, %shift_right_arithmetic3A_973 : i32
      %mul3A_975 = arith.constant 128 : i32
      %mul3A_976 = arith.muli %shift_right_arithmetic3A_974, %mul3A_975 : i32
      %multiple_of3A_977 = tpu.assume_multiple %mul3A_976, 128 : i32
      %dma_start3A_978 = arith.constant 0 : i32
      %dma_start3A_979 = arith.constant 640 : i32
      %dma_start3A_980 = tpu.memref_slice %arg10[%dma_start3A_978, %dma_start3A_979] : memref<32x1024xf32, #tpu.memory_space<vmem>> -> memref<32x128xf32, #tpu.memory_space<vmem>>
      %dma_start3A_981 = arith.constant 0 : i32
      %dma_start3A_982 = tpu.memref_slice %arg4[%dma_start3A_981, %multiple_of3A_977] : memref<32x1000000xf32, #tpu.memory_space<hbm>> -> memref<32x128xf32, #tpu.memory_space<hbm>>
      %dma_start3A_983 = arith.constant 0 : i32
      %dma_start3A_984 = arith.constant 640 : i32
      %dma_start3A_985 = tpu.memref_slice %arg10[%dma_start3A_983, %dma_start3A_984] : memref<32x1024xf32, #tpu.memory_space<vmem>> -> memref<32x128xf32, #tpu.memory_space<vmem>>
      %dma_start3A_986 = arith.constant 0 : i32
      %dma_start3A_987 = tpu.memref_slice %arg4[%dma_start3A_986, %multiple_of3A_977] : memref<32x1000000xf32, #tpu.memory_space<hbm>> -> memref<32x128xf32, #tpu.memory_space<hbm>>
      tpu.enqueue_dma source(%dma_start3A_987 : memref<32x128xf32, #tpu.memory_space<hbm>>) target(%dma_start3A_985 : memref<32x128xf32, #tpu.memory_space<vmem>>) target_semaphore(%arg14 : memref<!tpu.dma_semaphore, #tpu.memory_space<semaphore_mem>>)
      %shift_right_arithmetic3A_988 = arith.constant 7 : i32
      %shift_right_arithmetic3A_989 = arith.shrsi %squeeze3A_895, %shift_right_arithmetic3A_988 : i32
      %mul3A_990 = arith.constant 128 : i32
      %mul3A_991 = arith.muli %shift_right_arithmetic3A_989, %mul3A_990 : i32
      %multiple_of3A_992 = tpu.assume_multiple %mul3A_991, 128 : i32
      %dma_start3A_993 = arith.constant 0 : i32
      %dma_start3A_994 = arith.constant 768 : i32
      %dma_start3A_995 = tpu.memref_slice %arg10[%dma_start3A_993, %dma_start3A_994] : memref<32x1024xf32, #tpu.memory_space<vmem>> -> memref<32x128xf32, #tpu.memory_space<vmem>>
      %dma_start3A_996 = arith.constant 0 : i32
      %dma_start3A_997 = tpu.memref_slice %arg4[%dma_start3A_996, %multiple_of3A_992] : memref<32x1000000xf32, #tpu.memory_space<hbm>> -> memref<32x128xf32, #tpu.memory_space<hbm>>
      %dma_start3A_998 = arith.constant 0 : i32
      %dma_start3A_999 = arith.constant 768 : i32
      %dma_start3A_1000 = tpu.memref_slice %arg10[%dma_start3A_998, %dma_start3A_999] : memref<32x1024xf32, #tpu.memory_space<vmem>> -> memref<32x128xf32, #tpu.memory_space<vmem>>
      %dma_start3A_1001 = arith.constant 0 : i32
      %dma_start3A_1002 = tpu.memref_slice %arg4[%dma_start3A_1001, %multiple_of3A_992] : memref<32x1000000xf32, #tpu.memory_space<hbm>> -> memref<32x128xf32, #tpu.memory_space<hbm>>
      tpu.enqueue_dma source(%dma_start3A_1002 : memref<32x128xf32, #tpu.memory_space<hbm>>) target(%dma_start3A_1000 : memref<32x128xf32, #tpu.memory_space<vmem>>) target_semaphore(%arg14 : memref<!tpu.dma_semaphore, #tpu.memory_space<semaphore_mem>>)
      %shift_right_arithmetic3A_1003 = arith.constant 7 : i32
      %shift_right_arithmetic3A_1004 = arith.shrsi %squeeze3A_897, %shift_right_arithmetic3A_1003 : i32
      %mul3A_1005 = arith.constant 128 : i32
      %mul3A_1006 = arith.muli %shift_right_arithmetic3A_1004, %mul3A_1005 : i32
      %multiple_of3A_1007 = tpu.assume_multiple %mul3A_1006, 128 : i32
      %dma_start3A_1008 = arith.constant 0 : i32
      %dma_start3A_1009 = arith.constant 896 : i32
      %dma_start3A_1010 = tpu.memref_slice %arg10[%dma_start3A_1008, %dma_start3A_1009] : memref<32x1024xf32, #tpu.memory_space<vmem>> -> memref<32x128xf32, #tpu.memory_space<vmem>>
      %dma_start3A_1011 = arith.constant 0 : i32
      %dma_start3A_1012 = tpu.memref_slice %arg4[%dma_start3A_1011, %multiple_of3A_1007] : memref<32x1000000xf32, #tpu.memory_space<hbm>> -> memref<32x128xf32, #tpu.memory_space<hbm>>
      %dma_start3A_1013 = arith.constant 0 : i32
      %dma_start3A_1014 = arith.constant 896 : i32
      %dma_start3A_1015 = tpu.memref_slice %arg10[%dma_start3A_1013, %dma_start3A_1014] : memref<32x1024xf32, #tpu.memory_space<vmem>> -> memref<32x128xf32, #tpu.memory_space<vmem>>
      %dma_start3A_1016 = arith.constant 0 : i32
      %dma_start3A_1017 = tpu.memref_slice %arg4[%dma_start3A_1016, %multiple_of3A_1007] : memref<32x1000000xf32, #tpu.memory_space<hbm>> -> memref<32x128xf32, #tpu.memory_space<hbm>>
      tpu.enqueue_dma source(%dma_start3A_1017 : memref<32x128xf32, #tpu.memory_space<hbm>>) target(%dma_start3A_1015 : memref<32x128xf32, #tpu.memory_space<vmem>>) target_semaphore(%arg14 : memref<!tpu.dma_semaphore, #tpu.memory_space<semaphore_mem>>)
      %dma_wait3A_1018 = arith.constant 0 : i32
      %dma_wait3A_1019 = arith.constant 0 : i32
      %dma_wait3A_1020 = tpu.memref_slice %arg4[%dma_wait3A_1018, %dma_wait3A_1019] : memref<32x1000000xf32, #tpu.memory_space<hbm>> -> memref<32x1024xf32, #tpu.memory_space<hbm>>
      %dma_wait3A_1021 = arith.constant 0 : i32
      %dma_wait3A_1022 = arith.constant 0 : i32
      %dma_wait3A_1023 = tpu.memref_slice %arg4[%dma_wait3A_1021, %dma_wait3A_1022] : memref<32x1000000xf32, #tpu.memory_space<hbm>> -> memref<32x1024xf32, #tpu.memory_space<hbm>>
      tpu.wait_dma2 semaphore(%arg15 : memref<!tpu.dma_semaphore, #tpu.memory_space<semaphore_mem>>) src(%dma_wait3A_1023 : memref<32x1024xf32, #tpu.memory_space<hbm>>) dst(%arg11 : memref<32x1024xf32, #tpu.memory_space<vmem>>)
      %min3A_1024 = arith.constant 63 : i32
      %min3A_1025 = arith.minsi %add3A_872, %min3A_1024 : i32
      %mul3A_1026 = arith.constant 8 : i32
      %mul3A_1027 = arith.muli %min3A_1025, %mul3A_1026 : i32
      %multiple_of3A_1028 = tpu.assume_multiple %mul3A_1027, 8 : i32
      %get3A_1029 = arith.index_cast %multiple_of3A_1028 : i32 to index
      %get3A_1030 = tpu.vector_load %arg8[%get3A_1029] {strides = array<i32>} : memref<528xi32, #tpu.memory_space<vmem>>, vector<16xi32>,
      %slice3A_1031 = vector.extract_strided_slice %get3A_1030 {offsets = [0], sizes = [1], strides = [1]} : vector<16xi32> to vector<1xi32>
      %squeeze3A_1032 = vector.extract %slice3A_1031[0] : i32 from vector<1xi32>
      %slice3A_1033 = vector.extract_strided_slice %get3A_1030 {offsets = [1], sizes = [1], strides = [1]} : vector<16xi32> to vector<1xi32>
      %squeeze3A_1034 = vector.extract %slice3A_1033[0] : i32 from vector<1xi32>
      %slice3A_1035 = vector.extract_strided_slice %get3A_1030 {offsets = [2], sizes = [1], strides = [1]} : vector<16xi32> to vector<1xi32>
      %squeeze3A_1036 = vector.extract %slice3A_1035[0] : i32 from vector<1xi32>
      %slice3A_1037 = vector.extract_strided_slice %get3A_1030 {offsets = [3], sizes = [1], strides = [1]} : vector<16xi32> to vector<1xi32>
      %squeeze3A_1038 = vector.extract %slice3A_1037[0] : i32 from vector<1xi32>
      %slice3A_1039 = vector.extract_strided_slice %get3A_1030 {offsets = [4], sizes = [1], strides = [1]} : vector<16xi32> to vector<1xi32>
      %squeeze3A_1040 = vector.extract %slice3A_1039[0] : i32 from vector<1xi32>
      %slice3A_1041 = vector.extract_strided_slice %get3A_1030 {offsets = [5], sizes = [1], strides = [1]} : vector<16xi32> to vector<1xi32>
      %squeeze3A_1042 = vector.extract %slice3A_1041[0] : i32 from vector<1xi32>
      %slice3A_1043 = vector.extract_strided_slice %get3A_1030 {offsets = [6], sizes = [1], strides = [1]} : vector<16xi32> to vector<1xi32>
      %squeeze3A_1044 = vector.extract %slice3A_1043[0] : i32 from vector<1xi32>
      %slice3A_1045 = vector.extract_strided_slice %get3A_1030 {offsets = [7], sizes = [1], strides = [1]} : vector<16xi32> to vector<1xi32>
      %squeeze3A_1046 = vector.extract %slice3A_1045[0] : i32 from vector<1xi32>
      %and3A_1047 = arith.constant 127 : i32
      %and3A_1048 = arith.andi %squeeze3A_1032, %and3A_1047 : i32
      %add3A_1049 = arith.constant 0 : i32
      %add3A_1050 = arith.addi %and3A_1048, %add3A_1049 : i32
      %broadcast_in_dim3A_1051 = vector.broadcast %add3A_1050 : i32 to vector<16xi32>
      %mul3A_1052 = arith.constant 8 : i32
      %mul3A_1053 = arith.muli %min3A_1025, %mul3A_1052 : i32
      %add3A_1054 = arith.constant 0 : i32
      %add3A_1055 = arith.addi %mul3A_1053, %add3A_1054 : i32
      %broadcast_in_dim3A_1056 = vector.broadcast %add3A_1055 : i32 to vector<16xi32>
      %gather3A_1057 = tpu.vector_load_idx %arg11[%iota3A, %broadcast_in_dim3A_1051] : memref<32x1024xf32, #tpu.memory_space<vmem>>[vector<16xi32>, vector<16xi32>], vector<16xf32>,
      %gather3A_1058 = tpu.vector_load_idx %arg11[%add3A_5, %broadcast_in_dim3A_1051] : memref<32x1024xf32, #tpu.memory_space<vmem>>[vector<16xi32>, vector<16xi32>], vector<16xf32>,
      tpu.vector_store_idx %arg13[%iota3A, %broadcast_in_dim3A_1056], %gather3A_1057 : memref<32x512xf32, #tpu.memory_space<vmem>>[vector<16xi32>, vector<16xi32>], vector<16xf32>,
      tpu.vector_store_idx %arg13[%add3A_5, %broadcast_in_dim3A_1056], %gather3A_1058 : memref<32x512xf32, #tpu.memory_space<vmem>>[vector<16xi32>, vector<16xi32>], vector<16xf32>,
      %and3A_1059 = arith.constant 127 : i32
      %and3A_1060 = arith.andi %squeeze3A_1034, %and3A_1059 : i32
      %add3A_1061 = arith.constant 128 : i32
      %add3A_1062 = arith.addi %and3A_1060, %add3A_1061 : i32
      %broadcast_in_dim3A_1063 = vector.broadcast %add3A_1062 : i32 to vector<16xi32>
      %mul3A_1064 = arith.constant 8 : i32
      %mul3A_1065 = arith.muli %min3A_1025, %mul3A_1064 : i32
      %add3A_1066 = arith.constant 1 : i32
      %add3A_1067 = arith.addi %mul3A_1065, %add3A_1066 : i32
      %broadcast_in_dim3A_1068 = vector.broadcast %add3A_1067 : i32 to vector<16xi32>
      %gather3A_1069 = tpu.vector_load_idx %arg11[%iota3A, %broadcast_in_dim3A_1063] : memref<32x1024xf32, #tpu.memory_space<vmem>>[vector<16xi32>, vector<16xi32>], vector<16xf32>,
      %gather3A_1070 = tpu.vector_load_idx %arg11[%add3A_5, %broadcast_in_dim3A_1063] : memref<32x1024xf32, #tpu.memory_space<vmem>>[vector<16xi32>, vector<16xi32>], vector<16xf32>,
      tpu.vector_store_idx %arg13[%iota3A, %broadcast_in_dim3A_1068], %gather3A_1069 : memref<32x512xf32, #tpu.memory_space<vmem>>[vector<16xi32>, vector<16xi32>], vector<16xf32>,
      tpu.vector_store_idx %arg13[%add3A_5, %broadcast_in_dim3A_1068], %gather3A_1070 : memref<32x512xf32, #tpu.memory_space<vmem>>[vector<16xi32>, vector<16xi32>], vector<16xf32>,
      %and3A_1071 = arith.constant 127 : i32
      %and3A_1072 = arith.andi %squeeze3A_1036, %and3A_1071 : i32
      %add3A_1073 = arith.constant 256 : i32
      %add3A_1074 = arith.addi %and3A_1072, %add3A_1073 : i32
      %broadcast_in_dim3A_1075 = vector.broadcast %add3A_1074 : i32 to vector<16xi32>
      %mul3A_1076 = arith.constant 8 : i32
      %mul3A_1077 = arith.muli %min3A_1025, %mul3A_1076 : i32
      %add3A_1078 = arith.constant 2 : i32
      %add3A_1079 = arith.addi %mul3A_1077, %add3A_1078 : i32
      %broadcast_in_dim3A_1080 = vector.broadcast %add3A_1079 : i32 to vector<16xi32>
      %gather3A_1081 = tpu.vector_load_idx %arg11[%iota3A, %broadcast_in_dim3A_1075] : memref<32x1024xf32, #tpu.memory_space<vmem>>[vector<16xi32>, vector<16xi32>], vector<16xf32>,
      %gather3A_1082 = tpu.vector_load_idx %arg11[%add3A_5, %broadcast_in_dim3A_1075] : memref<32x1024xf32, #tpu.memory_space<vmem>>[vector<16xi32>, vector<16xi32>], vector<16xf32>,
      tpu.vector_store_idx %arg13[%iota3A, %broadcast_in_dim3A_1080], %gather3A_1081 : memref<32x512xf32, #tpu.memory_space<vmem>>[vector<16xi32>, vector<16xi32>], vector<16xf32>,
      tpu.vector_store_idx %arg13[%add3A_5, %broadcast_in_dim3A_1080], %gather3A_1082 : memref<32x512xf32, #tpu.memory_space<vmem>>[vector<16xi32>, vector<16xi32>], vector<16xf32>,
      %and3A_1083 = arith.constant 127 : i32
      %and3A_1084 = arith.andi %squeeze3A_1038, %and3A_1083 : i32
      %add3A_1085 = arith.constant 384 : i32
      %add3A_1086 = arith.addi %and3A_1084, %add3A_1085 : i32
      %broadcast_in_dim3A_1087 = vector.broadcast %add3A_1086 : i32 to vector<16xi32>
      %mul3A_1088 = arith.constant 8 : i32
      %mul3A_1089 = arith.muli %min3A_1025, %mul3A_1088 : i32
      %add3A_1090 = arith.constant 3 : i32
      %add3A_1091 = arith.addi %mul3A_1089, %add3A_1090 : i32
      %broadcast_in_dim3A_1092 = vector.broadcast %add3A_1091 : i32 to vector<16xi32>
      %gather3A_1093 = tpu.vector_load_idx %arg11[%iota3A, %broadcast_in_dim3A_1087] : memref<32x1024xf32, #tpu.memory_space<vmem>>[vector<16xi32>, vector<16xi32>], vector<16xf32>,
      %gather3A_1094 = tpu.vector_load_idx %arg11[%add3A_5, %broadcast_in_dim3A_1087] : memref<32x1024xf32, #tpu.memory_space<vmem>>[vector<16xi32>, vector<16xi32>], vector<16xf32>,
      tpu.vector_store_idx %arg13[%iota3A, %broadcast_in_dim3A_1092], %gather3A_1093 : memref<32x512xf32, #tpu.memory_space<vmem>>[vector<16xi32>, vector<16xi32>], vector<16xf32>,
      tpu.vector_store_idx %arg13[%add3A_5, %broadcast_in_dim3A_1092], %gather3A_1094 : memref<32x512xf32, #tpu.memory_space<vmem>>[vector<16xi32>, vector<16xi32>], vector<16xf32>,
      %and3A_1095 = arith.constant 127 : i32
      %and3A_1096 = arith.andi %squeeze3A_1040, %and3A_1095 : i32
      %add3A_1097 = arith.constant 512 : i32
      %add3A_1098 = arith.addi %and3A_1096, %add3A_1097 : i32
      %broadcast_in_dim3A_1099 = vector.broadcast %add3A_1098 : i32 to vector<16xi32>
      %mul3A_1100 = arith.constant 8 : i32
      %mul3A_1101 = arith.muli %min3A_1025, %mul3A_1100 : i32
      %add3A_1102 = arith.constant 4 : i32
      %add3A_1103 = arith.addi %mul3A_1101, %add3A_1102 : i32
      %broadcast_in_dim3A_1104 = vector.broadcast %add3A_1103 : i32 to vector<16xi32>
      %gather3A_1105 = tpu.vector_load_idx %arg11[%iota3A, %broadcast_in_dim3A_1099] : memref<32x1024xf32, #tpu.memory_space<vmem>>[vector<16xi32>, vector<16xi32>], vector<16xf32>,
      %gather3A_1106 = tpu.vector_load_idx %arg11[%add3A_5, %broadcast_in_dim3A_1099] : memref<32x1024xf32, #tpu.memory_space<vmem>>[vector<16xi32>, vector<16xi32>], vector<16xf32>,
      tpu.vector_store_idx %arg13[%iota3A, %broadcast_in_dim3A_1104], %gather3A_1105 : memref<32x512xf32, #tpu.memory_space<vmem>>[vector<16xi32>, vector<16xi32>], vector<16xf32>,
      tpu.vector_store_idx %arg13[%add3A_5, %broadcast_in_dim3A_1104], %gather3A_1106 : memref<32x512xf32, #tpu.memory_space<vmem>>[vector<16xi32>, vector<16xi32>], vector<16xf32>,
      %and3A_1107 = arith.constant 127 : i32
      %and3A_1108 = arith.andi %squeeze3A_1042, %and3A_1107 : i32
      %add3A_1109 = arith.constant 640 : i32
      %add3A_1110 = arith.addi %and3A_1108, %add3A_1109 : i32
      %broadcast_in_dim3A_1111 = vector.broadcast %add3A_1110 : i32 to vector<16xi32>
      %mul3A_1112 = arith.constant 8 : i32
      %mul3A_1113 = arith.muli %min3A_1025, %mul3A_1112 : i32
      %add3A_1114 = arith.constant 5 : i32
      %add3A_1115 = arith.addi %mul3A_1113, %add3A_1114 : i32
      %broadcast_in_dim3A_1116 = vector.broadcast %add3A_1115 : i32 to vector<16xi32>
      %gather3A_1117 = tpu.vector_load_idx %arg11[%iota3A, %broadcast_in_dim3A_1111] : memref<32x1024xf32, #tpu.memory_space<vmem>>[vector<16xi32>, vector<16xi32>], vector<16xf32>,
      %gather3A_1118 = tpu.vector_load_idx %arg11[%add3A_5, %broadcast_in_dim3A_1111] : memref<32x1024xf32, #tpu.memory_space<vmem>>[vector<16xi32>, vector<16xi32>], vector<16xf32>,
      tpu.vector_store_idx %arg13[%iota3A, %broadcast_in_dim3A_1116], %gather3A_1117 : memref<32x512xf32, #tpu.memory_space<vmem>>[vector<16xi32>, vector<16xi32>], vector<16xf32>,
      tpu.vector_store_idx %arg13[%add3A_5, %broadcast_in_dim3A_1116], %gather3A_1118 : memref<32x512xf32, #tpu.memory_space<vmem>>[vector<16xi32>, vector<16xi32>], vector<16xf32>,
      %and3A_1119 = arith.constant 127 : i32
      %and3A_1120 = arith.andi %squeeze3A_1044, %and3A_1119 : i32
      %add3A_1121 = arith.constant 768 : i32
      %add3A_1122 = arith.addi %and3A_1120, %add3A_1121 : i32
      %broadcast_in_dim3A_1123 = vector.broadcast %add3A_1122 : i32 to vector<16xi32>
      %mul3A_1124 = arith.constant 8 : i32
      %mul3A_1125 = arith.muli %min3A_1025, %mul3A_1124 : i32
      %add3A_1126 = arith.constant 6 : i32
      %add3A_1127 = arith.addi %mul3A_1125, %add3A_1126 : i32
      %broadcast_in_dim3A_1128 = vector.broadcast %add3A_1127 : i32 to vector<16xi32>
      %gather3A_1129 = tpu.vector_load_idx %arg11[%iota3A, %broadcast_in_dim3A_1123] : memref<32x1024xf32, #tpu.memory_space<vmem>>[vector<16xi32>, vector<16xi32>], vector<16xf32>,
      %gather3A_1130 = tpu.vector_load_idx %arg11[%add3A_5, %broadcast_in_dim3A_1123] : memref<32x1024xf32, #tpu.memory_space<vmem>>[vector<16xi32>, vector<16xi32>], vector<16xf32>,
      tpu.vector_store_idx %arg13[%iota3A, %broadcast_in_dim3A_1128], %gather3A_1129 : memref<32x512xf32, #tpu.memory_space<vmem>>[vector<16xi32>, vector<16xi32>], vector<16xf32>,
      tpu.vector_store_idx %arg13[%add3A_5, %broadcast_in_dim3A_1128], %gather3A_1130 : memref<32x512xf32, #tpu.memory_space<vmem>>[vector<16xi32>, vector<16xi32>], vector<16xf32>,
      %and3A_1131 = arith.constant 127 : i32
      %and3A_1132 = arith.andi %squeeze3A_1046, %and3A_1131 : i32
      %add3A_1133 = arith.constant 896 : i32
      %add3A_1134 = arith.addi %and3A_1132, %add3A_1133 : i32
      %broadcast_in_dim3A_1135 = vector.broadcast %add3A_1134 : i32 to vector<16xi32>
      %mul3A_1136 = arith.constant 8 : i32
      %mul3A_1137 = arith.muli %min3A_1025, %mul3A_1136 : i32
      %add3A_1138 = arith.constant 7 : i32
      %add3A_1139 = arith.addi %mul3A_1137, %add3A_1138 : i32
      %broadcast_in_dim3A_1140 = vector.broadcast %add3A_1139 : i32 to vector<16xi32>
      %gather3A_1141 = tpu.vector_load_idx %arg11[%iota3A, %broadcast_in_dim3A_1135] : memref<32x1024xf32, #tpu.memory_space<vmem>>[vector<16xi32>, vector<16xi32>], vector<16xf32>,
      %gather3A_1142 = tpu.vector_load_idx %arg11[%add3A_5, %broadcast_in_dim3A_1135] : memref<32x1024xf32, #tpu.memory_space<vmem>>[vector<16xi32>, vector<16xi32>], vector<16xf32>,
      tpu.vector_store_idx %arg13[%iota3A, %broadcast_in_dim3A_1140], %gather3A_1141 : memref<32x512xf32, #tpu.memory_space<vmem>>[vector<16xi32>, vector<16xi32>], vector<16xf32>,
      tpu.vector_store_idx %arg13[%add3A_5, %broadcast_in_dim3A_1140], %gather3A_1142 : memref<32x512xf32, #tpu.memory_space<vmem>>[vector<16xi32>, vector<16xi32>], vector<16xf32>,
      %mul3A_1143 = arith.constant 3 : i32
      %mul3A_1144 = arith.muli %mul3A_1143, %scan3A_597 : i32
      %add3A_1145 = arith.constant 2 : i32
      %add3A_1146 = arith.addi %mul3A_1144, %add3A_1145 : i32
      %add3A_1147 = arith.constant 2 : i32
      %add3A_1148 = arith.addi %add3A_1146, %add3A_1147 : i32
      %min3A_1149 = arith.constant 63 : i32
      %min3A_1150 = arith.minsi %add3A_1148, %min3A_1149 : i32
      %mul3A_1151 = arith.constant 8 : i32
      %mul3A_1152 = arith.muli %min3A_1150, %mul3A_1151 : i32
      %multiple_of3A_1153 = tpu.assume_multiple %mul3A_1152, 8 : i32
      %get3A_1154 = arith.index_cast %multiple_of3A_1153 : i32 to index
      %get3A_1155 = tpu.vector_load %arg8[%get3A_1154] {strides = array<i32>} : memref<528xi32, #tpu.memory_space<vmem>>, vector<16xi32>,
      %slice3A_1156 = vector.extract_strided_slice %get3A_1155 {offsets = [0], sizes = [1], strides = [1]} : vector<16xi32> to vector<1xi32>
      %squeeze3A_1157 = vector.extract %slice3A_1156[0] : i32 from vector<1xi32>
      %slice3A_1158 = vector.extract_strided_slice %get3A_1155 {offsets = [1], sizes = [1], strides = [1]} : vector<16xi32> to vector<1xi32>
      %squeeze3A_1159 = vector.extract %slice3A_1158[0] : i32 from vector<1xi32>
      %slice3A_1160 = vector.extract_strided_slice %get3A_1155 {offsets = [2], sizes = [1], strides = [1]} : vector<16xi32> to vector<1xi32>
      %squeeze3A_1161 = vector.extract %slice3A_1160[0] : i32 from vector<1xi32>
      %slice3A_1162 = vector.extract_strided_slice %get3A_1155 {offsets = [3], sizes = [1], strides = [1]} : vector<16xi32> to vector<1xi32>
      %squeeze3A_1163 = vector.extract %slice3A_1162[0] : i32 from vector<1xi32>
      %slice3A_1164 = vector.extract_strided_slice %get3A_1155 {offsets = [4], sizes = [1], strides = [1]} : vector<16xi32> to vector<1xi32>
      %squeeze3A_1165 = vector.extract %slice3A_1164[0] : i32 from vector<1xi32>
      %slice3A_1166 = vector.extract_strided_slice %get3A_1155 {offsets = [5], sizes = [1], strides = [1]} : vector<16xi32> to vector<1xi32>
      %squeeze3A_1167 = vector.extract %slice3A_1166[0] : i32 from vector<1xi32>
      %slice3A_1168 = vector.extract_strided_slice %get3A_1155 {offsets = [6], sizes = [1], strides = [1]} : vector<16xi32> to vector<1xi32>
      %squeeze3A_1169 = vector.extract %slice3A_1168[0] : i32 from vector<1xi32>
      %slice3A_1170 = vector.extract_strided_slice %get3A_1155 {offsets = [7], sizes = [1], strides = [1]} : vector<16xi32> to vector<1xi32>
      %squeeze3A_1171 = vector.extract %slice3A_1170[0] : i32 from vector<1xi32>
      %shift_right_arithmetic3A_1172 = arith.constant 7 : i32
      %shift_right_arithmetic3A_1173 = arith.shrsi %squeeze3A_1157, %shift_right_arithmetic3A_1172 : i32
      %mul3A_1174 = arith.constant 128 : i32
      %mul3A_1175 = arith.muli %shift_right_arithmetic3A_1173, %mul3A_1174 : i32
      %multiple_of3A_1176 = tpu.assume_multiple %mul3A_1175, 128 : i32
      %dma_start3A_1177 = arith.constant 0 : i32
      %dma_start3A_1178 = arith.constant 0 : i32
      %dma_start3A_1179 = tpu.memref_slice %arg11[%dma_start3A_1177, %dma_start3A_1178] : memref<32x1024xf32, #tpu.memory_space<vmem>> -> memref<32x128xf32, #tpu.memory_space<vmem>>
      %dma_start3A_1180 = arith.constant 0 : i32
      %dma_start3A_1181 = tpu.memref_slice %arg4[%dma_start3A_1180, %multiple_of3A_1176] : memref<32x1000000xf32, #tpu.memory_space<hbm>> -> memref<32x128xf32, #tpu.memory_space<hbm>>
      %dma_start3A_1182 = arith.constant 0 : i32
      %dma_start3A_1183 = arith.constant 0 : i32
      %dma_start3A_1184 = tpu.memref_slice %arg11[%dma_start3A_1182, %dma_start3A_1183] : memref<32x1024xf32, #tpu.memory_space<vmem>> -> memref<32x128xf32, #tpu.memory_space<vmem>>
      %dma_start3A_1185 = arith.constant 0 : i32
      %dma_start3A_1186 = tpu.memref_slice %arg4[%dma_start3A_1185, %multiple_of3A_1176] : memref<32x1000000xf32, #tpu.memory_space<hbm>> -> memref<32x128xf32, #tpu.memory_space<hbm>>
      tpu.enqueue_dma source(%dma_start3A_1186 : memref<32x128xf32, #tpu.memory_space<hbm>>) target(%dma_start3A_1184 : memref<32x128xf32, #tpu.memory_space<vmem>>) target_semaphore(%arg15 : memref<!tpu.dma_semaphore, #tpu.memory_space<semaphore_mem>>)
      %shift_right_arithmetic3A_1187 = arith.constant 7 : i32
      %shift_right_arithmetic3A_1188 = arith.shrsi %squeeze3A_1159, %shift_right_arithmetic3A_1187 : i32
      %mul3A_1189 = arith.constant 128 : i32
      %mul3A_1190 = arith.muli %shift_right_arithmetic3A_1188, %mul3A_1189 : i32
      %multiple_of3A_1191 = tpu.assume_multiple %mul3A_1190, 128 : i32
      %dma_start3A_1192 = arith.constant 0 : i32
      %dma_start3A_1193 = arith.constant 128 : i32
      %dma_start3A_1194 = tpu.memref_slice %arg11[%dma_start3A_1192, %dma_start3A_1193] : memref<32x1024xf32, #tpu.memory_space<vmem>> -> memref<32x128xf32, #tpu.memory_space<vmem>>
      %dma_start3A_1195 = arith.constant 0 : i32
      %dma_start3A_1196 = tpu.memref_slice %arg4[%dma_start3A_1195, %multiple_of3A_1191] : memref<32x1000000xf32, #tpu.memory_space<hbm>> -> memref<32x128xf32, #tpu.memory_space<hbm>>
      %dma_start3A_1197 = arith.constant 0 : i32
      %dma_start3A_1198 = arith.constant 128 : i32
      %dma_start3A_1199 = tpu.memref_slice %arg11[%dma_start3A_1197, %dma_start3A_1198] : memref<32x1024xf32, #tpu.memory_space<vmem>> -> memref<32x128xf32, #tpu.memory_space<vmem>>
      %dma_start3A_1200 = arith.constant 0 : i32
      %dma_start3A_1201 = tpu.memref_slice %arg4[%dma_start3A_1200, %multiple_of3A_1191] : memref<32x1000000xf32, #tpu.memory_space<hbm>> -> memref<32x128xf32, #tpu.memory_space<hbm>>
      tpu.enqueue_dma source(%dma_start3A_1201 : memref<32x128xf32, #tpu.memory_space<hbm>>) target(%dma_start3A_1199 : memref<32x128xf32, #tpu.memory_space<vmem>>) target_semaphore(%arg15 : memref<!tpu.dma_semaphore, #tpu.memory_space<semaphore_mem>>)
      %shift_right_arithmetic3A_1202 = arith.constant 7 : i32
      %shift_right_arithmetic3A_1203 = arith.shrsi %squeeze3A_1161, %shift_right_arithmetic3A_1202 : i32
      %mul3A_1204 = arith.constant 128 : i32
      %mul3A_1205 = arith.muli %shift_right_arithmetic3A_1203, %mul3A_1204 : i32
      %multiple_of3A_1206 = tpu.assume_multiple %mul3A_1205, 128 : i32
      %dma_start3A_1207 = arith.constant 0 : i32
      %dma_start3A_1208 = arith.constant 256 : i32
      %dma_start3A_1209 = tpu.memref_slice %arg11[%dma_start3A_1207, %dma_start3A_1208] : memref<32x1024xf32, #tpu.memory_space<vmem>> -> memref<32x128xf32, #tpu.memory_space<vmem>>
      %dma_start3A_1210 = arith.constant 0 : i32
      %dma_start3A_1211 = tpu.memref_slice %arg4[%dma_start3A_1210, %multiple_of3A_1206] : memref<32x1000000xf32, #tpu.memory_space<hbm>> -> memref<32x128xf32, #tpu.memory_space<hbm>>
      %dma_start3A_1212 = arith.constant 0 : i32
      %dma_start3A_1213 = arith.constant 256 : i32
      %dma_start3A_1214 = tpu.memref_slice %arg11[%dma_start3A_1212, %dma_start3A_1213] : memref<32x1024xf32, #tpu.memory_space<vmem>> -> memref<32x128xf32, #tpu.memory_space<vmem>>
      %dma_start3A_1215 = arith.constant 0 : i32
      %dma_start3A_1216 = tpu.memref_slice %arg4[%dma_start3A_1215, %multiple_of3A_1206] : memref<32x1000000xf32, #tpu.memory_space<hbm>> -> memref<32x128xf32, #tpu.memory_space<hbm>>
      tpu.enqueue_dma source(%dma_start3A_1216 : memref<32x128xf32, #tpu.memory_space<hbm>>) target(%dma_start3A_1214 : memref<32x128xf32, #tpu.memory_space<vmem>>) target_semaphore(%arg15 : memref<!tpu.dma_semaphore, #tpu.memory_space<semaphore_mem>>)
      %shift_right_arithmetic3A_1217 = arith.constant 7 : i32
      %shift_right_arithmetic3A_1218 = arith.shrsi %squeeze3A_1163, %shift_right_arithmetic3A_1217 : i32
      %mul3A_1219 = arith.constant 128 : i32
      %mul3A_1220 = arith.muli %shift_right_arithmetic3A_1218, %mul3A_1219 : i32
      %multiple_of3A_1221 = tpu.assume_multiple %mul3A_1220, 128 : i32
      %dma_start3A_1222 = arith.constant 0 : i32
      %dma_start3A_1223 = arith.constant 384 : i32
      %dma_start3A_1224 = tpu.memref_slice %arg11[%dma_start3A_1222, %dma_start3A_1223] : memref<32x1024xf32, #tpu.memory_space<vmem>> -> memref<32x128xf32, #tpu.memory_space<vmem>>
      %dma_start3A_1225 = arith.constant 0 : i32
      %dma_start3A_1226 = tpu.memref_slice %arg4[%dma_start3A_1225, %multiple_of3A_1221] : memref<32x1000000xf32, #tpu.memory_space<hbm>> -> memref<32x128xf32, #tpu.memory_space<hbm>>
      %dma_start3A_1227 = arith.constant 0 : i32
      %dma_start3A_1228 = arith.constant 384 : i32
      %dma_start3A_1229 = tpu.memref_slice %arg11[%dma_start3A_1227, %dma_start3A_1228] : memref<32x1024xf32, #tpu.memory_space<vmem>> -> memref<32x128xf32, #tpu.memory_space<vmem>>
      %dma_start3A_1230 = arith.constant 0 : i32
      %dma_start3A_1231 = tpu.memref_slice %arg4[%dma_start3A_1230, %multiple_of3A_1221] : memref<32x1000000xf32, #tpu.memory_space<hbm>> -> memref<32x128xf32, #tpu.memory_space<hbm>>
      tpu.enqueue_dma source(%dma_start3A_1231 : memref<32x128xf32, #tpu.memory_space<hbm>>) target(%dma_start3A_1229 : memref<32x128xf32, #tpu.memory_space<vmem>>) target_semaphore(%arg15 : memref<!tpu.dma_semaphore, #tpu.memory_space<semaphore_mem>>)
      %shift_right_arithmetic3A_1232 = arith.constant 7 : i32
      %shift_right_arithmetic3A_1233 = arith.shrsi %squeeze3A_1165, %shift_right_arithmetic3A_1232 : i32
      %mul3A_1234 = arith.constant 128 : i32
      %mul3A_1235 = arith.muli %shift_right_arithmetic3A_1233, %mul3A_1234 : i32
      %multiple_of3A_1236 = tpu.assume_multiple %mul3A_1235, 128 : i32
      %dma_start3A_1237 = arith.constant 0 : i32
      %dma_start3A_1238 = arith.constant 512 : i32
      %dma_start3A_1239 = tpu.memref_slice %arg11[%dma_start3A_1237, %dma_start3A_1238] : memref<32x1024xf32, #tpu.memory_space<vmem>> -> memref<32x128xf32, #tpu.memory_space<vmem>>
      %dma_start3A_1240 = arith.constant 0 : i32
      %dma_start3A_1241 = tpu.memref_slice %arg4[%dma_start3A_1240, %multiple_of3A_1236] : memref<32x1000000xf32, #tpu.memory_space<hbm>> -> memref<32x128xf32, #tpu.memory_space<hbm>>
      %dma_start3A_1242 = arith.constant 0 : i32
      %dma_start3A_1243 = arith.constant 512 : i32
      %dma_start3A_1244 = tpu.memref_slice %arg11[%dma_start3A_1242, %dma_start3A_1243] : memref<32x1024xf32, #tpu.memory_space<vmem>> -> memref<32x128xf32, #tpu.memory_space<vmem>>
      %dma_start3A_1245 = arith.constant 0 : i32
      %dma_start3A_1246 = tpu.memref_slice %arg4[%dma_start3A_1245, %multiple_of3A_1236] : memref<32x1000000xf32, #tpu.memory_space<hbm>> -> memref<32x128xf32, #tpu.memory_space<hbm>>
      tpu.enqueue_dma source(%dma_start3A_1246 : memref<32x128xf32, #tpu.memory_space<hbm>>) target(%dma_start3A_1244 : memref<32x128xf32, #tpu.memory_space<vmem>>) target_semaphore(%arg15 : memref<!tpu.dma_semaphore, #tpu.memory_space<semaphore_mem>>)
      %shift_right_arithmetic3A_1247 = arith.constant 7 : i32
      %shift_right_arithmetic3A_1248 = arith.shrsi %squeeze3A_1167, %shift_right_arithmetic3A_1247 : i32
      %mul3A_1249 = arith.constant 128 : i32
      %mul3A_1250 = arith.muli %shift_right_arithmetic3A_1248, %mul3A_1249 : i32
      %multiple_of3A_1251 = tpu.assume_multiple %mul3A_1250, 128 : i32
      %dma_start3A_1252 = arith.constant 0 : i32
      %dma_start3A_1253 = arith.constant 640 : i32
      %dma_start3A_1254 = tpu.memref_slice %arg11[%dma_start3A_1252, %dma_start3A_1253] : memref<32x1024xf32, #tpu.memory_space<vmem>> -> memref<32x128xf32, #tpu.memory_space<vmem>>
      %dma_start3A_1255 = arith.constant 0 : i32
      %dma_start3A_1256 = tpu.memref_slice %arg4[%dma_start3A_1255, %multiple_of3A_1251] : memref<32x1000000xf32, #tpu.memory_space<hbm>> -> memref<32x128xf32, #tpu.memory_space<hbm>>
      %dma_start3A_1257 = arith.constant 0 : i32
      %dma_start3A_1258 = arith.constant 640 : i32
      %dma_start3A_1259 = tpu.memref_slice %arg11[%dma_start3A_1257, %dma_start3A_1258] : memref<32x1024xf32, #tpu.memory_space<vmem>> -> memref<32x128xf32, #tpu.memory_space<vmem>>
      %dma_start3A_1260 = arith.constant 0 : i32
      %dma_start3A_1261 = tpu.memref_slice %arg4[%dma_start3A_1260, %multiple_of3A_1251] : memref<32x1000000xf32, #tpu.memory_space<hbm>> -> memref<32x128xf32, #tpu.memory_space<hbm>>
      tpu.enqueue_dma source(%dma_start3A_1261 : memref<32x128xf32, #tpu.memory_space<hbm>>) target(%dma_start3A_1259 : memref<32x128xf32, #tpu.memory_space<vmem>>) target_semaphore(%arg15 : memref<!tpu.dma_semaphore, #tpu.memory_space<semaphore_mem>>)
      %shift_right_arithmetic3A_1262 = arith.constant 7 : i32
      %shift_right_arithmetic3A_1263 = arith.shrsi %squeeze3A_1169, %shift_right_arithmetic3A_1262 : i32
      %mul3A_1264 = arith.constant 128 : i32
      %mul3A_1265 = arith.muli %shift_right_arithmetic3A_1263, %mul3A_1264 : i32
      %multiple_of3A_1266 = tpu.assume_multiple %mul3A_1265, 128 : i32
      %dma_start3A_1267 = arith.constant 0 : i32
      %dma_start3A_1268 = arith.constant 768 : i32
      %dma_start3A_1269 = tpu.memref_slice %arg11[%dma_start3A_1267, %dma_start3A_1268] : memref<32x1024xf32, #tpu.memory_space<vmem>> -> memref<32x128xf32, #tpu.memory_space<vmem>>
      %dma_start3A_1270 = arith.constant 0 : i32
      %dma_start3A_1271 = tpu.memref_slice %arg4[%dma_start3A_1270, %multiple_of3A_1266] : memref<32x1000000xf32, #tpu.memory_space<hbm>> -> memref<32x128xf32, #tpu.memory_space<hbm>>
      %dma_start3A_1272 = arith.constant 0 : i32
      %dma_start3A_1273 = arith.constant 768 : i32
      %dma_start3A_1274 = tpu.memref_slice %arg11[%dma_start3A_1272, %dma_start3A_1273] : memref<32x1024xf32, #tpu.memory_space<vmem>> -> memref<32x128xf32, #tpu.memory_space<vmem>>
      %dma_start3A_1275 = arith.constant 0 : i32
      %dma_start3A_1276 = tpu.memref_slice %arg4[%dma_start3A_1275, %multiple_of3A_1266] : memref<32x1000000xf32, #tpu.memory_space<hbm>> -> memref<32x128xf32, #tpu.memory_space<hbm>>
      tpu.enqueue_dma source(%dma_start3A_1276 : memref<32x128xf32, #tpu.memory_space<hbm>>) target(%dma_start3A_1274 : memref<32x128xf32, #tpu.memory_space<vmem>>) target_semaphore(%arg15 : memref<!tpu.dma_semaphore, #tpu.memory_space<semaphore_mem>>)
      %shift_right_arithmetic3A_1277 = arith.constant 7 : i32
      %shift_right_arithmetic3A_1278 = arith.shrsi %squeeze3A_1171, %shift_right_arithmetic3A_1277 : i32
      %mul3A_1279 = arith.constant 128 : i32
      %mul3A_1280 = arith.muli %shift_right_arithmetic3A_1278, %mul3A_1279 : i32
      %multiple_of3A_1281 = tpu.assume_multiple %mul3A_1280, 128 : i32
      %dma_start3A_1282 = arith.constant 0 : i32
      %dma_start3A_1283 = arith.constant 896 : i32
      %dma_start3A_1284 = tpu.memref_slice %arg11[%dma_start3A_1282, %dma_start3A_1283] : memref<32x1024xf32, #tpu.memory_space<vmem>> -> memref<32x128xf32, #tpu.memory_space<vmem>>
      %dma_start3A_1285 = arith.constant 0 : i32
      %dma_start3A_1286 = tpu.memref_slice %arg4[%dma_start3A_1285, %multiple_of3A_1281] : memref<32x1000000xf32, #tpu.memory_space<hbm>> -> memref<32x128xf32, #tpu.memory_space<hbm>>
      %dma_start3A_1287 = arith.constant 0 : i32
      %dma_start3A_1288 = arith.constant 896 : i32
      %dma_start3A_1289 = tpu.memref_slice %arg11[%dma_start3A_1287, %dma_start3A_1288] : memref<32x1024xf32, #tpu.memory_space<vmem>> -> memref<32x128xf32, #tpu.memory_space<vmem>>
      %dma_start3A_1290 = arith.constant 0 : i32
      %dma_start3A_1291 = tpu.memref_slice %arg4[%dma_start3A_1290, %multiple_of3A_1281] : memref<32x1000000xf32, #tpu.memory_space<hbm>> -> memref<32x128xf32, #tpu.memory_space<hbm>>
      tpu.enqueue_dma source(%dma_start3A_1291 : memref<32x128xf32, #tpu.memory_space<hbm>>) target(%dma_start3A_1289 : memref<32x128xf32, #tpu.memory_space<vmem>>) target_semaphore(%arg15 : memref<!tpu.dma_semaphore, #tpu.memory_space<semaphore_mem>>)
      %dma_wait3A_1292 = arith.constant 0 : i32
      %dma_wait3A_1293 = arith.constant 0 : i32
      %dma_wait3A_1294 = tpu.memref_slice %arg4[%dma_wait3A_1292, %dma_wait3A_1293] : memref<32x1000000xf32, #tpu.memory_space<hbm>> -> memref<32x1024xf32, #tpu.memory_space<hbm>>
      %dma_wait3A_1295 = arith.constant 0 : i32
      %dma_wait3A_1296 = arith.constant 0 : i32
      %dma_wait3A_1297 = tpu.memref_slice %arg4[%dma_wait3A_1295, %dma_wait3A_1296] : memref<32x1000000xf32, #tpu.memory_space<hbm>> -> memref<32x1024xf32, #tpu.memory_space<hbm>>
      tpu.wait_dma2 semaphore(%arg16 : memref<!tpu.dma_semaphore, #tpu.memory_space<semaphore_mem>>) src(%dma_wait3A_1297 : memref<32x1024xf32, #tpu.memory_space<hbm>>) dst(%arg12 : memref<32x1024xf32, #tpu.memory_space<vmem>>)
      %min3A_1298 = arith.constant 63 : i32
      %min3A_1299 = arith.minsi %add3A_1146, %min3A_1298 : i32
      %mul3A_1300 = arith.constant 8 : i32
      %mul3A_1301 = arith.muli %min3A_1299, %mul3A_1300 : i32
      %multiple_of3A_1302 = tpu.assume_multiple %mul3A_1301, 8 : i32
      %get3A_1303 = arith.index_cast %multiple_of3A_1302 : i32 to index
      %get3A_1304 = tpu.vector_load %arg8[%get3A_1303] {strides = array<i32>} : memref<528xi32, #tpu.memory_space<vmem>>, vector<16xi32>,
      %slice3A_1305 = vector.extract_strided_slice %get3A_1304 {offsets = [0], sizes = [1], strides = [1]} : vector<16xi32> to vector<1xi32>
      %squeeze3A_1306 = vector.extract %slice3A_1305[0] : i32 from vector<1xi32>
      %slice3A_1307 = vector.extract_strided_slice %get3A_1304 {offsets = [1], sizes = [1], strides = [1]} : vector<16xi32> to vector<1xi32>
      %squeeze3A_1308 = vector.extract %slice3A_1307[0] : i32 from vector<1xi32>
      %slice3A_1309 = vector.extract_strided_slice %get3A_1304 {offsets = [2], sizes = [1], strides = [1]} : vector<16xi32> to vector<1xi32>
      %squeeze3A_1310 = vector.extract %slice3A_1309[0] : i32 from vector<1xi32>
      %slice3A_1311 = vector.extract_strided_slice %get3A_1304 {offsets = [3], sizes = [1], strides = [1]} : vector<16xi32> to vector<1xi32>
      %squeeze3A_1312 = vector.extract %slice3A_1311[0] : i32 from vector<1xi32>
      %slice3A_1313 = vector.extract_strided_slice %get3A_1304 {offsets = [4], sizes = [1], strides = [1]} : vector<16xi32> to vector<1xi32>
      %squeeze3A_1314 = vector.extract %slice3A_1313[0] : i32 from vector<1xi32>
      %slice3A_1315 = vector.extract_strided_slice %get3A_1304 {offsets = [5], sizes = [1], strides = [1]} : vector<16xi32> to vector<1xi32>
      %squeeze3A_1316 = vector.extract %slice3A_1315[0] : i32 from vector<1xi32>
      %slice3A_1317 = vector.extract_strided_slice %get3A_1304 {offsets = [6], sizes = [1], strides = [1]} : vector<16xi32> to vector<1xi32>
      %squeeze3A_1318 = vector.extract %slice3A_1317[0] : i32 from vector<1xi32>
      %slice3A_1319 = vector.extract_strided_slice %get3A_1304 {offsets = [7], sizes = [1], strides = [1]} : vector<16xi32> to vector<1xi32>
      %squeeze3A_1320 = vector.extract %slice3A_1319[0] : i32 from vector<1xi32>
      %and3A_1321 = arith.constant 127 : i32
      %and3A_1322 = arith.andi %squeeze3A_1306, %and3A_1321 : i32
      %add3A_1323 = arith.constant 0 : i32
      %add3A_1324 = arith.addi %and3A_1322, %add3A_1323 : i32
      %broadcast_in_dim3A_1325 = vector.broadcast %add3A_1324 : i32 to vector<16xi32>
      %mul3A_1326 = arith.constant 8 : i32
      %mul3A_1327 = arith.muli %min3A_1299, %mul3A_1326 : i32
      %add3A_1328 = arith.constant 0 : i32
      %add3A_1329 = arith.addi %mul3A_1327, %add3A_1328 : i32
      %broadcast_in_dim3A_1330 = vector.broadcast %add3A_1329 : i32 to vector<16xi32>
      %gather3A_1331 = tpu.vector_load_idx %arg12[%iota3A, %broadcast_in_dim3A_1325] : memref<32x1024xf32, #tpu.memory_space<vmem>>[vector<16xi32>, vector<16xi32>], vector<16xf32>,
      %gather3A_1332 = tpu.vector_load_idx %arg12[%add3A_5, %broadcast_in_dim3A_1325] : memref<32x1024xf32, #tpu.memory_space<vmem>>[vector<16xi32>, vector<16xi32>], vector<16xf32>,
      tpu.vector_store_idx %arg13[%iota3A, %broadcast_in_dim3A_1330], %gather3A_1331 : memref<32x512xf32, #tpu.memory_space<vmem>>[vector<16xi32>, vector<16xi32>], vector<16xf32>,
      tpu.vector_store_idx %arg13[%add3A_5, %broadcast_in_dim3A_1330], %gather3A_1332 : memref<32x512xf32, #tpu.memory_space<vmem>>[vector<16xi32>, vector<16xi32>], vector<16xf32>,
      %and3A_1333 = arith.constant 127 : i32
      %and3A_1334 = arith.andi %squeeze3A_1308, %and3A_1333 : i32
      %add3A_1335 = arith.constant 128 : i32
      %add3A_1336 = arith.addi %and3A_1334, %add3A_1335 : i32
      %broadcast_in_dim3A_1337 = vector.broadcast %add3A_1336 : i32 to vector<16xi32>
      %mul3A_1338 = arith.constant 8 : i32
      %mul3A_1339 = arith.muli %min3A_1299, %mul3A_1338 : i32
      %add3A_1340 = arith.constant 1 : i32
      %add3A_1341 = arith.addi %mul3A_1339, %add3A_1340 : i32
      %broadcast_in_dim3A_1342 = vector.broadcast %add3A_1341 : i32 to vector<16xi32>
      %gather3A_1343 = tpu.vector_load_idx %arg12[%iota3A, %broadcast_in_dim3A_1337] : memref<32x1024xf32, #tpu.memory_space<vmem>>[vector<16xi32>, vector<16xi32>], vector<16xf32>,
      %gather3A_1344 = tpu.vector_load_idx %arg12[%add3A_5, %broadcast_in_dim3A_1337] : memref<32x1024xf32, #tpu.memory_space<vmem>>[vector<16xi32>, vector<16xi32>], vector<16xf32>,
      tpu.vector_store_idx %arg13[%iota3A, %broadcast_in_dim3A_1342], %gather3A_1343 : memref<32x512xf32, #tpu.memory_space<vmem>>[vector<16xi32>, vector<16xi32>], vector<16xf32>,
      tpu.vector_store_idx %arg13[%add3A_5, %broadcast_in_dim3A_1342], %gather3A_1344 : memref<32x512xf32, #tpu.memory_space<vmem>>[vector<16xi32>, vector<16xi32>], vector<16xf32>,
      %and3A_1345 = arith.constant 127 : i32
      %and3A_1346 = arith.andi %squeeze3A_1310, %and3A_1345 : i32
      %add3A_1347 = arith.constant 256 : i32
      %add3A_1348 = arith.addi %and3A_1346, %add3A_1347 : i32
      %broadcast_in_dim3A_1349 = vector.broadcast %add3A_1348 : i32 to vector<16xi32>
      %mul3A_1350 = arith.constant 8 : i32
      %mul3A_1351 = arith.muli %min3A_1299, %mul3A_1350 : i32
      %add3A_1352 = arith.constant 2 : i32
      %add3A_1353 = arith.addi %mul3A_1351, %add3A_1352 : i32
      %broadcast_in_dim3A_1354 = vector.broadcast %add3A_1353 : i32 to vector<16xi32>
      %gather3A_1355 = tpu.vector_load_idx %arg12[%iota3A, %broadcast_in_dim3A_1349] : memref<32x1024xf32, #tpu.memory_space<vmem>>[vector<16xi32>, vector<16xi32>], vector<16xf32>,
      %gather3A_1356 = tpu.vector_load_idx %arg12[%add3A_5, %broadcast_in_dim3A_1349] : memref<32x1024xf32, #tpu.memory_space<vmem>>[vector<16xi32>, vector<16xi32>], vector<16xf32>,
      tpu.vector_store_idx %arg13[%iota3A, %broadcast_in_dim3A_1354], %gather3A_1355 : memref<32x512xf32, #tpu.memory_space<vmem>>[vector<16xi32>, vector<16xi32>], vector<16xf32>,
      tpu.vector_store_idx %arg13[%add3A_5, %broadcast_in_dim3A_1354], %gather3A_1356 : memref<32x512xf32, #tpu.memory_space<vmem>>[vector<16xi32>, vector<16xi32>], vector<16xf32>,
      %and3A_1357 = arith.constant 127 : i32
      %and3A_1358 = arith.andi %squeeze3A_1312, %and3A_1357 : i32
      %add3A_1359 = arith.constant 384 : i32
      %add3A_1360 = arith.addi %and3A_1358, %add3A_1359 : i32
      %broadcast_in_dim3A_1361 = vector.broadcast %add3A_1360 : i32 to vector<16xi32>
      %mul3A_1362 = arith.constant 8 : i32
      %mul3A_1363 = arith.muli %min3A_1299, %mul3A_1362 : i32
      %add3A_1364 = arith.constant 3 : i32
      %add3A_1365 = arith.addi %mul3A_1363, %add3A_1364 : i32
      %broadcast_in_dim3A_1366 = vector.broadcast %add3A_1365 : i32 to vector<16xi32>
      %gather3A_1367 = tpu.vector_load_idx %arg12[%iota3A, %broadcast_in_dim3A_1361] : memref<32x1024xf32, #tpu.memory_space<vmem>>[vector<16xi32>, vector<16xi32>], vector<16xf32>,
      %gather3A_1368 = tpu.vector_load_idx %arg12[%add3A_5, %broadcast_in_dim3A_1361] : memref<32x1024xf32, #tpu.memory_space<vmem>>[vector<16xi32>, vector<16xi32>], vector<16xf32>,
      tpu.vector_store_idx %arg13[%iota3A, %broadcast_in_dim3A_1366], %gather3A_1367 : memref<32x512xf32, #tpu.memory_space<vmem>>[vector<16xi32>, vector<16xi32>], vector<16xf32>,
      tpu.vector_store_idx %arg13[%add3A_5, %broadcast_in_dim3A_1366], %gather3A_1368 : memref<32x512xf32, #tpu.memory_space<vmem>>[vector<16xi32>, vector<16xi32>], vector<16xf32>,
      %and3A_1369 = arith.constant 127 : i32
      %and3A_1370 = arith.andi %squeeze3A_1314, %and3A_1369 : i32
      %add3A_1371 = arith.constant 512 : i32
      %add3A_1372 = arith.addi %and3A_1370, %add3A_1371 : i32
      %broadcast_in_dim3A_1373 = vector.broadcast %add3A_1372 : i32 to vector<16xi32>
      %mul3A_1374 = arith.constant 8 : i32
      %mul3A_1375 = arith.muli %min3A_1299, %mul3A_1374 : i32
      %add3A_1376 = arith.constant 4 : i32
      %add3A_1377 = arith.addi %mul3A_1375, %add3A_1376 : i32
      %broadcast_in_dim3A_1378 = vector.broadcast %add3A_1377 : i32 to vector<16xi32>
      %gather3A_1379 = tpu.vector_load_idx %arg12[%iota3A, %broadcast_in_dim3A_1373] : memref<32x1024xf32, #tpu.memory_space<vmem>>[vector<16xi32>, vector<16xi32>], vector<16xf32>,
      %gather3A_1380 = tpu.vector_load_idx %arg12[%add3A_5, %broadcast_in_dim3A_1373] : memref<32x1024xf32, #tpu.memory_space<vmem>>[vector<16xi32>, vector<16xi32>], vector<16xf32>,
      tpu.vector_store_idx %arg13[%iota3A, %broadcast_in_dim3A_1378], %gather3A_1379 : memref<32x512xf32, #tpu.memory_space<vmem>>[vector<16xi32>, vector<16xi32>], vector<16xf32>,
      tpu.vector_store_idx %arg13[%add3A_5, %broadcast_in_dim3A_1378], %gather3A_1380 : memref<32x512xf32, #tpu.memory_space<vmem>>[vector<16xi32>, vector<16xi32>], vector<16xf32>,
      %and3A_1381 = arith.constant 127 : i32
      %and3A_1382 = arith.andi %squeeze3A_1316, %and3A_1381 : i32
      %add3A_1383 = arith.constant 640 : i32
      %add3A_1384 = arith.addi %and3A_1382, %add3A_1383 : i32
      %broadcast_in_dim3A_1385 = vector.broadcast %add3A_1384 : i32 to vector<16xi32>
      %mul3A_1386 = arith.constant 8 : i32
      %mul3A_1387 = arith.muli %min3A_1299, %mul3A_1386 : i32
      %add3A_1388 = arith.constant 5 : i32
      %add3A_1389 = arith.addi %mul3A_1387, %add3A_1388 : i32
      %broadcast_in_dim3A_1390 = vector.broadcast %add3A_1389 : i32 to vector<16xi32>
      %gather3A_1391 = tpu.vector_load_idx %arg12[%iota3A, %broadcast_in_dim3A_1385] : memref<32x1024xf32, #tpu.memory_space<vmem>>[vector<16xi32>, vector<16xi32>], vector<16xf32>,
      %gather3A_1392 = tpu.vector_load_idx %arg12[%add3A_5, %broadcast_in_dim3A_1385] : memref<32x1024xf32, #tpu.memory_space<vmem>>[vector<16xi32>, vector<16xi32>], vector<16xf32>,
      tpu.vector_store_idx %arg13[%iota3A, %broadcast_in_dim3A_1390], %gather3A_1391 : memref<32x512xf32, #tpu.memory_space<vmem>>[vector<16xi32>, vector<16xi32>], vector<16xf32>,
      tpu.vector_store_idx %arg13[%add3A_5, %broadcast_in_dim3A_1390], %gather3A_1392 : memref<32x512xf32, #tpu.memory_space<vmem>>[vector<16xi32>, vector<16xi32>], vector<16xf32>,
      %and3A_1393 = arith.constant 127 : i32
      %and3A_1394 = arith.andi %squeeze3A_1318, %and3A_1393 : i32
      %add3A_1395 = arith.constant 768 : i32
      %add3A_1396 = arith.addi %and3A_1394, %add3A_1395 : i32
      %broadcast_in_dim3A_1397 = vector.broadcast %add3A_1396 : i32 to vector<16xi32>
      %mul3A_1398 = arith.constant 8 : i32
      %mul3A_1399 = arith.muli %min3A_1299, %mul3A_1398 : i32
      %add3A_1400 = arith.constant 6 : i32
      %add3A_1401 = arith.addi %mul3A_1399, %add3A_1400 : i32
      %broadcast_in_dim3A_1402 = vector.broadcast %add3A_1401 : i32 to vector<16xi32>
      %gather3A_1403 = tpu.vector_load_idx %arg12[%iota3A, %broadcast_in_dim3A_1397] : memref<32x1024xf32, #tpu.memory_space<vmem>>[vector<16xi32>, vector<16xi32>], vector<16xf32>,
      %gather3A_1404 = tpu.vector_load_idx %arg12[%add3A_5, %broadcast_in_dim3A_1397] : memref<32x1024xf32, #tpu.memory_space<vmem>>[vector<16xi32>, vector<16xi32>], vector<16xf32>,
      tpu.vector_store_idx %arg13[%iota3A, %broadcast_in_dim3A_1402], %gather3A_1403 : memref<32x512xf32, #tpu.memory_space<vmem>>[vector<16xi32>, vector<16xi32>], vector<16xf32>,
      tpu.vector_store_idx %arg13[%add3A_5, %broadcast_in_dim3A_1402], %gather3A_1404 : memref<32x512xf32, #tpu.memory_space<vmem>>[vector<16xi32>, vector<16xi32>], vector<16xf32>,
      %and3A_1405 = arith.constant 127 : i32
      %and3A_1406 = arith.andi %squeeze3A_1320, %and3A_1405 : i32
      %add3A_1407 = arith.constant 896 : i32
      %add3A_1408 = arith.addi %and3A_1406, %add3A_1407 : i32
      %broadcast_in_dim3A_1409 = vector.broadcast %add3A_1408 : i32 to vector<16xi32>
      %mul3A_1410 = arith.constant 8 : i32
      %mul3A_1411 = arith.muli %min3A_1299, %mul3A_1410 : i32
      %add3A_1412 = arith.constant 7 : i32
      %add3A_1413 = arith.addi %mul3A_1411, %add3A_1412 : i32
      %broadcast_in_dim3A_1414 = vector.broadcast %add3A_1413 : i32 to vector<16xi32>
      %gather3A_1415 = tpu.vector_load_idx %arg12[%iota3A, %broadcast_in_dim3A_1409] : memref<32x1024xf32, #tpu.memory_space<vmem>>[vector<16xi32>, vector<16xi32>], vector<16xf32>,
      %gather3A_1416 = tpu.vector_load_idx %arg12[%add3A_5, %broadcast_in_dim3A_1409] : memref<32x1024xf32, #tpu.memory_space<vmem>>[vector<16xi32>, vector<16xi32>], vector<16xf32>,
      tpu.vector_store_idx %arg13[%iota3A, %broadcast_in_dim3A_1414], %gather3A_1415 : memref<32x512xf32, #tpu.memory_space<vmem>>[vector<16xi32>, vector<16xi32>], vector<16xf32>,
      tpu.vector_store_idx %arg13[%add3A_5, %broadcast_in_dim3A_1414], %gather3A_1416 : memref<32x512xf32, #tpu.memory_space<vmem>>[vector<16xi32>, vector<16xi32>], vector<16xf32>,
      %scan3A_1417 = arith.constant 0 : i32
      scf.yield %scan3A_1417 : i32
    }
    %scan3A_286 = arith.constant 22 : i32
    %dma_wait3A = arith.constant 0 : i32
    %dma_wait3A_287 = arith.constant 0 : i32
    %dma_wait3A_288 = tpu.memref_slice %arg4[%dma_wait3A, %dma_wait3A_287] : memref<32x1000000xf32, #tpu.memory_space<hbm>> -> memref<32x1024xf32, #tpu.memory_space<hbm>>
    %dma_wait3A_289 = arith.constant 0 : i32
    %dma_wait3A_290 = arith.constant 0 : i32
    %dma_wait3A_291 = tpu.memref_slice %arg4[%dma_wait3A_289, %dma_wait3A_290] : memref<32x1000000xf32, #tpu.memory_space<hbm>> -> memref<32x1024xf32, #tpu.memory_space<hbm>>
    tpu.wait_dma2 semaphore(%arg14 : memref<!tpu.dma_semaphore, #tpu.memory_space<semaphore_mem>>) src(%dma_wait3A_291 : memref<32x1024xf32, #tpu.memory_space<hbm>>) dst(%arg10 : memref<32x1024xf32, #tpu.memory_space<vmem>>)
    %dma_wait3A_292 = arith.constant 0 : i32
    %dma_wait3A_293 = arith.constant 0 : i32
    %dma_wait3A_294 = tpu.memref_slice %arg4[%dma_wait3A_292, %dma_wait3A_293] : memref<32x1000000xf32, #tpu.memory_space<hbm>> -> memref<32x1024xf32, #tpu.memory_space<hbm>>
    %dma_wait3A_295 = arith.constant 0 : i32
    %dma_wait3A_296 = arith.constant 0 : i32
    %dma_wait3A_297 = tpu.memref_slice %arg4[%dma_wait3A_295, %dma_wait3A_296] : memref<32x1000000xf32, #tpu.memory_space<hbm>> -> memref<32x1024xf32, #tpu.memory_space<hbm>>
    tpu.wait_dma2 semaphore(%arg15 : memref<!tpu.dma_semaphore, #tpu.memory_space<semaphore_mem>>) src(%dma_wait3A_297 : memref<32x1024xf32, #tpu.memory_space<hbm>>) dst(%arg11 : memref<32x1024xf32, #tpu.memory_space<vmem>>)
    "tpu.region"() ({
      %run_scoped3A = tpu.sem_alloc : memref<!tpu.dma_semaphore, #tpu.memory_space<semaphore_mem>>
      %dma_start3A_597 = arith.constant 0 : i32
      %dma_start3A_598 = tpu.memref_slice %arg6[%dma_start3A_597, %multiple_of3A] : memref<32x16384xf32, #tpu.memory_space<hbm>> -> memref<32x512xf32, #tpu.memory_space<hbm>>
      %dma_start3A_599 = arith.constant 0 : i32
      %dma_start3A_600 = tpu.memref_slice %arg6[%dma_start3A_599, %multiple_of3A] : memref<32x16384xf32, #tpu.memory_space<hbm>> -> memref<32x512xf32, #tpu.memory_space<hbm>>
      tpu.enqueue_dma source(%arg13 : memref<32x512xf32, #tpu.memory_space<vmem>>) target(%dma_start3A_600 : memref<32x512xf32, #tpu.memory_space<hbm>>) target_semaphore(%run_scoped3A : memref<!tpu.dma_semaphore, #tpu.memory_space<semaphore_mem>>)
      %dma_wait3A_601 = arith.constant 0 : i32
      %dma_wait3A_602 = tpu.memref_slice %arg6[%dma_wait3A_601, %multiple_of3A] : memref<32x16384xf32, #tpu.memory_space<hbm>> -> memref<32x512xf32, #tpu.memory_space<hbm>>
      %dma_wait3A_603 = arith.constant 0 : i32
      %dma_wait3A_604 = tpu.memref_slice %arg6[%dma_wait3A_603, %multiple_of3A] : memref<32x16384xf32, #tpu.memory_space<hbm>> -> memref<32x512xf32, #tpu.memory_space<hbm>>
      tpu.wait_dma2 semaphore(%run_scoped3A : memref<!tpu.dma_semaphore, #tpu.memory_space<semaphore_mem>>) src(%arg13 : memref<32x512xf32, #tpu.memory_space<vmem>>) dst(%dma_wait3A_604 : memref<32x512xf32, #tpu.memory_space<hbm>>)
      tpu.yield
    }) : () -> ()
    %multiple_of3A_298 = arith.constant 0 : i32
    %multiple_of3A_299 = tpu.assume_multiple %multiple_of3A_298, 8 : i32
    %get3A_300 = arith.index_cast %multiple_of3A_299 : i32 to index
    %get3A_301 = tpu.vector_load %arg9[%get3A_300] {strides = array<i32>} : memref<528xi32, #tpu.memory_space<vmem>>, vector<16xi32>,
    %slice3A_302 = vector.extract_strided_slice %get3A_301 {offsets = [0], sizes = [1], strides = [1]} : vector<16xi32> to vector<1xi32>
    %squeeze3A_303 = vector.extract %slice3A_302[0] : i32 from vector<1xi32>
    %slice3A_304 = vector.extract_strided_slice %get3A_301 {offsets = [1], sizes = [1], strides = [1]} : vector<16xi32> to vector<1xi32>
    %squeeze3A_305 = vector.extract %slice3A_304[0] : i32 from vector<1xi32>
    %slice3A_306 = vector.extract_strided_slice %get3A_301 {offsets = [2], sizes = [1], strides = [1]} : vector<16xi32> to vector<1xi32>
    %squeeze3A_307 = vector.extract %slice3A_306[0] : i32 from vector<1xi32>
    %slice3A_308 = vector.extract_strided_slice %get3A_301 {offsets = [3], sizes = [1], strides = [1]} : vector<16xi32> to vector<1xi32>
    %squeeze3A_309 = vector.extract %slice3A_308[0] : i32 from vector<1xi32>
    %slice3A_310 = vector.extract_strided_slice %get3A_301 {offsets = [4], sizes = [1], strides = [1]} : vector<16xi32> to vector<1xi32>
    %squeeze3A_311 = vector.extract %slice3A_310[0] : i32 from vector<1xi32>
    %slice3A_312 = vector.extract_strided_slice %get3A_301 {offsets = [5], sizes = [1], strides = [1]} : vector<16xi32> to vector<1xi32>
    %squeeze3A_313 = vector.extract %slice3A_312[0] : i32 from vector<1xi32>
    %slice3A_314 = vector.extract_strided_slice %get3A_301 {offsets = [6], sizes = [1], strides = [1]} : vector<16xi32> to vector<1xi32>
    %squeeze3A_315 = vector.extract %slice3A_314[0] : i32 from vector<1xi32>
    %slice3A_316 = vector.extract_strided_slice %get3A_301 {offsets = [7], sizes = [1], strides = [1]} : vector<16xi32> to vector<1xi32>
    %squeeze3A_317 = vector.extract %slice3A_316[0] : i32 from vector<1xi32>
    %shift_right_arithmetic3A_318 = arith.constant 7 : i32
    %shift_right_arithmetic3A_319 = arith.shrsi %squeeze3A_303, %shift_right_arithmetic3A_318 : i32
    %mul3A_320 = arith.constant 128 : i32
    %mul3A_321 = arith.muli %shift_right_arithmetic3A_319, %mul3A_320 : i32
    %multiple_of3A_322 = tpu.assume_multiple %mul3A_321, 128 : i32
    %dma_start3A_323 = arith.constant 0 : i32
    %dma_start3A_324 = arith.constant 0 : i32
    %dma_start3A_325 = tpu.memref_slice %arg10[%dma_start3A_323, %dma_start3A_324] : memref<32x1024xf32, #tpu.memory_space<vmem>> -> memref<32x128xf32, #tpu.memory_space<vmem>>
    %dma_start3A_326 = arith.constant 0 : i32
    %dma_start3A_327 = tpu.memref_slice %arg5[%dma_start3A_326, %multiple_of3A_322] : memref<32x1000000xf32, #tpu.memory_space<hbm>> -> memref<32x128xf32, #tpu.memory_space<hbm>>
    %dma_start3A_328 = arith.constant 0 : i32
    %dma_start3A_329 = arith.constant 0 : i32
    %dma_start3A_330 = tpu.memref_slice %arg10[%dma_start3A_328, %dma_start3A_329] : memref<32x1024xf32, #tpu.memory_space<vmem>> -> memref<32x128xf32, #tpu.memory_space<vmem>>
    %dma_start3A_331 = arith.constant 0 : i32
    %dma_start3A_332 = tpu.memref_slice %arg5[%dma_start3A_331, %multiple_of3A_322] : memref<32x1000000xf32, #tpu.memory_space<hbm>> -> memref<32x128xf32, #tpu.memory_space<hbm>>
    tpu.enqueue_dma source(%dma_start3A_332 : memref<32x128xf32, #tpu.memory_space<hbm>>) target(%dma_start3A_330 : memref<32x128xf32, #tpu.memory_space<vmem>>) target_semaphore(%arg14 : memref<!tpu.dma_semaphore, #tpu.memory_space<semaphore_mem>>)
    %shift_right_arithmetic3A_333 = arith.constant 7 : i32
    %shift_right_arithmetic3A_334 = arith.shrsi %squeeze3A_305, %shift_right_arithmetic3A_333 : i32
    %mul3A_335 = arith.constant 128 : i32
    %mul3A_336 = arith.muli %shift_right_arithmetic3A_334, %mul3A_335 : i32
    %multiple_of3A_337 = tpu.assume_multiple %mul3A_336, 128 : i32
    %dma_start3A_338 = arith.constant 0 : i32
    %dma_start3A_339 = arith.constant 128 : i32
    %dma_start3A_340 = tpu.memref_slice %arg10[%dma_start3A_338, %dma_start3A_339] : memref<32x1024xf32, #tpu.memory_space<vmem>> -> memref<32x128xf32, #tpu.memory_space<vmem>>
    %dma_start3A_341 = arith.constant 0 : i32
    %dma_start3A_342 = tpu.memref_slice %arg5[%dma_start3A_341, %multiple_of3A_337] : memref<32x1000000xf32, #tpu.memory_space<hbm>> -> memref<32x128xf32, #tpu.memory_space<hbm>>
    %dma_start3A_343 = arith.constant 0 : i32
    %dma_start3A_344 = arith.constant 128 : i32
    %dma_start3A_345 = tpu.memref_slice %arg10[%dma_start3A_343, %dma_start3A_344] : memref<32x1024xf32, #tpu.memory_space<vmem>> -> memref<32x128xf32, #tpu.memory_space<vmem>>
    %dma_start3A_346 = arith.constant 0 : i32
    %dma_start3A_347 = tpu.memref_slice %arg5[%dma_start3A_346, %multiple_of3A_337] : memref<32x1000000xf32, #tpu.memory_space<hbm>> -> memref<32x128xf32, #tpu.memory_space<hbm>>
    tpu.enqueue_dma source(%dma_start3A_347 : memref<32x128xf32, #tpu.memory_space<hbm>>) target(%dma_start3A_345 : memref<32x128xf32, #tpu.memory_space<vmem>>) target_semaphore(%arg14 : memref<!tpu.dma_semaphore, #tpu.memory_space<semaphore_mem>>)
    %shift_right_arithmetic3A_348 = arith.constant 7 : i32
    %shift_right_arithmetic3A_349 = arith.shrsi %squeeze3A_307, %shift_right_arithmetic3A_348 : i32
    %mul3A_350 = arith.constant 128 : i32
    %mul3A_351 = arith.muli %shift_right_arithmetic3A_349, %mul3A_350 : i32
    %multiple_of3A_352 = tpu.assume_multiple %mul3A_351, 128 : i32
    %dma_start3A_353 = arith.constant 0 : i32
    %dma_start3A_354 = arith.constant 256 : i32
    %dma_start3A_355 = tpu.memref_slice %arg10[%dma_start3A_353, %dma_start3A_354] : memref<32x1024xf32, #tpu.memory_space<vmem>> -> memref<32x128xf32, #tpu.memory_space<vmem>>
    %dma_start3A_356 = arith.constant 0 : i32
    %dma_start3A_357 = tpu.memref_slice %arg5[%dma_start3A_356, %multiple_of3A_352] : memref<32x1000000xf32, #tpu.memory_space<hbm>> -> memref<32x128xf32, #tpu.memory_space<hbm>>
    %dma_start3A_358 = arith.constant 0 : i32
    %dma_start3A_359 = arith.constant 256 : i32
    %dma_start3A_360 = tpu.memref_slice %arg10[%dma_start3A_358, %dma_start3A_359] : memref<32x1024xf32, #tpu.memory_space<vmem>> -> memref<32x128xf32, #tpu.memory_space<vmem>>
    %dma_start3A_361 = arith.constant 0 : i32
    %dma_start3A_362 = tpu.memref_slice %arg5[%dma_start3A_361, %multiple_of3A_352] : memref<32x1000000xf32, #tpu.memory_space<hbm>> -> memref<32x128xf32, #tpu.memory_space<hbm>>
    tpu.enqueue_dma source(%dma_start3A_362 : memref<32x128xf32, #tpu.memory_space<hbm>>) target(%dma_start3A_360 : memref<32x128xf32, #tpu.memory_space<vmem>>) target_semaphore(%arg14 : memref<!tpu.dma_semaphore, #tpu.memory_space<semaphore_mem>>)
    %shift_right_arithmetic3A_363 = arith.constant 7 : i32
    %shift_right_arithmetic3A_364 = arith.shrsi %squeeze3A_309, %shift_right_arithmetic3A_363 : i32
    %mul3A_365 = arith.constant 128 : i32
    %mul3A_366 = arith.muli %shift_right_arithmetic3A_364, %mul3A_365 : i32
    %multiple_of3A_367 = tpu.assume_multiple %mul3A_366, 128 : i32
    %dma_start3A_368 = arith.constant 0 : i32
    %dma_start3A_369 = arith.constant 384 : i32
    %dma_start3A_370 = tpu.memref_slice %arg10[%dma_start3A_368, %dma_start3A_369] : memref<32x1024xf32, #tpu.memory_space<vmem>> -> memref<32x128xf32, #tpu.memory_space<vmem>>
    %dma_start3A_371 = arith.constant 0 : i32
    %dma_start3A_372 = tpu.memref_slice %arg5[%dma_start3A_371, %multiple_of3A_367] : memref<32x1000000xf32, #tpu.memory_space<hbm>> -> memref<32x128xf32, #tpu.memory_space<hbm>>
    %dma_start3A_373 = arith.constant 0 : i32
    %dma_start3A_374 = arith.constant 384 : i32
    %dma_start3A_375 = tpu.memref_slice %arg10[%dma_start3A_373, %dma_start3A_374] : memref<32x1024xf32, #tpu.memory_space<vmem>> -> memref<32x128xf32, #tpu.memory_space<vmem>>
    %dma_start3A_376 = arith.constant 0 : i32
    %dma_start3A_377 = tpu.memref_slice %arg5[%dma_start3A_376, %multiple_of3A_367] : memref<32x1000000xf32, #tpu.memory_space<hbm>> -> memref<32x128xf32, #tpu.memory_space<hbm>>
    tpu.enqueue_dma source(%dma_start3A_377 : memref<32x128xf32, #tpu.memory_space<hbm>>) target(%dma_start3A_375 : memref<32x128xf32, #tpu.memory_space<vmem>>) target_semaphore(%arg14 : memref<!tpu.dma_semaphore, #tpu.memory_space<semaphore_mem>>)
    %shift_right_arithmetic3A_378 = arith.constant 7 : i32
    %shift_right_arithmetic3A_379 = arith.shrsi %squeeze3A_311, %shift_right_arithmetic3A_378 : i32
    %mul3A_380 = arith.constant 128 : i32
    %mul3A_381 = arith.muli %shift_right_arithmetic3A_379, %mul3A_380 : i32
    %multiple_of3A_382 = tpu.assume_multiple %mul3A_381, 128 : i32
    %dma_start3A_383 = arith.constant 0 : i32
    %dma_start3A_384 = arith.constant 512 : i32
    %dma_start3A_385 = tpu.memref_slice %arg10[%dma_start3A_383, %dma_start3A_384] : memref<32x1024xf32, #tpu.memory_space<vmem>> -> memref<32x128xf32, #tpu.memory_space<vmem>>
    %dma_start3A_386 = arith.constant 0 : i32
    %dma_start3A_387 = tpu.memref_slice %arg5[%dma_start3A_386, %multiple_of3A_382] : memref<32x1000000xf32, #tpu.memory_space<hbm>> -> memref<32x128xf32, #tpu.memory_space<hbm>>
    %dma_start3A_388 = arith.constant 0 : i32
    %dma_start3A_389 = arith.constant 512 : i32
    %dma_start3A_390 = tpu.memref_slice %arg10[%dma_start3A_388, %dma_start3A_389] : memref<32x1024xf32, #tpu.memory_space<vmem>> -> memref<32x128xf32, #tpu.memory_space<vmem>>
    %dma_start3A_391 = arith.constant 0 : i32
    %dma_start3A_392 = tpu.memref_slice %arg5[%dma_start3A_391, %multiple_of3A_382] : memref<32x1000000xf32, #tpu.memory_space<hbm>> -> memref<32x128xf32, #tpu.memory_space<hbm>>
    tpu.enqueue_dma source(%dma_start3A_392 : memref<32x128xf32, #tpu.memory_space<hbm>>) target(%dma_start3A_390 : memref<32x128xf32, #tpu.memory_space<vmem>>) target_semaphore(%arg14 : memref<!tpu.dma_semaphore, #tpu.memory_space<semaphore_mem>>)
    %shift_right_arithmetic3A_393 = arith.constant 7 : i32
    %shift_right_arithmetic3A_394 = arith.shrsi %squeeze3A_313, %shift_right_arithmetic3A_393 : i32
    %mul3A_395 = arith.constant 128 : i32
    %mul3A_396 = arith.muli %shift_right_arithmetic3A_394, %mul3A_395 : i32
    %multiple_of3A_397 = tpu.assume_multiple %mul3A_396, 128 : i32
    %dma_start3A_398 = arith.constant 0 : i32
    %dma_start3A_399 = arith.constant 640 : i32
    %dma_start3A_400 = tpu.memref_slice %arg10[%dma_start3A_398, %dma_start3A_399] : memref<32x1024xf32, #tpu.memory_space<vmem>> -> memref<32x128xf32, #tpu.memory_space<vmem>>
    %dma_start3A_401 = arith.constant 0 : i32
    %dma_start3A_402 = tpu.memref_slice %arg5[%dma_start3A_401, %multiple_of3A_397] : memref<32x1000000xf32, #tpu.memory_space<hbm>> -> memref<32x128xf32, #tpu.memory_space<hbm>>
    %dma_start3A_403 = arith.constant 0 : i32
    %dma_start3A_404 = arith.constant 640 : i32
    %dma_start3A_405 = tpu.memref_slice %arg10[%dma_start3A_403, %dma_start3A_404] : memref<32x1024xf32, #tpu.memory_space<vmem>> -> memref<32x128xf32, #tpu.memory_space<vmem>>
    %dma_start3A_406 = arith.constant 0 : i32
    %dma_start3A_407 = tpu.memref_slice %arg5[%dma_start3A_406, %multiple_of3A_397] : memref<32x1000000xf32, #tpu.memory_space<hbm>> -> memref<32x128xf32, #tpu.memory_space<hbm>>
    tpu.enqueue_dma source(%dma_start3A_407 : memref<32x128xf32, #tpu.memory_space<hbm>>) target(%dma_start3A_405 : memref<32x128xf32, #tpu.memory_space<vmem>>) target_semaphore(%arg14 : memref<!tpu.dma_semaphore, #tpu.memory_space<semaphore_mem>>)
    %shift_right_arithmetic3A_408 = arith.constant 7 : i32
    %shift_right_arithmetic3A_409 = arith.shrsi %squeeze3A_315, %shift_right_arithmetic3A_408 : i32
    %mul3A_410 = arith.constant 128 : i32
    %mul3A_411 = arith.muli %shift_right_arithmetic3A_409, %mul3A_410 : i32
    %multiple_of3A_412 = tpu.assume_multiple %mul3A_411, 128 : i32
    %dma_start3A_413 = arith.constant 0 : i32
    %dma_start3A_414 = arith.constant 768 : i32
    %dma_start3A_415 = tpu.memref_slice %arg10[%dma_start3A_413, %dma_start3A_414] : memref<32x1024xf32, #tpu.memory_space<vmem>> -> memref<32x128xf32, #tpu.memory_space<vmem>>
    %dma_start3A_416 = arith.constant 0 : i32
    %dma_start3A_417 = tpu.memref_slice %arg5[%dma_start3A_416, %multiple_of3A_412] : memref<32x1000000xf32, #tpu.memory_space<hbm>> -> memref<32x128xf32, #tpu.memory_space<hbm>>
    %dma_start3A_418 = arith.constant 0 : i32
    %dma_start3A_419 = arith.constant 768 : i32
    %dma_start3A_420 = tpu.memref_slice %arg10[%dma_start3A_418, %dma_start3A_419] : memref<32x1024xf32, #tpu.memory_space<vmem>> -> memref<32x128xf32, #tpu.memory_space<vmem>>
    %dma_start3A_421 = arith.constant 0 : i32
    %dma_start3A_422 = tpu.memref_slice %arg5[%dma_start3A_421, %multiple_of3A_412] : memref<32x1000000xf32, #tpu.memory_space<hbm>> -> memref<32x128xf32, #tpu.memory_space<hbm>>
    tpu.enqueue_dma source(%dma_start3A_422 : memref<32x128xf32, #tpu.memory_space<hbm>>) target(%dma_start3A_420 : memref<32x128xf32, #tpu.memory_space<vmem>>) target_semaphore(%arg14 : memref<!tpu.dma_semaphore, #tpu.memory_space<semaphore_mem>>)
    %shift_right_arithmetic3A_423 = arith.constant 7 : i32
    %shift_right_arithmetic3A_424 = arith.shrsi %squeeze3A_317, %shift_right_arithmetic3A_423 : i32
    %mul3A_425 = arith.constant 128 : i32
    %mul3A_426 = arith.muli %shift_right_arithmetic3A_424, %mul3A_425 : i32
    %multiple_of3A_427 = tpu.assume_multiple %mul3A_426, 128 : i32
    %dma_start3A_428 = arith.constant 0 : i32
    %dma_start3A_429 = arith.constant 896 : i32
    %dma_start3A_430 = tpu.memref_slice %arg10[%dma_start3A_428, %dma_start3A_429] : memref<32x1024xf32, #tpu.memory_space<vmem>> -> memref<32x128xf32, #tpu.memory_space<vmem>>
    %dma_start3A_431 = arith.constant 0 : i32
    %dma_start3A_432 = tpu.memref_slice %arg5[%dma_start3A_431, %multiple_of3A_427] : memref<32x1000000xf32, #tpu.memory_space<hbm>> -> memref<32x128xf32, #tpu.memory_space<hbm>>
    %dma_start3A_433 = arith.constant 0 : i32
    %dma_start3A_434 = arith.constant 896 : i32
    %dma_start3A_435 = tpu.memref_slice %arg10[%dma_start3A_433, %dma_start3A_434] : memref<32x1024xf32, #tpu.memory_space<vmem>> -> memref<32x128xf32, #tpu.memory_space<vmem>>
    %dma_start3A_436 = arith.constant 0 : i32
    %dma_start3A_437 = tpu.memref_slice %arg5[%dma_start3A_436, %multiple_of3A_427] : memref<32x1000000xf32, #tpu.memory_space<hbm>> -> memref<32x128xf32, #tpu.memory_space<hbm>>
    tpu.enqueue_dma source(%dma_start3A_437 : memref<32x128xf32, #tpu.memory_space<hbm>>) target(%dma_start3A_435 : memref<32x128xf32, #tpu.memory_space<vmem>>) target_semaphore(%arg14 : memref<!tpu.dma_semaphore, #tpu.memory_space<semaphore_mem>>)
    %multiple_of3A_438 = arith.constant 8 : i32
    %multiple_of3A_439 = tpu.assume_multiple %multiple_of3A_438, 8 : i32
    %get3A_440 = arith.index_cast %multiple_of3A_439 : i32 to index
    %get3A_441 = tpu.vector_load %arg9[%get3A_440] {strides = array<i32>} : memref<528xi32, #tpu.memory_space<vmem>>, vector<16xi32>,
    %slice3A_442 = vector.extract_strided_slice %get3A_441 {offsets = [0], sizes = [1], strides = [1]} : vector<16xi32> to vector<1xi32>
    %squeeze3A_443 = vector.extract %slice3A_442[0] : i32 from vector<1xi32>
    %slice3A_444 = vector.extract_strided_slice %get3A_441 {offsets = [1], sizes = [1], strides = [1]} : vector<16xi32> to vector<1xi32>
    %squeeze3A_445 = vector.extract %slice3A_444[0] : i32 from vector<1xi32>
    %slice3A_446 = vector.extract_strided_slice %get3A_441 {offsets = [2], sizes = [1], strides = [1]} : vector<16xi32> to vector<1xi32>
    %squeeze3A_447 = vector.extract %slice3A_446[0] : i32 from vector<1xi32>
    %slice3A_448 = vector.extract_strided_slice %get3A_441 {offsets = [3], sizes = [1], strides = [1]} : vector<16xi32> to vector<1xi32>
    %squeeze3A_449 = vector.extract %slice3A_448[0] : i32 from vector<1xi32>
    %slice3A_450 = vector.extract_strided_slice %get3A_441 {offsets = [4], sizes = [1], strides = [1]} : vector<16xi32> to vector<1xi32>
    %squeeze3A_451 = vector.extract %slice3A_450[0] : i32 from vector<1xi32>
    %slice3A_452 = vector.extract_strided_slice %get3A_441 {offsets = [5], sizes = [1], strides = [1]} : vector<16xi32> to vector<1xi32>
    %squeeze3A_453 = vector.extract %slice3A_452[0] : i32 from vector<1xi32>
    %slice3A_454 = vector.extract_strided_slice %get3A_441 {offsets = [6], sizes = [1], strides = [1]} : vector<16xi32> to vector<1xi32>
    %squeeze3A_455 = vector.extract %slice3A_454[0] : i32 from vector<1xi32>
    %slice3A_456 = vector.extract_strided_slice %get3A_441 {offsets = [7], sizes = [1], strides = [1]} : vector<16xi32> to vector<1xi32>
    %squeeze3A_457 = vector.extract %slice3A_456[0] : i32 from vector<1xi32>
    %shift_right_arithmetic3A_458 = arith.constant 7 : i32
    %shift_right_arithmetic3A_459 = arith.shrsi %squeeze3A_443, %shift_right_arithmetic3A_458 : i32
    %mul3A_460 = arith.constant 128 : i32
    %mul3A_461 = arith.muli %shift_right_arithmetic3A_459, %mul3A_460 : i32
    %multiple_of3A_462 = tpu.assume_multiple %mul3A_461, 128 : i32
    %dma_start3A_463 = arith.constant 0 : i32
    %dma_start3A_464 = arith.constant 0 : i32
    %dma_start3A_465 = tpu.memref_slice %arg11[%dma_start3A_463, %dma_start3A_464] : memref<32x1024xf32, #tpu.memory_space<vmem>> -> memref<32x128xf32, #tpu.memory_space<vmem>>
    %dma_start3A_466 = arith.constant 0 : i32
    %dma_start3A_467 = tpu.memref_slice %arg5[%dma_start3A_466, %multiple_of3A_462] : memref<32x1000000xf32, #tpu.memory_space<hbm>> -> memref<32x128xf32, #tpu.memory_space<hbm>>
    %dma_start3A_468 = arith.constant 0 : i32
    %dma_start3A_469 = arith.constant 0 : i32
    %dma_start3A_470 = tpu.memref_slice %arg11[%dma_start3A_468, %dma_start3A_469] : memref<32x1024xf32, #tpu.memory_space<vmem>> -> memref<32x128xf32, #tpu.memory_space<vmem>>
    %dma_start3A_471 = arith.constant 0 : i32
    %dma_start3A_472 = tpu.memref_slice %arg5[%dma_start3A_471, %multiple_of3A_462] : memref<32x1000000xf32, #tpu.memory_space<hbm>> -> memref<32x128xf32, #tpu.memory_space<hbm>>
    tpu.enqueue_dma source(%dma_start3A_472 : memref<32x128xf32, #tpu.memory_space<hbm>>) target(%dma_start3A_470 : memref<32x128xf32, #tpu.memory_space<vmem>>) target_semaphore(%arg15 : memref<!tpu.dma_semaphore, #tpu.memory_space<semaphore_mem>>)
    %shift_right_arithmetic3A_473 = arith.constant 7 : i32
    %shift_right_arithmetic3A_474 = arith.shrsi %squeeze3A_445, %shift_right_arithmetic3A_473 : i32
    %mul3A_475 = arith.constant 128 : i32
    %mul3A_476 = arith.muli %shift_right_arithmetic3A_474, %mul3A_475 : i32
    %multiple_of3A_477 = tpu.assume_multiple %mul3A_476, 128 : i32
    %dma_start3A_478 = arith.constant 0 : i32
    %dma_start3A_479 = arith.constant 128 : i32
    %dma_start3A_480 = tpu.memref_slice %arg11[%dma_start3A_478, %dma_start3A_479] : memref<32x1024xf32, #tpu.memory_space<vmem>> -> memref<32x128xf32, #tpu.memory_space<vmem>>
    %dma_start3A_481 = arith.constant 0 : i32
    %dma_start3A_482 = tpu.memref_slice %arg5[%dma_start3A_481, %multiple_of3A_477] : memref<32x1000000xf32, #tpu.memory_space<hbm>> -> memref<32x128xf32, #tpu.memory_space<hbm>>
    %dma_start3A_483 = arith.constant 0 : i32
    %dma_start3A_484 = arith.constant 128 : i32
    %dma_start3A_485 = tpu.memref_slice %arg11[%dma_start3A_483, %dma_start3A_484] : memref<32x1024xf32, #tpu.memory_space<vmem>> -> memref<32x128xf32, #tpu.memory_space<vmem>>
    %dma_start3A_486 = arith.constant 0 : i32
    %dma_start3A_487 = tpu.memref_slice %arg5[%dma_start3A_486, %multiple_of3A_477] : memref<32x1000000xf32, #tpu.memory_space<hbm>> -> memref<32x128xf32, #tpu.memory_space<hbm>>
    tpu.enqueue_dma source(%dma_start3A_487 : memref<32x128xf32, #tpu.memory_space<hbm>>) target(%dma_start3A_485 : memref<32x128xf32, #tpu.memory_space<vmem>>) target_semaphore(%arg15 : memref<!tpu.dma_semaphore, #tpu.memory_space<semaphore_mem>>)
    %shift_right_arithmetic3A_488 = arith.constant 7 : i32
    %shift_right_arithmetic3A_489 = arith.shrsi %squeeze3A_447, %shift_right_arithmetic3A_488 : i32
    %mul3A_490 = arith.constant 128 : i32
    %mul3A_491 = arith.muli %shift_right_arithmetic3A_489, %mul3A_490 : i32
    %multiple_of3A_492 = tpu.assume_multiple %mul3A_491, 128 : i32
    %dma_start3A_493 = arith.constant 0 : i32
    %dma_start3A_494 = arith.constant 256 : i32
    %dma_start3A_495 = tpu.memref_slice %arg11[%dma_start3A_493, %dma_start3A_494] : memref<32x1024xf32, #tpu.memory_space<vmem>> -> memref<32x128xf32, #tpu.memory_space<vmem>>
    %dma_start3A_496 = arith.constant 0 : i32
    %dma_start3A_497 = tpu.memref_slice %arg5[%dma_start3A_496, %multiple_of3A_492] : memref<32x1000000xf32, #tpu.memory_space<hbm>> -> memref<32x128xf32, #tpu.memory_space<hbm>>
    %dma_start3A_498 = arith.constant 0 : i32
    %dma_start3A_499 = arith.constant 256 : i32
    %dma_start3A_500 = tpu.memref_slice %arg11[%dma_start3A_498, %dma_start3A_499] : memref<32x1024xf32, #tpu.memory_space<vmem>> -> memref<32x128xf32, #tpu.memory_space<vmem>>
    %dma_start3A_501 = arith.constant 0 : i32
    %dma_start3A_502 = tpu.memref_slice %arg5[%dma_start3A_501, %multiple_of3A_492] : memref<32x1000000xf32, #tpu.memory_space<hbm>> -> memref<32x128xf32, #tpu.memory_space<hbm>>
    tpu.enqueue_dma source(%dma_start3A_502 : memref<32x128xf32, #tpu.memory_space<hbm>>) target(%dma_start3A_500 : memref<32x128xf32, #tpu.memory_space<vmem>>) target_semaphore(%arg15 : memref<!tpu.dma_semaphore, #tpu.memory_space<semaphore_mem>>)
    %shift_right_arithmetic3A_503 = arith.constant 7 : i32
    %shift_right_arithmetic3A_504 = arith.shrsi %squeeze3A_449, %shift_right_arithmetic3A_503 : i32
    %mul3A_505 = arith.constant 128 : i32
    %mul3A_506 = arith.muli %shift_right_arithmetic3A_504, %mul3A_505 : i32
    %multiple_of3A_507 = tpu.assume_multiple %mul3A_506, 128 : i32
    %dma_start3A_508 = arith.constant 0 : i32
    %dma_start3A_509 = arith.constant 384 : i32
    %dma_start3A_510 = tpu.memref_slice %arg11[%dma_start3A_508, %dma_start3A_509] : memref<32x1024xf32, #tpu.memory_space<vmem>> -> memref<32x128xf32, #tpu.memory_space<vmem>>
    %dma_start3A_511 = arith.constant 0 : i32
    %dma_start3A_512 = tpu.memref_slice %arg5[%dma_start3A_511, %multiple_of3A_507] : memref<32x1000000xf32, #tpu.memory_space<hbm>> -> memref<32x128xf32, #tpu.memory_space<hbm>>
    %dma_start3A_513 = arith.constant 0 : i32
    %dma_start3A_514 = arith.constant 384 : i32
    %dma_start3A_515 = tpu.memref_slice %arg11[%dma_start3A_513, %dma_start3A_514] : memref<32x1024xf32, #tpu.memory_space<vmem>> -> memref<32x128xf32, #tpu.memory_space<vmem>>
    %dma_start3A_516 = arith.constant 0 : i32
    %dma_start3A_517 = tpu.memref_slice %arg5[%dma_start3A_516, %multiple_of3A_507] : memref<32x1000000xf32, #tpu.memory_space<hbm>> -> memref<32x128xf32, #tpu.memory_space<hbm>>
    tpu.enqueue_dma source(%dma_start3A_517 : memref<32x128xf32, #tpu.memory_space<hbm>>) target(%dma_start3A_515 : memref<32x128xf32, #tpu.memory_space<vmem>>) target_semaphore(%arg15 : memref<!tpu.dma_semaphore, #tpu.memory_space<semaphore_mem>>)
    %shift_right_arithmetic3A_518 = arith.constant 7 : i32
    %shift_right_arithmetic3A_519 = arith.shrsi %squeeze3A_451, %shift_right_arithmetic3A_518 : i32
    %mul3A_520 = arith.constant 128 : i32
    %mul3A_521 = arith.muli %shift_right_arithmetic3A_519, %mul3A_520 : i32
    %multiple_of3A_522 = tpu.assume_multiple %mul3A_521, 128 : i32
    %dma_start3A_523 = arith.constant 0 : i32
    %dma_start3A_524 = arith.constant 512 : i32
    %dma_start3A_525 = tpu.memref_slice %arg11[%dma_start3A_523, %dma_start3A_524] : memref<32x1024xf32, #tpu.memory_space<vmem>> -> memref<32x128xf32, #tpu.memory_space<vmem>>
    %dma_start3A_526 = arith.constant 0 : i32
    %dma_start3A_527 = tpu.memref_slice %arg5[%dma_start3A_526, %multiple_of3A_522] : memref<32x1000000xf32, #tpu.memory_space<hbm>> -> memref<32x128xf32, #tpu.memory_space<hbm>>
    %dma_start3A_528 = arith.constant 0 : i32
    %dma_start3A_529 = arith.constant 512 : i32
    %dma_start3A_530 = tpu.memref_slice %arg11[%dma_start3A_528, %dma_start3A_529] : memref<32x1024xf32, #tpu.memory_space<vmem>> -> memref<32x128xf32, #tpu.memory_space<vmem>>
    %dma_start3A_531 = arith.constant 0 : i32
    %dma_start3A_532 = tpu.memref_slice %arg5[%dma_start3A_531, %multiple_of3A_522] : memref<32x1000000xf32, #tpu.memory_space<hbm>> -> memref<32x128xf32, #tpu.memory_space<hbm>>
    tpu.enqueue_dma source(%dma_start3A_532 : memref<32x128xf32, #tpu.memory_space<hbm>>) target(%dma_start3A_530 : memref<32x128xf32, #tpu.memory_space<vmem>>) target_semaphore(%arg15 : memref<!tpu.dma_semaphore, #tpu.memory_space<semaphore_mem>>)
    %shift_right_arithmetic3A_533 = arith.constant 7 : i32
    %shift_right_arithmetic3A_534 = arith.shrsi %squeeze3A_453, %shift_right_arithmetic3A_533 : i32
    %mul3A_535 = arith.constant 128 : i32
    %mul3A_536 = arith.muli %shift_right_arithmetic3A_534, %mul3A_535 : i32
    %multiple_of3A_537 = tpu.assume_multiple %mul3A_536, 128 : i32
    %dma_start3A_538 = arith.constant 0 : i32
    %dma_start3A_539 = arith.constant 640 : i32
    %dma_start3A_540 = tpu.memref_slice %arg11[%dma_start3A_538, %dma_start3A_539] : memref<32x1024xf32, #tpu.memory_space<vmem>> -> memref<32x128xf32, #tpu.memory_space<vmem>>
    %dma_start3A_541 = arith.constant 0 : i32
    %dma_start3A_542 = tpu.memref_slice %arg5[%dma_start3A_541, %multiple_of3A_537] : memref<32x1000000xf32, #tpu.memory_space<hbm>> -> memref<32x128xf32, #tpu.memory_space<hbm>>
    %dma_start3A_543 = arith.constant 0 : i32
    %dma_start3A_544 = arith.constant 640 : i32
    %dma_start3A_545 = tpu.memref_slice %arg11[%dma_start3A_543, %dma_start3A_544] : memref<32x1024xf32, #tpu.memory_space<vmem>> -> memref<32x128xf32, #tpu.memory_space<vmem>>
    %dma_start3A_546 = arith.constant 0 : i32
    %dma_start3A_547 = tpu.memref_slice %arg5[%dma_start3A_546, %multiple_of3A_537] : memref<32x1000000xf32, #tpu.memory_space<hbm>> -> memref<32x128xf32, #tpu.memory_space<hbm>>
    tpu.enqueue_dma source(%dma_start3A_547 : memref<32x128xf32, #tpu.memory_space<hbm>>) target(%dma_start3A_545 : memref<32x128xf32, #tpu.memory_space<vmem>>) target_semaphore(%arg15 : memref<!tpu.dma_semaphore, #tpu.memory_space<semaphore_mem>>)
    %shift_right_arithmetic3A_548 = arith.constant 7 : i32
    %shift_right_arithmetic3A_549 = arith.shrsi %squeeze3A_455, %shift_right_arithmetic3A_548 : i32
    %mul3A_550 = arith.constant 128 : i32
    %mul3A_551 = arith.muli %shift_right_arithmetic3A_549, %mul3A_550 : i32
    %multiple_of3A_552 = tpu.assume_multiple %mul3A_551, 128 : i32
    %dma_start3A_553 = arith.constant 0 : i32
    %dma_start3A_554 = arith.constant 768 : i32
    %dma_start3A_555 = tpu.memref_slice %arg11[%dma_start3A_553, %dma_start3A_554] : memref<32x1024xf32, #tpu.memory_space<vmem>> -> memref<32x128xf32, #tpu.memory_space<vmem>>
    %dma_start3A_556 = arith.constant 0 : i32
    %dma_start3A_557 = tpu.memref_slice %arg5[%dma_start3A_556, %multiple_of3A_552] : memref<32x1000000xf32, #tpu.memory_space<hbm>> -> memref<32x128xf32, #tpu.memory_space<hbm>>
    %dma_start3A_558 = arith.constant 0 : i32
    %dma_start3A_559 = arith.constant 768 : i32
    %dma_start3A_560 = tpu.memref_slice %arg11[%dma_start3A_558, %dma_start3A_559] : memref<32x1024xf32, #tpu.memory_space<vmem>> -> memref<32x128xf32, #tpu.memory_space<vmem>>
    %dma_start3A_561 = arith.constant 0 : i32
    %dma_start3A_562 = tpu.memref_slice %arg5[%dma_start3A_561, %multiple_of3A_552] : memref<32x1000000xf32, #tpu.memory_space<hbm>> -> memref<32x128xf32, #tpu.memory_space<hbm>>
    tpu.enqueue_dma source(%dma_start3A_562 : memref<32x128xf32, #tpu.memory_space<hbm>>) target(%dma_start3A_560 : memref<32x128xf32, #tpu.memory_space<vmem>>) target_semaphore(%arg15 : memref<!tpu.dma_semaphore, #tpu.memory_space<semaphore_mem>>)
    %shift_right_arithmetic3A_563 = arith.constant 7 : i32
    %shift_right_arithmetic3A_564 = arith.shrsi %squeeze3A_457, %shift_right_arithmetic3A_563 : i32
    %mul3A_565 = arith.constant 128 : i32
    %mul3A_566 = arith.muli %shift_right_arithmetic3A_564, %mul3A_565 : i32
    %multiple_of3A_567 = tpu.assume_multiple %mul3A_566, 128 : i32
    %dma_start3A_568 = arith.constant 0 : i32
    %dma_start3A_569 = arith.constant 896 : i32
    %dma_start3A_570 = tpu.memref_slice %arg11[%dma_start3A_568, %dma_start3A_569] : memref<32x1024xf32, #tpu.memory_space<vmem>> -> memref<32x128xf32, #tpu.memory_space<vmem>>
    %dma_start3A_571 = arith.constant 0 : i32
    %dma_start3A_572 = tpu.memref_slice %arg5[%dma_start3A_571, %multiple_of3A_567] : memref<32x1000000xf32, #tpu.memory_space<hbm>> -> memref<32x128xf32, #tpu.memory_space<hbm>>
    %dma_start3A_573 = arith.constant 0 : i32
    %dma_start3A_574 = arith.constant 896 : i32
    %dma_start3A_575 = tpu.memref_slice %arg11[%dma_start3A_573, %dma_start3A_574] : memref<32x1024xf32, #tpu.memory_space<vmem>> -> memref<32x128xf32, #tpu.memory_space<vmem>>
    %dma_start3A_576 = arith.constant 0 : i32
    %dma_start3A_577 = tpu.memref_slice %arg5[%dma_start3A_576, %multiple_of3A_567] : memref<32x1000000xf32, #tpu.memory_space<hbm>> -> memref<32x128xf32, #tpu.memory_space<hbm>>
    tpu.enqueue_dma source(%dma_start3A_577 : memref<32x128xf32, #tpu.memory_space<hbm>>) target(%dma_start3A_575 : memref<32x128xf32, #tpu.memory_space<vmem>>) target_semaphore(%arg15 : memref<!tpu.dma_semaphore, #tpu.memory_space<semaphore_mem>>)
    %scan3A_578 = arith.constant 0 : i32
    %scan3A_579 = arith.constant 0 : i32
    %scan3A_580 = arith.constant 22 : i32
    %scan3A_581 = arith.addi %scan3A_579, %scan3A_580 : i32
    %scan3A_582 = arith.constant 1 : i32
    %scan3A_583 = scf.for %scan3A_597 = %scan3A_579 to %scan3A_581 step %scan3A_582 iter_args(%scan3A_598 = %scan3A_578) -> (i32)  : i32 {
      %mul3A_599 = arith.constant 3 : i32
      %mul3A_600 = arith.muli %mul3A_599, %scan3A_597 : i32
      %add3A_601 = arith.constant 0 : i32
      %add3A_602 = arith.addi %mul3A_600, %add3A_601 : i32
      %add3A_603 = arith.constant 2 : i32
      %add3A_604 = arith.addi %add3A_602, %add3A_603 : i32
      %min3A = arith.constant 63 : i32
      %min3A_605 = arith.minsi %add3A_604, %min3A : i32
      %mul3A_606 = arith.constant 8 : i32
      %mul3A_607 = arith.muli %min3A_605, %mul3A_606 : i32
      %multiple_of3A_608 = tpu.assume_multiple %mul3A_607, 8 : i32
      %get3A_609 = arith.index_cast %multiple_of3A_608 : i32 to index
      %get3A_610 = tpu.vector_load %arg9[%get3A_609] {strides = array<i32>} : memref<528xi32, #tpu.memory_space<vmem>>, vector<16xi32>,
      %slice3A_611 = vector.extract_strided_slice %get3A_610 {offsets = [0], sizes = [1], strides = [1]} : vector<16xi32> to vector<1xi32>
      %squeeze3A_612 = vector.extract %slice3A_611[0] : i32 from vector<1xi32>
      %slice3A_613 = vector.extract_strided_slice %get3A_610 {offsets = [1], sizes = [1], strides = [1]} : vector<16xi32> to vector<1xi32>
      %squeeze3A_614 = vector.extract %slice3A_613[0] : i32 from vector<1xi32>
      %slice3A_615 = vector.extract_strided_slice %get3A_610 {offsets = [2], sizes = [1], strides = [1]} : vector<16xi32> to vector<1xi32>
      %squeeze3A_616 = vector.extract %slice3A_615[0] : i32 from vector<1xi32>
      %slice3A_617 = vector.extract_strided_slice %get3A_610 {offsets = [3], sizes = [1], strides = [1]} : vector<16xi32> to vector<1xi32>
      %squeeze3A_618 = vector.extract %slice3A_617[0] : i32 from vector<1xi32>
      %slice3A_619 = vector.extract_strided_slice %get3A_610 {offsets = [4], sizes = [1], strides = [1]} : vector<16xi32> to vector<1xi32>
      %squeeze3A_620 = vector.extract %slice3A_619[0] : i32 from vector<1xi32>
      %slice3A_621 = vector.extract_strided_slice %get3A_610 {offsets = [5], sizes = [1], strides = [1]} : vector<16xi32> to vector<1xi32>
      %squeeze3A_622 = vector.extract %slice3A_621[0] : i32 from vector<1xi32>
      %slice3A_623 = vector.extract_strided_slice %get3A_610 {offsets = [6], sizes = [1], strides = [1]} : vector<16xi32> to vector<1xi32>
      %squeeze3A_624 = vector.extract %slice3A_623[0] : i32 from vector<1xi32>
      %slice3A_625 = vector.extract_strided_slice %get3A_610 {offsets = [7], sizes = [1], strides = [1]} : vector<16xi32> to vector<1xi32>
      %squeeze3A_626 = vector.extract %slice3A_625[0] : i32 from vector<1xi32>
      %shift_right_arithmetic3A_627 = arith.constant 7 : i32
      %shift_right_arithmetic3A_628 = arith.shrsi %squeeze3A_612, %shift_right_arithmetic3A_627 : i32
      %mul3A_629 = arith.constant 128 : i32
      %mul3A_630 = arith.muli %shift_right_arithmetic3A_628, %mul3A_629 : i32
      %multiple_of3A_631 = tpu.assume_multiple %mul3A_630, 128 : i32
      %dma_start3A_632 = arith.constant 0 : i32
      %dma_start3A_633 = arith.constant 0 : i32
      %dma_start3A_634 = tpu.memref_slice %arg12[%dma_start3A_632, %dma_start3A_633] : memref<32x1024xf32, #tpu.memory_space<vmem>> -> memref<32x128xf32, #tpu.memory_space<vmem>>
      %dma_start3A_635 = arith.constant 0 : i32
      %dma_start3A_636 = tpu.memref_slice %arg5[%dma_start3A_635, %multiple_of3A_631] : memref<32x1000000xf32, #tpu.memory_space<hbm>> -> memref<32x128xf32, #tpu.memory_space<hbm>>
      %dma_start3A_637 = arith.constant 0 : i32
      %dma_start3A_638 = arith.constant 0 : i32
      %dma_start3A_639 = tpu.memref_slice %arg12[%dma_start3A_637, %dma_start3A_638] : memref<32x1024xf32, #tpu.memory_space<vmem>> -> memref<32x128xf32, #tpu.memory_space<vmem>>
      %dma_start3A_640 = arith.constant 0 : i32
      %dma_start3A_641 = tpu.memref_slice %arg5[%dma_start3A_640, %multiple_of3A_631] : memref<32x1000000xf32, #tpu.memory_space<hbm>> -> memref<32x128xf32, #tpu.memory_space<hbm>>
      tpu.enqueue_dma source(%dma_start3A_641 : memref<32x128xf32, #tpu.memory_space<hbm>>) target(%dma_start3A_639 : memref<32x128xf32, #tpu.memory_space<vmem>>) target_semaphore(%arg16 : memref<!tpu.dma_semaphore, #tpu.memory_space<semaphore_mem>>)
      %shift_right_arithmetic3A_642 = arith.constant 7 : i32
      %shift_right_arithmetic3A_643 = arith.shrsi %squeeze3A_614, %shift_right_arithmetic3A_642 : i32
      %mul3A_644 = arith.constant 128 : i32
      %mul3A_645 = arith.muli %shift_right_arithmetic3A_643, %mul3A_644 : i32
      %multiple_of3A_646 = tpu.assume_multiple %mul3A_645, 128 : i32
      %dma_start3A_647 = arith.constant 0 : i32
      %dma_start3A_648 = arith.constant 128 : i32
      %dma_start3A_649 = tpu.memref_slice %arg12[%dma_start3A_647, %dma_start3A_648] : memref<32x1024xf32, #tpu.memory_space<vmem>> -> memref<32x128xf32, #tpu.memory_space<vmem>>
      %dma_start3A_650 = arith.constant 0 : i32
      %dma_start3A_651 = tpu.memref_slice %arg5[%dma_start3A_650, %multiple_of3A_646] : memref<32x1000000xf32, #tpu.memory_space<hbm>> -> memref<32x128xf32, #tpu.memory_space<hbm>>
      %dma_start3A_652 = arith.constant 0 : i32
      %dma_start3A_653 = arith.constant 128 : i32
      %dma_start3A_654 = tpu.memref_slice %arg12[%dma_start3A_652, %dma_start3A_653] : memref<32x1024xf32, #tpu.memory_space<vmem>> -> memref<32x128xf32, #tpu.memory_space<vmem>>
      %dma_start3A_655 = arith.constant 0 : i32
      %dma_start3A_656 = tpu.memref_slice %arg5[%dma_start3A_655, %multiple_of3A_646] : memref<32x1000000xf32, #tpu.memory_space<hbm>> -> memref<32x128xf32, #tpu.memory_space<hbm>>
      tpu.enqueue_dma source(%dma_start3A_656 : memref<32x128xf32, #tpu.memory_space<hbm>>) target(%dma_start3A_654 : memref<32x128xf32, #tpu.memory_space<vmem>>) target_semaphore(%arg16 : memref<!tpu.dma_semaphore, #tpu.memory_space<semaphore_mem>>)
      %shift_right_arithmetic3A_657 = arith.constant 7 : i32
      %shift_right_arithmetic3A_658 = arith.shrsi %squeeze3A_616, %shift_right_arithmetic3A_657 : i32
      %mul3A_659 = arith.constant 128 : i32
      %mul3A_660 = arith.muli %shift_right_arithmetic3A_658, %mul3A_659 : i32
      %multiple_of3A_661 = tpu.assume_multiple %mul3A_660, 128 : i32
      %dma_start3A_662 = arith.constant 0 : i32
      %dma_start3A_663 = arith.constant 256 : i32
      %dma_start3A_664 = tpu.memref_slice %arg12[%dma_start3A_662, %dma_start3A_663] : memref<32x1024xf32, #tpu.memory_space<vmem>> -> memref<32x128xf32, #tpu.memory_space<vmem>>
      %dma_start3A_665 = arith.constant 0 : i32
      %dma_start3A_666 = tpu.memref_slice %arg5[%dma_start3A_665, %multiple_of3A_661] : memref<32x1000000xf32, #tpu.memory_space<hbm>> -> memref<32x128xf32, #tpu.memory_space<hbm>>
      %dma_start3A_667 = arith.constant 0 : i32
      %dma_start3A_668 = arith.constant 256 : i32
      %dma_start3A_669 = tpu.memref_slice %arg12[%dma_start3A_667, %dma_start3A_668] : memref<32x1024xf32, #tpu.memory_space<vmem>> -> memref<32x128xf32, #tpu.memory_space<vmem>>
      %dma_start3A_670 = arith.constant 0 : i32
      %dma_start3A_671 = tpu.memref_slice %arg5[%dma_start3A_670, %multiple_of3A_661] : memref<32x1000000xf32, #tpu.memory_space<hbm>> -> memref<32x128xf32, #tpu.memory_space<hbm>>
      tpu.enqueue_dma source(%dma_start3A_671 : memref<32x128xf32, #tpu.memory_space<hbm>>) target(%dma_start3A_669 : memref<32x128xf32, #tpu.memory_space<vmem>>) target_semaphore(%arg16 : memref<!tpu.dma_semaphore, #tpu.memory_space<semaphore_mem>>)
      %shift_right_arithmetic3A_672 = arith.constant 7 : i32
      %shift_right_arithmetic3A_673 = arith.shrsi %squeeze3A_618, %shift_right_arithmetic3A_672 : i32
      %mul3A_674 = arith.constant 128 : i32
      %mul3A_675 = arith.muli %shift_right_arithmetic3A_673, %mul3A_674 : i32
      %multiple_of3A_676 = tpu.assume_multiple %mul3A_675, 128 : i32
      %dma_start3A_677 = arith.constant 0 : i32
      %dma_start3A_678 = arith.constant 384 : i32
      %dma_start3A_679 = tpu.memref_slice %arg12[%dma_start3A_677, %dma_start3A_678] : memref<32x1024xf32, #tpu.memory_space<vmem>> -> memref<32x128xf32, #tpu.memory_space<vmem>>
      %dma_start3A_680 = arith.constant 0 : i32
      %dma_start3A_681 = tpu.memref_slice %arg5[%dma_start3A_680, %multiple_of3A_676] : memref<32x1000000xf32, #tpu.memory_space<hbm>> -> memref<32x128xf32, #tpu.memory_space<hbm>>
      %dma_start3A_682 = arith.constant 0 : i32
      %dma_start3A_683 = arith.constant 384 : i32
      %dma_start3A_684 = tpu.memref_slice %arg12[%dma_start3A_682, %dma_start3A_683] : memref<32x1024xf32, #tpu.memory_space<vmem>> -> memref<32x128xf32, #tpu.memory_space<vmem>>
      %dma_start3A_685 = arith.constant 0 : i32
      %dma_start3A_686 = tpu.memref_slice %arg5[%dma_start3A_685, %multiple_of3A_676] : memref<32x1000000xf32, #tpu.memory_space<hbm>> -> memref<32x128xf32, #tpu.memory_space<hbm>>
      tpu.enqueue_dma source(%dma_start3A_686 : memref<32x128xf32, #tpu.memory_space<hbm>>) target(%dma_start3A_684 : memref<32x128xf32, #tpu.memory_space<vmem>>) target_semaphore(%arg16 : memref<!tpu.dma_semaphore, #tpu.memory_space<semaphore_mem>>)
      %shift_right_arithmetic3A_687 = arith.constant 7 : i32
      %shift_right_arithmetic3A_688 = arith.shrsi %squeeze3A_620, %shift_right_arithmetic3A_687 : i32
      %mul3A_689 = arith.constant 128 : i32
      %mul3A_690 = arith.muli %shift_right_arithmetic3A_688, %mul3A_689 : i32
      %multiple_of3A_691 = tpu.assume_multiple %mul3A_690, 128 : i32
      %dma_start3A_692 = arith.constant 0 : i32
      %dma_start3A_693 = arith.constant 512 : i32
      %dma_start3A_694 = tpu.memref_slice %arg12[%dma_start3A_692, %dma_start3A_693] : memref<32x1024xf32, #tpu.memory_space<vmem>> -> memref<32x128xf32, #tpu.memory_space<vmem>>
      %dma_start3A_695 = arith.constant 0 : i32
      %dma_start3A_696 = tpu.memref_slice %arg5[%dma_start3A_695, %multiple_of3A_691] : memref<32x1000000xf32, #tpu.memory_space<hbm>> -> memref<32x128xf32, #tpu.memory_space<hbm>>
      %dma_start3A_697 = arith.constant 0 : i32
      %dma_start3A_698 = arith.constant 512 : i32
      %dma_start3A_699 = tpu.memref_slice %arg12[%dma_start3A_697, %dma_start3A_698] : memref<32x1024xf32, #tpu.memory_space<vmem>> -> memref<32x128xf32, #tpu.memory_space<vmem>>
      %dma_start3A_700 = arith.constant 0 : i32
      %dma_start3A_701 = tpu.memref_slice %arg5[%dma_start3A_700, %multiple_of3A_691] : memref<32x1000000xf32, #tpu.memory_space<hbm>> -> memref<32x128xf32, #tpu.memory_space<hbm>>
      tpu.enqueue_dma source(%dma_start3A_701 : memref<32x128xf32, #tpu.memory_space<hbm>>) target(%dma_start3A_699 : memref<32x128xf32, #tpu.memory_space<vmem>>) target_semaphore(%arg16 : memref<!tpu.dma_semaphore, #tpu.memory_space<semaphore_mem>>)
      %shift_right_arithmetic3A_702 = arith.constant 7 : i32
      %shift_right_arithmetic3A_703 = arith.shrsi %squeeze3A_622, %shift_right_arithmetic3A_702 : i32
      %mul3A_704 = arith.constant 128 : i32
      %mul3A_705 = arith.muli %shift_right_arithmetic3A_703, %mul3A_704 : i32
      %multiple_of3A_706 = tpu.assume_multiple %mul3A_705, 128 : i32
      %dma_start3A_707 = arith.constant 0 : i32
      %dma_start3A_708 = arith.constant 640 : i32
      %dma_start3A_709 = tpu.memref_slice %arg12[%dma_start3A_707, %dma_start3A_708] : memref<32x1024xf32, #tpu.memory_space<vmem>> -> memref<32x128xf32, #tpu.memory_space<vmem>>
      %dma_start3A_710 = arith.constant 0 : i32
      %dma_start3A_711 = tpu.memref_slice %arg5[%dma_start3A_710, %multiple_of3A_706] : memref<32x1000000xf32, #tpu.memory_space<hbm>> -> memref<32x128xf32, #tpu.memory_space<hbm>>
      %dma_start3A_712 = arith.constant 0 : i32
      %dma_start3A_713 = arith.constant 640 : i32
      %dma_start3A_714 = tpu.memref_slice %arg12[%dma_start3A_712, %dma_start3A_713] : memref<32x1024xf32, #tpu.memory_space<vmem>> -> memref<32x128xf32, #tpu.memory_space<vmem>>
      %dma_start3A_715 = arith.constant 0 : i32
      %dma_start3A_716 = tpu.memref_slice %arg5[%dma_start3A_715, %multiple_of3A_706] : memref<32x1000000xf32, #tpu.memory_space<hbm>> -> memref<32x128xf32, #tpu.memory_space<hbm>>
      tpu.enqueue_dma source(%dma_start3A_716 : memref<32x128xf32, #tpu.memory_space<hbm>>) target(%dma_start3A_714 : memref<32x128xf32, #tpu.memory_space<vmem>>) target_semaphore(%arg16 : memref<!tpu.dma_semaphore, #tpu.memory_space<semaphore_mem>>)
      %shift_right_arithmetic3A_717 = arith.constant 7 : i32
      %shift_right_arithmetic3A_718 = arith.shrsi %squeeze3A_624, %shift_right_arithmetic3A_717 : i32
      %mul3A_719 = arith.constant 128 : i32
      %mul3A_720 = arith.muli %shift_right_arithmetic3A_718, %mul3A_719 : i32
      %multiple_of3A_721 = tpu.assume_multiple %mul3A_720, 128 : i32
      %dma_start3A_722 = arith.constant 0 : i32
      %dma_start3A_723 = arith.constant 768 : i32
      %dma_start3A_724 = tpu.memref_slice %arg12[%dma_start3A_722, %dma_start3A_723] : memref<32x1024xf32, #tpu.memory_space<vmem>> -> memref<32x128xf32, #tpu.memory_space<vmem>>
      %dma_start3A_725 = arith.constant 0 : i32
      %dma_start3A_726 = tpu.memref_slice %arg5[%dma_start3A_725, %multiple_of3A_721] : memref<32x1000000xf32, #tpu.memory_space<hbm>> -> memref<32x128xf32, #tpu.memory_space<hbm>>
      %dma_start3A_727 = arith.constant 0 : i32
      %dma_start3A_728 = arith.constant 768 : i32
      %dma_start3A_729 = tpu.memref_slice %arg12[%dma_start3A_727, %dma_start3A_728] : memref<32x1024xf32, #tpu.memory_space<vmem>> -> memref<32x128xf32, #tpu.memory_space<vmem>>
      %dma_start3A_730 = arith.constant 0 : i32
      %dma_start3A_731 = tpu.memref_slice %arg5[%dma_start3A_730, %multiple_of3A_721] : memref<32x1000000xf32, #tpu.memory_space<hbm>> -> memref<32x128xf32, #tpu.memory_space<hbm>>
      tpu.enqueue_dma source(%dma_start3A_731 : memref<32x128xf32, #tpu.memory_space<hbm>>) target(%dma_start3A_729 : memref<32x128xf32, #tpu.memory_space<vmem>>) target_semaphore(%arg16 : memref<!tpu.dma_semaphore, #tpu.memory_space<semaphore_mem>>)
      %shift_right_arithmetic3A_732 = arith.constant 7 : i32
      %shift_right_arithmetic3A_733 = arith.shrsi %squeeze3A_626, %shift_right_arithmetic3A_732 : i32
      %mul3A_734 = arith.constant 128 : i32
      %mul3A_735 = arith.muli %shift_right_arithmetic3A_733, %mul3A_734 : i32
      %multiple_of3A_736 = tpu.assume_multiple %mul3A_735, 128 : i32
      %dma_start3A_737 = arith.constant 0 : i32
      %dma_start3A_738 = arith.constant 896 : i32
      %dma_start3A_739 = tpu.memref_slice %arg12[%dma_start3A_737, %dma_start3A_738] : memref<32x1024xf32, #tpu.memory_space<vmem>> -> memref<32x128xf32, #tpu.memory_space<vmem>>
      %dma_start3A_740 = arith.constant 0 : i32
      %dma_start3A_741 = tpu.memref_slice %arg5[%dma_start3A_740, %multiple_of3A_736] : memref<32x1000000xf32, #tpu.memory_space<hbm>> -> memref<32x128xf32, #tpu.memory_space<hbm>>
      %dma_start3A_742 = arith.constant 0 : i32
      %dma_start3A_743 = arith.constant 896 : i32
      %dma_start3A_744 = tpu.memref_slice %arg12[%dma_start3A_742, %dma_start3A_743] : memref<32x1024xf32, #tpu.memory_space<vmem>> -> memref<32x128xf32, #tpu.memory_space<vmem>>
      %dma_start3A_745 = arith.constant 0 : i32
      %dma_start3A_746 = tpu.memref_slice %arg5[%dma_start3A_745, %multiple_of3A_736] : memref<32x1000000xf32, #tpu.memory_space<hbm>> -> memref<32x128xf32, #tpu.memory_space<hbm>>
      tpu.enqueue_dma source(%dma_start3A_746 : memref<32x128xf32, #tpu.memory_space<hbm>>) target(%dma_start3A_744 : memref<32x128xf32, #tpu.memory_space<vmem>>) target_semaphore(%arg16 : memref<!tpu.dma_semaphore, #tpu.memory_space<semaphore_mem>>)
      %dma_wait3A_747 = arith.constant 0 : i32
      %dma_wait3A_748 = arith.constant 0 : i32
      %dma_wait3A_749 = tpu.memref_slice %arg5[%dma_wait3A_747, %dma_wait3A_748] : memref<32x1000000xf32, #tpu.memory_space<hbm>> -> memref<32x1024xf32, #tpu.memory_space<hbm>>
      %dma_wait3A_750 = arith.constant 0 : i32
      %dma_wait3A_751 = arith.constant 0 : i32
      %dma_wait3A_752 = tpu.memref_slice %arg5[%dma_wait3A_750, %dma_wait3A_751] : memref<32x1000000xf32, #tpu.memory_space<hbm>> -> memref<32x1024xf32, #tpu.memory_space<hbm>>
      tpu.wait_dma2 semaphore(%arg14 : memref<!tpu.dma_semaphore, #tpu.memory_space<semaphore_mem>>) src(%dma_wait3A_752 : memref<32x1024xf32, #tpu.memory_space<hbm>>) dst(%arg10 : memref<32x1024xf32, #tpu.memory_space<vmem>>)
      %min3A_753 = arith.constant 63 : i32
      %min3A_754 = arith.minsi %add3A_602, %min3A_753 : i32
      %mul3A_755 = arith.constant 8 : i32
      %mul3A_756 = arith.muli %min3A_754, %mul3A_755 : i32
      %multiple_of3A_757 = tpu.assume_multiple %mul3A_756, 8 : i32
      %get3A_758 = arith.index_cast %multiple_of3A_757 : i32 to index
      %get3A_759 = tpu.vector_load %arg9[%get3A_758] {strides = array<i32>} : memref<528xi32, #tpu.memory_space<vmem>>, vector<16xi32>,
      %slice3A_760 = vector.extract_strided_slice %get3A_759 {offsets = [0], sizes = [1], strides = [1]} : vector<16xi32> to vector<1xi32>
      %squeeze3A_761 = vector.extract %slice3A_760[0] : i32 from vector<1xi32>
      %slice3A_762 = vector.extract_strided_slice %get3A_759 {offsets = [1], sizes = [1], strides = [1]} : vector<16xi32> to vector<1xi32>
      %squeeze3A_763 = vector.extract %slice3A_762[0] : i32 from vector<1xi32>
      %slice3A_764 = vector.extract_strided_slice %get3A_759 {offsets = [2], sizes = [1], strides = [1]} : vector<16xi32> to vector<1xi32>
      %squeeze3A_765 = vector.extract %slice3A_764[0] : i32 from vector<1xi32>
      %slice3A_766 = vector.extract_strided_slice %get3A_759 {offsets = [3], sizes = [1], strides = [1]} : vector<16xi32> to vector<1xi32>
      %squeeze3A_767 = vector.extract %slice3A_766[0] : i32 from vector<1xi32>
      %slice3A_768 = vector.extract_strided_slice %get3A_759 {offsets = [4], sizes = [1], strides = [1]} : vector<16xi32> to vector<1xi32>
      %squeeze3A_769 = vector.extract %slice3A_768[0] : i32 from vector<1xi32>
      %slice3A_770 = vector.extract_strided_slice %get3A_759 {offsets = [5], sizes = [1], strides = [1]} : vector<16xi32> to vector<1xi32>
      %squeeze3A_771 = vector.extract %slice3A_770[0] : i32 from vector<1xi32>
      %slice3A_772 = vector.extract_strided_slice %get3A_759 {offsets = [6], sizes = [1], strides = [1]} : vector<16xi32> to vector<1xi32>
      %squeeze3A_773 = vector.extract %slice3A_772[0] : i32 from vector<1xi32>
      %slice3A_774 = vector.extract_strided_slice %get3A_759 {offsets = [7], sizes = [1], strides = [1]} : vector<16xi32> to vector<1xi32>
      %squeeze3A_775 = vector.extract %slice3A_774[0] : i32 from vector<1xi32>
      %and3A = arith.constant 127 : i32
      %and3A_776 = arith.andi %squeeze3A_761, %and3A : i32
      %add3A_777 = arith.constant 0 : i32
      %add3A_778 = arith.addi %and3A_776, %add3A_777 : i32
      %broadcast_in_dim3A = vector.broadcast %add3A_778 : i32 to vector<16xi32>
      %mul3A_779 = arith.constant 8 : i32
      %mul3A_780 = arith.muli %min3A_754, %mul3A_779 : i32
      %add3A_781 = arith.constant 0 : i32
      %add3A_782 = arith.addi %mul3A_780, %add3A_781 : i32
      %broadcast_in_dim3A_783 = vector.broadcast %add3A_782 : i32 to vector<16xi32>
      %gather3A = tpu.vector_load_idx %arg10[%iota3A, %broadcast_in_dim3A] : memref<32x1024xf32, #tpu.memory_space<vmem>>[vector<16xi32>, vector<16xi32>], vector<16xf32>,
      %gather3A_784 = tpu.vector_load_idx %arg10[%add3A_5, %broadcast_in_dim3A] : memref<32x1024xf32, #tpu.memory_space<vmem>>[vector<16xi32>, vector<16xi32>], vector<16xf32>,
      tpu.vector_store_idx %arg13[%iota3A, %broadcast_in_dim3A_783], %gather3A : memref<32x512xf32, #tpu.memory_space<vmem>>[vector<16xi32>, vector<16xi32>], vector<16xf32>,
      tpu.vector_store_idx %arg13[%add3A_5, %broadcast_in_dim3A_783], %gather3A_784 : memref<32x512xf32, #tpu.memory_space<vmem>>[vector<16xi32>, vector<16xi32>], vector<16xf32>,
      %and3A_785 = arith.constant 127 : i32
      %and3A_786 = arith.andi %squeeze3A_763, %and3A_785 : i32
      %add3A_787 = arith.constant 128 : i32
      %add3A_788 = arith.addi %and3A_786, %add3A_787 : i32
      %broadcast_in_dim3A_789 = vector.broadcast %add3A_788 : i32 to vector<16xi32>
      %mul3A_790 = arith.constant 8 : i32
      %mul3A_791 = arith.muli %min3A_754, %mul3A_790 : i32
      %add3A_792 = arith.constant 1 : i32
      %add3A_793 = arith.addi %mul3A_791, %add3A_792 : i32
      %broadcast_in_dim3A_794 = vector.broadcast %add3A_793 : i32 to vector<16xi32>
      %gather3A_795 = tpu.vector_load_idx %arg10[%iota3A, %broadcast_in_dim3A_789] : memref<32x1024xf32, #tpu.memory_space<vmem>>[vector<16xi32>, vector<16xi32>], vector<16xf32>,
      %gather3A_796 = tpu.vector_load_idx %arg10[%add3A_5, %broadcast_in_dim3A_789] : memref<32x1024xf32, #tpu.memory_space<vmem>>[vector<16xi32>, vector<16xi32>], vector<16xf32>,
      tpu.vector_store_idx %arg13[%iota3A, %broadcast_in_dim3A_794], %gather3A_795 : memref<32x512xf32, #tpu.memory_space<vmem>>[vector<16xi32>, vector<16xi32>], vector<16xf32>,
      tpu.vector_store_idx %arg13[%add3A_5, %broadcast_in_dim3A_794], %gather3A_796 : memref<32x512xf32, #tpu.memory_space<vmem>>[vector<16xi32>, vector<16xi32>], vector<16xf32>,
      %and3A_797 = arith.constant 127 : i32
      %and3A_798 = arith.andi %squeeze3A_765, %and3A_797 : i32
      %add3A_799 = arith.constant 256 : i32
      %add3A_800 = arith.addi %and3A_798, %add3A_799 : i32
      %broadcast_in_dim3A_801 = vector.broadcast %add3A_800 : i32 to vector<16xi32>
      %mul3A_802 = arith.constant 8 : i32
      %mul3A_803 = arith.muli %min3A_754, %mul3A_802 : i32
      %add3A_804 = arith.constant 2 : i32
      %add3A_805 = arith.addi %mul3A_803, %add3A_804 : i32
      %broadcast_in_dim3A_806 = vector.broadcast %add3A_805 : i32 to vector<16xi32>
      %gather3A_807 = tpu.vector_load_idx %arg10[%iota3A, %broadcast_in_dim3A_801] : memref<32x1024xf32, #tpu.memory_space<vmem>>[vector<16xi32>, vector<16xi32>], vector<16xf32>,
      %gather3A_808 = tpu.vector_load_idx %arg10[%add3A_5, %broadcast_in_dim3A_801] : memref<32x1024xf32, #tpu.memory_space<vmem>>[vector<16xi32>, vector<16xi32>], vector<16xf32>,
      tpu.vector_store_idx %arg13[%iota3A, %broadcast_in_dim3A_806], %gather3A_807 : memref<32x512xf32, #tpu.memory_space<vmem>>[vector<16xi32>, vector<16xi32>], vector<16xf32>,
      tpu.vector_store_idx %arg13[%add3A_5, %broadcast_in_dim3A_806], %gather3A_808 : memref<32x512xf32, #tpu.memory_space<vmem>>[vector<16xi32>, vector<16xi32>], vector<16xf32>,
      %and3A_809 = arith.constant 127 : i32
      %and3A_810 = arith.andi %squeeze3A_767, %and3A_809 : i32
      %add3A_811 = arith.constant 384 : i32
      %add3A_812 = arith.addi %and3A_810, %add3A_811 : i32
      %broadcast_in_dim3A_813 = vector.broadcast %add3A_812 : i32 to vector<16xi32>
      %mul3A_814 = arith.constant 8 : i32
      %mul3A_815 = arith.muli %min3A_754, %mul3A_814 : i32
      %add3A_816 = arith.constant 3 : i32
      %add3A_817 = arith.addi %mul3A_815, %add3A_816 : i32
      %broadcast_in_dim3A_818 = vector.broadcast %add3A_817 : i32 to vector<16xi32>
      %gather3A_819 = tpu.vector_load_idx %arg10[%iota3A, %broadcast_in_dim3A_813] : memref<32x1024xf32, #tpu.memory_space<vmem>>[vector<16xi32>, vector<16xi32>], vector<16xf32>,
      %gather3A_820 = tpu.vector_load_idx %arg10[%add3A_5, %broadcast_in_dim3A_813] : memref<32x1024xf32, #tpu.memory_space<vmem>>[vector<16xi32>, vector<16xi32>], vector<16xf32>,
      tpu.vector_store_idx %arg13[%iota3A, %broadcast_in_dim3A_818], %gather3A_819 : memref<32x512xf32, #tpu.memory_space<vmem>>[vector<16xi32>, vector<16xi32>], vector<16xf32>,
      tpu.vector_store_idx %arg13[%add3A_5, %broadcast_in_dim3A_818], %gather3A_820 : memref<32x512xf32, #tpu.memory_space<vmem>>[vector<16xi32>, vector<16xi32>], vector<16xf32>,
      %and3A_821 = arith.constant 127 : i32
      %and3A_822 = arith.andi %squeeze3A_769, %and3A_821 : i32
      %add3A_823 = arith.constant 512 : i32
      %add3A_824 = arith.addi %and3A_822, %add3A_823 : i32
      %broadcast_in_dim3A_825 = vector.broadcast %add3A_824 : i32 to vector<16xi32>
      %mul3A_826 = arith.constant 8 : i32
      %mul3A_827 = arith.muli %min3A_754, %mul3A_826 : i32
      %add3A_828 = arith.constant 4 : i32
      %add3A_829 = arith.addi %mul3A_827, %add3A_828 : i32
      %broadcast_in_dim3A_830 = vector.broadcast %add3A_829 : i32 to vector<16xi32>
      %gather3A_831 = tpu.vector_load_idx %arg10[%iota3A, %broadcast_in_dim3A_825] : memref<32x1024xf32, #tpu.memory_space<vmem>>[vector<16xi32>, vector<16xi32>], vector<16xf32>,
      %gather3A_832 = tpu.vector_load_idx %arg10[%add3A_5, %broadcast_in_dim3A_825] : memref<32x1024xf32, #tpu.memory_space<vmem>>[vector<16xi32>, vector<16xi32>], vector<16xf32>,
      tpu.vector_store_idx %arg13[%iota3A, %broadcast_in_dim3A_830], %gather3A_831 : memref<32x512xf32, #tpu.memory_space<vmem>>[vector<16xi32>, vector<16xi32>], vector<16xf32>,
      tpu.vector_store_idx %arg13[%add3A_5, %broadcast_in_dim3A_830], %gather3A_832 : memref<32x512xf32, #tpu.memory_space<vmem>>[vector<16xi32>, vector<16xi32>], vector<16xf32>,
      %and3A_833 = arith.constant 127 : i32
      %and3A_834 = arith.andi %squeeze3A_771, %and3A_833 : i32
      %add3A_835 = arith.constant 640 : i32
      %add3A_836 = arith.addi %and3A_834, %add3A_835 : i32
      %broadcast_in_dim3A_837 = vector.broadcast %add3A_836 : i32 to vector<16xi32>
      %mul3A_838 = arith.constant 8 : i32
      %mul3A_839 = arith.muli %min3A_754, %mul3A_838 : i32
      %add3A_840 = arith.constant 5 : i32
      %add3A_841 = arith.addi %mul3A_839, %add3A_840 : i32
      %broadcast_in_dim3A_842 = vector.broadcast %add3A_841 : i32 to vector<16xi32>
      %gather3A_843 = tpu.vector_load_idx %arg10[%iota3A, %broadcast_in_dim3A_837] : memref<32x1024xf32, #tpu.memory_space<vmem>>[vector<16xi32>, vector<16xi32>], vector<16xf32>,
      %gather3A_844 = tpu.vector_load_idx %arg10[%add3A_5, %broadcast_in_dim3A_837] : memref<32x1024xf32, #tpu.memory_space<vmem>>[vector<16xi32>, vector<16xi32>], vector<16xf32>,
      tpu.vector_store_idx %arg13[%iota3A, %broadcast_in_dim3A_842], %gather3A_843 : memref<32x512xf32, #tpu.memory_space<vmem>>[vector<16xi32>, vector<16xi32>], vector<16xf32>,
      tpu.vector_store_idx %arg13[%add3A_5, %broadcast_in_dim3A_842], %gather3A_844 : memref<32x512xf32, #tpu.memory_space<vmem>>[vector<16xi32>, vector<16xi32>], vector<16xf32>,
      %and3A_845 = arith.constant 127 : i32
      %and3A_846 = arith.andi %squeeze3A_773, %and3A_845 : i32
      %add3A_847 = arith.constant 768 : i32
      %add3A_848 = arith.addi %and3A_846, %add3A_847 : i32
      %broadcast_in_dim3A_849 = vector.broadcast %add3A_848 : i32 to vector<16xi32>
      %mul3A_850 = arith.constant 8 : i32
      %mul3A_851 = arith.muli %min3A_754, %mul3A_850 : i32
      %add3A_852 = arith.constant 6 : i32
      %add3A_853 = arith.addi %mul3A_851, %add3A_852 : i32
      %broadcast_in_dim3A_854 = vector.broadcast %add3A_853 : i32 to vector<16xi32>
      %gather3A_855 = tpu.vector_load_idx %arg10[%iota3A, %broadcast_in_dim3A_849] : memref<32x1024xf32, #tpu.memory_space<vmem>>[vector<16xi32>, vector<16xi32>], vector<16xf32>,
      %gather3A_856 = tpu.vector_load_idx %arg10[%add3A_5, %broadcast_in_dim3A_849] : memref<32x1024xf32, #tpu.memory_space<vmem>>[vector<16xi32>, vector<16xi32>], vector<16xf32>,
      tpu.vector_store_idx %arg13[%iota3A, %broadcast_in_dim3A_854], %gather3A_855 : memref<32x512xf32, #tpu.memory_space<vmem>>[vector<16xi32>, vector<16xi32>], vector<16xf32>,
      tpu.vector_store_idx %arg13[%add3A_5, %broadcast_in_dim3A_854], %gather3A_856 : memref<32x512xf32, #tpu.memory_space<vmem>>[vector<16xi32>, vector<16xi32>], vector<16xf32>,
      %and3A_857 = arith.constant 127 : i32
      %and3A_858 = arith.andi %squeeze3A_775, %and3A_857 : i32
      %add3A_859 = arith.constant 896 : i32
      %add3A_860 = arith.addi %and3A_858, %add3A_859 : i32
      %broadcast_in_dim3A_861 = vector.broadcast %add3A_860 : i32 to vector<16xi32>
      %mul3A_862 = arith.constant 8 : i32
      %mul3A_863 = arith.muli %min3A_754, %mul3A_862 : i32
      %add3A_864 = arith.constant 7 : i32
      %add3A_865 = arith.addi %mul3A_863, %add3A_864 : i32
      %broadcast_in_dim3A_866 = vector.broadcast %add3A_865 : i32 to vector<16xi32>
      %gather3A_867 = tpu.vector_load_idx %arg10[%iota3A, %broadcast_in_dim3A_861] : memref<32x1024xf32, #tpu.memory_space<vmem>>[vector<16xi32>, vector<16xi32>], vector<16xf32>,
      %gather3A_868 = tpu.vector_load_idx %arg10[%add3A_5, %broadcast_in_dim3A_861] : memref<32x1024xf32, #tpu.memory_space<vmem>>[vector<16xi32>, vector<16xi32>], vector<16xf32>,
      tpu.vector_store_idx %arg13[%iota3A, %broadcast_in_dim3A_866], %gather3A_867 : memref<32x512xf32, #tpu.memory_space<vmem>>[vector<16xi32>, vector<16xi32>], vector<16xf32>,
      tpu.vector_store_idx %arg13[%add3A_5, %broadcast_in_dim3A_866], %gather3A_868 : memref<32x512xf32, #tpu.memory_space<vmem>>[vector<16xi32>, vector<16xi32>], vector<16xf32>,
      %mul3A_869 = arith.constant 3 : i32
      %mul3A_870 = arith.muli %mul3A_869, %scan3A_597 : i32
      %add3A_871 = arith.constant 1 : i32
      %add3A_872 = arith.addi %mul3A_870, %add3A_871 : i32
      %add3A_873 = arith.constant 2 : i32
      %add3A_874 = arith.addi %add3A_872, %add3A_873 : i32
      %min3A_875 = arith.constant 63 : i32
      %min3A_876 = arith.minsi %add3A_874, %min3A_875 : i32
      %mul3A_877 = arith.constant 8 : i32
      %mul3A_878 = arith.muli %min3A_876, %mul3A_877 : i32
      %multiple_of3A_879 = tpu.assume_multiple %mul3A_878, 8 : i32
      %get3A_880 = arith.index_cast %multiple_of3A_879 : i32 to index
      %get3A_881 = tpu.vector_load %arg9[%get3A_880] {strides = array<i32>} : memref<528xi32, #tpu.memory_space<vmem>>, vector<16xi32>,
      %slice3A_882 = vector.extract_strided_slice %get3A_881 {offsets = [0], sizes = [1], strides = [1]} : vector<16xi32> to vector<1xi32>
      %squeeze3A_883 = vector.extract %slice3A_882[0] : i32 from vector<1xi32>
      %slice3A_884 = vector.extract_strided_slice %get3A_881 {offsets = [1], sizes = [1], strides = [1]} : vector<16xi32> to vector<1xi32>
      %squeeze3A_885 = vector.extract %slice3A_884[0] : i32 from vector<1xi32>
      %slice3A_886 = vector.extract_strided_slice %get3A_881 {offsets = [2], sizes = [1], strides = [1]} : vector<16xi32> to vector<1xi32>
      %squeeze3A_887 = vector.extract %slice3A_886[0] : i32 from vector<1xi32>
      %slice3A_888 = vector.extract_strided_slice %get3A_881 {offsets = [3], sizes = [1], strides = [1]} : vector<16xi32> to vector<1xi32>
      %squeeze3A_889 = vector.extract %slice3A_888[0] : i32 from vector<1xi32>
      %slice3A_890 = vector.extract_strided_slice %get3A_881 {offsets = [4], sizes = [1], strides = [1]} : vector<16xi32> to vector<1xi32>
      %squeeze3A_891 = vector.extract %slice3A_890[0] : i32 from vector<1xi32>
      %slice3A_892 = vector.extract_strided_slice %get3A_881 {offsets = [5], sizes = [1], strides = [1]} : vector<16xi32> to vector<1xi32>
      %squeeze3A_893 = vector.extract %slice3A_892[0] : i32 from vector<1xi32>
      %slice3A_894 = vector.extract_strided_slice %get3A_881 {offsets = [6], sizes = [1], strides = [1]} : vector<16xi32> to vector<1xi32>
      %squeeze3A_895 = vector.extract %slice3A_894[0] : i32 from vector<1xi32>
      %slice3A_896 = vector.extract_strided_slice %get3A_881 {offsets = [7], sizes = [1], strides = [1]} : vector<16xi32> to vector<1xi32>
      %squeeze3A_897 = vector.extract %slice3A_896[0] : i32 from vector<1xi32>
      %shift_right_arithmetic3A_898 = arith.constant 7 : i32
      %shift_right_arithmetic3A_899 = arith.shrsi %squeeze3A_883, %shift_right_arithmetic3A_898 : i32
      %mul3A_900 = arith.constant 128 : i32
      %mul3A_901 = arith.muli %shift_right_arithmetic3A_899, %mul3A_900 : i32
      %multiple_of3A_902 = tpu.assume_multiple %mul3A_901, 128 : i32
      %dma_start3A_903 = arith.constant 0 : i32
      %dma_start3A_904 = arith.constant 0 : i32
      %dma_start3A_905 = tpu.memref_slice %arg10[%dma_start3A_903, %dma_start3A_904] : memref<32x1024xf32, #tpu.memory_space<vmem>> -> memref<32x128xf32, #tpu.memory_space<vmem>>
      %dma_start3A_906 = arith.constant 0 : i32
      %dma_start3A_907 = tpu.memref_slice %arg5[%dma_start3A_906, %multiple_of3A_902] : memref<32x1000000xf32, #tpu.memory_space<hbm>> -> memref<32x128xf32, #tpu.memory_space<hbm>>
      %dma_start3A_908 = arith.constant 0 : i32
      %dma_start3A_909 = arith.constant 0 : i32
      %dma_start3A_910 = tpu.memref_slice %arg10[%dma_start3A_908, %dma_start3A_909] : memref<32x1024xf32, #tpu.memory_space<vmem>> -> memref<32x128xf32, #tpu.memory_space<vmem>>
      %dma_start3A_911 = arith.constant 0 : i32
      %dma_start3A_912 = tpu.memref_slice %arg5[%dma_start3A_911, %multiple_of3A_902] : memref<32x1000000xf32, #tpu.memory_space<hbm>> -> memref<32x128xf32, #tpu.memory_space<hbm>>
      tpu.enqueue_dma source(%dma_start3A_912 : memref<32x128xf32, #tpu.memory_space<hbm>>) target(%dma_start3A_910 : memref<32x128xf32, #tpu.memory_space<vmem>>) target_semaphore(%arg14 : memref<!tpu.dma_semaphore, #tpu.memory_space<semaphore_mem>>)
      %shift_right_arithmetic3A_913 = arith.constant 7 : i32
      %shift_right_arithmetic3A_914 = arith.shrsi %squeeze3A_885, %shift_right_arithmetic3A_913 : i32
      %mul3A_915 = arith.constant 128 : i32
      %mul3A_916 = arith.muli %shift_right_arithmetic3A_914, %mul3A_915 : i32
      %multiple_of3A_917 = tpu.assume_multiple %mul3A_916, 128 : i32
      %dma_start3A_918 = arith.constant 0 : i32
      %dma_start3A_919 = arith.constant 128 : i32
      %dma_start3A_920 = tpu.memref_slice %arg10[%dma_start3A_918, %dma_start3A_919] : memref<32x1024xf32, #tpu.memory_space<vmem>> -> memref<32x128xf32, #tpu.memory_space<vmem>>
      %dma_start3A_921 = arith.constant 0 : i32
      %dma_start3A_922 = tpu.memref_slice %arg5[%dma_start3A_921, %multiple_of3A_917] : memref<32x1000000xf32, #tpu.memory_space<hbm>> -> memref<32x128xf32, #tpu.memory_space<hbm>>
      %dma_start3A_923 = arith.constant 0 : i32
      %dma_start3A_924 = arith.constant 128 : i32
      %dma_start3A_925 = tpu.memref_slice %arg10[%dma_start3A_923, %dma_start3A_924] : memref<32x1024xf32, #tpu.memory_space<vmem>> -> memref<32x128xf32, #tpu.memory_space<vmem>>
      %dma_start3A_926 = arith.constant 0 : i32
      %dma_start3A_927 = tpu.memref_slice %arg5[%dma_start3A_926, %multiple_of3A_917] : memref<32x1000000xf32, #tpu.memory_space<hbm>> -> memref<32x128xf32, #tpu.memory_space<hbm>>
      tpu.enqueue_dma source(%dma_start3A_927 : memref<32x128xf32, #tpu.memory_space<hbm>>) target(%dma_start3A_925 : memref<32x128xf32, #tpu.memory_space<vmem>>) target_semaphore(%arg14 : memref<!tpu.dma_semaphore, #tpu.memory_space<semaphore_mem>>)
      %shift_right_arithmetic3A_928 = arith.constant 7 : i32
      %shift_right_arithmetic3A_929 = arith.shrsi %squeeze3A_887, %shift_right_arithmetic3A_928 : i32
      %mul3A_930 = arith.constant 128 : i32
      %mul3A_931 = arith.muli %shift_right_arithmetic3A_929, %mul3A_930 : i32
      %multiple_of3A_932 = tpu.assume_multiple %mul3A_931, 128 : i32
      %dma_start3A_933 = arith.constant 0 : i32
      %dma_start3A_934 = arith.constant 256 : i32
      %dma_start3A_935 = tpu.memref_slice %arg10[%dma_start3A_933, %dma_start3A_934] : memref<32x1024xf32, #tpu.memory_space<vmem>> -> memref<32x128xf32, #tpu.memory_space<vmem>>
      %dma_start3A_936 = arith.constant 0 : i32
      %dma_start3A_937 = tpu.memref_slice %arg5[%dma_start3A_936, %multiple_of3A_932] : memref<32x1000000xf32, #tpu.memory_space<hbm>> -> memref<32x128xf32, #tpu.memory_space<hbm>>
      %dma_start3A_938 = arith.constant 0 : i32
      %dma_start3A_939 = arith.constant 256 : i32
      %dma_start3A_940 = tpu.memref_slice %arg10[%dma_start3A_938, %dma_start3A_939] : memref<32x1024xf32, #tpu.memory_space<vmem>> -> memref<32x128xf32, #tpu.memory_space<vmem>>
      %dma_start3A_941 = arith.constant 0 : i32
      %dma_start3A_942 = tpu.memref_slice %arg5[%dma_start3A_941, %multiple_of3A_932] : memref<32x1000000xf32, #tpu.memory_space<hbm>> -> memref<32x128xf32, #tpu.memory_space<hbm>>
      tpu.enqueue_dma source(%dma_start3A_942 : memref<32x128xf32, #tpu.memory_space<hbm>>) target(%dma_start3A_940 : memref<32x128xf32, #tpu.memory_space<vmem>>) target_semaphore(%arg14 : memref<!tpu.dma_semaphore, #tpu.memory_space<semaphore_mem>>)
      %shift_right_arithmetic3A_943 = arith.constant 7 : i32
      %shift_right_arithmetic3A_944 = arith.shrsi %squeeze3A_889, %shift_right_arithmetic3A_943 : i32
      %mul3A_945 = arith.constant 128 : i32
      %mul3A_946 = arith.muli %shift_right_arithmetic3A_944, %mul3A_945 : i32
      %multiple_of3A_947 = tpu.assume_multiple %mul3A_946, 128 : i32
      %dma_start3A_948 = arith.constant 0 : i32
      %dma_start3A_949 = arith.constant 384 : i32
      %dma_start3A_950 = tpu.memref_slice %arg10[%dma_start3A_948, %dma_start3A_949] : memref<32x1024xf32, #tpu.memory_space<vmem>> -> memref<32x128xf32, #tpu.memory_space<vmem>>
      %dma_start3A_951 = arith.constant 0 : i32
      %dma_start3A_952 = tpu.memref_slice %arg5[%dma_start3A_951, %multiple_of3A_947] : memref<32x1000000xf32, #tpu.memory_space<hbm>> -> memref<32x128xf32, #tpu.memory_space<hbm>>
      %dma_start3A_953 = arith.constant 0 : i32
      %dma_start3A_954 = arith.constant 384 : i32
      %dma_start3A_955 = tpu.memref_slice %arg10[%dma_start3A_953, %dma_start3A_954] : memref<32x1024xf32, #tpu.memory_space<vmem>> -> memref<32x128xf32, #tpu.memory_space<vmem>>
      %dma_start3A_956 = arith.constant 0 : i32
      %dma_start3A_957 = tpu.memref_slice %arg5[%dma_start3A_956, %multiple_of3A_947] : memref<32x1000000xf32, #tpu.memory_space<hbm>> -> memref<32x128xf32, #tpu.memory_space<hbm>>
      tpu.enqueue_dma source(%dma_start3A_957 : memref<32x128xf32, #tpu.memory_space<hbm>>) target(%dma_start3A_955 : memref<32x128xf32, #tpu.memory_space<vmem>>) target_semaphore(%arg14 : memref<!tpu.dma_semaphore, #tpu.memory_space<semaphore_mem>>)
      %shift_right_arithmetic3A_958 = arith.constant 7 : i32
      %shift_right_arithmetic3A_959 = arith.shrsi %squeeze3A_891, %shift_right_arithmetic3A_958 : i32
      %mul3A_960 = arith.constant 128 : i32
      %mul3A_961 = arith.muli %shift_right_arithmetic3A_959, %mul3A_960 : i32
      %multiple_of3A_962 = tpu.assume_multiple %mul3A_961, 128 : i32
      %dma_start3A_963 = arith.constant 0 : i32
      %dma_start3A_964 = arith.constant 512 : i32
      %dma_start3A_965 = tpu.memref_slice %arg10[%dma_start3A_963, %dma_start3A_964] : memref<32x1024xf32, #tpu.memory_space<vmem>> -> memref<32x128xf32, #tpu.memory_space<vmem>>
      %dma_start3A_966 = arith.constant 0 : i32
      %dma_start3A_967 = tpu.memref_slice %arg5[%dma_start3A_966, %multiple_of3A_962] : memref<32x1000000xf32, #tpu.memory_space<hbm>> -> memref<32x128xf32, #tpu.memory_space<hbm>>
      %dma_start3A_968 = arith.constant 0 : i32
      %dma_start3A_969 = arith.constant 512 : i32
      %dma_start3A_970 = tpu.memref_slice %arg10[%dma_start3A_968, %dma_start3A_969] : memref<32x1024xf32, #tpu.memory_space<vmem>> -> memref<32x128xf32, #tpu.memory_space<vmem>>
      %dma_start3A_971 = arith.constant 0 : i32
      %dma_start3A_972 = tpu.memref_slice %arg5[%dma_start3A_971, %multiple_of3A_962] : memref<32x1000000xf32, #tpu.memory_space<hbm>> -> memref<32x128xf32, #tpu.memory_space<hbm>>
      tpu.enqueue_dma source(%dma_start3A_972 : memref<32x128xf32, #tpu.memory_space<hbm>>) target(%dma_start3A_970 : memref<32x128xf32, #tpu.memory_space<vmem>>) target_semaphore(%arg14 : memref<!tpu.dma_semaphore, #tpu.memory_space<semaphore_mem>>)
      %shift_right_arithmetic3A_973 = arith.constant 7 : i32
      %shift_right_arithmetic3A_974 = arith.shrsi %squeeze3A_893, %shift_right_arithmetic3A_973 : i32
      %mul3A_975 = arith.constant 128 : i32
      %mul3A_976 = arith.muli %shift_right_arithmetic3A_974, %mul3A_975 : i32
      %multiple_of3A_977 = tpu.assume_multiple %mul3A_976, 128 : i32
      %dma_start3A_978 = arith.constant 0 : i32
      %dma_start3A_979 = arith.constant 640 : i32
      %dma_start3A_980 = tpu.memref_slice %arg10[%dma_start3A_978, %dma_start3A_979] : memref<32x1024xf32, #tpu.memory_space<vmem>> -> memref<32x128xf32, #tpu.memory_space<vmem>>
      %dma_start3A_981 = arith.constant 0 : i32
      %dma_start3A_982 = tpu.memref_slice %arg5[%dma_start3A_981, %multiple_of3A_977] : memref<32x1000000xf32, #tpu.memory_space<hbm>> -> memref<32x128xf32, #tpu.memory_space<hbm>>
      %dma_start3A_983 = arith.constant 0 : i32
      %dma_start3A_984 = arith.constant 640 : i32
      %dma_start3A_985 = tpu.memref_slice %arg10[%dma_start3A_983, %dma_start3A_984] : memref<32x1024xf32, #tpu.memory_space<vmem>> -> memref<32x128xf32, #tpu.memory_space<vmem>>
      %dma_start3A_986 = arith.constant 0 : i32
      %dma_start3A_987 = tpu.memref_slice %arg5[%dma_start3A_986, %multiple_of3A_977] : memref<32x1000000xf32, #tpu.memory_space<hbm>> -> memref<32x128xf32, #tpu.memory_space<hbm>>
      tpu.enqueue_dma source(%dma_start3A_987 : memref<32x128xf32, #tpu.memory_space<hbm>>) target(%dma_start3A_985 : memref<32x128xf32, #tpu.memory_space<vmem>>) target_semaphore(%arg14 : memref<!tpu.dma_semaphore, #tpu.memory_space<semaphore_mem>>)
      %shift_right_arithmetic3A_988 = arith.constant 7 : i32
      %shift_right_arithmetic3A_989 = arith.shrsi %squeeze3A_895, %shift_right_arithmetic3A_988 : i32
      %mul3A_990 = arith.constant 128 : i32
      %mul3A_991 = arith.muli %shift_right_arithmetic3A_989, %mul3A_990 : i32
      %multiple_of3A_992 = tpu.assume_multiple %mul3A_991, 128 : i32
      %dma_start3A_993 = arith.constant 0 : i32
      %dma_start3A_994 = arith.constant 768 : i32
      %dma_start3A_995 = tpu.memref_slice %arg10[%dma_start3A_993, %dma_start3A_994] : memref<32x1024xf32, #tpu.memory_space<vmem>> -> memref<32x128xf32, #tpu.memory_space<vmem>>
      %dma_start3A_996 = arith.constant 0 : i32
      %dma_start3A_997 = tpu.memref_slice %arg5[%dma_start3A_996, %multiple_of3A_992] : memref<32x1000000xf32, #tpu.memory_space<hbm>> -> memref<32x128xf32, #tpu.memory_space<hbm>>
      %dma_start3A_998 = arith.constant 0 : i32
      %dma_start3A_999 = arith.constant 768 : i32
      %dma_start3A_1000 = tpu.memref_slice %arg10[%dma_start3A_998, %dma_start3A_999] : memref<32x1024xf32, #tpu.memory_space<vmem>> -> memref<32x128xf32, #tpu.memory_space<vmem>>
      %dma_start3A_1001 = arith.constant 0 : i32
      %dma_start3A_1002 = tpu.memref_slice %arg5[%dma_start3A_1001, %multiple_of3A_992] : memref<32x1000000xf32, #tpu.memory_space<hbm>> -> memref<32x128xf32, #tpu.memory_space<hbm>>
      tpu.enqueue_dma source(%dma_start3A_1002 : memref<32x128xf32, #tpu.memory_space<hbm>>) target(%dma_start3A_1000 : memref<32x128xf32, #tpu.memory_space<vmem>>) target_semaphore(%arg14 : memref<!tpu.dma_semaphore, #tpu.memory_space<semaphore_mem>>)
      %shift_right_arithmetic3A_1003 = arith.constant 7 : i32
      %shift_right_arithmetic3A_1004 = arith.shrsi %squeeze3A_897, %shift_right_arithmetic3A_1003 : i32
      %mul3A_1005 = arith.constant 128 : i32
      %mul3A_1006 = arith.muli %shift_right_arithmetic3A_1004, %mul3A_1005 : i32
      %multiple_of3A_1007 = tpu.assume_multiple %mul3A_1006, 128 : i32
      %dma_start3A_1008 = arith.constant 0 : i32
      %dma_start3A_1009 = arith.constant 896 : i32
      %dma_start3A_1010 = tpu.memref_slice %arg10[%dma_start3A_1008, %dma_start3A_1009] : memref<32x1024xf32, #tpu.memory_space<vmem>> -> memref<32x128xf32, #tpu.memory_space<vmem>>
      %dma_start3A_1011 = arith.constant 0 : i32
      %dma_start3A_1012 = tpu.memref_slice %arg5[%dma_start3A_1011, %multiple_of3A_1007] : memref<32x1000000xf32, #tpu.memory_space<hbm>> -> memref<32x128xf32, #tpu.memory_space<hbm>>
      %dma_start3A_1013 = arith.constant 0 : i32
      %dma_start3A_1014 = arith.constant 896 : i32
      %dma_start3A_1015 = tpu.memref_slice %arg10[%dma_start3A_1013, %dma_start3A_1014] : memref<32x1024xf32, #tpu.memory_space<vmem>> -> memref<32x128xf32, #tpu.memory_space<vmem>>
      %dma_start3A_1016 = arith.constant 0 : i32
      %dma_start3A_1017 = tpu.memref_slice %arg5[%dma_start3A_1016, %multiple_of3A_1007] : memref<32x1000000xf32, #tpu.memory_space<hbm>> -> memref<32x128xf32, #tpu.memory_space<hbm>>
      tpu.enqueue_dma source(%dma_start3A_1017 : memref<32x128xf32, #tpu.memory_space<hbm>>) target(%dma_start3A_1015 : memref<32x128xf32, #tpu.memory_space<vmem>>) target_semaphore(%arg14 : memref<!tpu.dma_semaphore, #tpu.memory_space<semaphore_mem>>)
      %dma_wait3A_1018 = arith.constant 0 : i32
      %dma_wait3A_1019 = arith.constant 0 : i32
      %dma_wait3A_1020 = tpu.memref_slice %arg5[%dma_wait3A_1018, %dma_wait3A_1019] : memref<32x1000000xf32, #tpu.memory_space<hbm>> -> memref<32x1024xf32, #tpu.memory_space<hbm>>
      %dma_wait3A_1021 = arith.constant 0 : i32
      %dma_wait3A_1022 = arith.constant 0 : i32
      %dma_wait3A_1023 = tpu.memref_slice %arg5[%dma_wait3A_1021, %dma_wait3A_1022] : memref<32x1000000xf32, #tpu.memory_space<hbm>> -> memref<32x1024xf32, #tpu.memory_space<hbm>>
      tpu.wait_dma2 semaphore(%arg15 : memref<!tpu.dma_semaphore, #tpu.memory_space<semaphore_mem>>) src(%dma_wait3A_1023 : memref<32x1024xf32, #tpu.memory_space<hbm>>) dst(%arg11 : memref<32x1024xf32, #tpu.memory_space<vmem>>)
      %min3A_1024 = arith.constant 63 : i32
      %min3A_1025 = arith.minsi %add3A_872, %min3A_1024 : i32
      %mul3A_1026 = arith.constant 8 : i32
      %mul3A_1027 = arith.muli %min3A_1025, %mul3A_1026 : i32
      %multiple_of3A_1028 = tpu.assume_multiple %mul3A_1027, 8 : i32
      %get3A_1029 = arith.index_cast %multiple_of3A_1028 : i32 to index
      %get3A_1030 = tpu.vector_load %arg9[%get3A_1029] {strides = array<i32>} : memref<528xi32, #tpu.memory_space<vmem>>, vector<16xi32>,
      %slice3A_1031 = vector.extract_strided_slice %get3A_1030 {offsets = [0], sizes = [1], strides = [1]} : vector<16xi32> to vector<1xi32>
      %squeeze3A_1032 = vector.extract %slice3A_1031[0] : i32 from vector<1xi32>
      %slice3A_1033 = vector.extract_strided_slice %get3A_1030 {offsets = [1], sizes = [1], strides = [1]} : vector<16xi32> to vector<1xi32>
      %squeeze3A_1034 = vector.extract %slice3A_1033[0] : i32 from vector<1xi32>
      %slice3A_1035 = vector.extract_strided_slice %get3A_1030 {offsets = [2], sizes = [1], strides = [1]} : vector<16xi32> to vector<1xi32>
      %squeeze3A_1036 = vector.extract %slice3A_1035[0] : i32 from vector<1xi32>
      %slice3A_1037 = vector.extract_strided_slice %get3A_1030 {offsets = [3], sizes = [1], strides = [1]} : vector<16xi32> to vector<1xi32>
      %squeeze3A_1038 = vector.extract %slice3A_1037[0] : i32 from vector<1xi32>
      %slice3A_1039 = vector.extract_strided_slice %get3A_1030 {offsets = [4], sizes = [1], strides = [1]} : vector<16xi32> to vector<1xi32>
      %squeeze3A_1040 = vector.extract %slice3A_1039[0] : i32 from vector<1xi32>
      %slice3A_1041 = vector.extract_strided_slice %get3A_1030 {offsets = [5], sizes = [1], strides = [1]} : vector<16xi32> to vector<1xi32>
      %squeeze3A_1042 = vector.extract %slice3A_1041[0] : i32 from vector<1xi32>
      %slice3A_1043 = vector.extract_strided_slice %get3A_1030 {offsets = [6], sizes = [1], strides = [1]} : vector<16xi32> to vector<1xi32>
      %squeeze3A_1044 = vector.extract %slice3A_1043[0] : i32 from vector<1xi32>
      %slice3A_1045 = vector.extract_strided_slice %get3A_1030 {offsets = [7], sizes = [1], strides = [1]} : vector<16xi32> to vector<1xi32>
      %squeeze3A_1046 = vector.extract %slice3A_1045[0] : i32 from vector<1xi32>
      %and3A_1047 = arith.constant 127 : i32
      %and3A_1048 = arith.andi %squeeze3A_1032, %and3A_1047 : i32
      %add3A_1049 = arith.constant 0 : i32
      %add3A_1050 = arith.addi %and3A_1048, %add3A_1049 : i32
      %broadcast_in_dim3A_1051 = vector.broadcast %add3A_1050 : i32 to vector<16xi32>
      %mul3A_1052 = arith.constant 8 : i32
      %mul3A_1053 = arith.muli %min3A_1025, %mul3A_1052 : i32
      %add3A_1054 = arith.constant 0 : i32
      %add3A_1055 = arith.addi %mul3A_1053, %add3A_1054 : i32
      %broadcast_in_dim3A_1056 = vector.broadcast %add3A_1055 : i32 to vector<16xi32>
      %gather3A_1057 = tpu.vector_load_idx %arg11[%iota3A, %broadcast_in_dim3A_1051] : memref<32x1024xf32, #tpu.memory_space<vmem>>[vector<16xi32>, vector<16xi32>], vector<16xf32>,
      %gather3A_1058 = tpu.vector_load_idx %arg11[%add3A_5, %broadcast_in_dim3A_1051] : memref<32x1024xf32, #tpu.memory_space<vmem>>[vector<16xi32>, vector<16xi32>], vector<16xf32>,
      tpu.vector_store_idx %arg13[%iota3A, %broadcast_in_dim3A_1056], %gather3A_1057 : memref<32x512xf32, #tpu.memory_space<vmem>>[vector<16xi32>, vector<16xi32>], vector<16xf32>,
      tpu.vector_store_idx %arg13[%add3A_5, %broadcast_in_dim3A_1056], %gather3A_1058 : memref<32x512xf32, #tpu.memory_space<vmem>>[vector<16xi32>, vector<16xi32>], vector<16xf32>,
      %and3A_1059 = arith.constant 127 : i32
      %and3A_1060 = arith.andi %squeeze3A_1034, %and3A_1059 : i32
      %add3A_1061 = arith.constant 128 : i32
      %add3A_1062 = arith.addi %and3A_1060, %add3A_1061 : i32
      %broadcast_in_dim3A_1063 = vector.broadcast %add3A_1062 : i32 to vector<16xi32>
      %mul3A_1064 = arith.constant 8 : i32
      %mul3A_1065 = arith.muli %min3A_1025, %mul3A_1064 : i32
      %add3A_1066 = arith.constant 1 : i32
      %add3A_1067 = arith.addi %mul3A_1065, %add3A_1066 : i32
      %broadcast_in_dim3A_1068 = vector.broadcast %add3A_1067 : i32 to vector<16xi32>
      %gather3A_1069 = tpu.vector_load_idx %arg11[%iota3A, %broadcast_in_dim3A_1063] : memref<32x1024xf32, #tpu.memory_space<vmem>>[vector<16xi32>, vector<16xi32>], vector<16xf32>,
      %gather3A_1070 = tpu.vector_load_idx %arg11[%add3A_5, %broadcast_in_dim3A_1063] : memref<32x1024xf32, #tpu.memory_space<vmem>>[vector<16xi32>, vector<16xi32>], vector<16xf32>,
      tpu.vector_store_idx %arg13[%iota3A, %broadcast_in_dim3A_1068], %gather3A_1069 : memref<32x512xf32, #tpu.memory_space<vmem>>[vector<16xi32>, vector<16xi32>], vector<16xf32>,
      tpu.vector_store_idx %arg13[%add3A_5, %broadcast_in_dim3A_1068], %gather3A_1070 : memref<32x512xf32, #tpu.memory_space<vmem>>[vector<16xi32>, vector<16xi32>], vector<16xf32>,
      %and3A_1071 = arith.constant 127 : i32
      %and3A_1072 = arith.andi %squeeze3A_1036, %and3A_1071 : i32
      %add3A_1073 = arith.constant 256 : i32
      %add3A_1074 = arith.addi %and3A_1072, %add3A_1073 : i32
      %broadcast_in_dim3A_1075 = vector.broadcast %add3A_1074 : i32 to vector<16xi32>
      %mul3A_1076 = arith.constant 8 : i32
      %mul3A_1077 = arith.muli %min3A_1025, %mul3A_1076 : i32
      %add3A_1078 = arith.constant 2 : i32
      %add3A_1079 = arith.addi %mul3A_1077, %add3A_1078 : i32
      %broadcast_in_dim3A_1080 = vector.broadcast %add3A_1079 : i32 to vector<16xi32>
      %gather3A_1081 = tpu.vector_load_idx %arg11[%iota3A, %broadcast_in_dim3A_1075] : memref<32x1024xf32, #tpu.memory_space<vmem>>[vector<16xi32>, vector<16xi32>], vector<16xf32>,
      %gather3A_1082 = tpu.vector_load_idx %arg11[%add3A_5, %broadcast_in_dim3A_1075] : memref<32x1024xf32, #tpu.memory_space<vmem>>[vector<16xi32>, vector<16xi32>], vector<16xf32>,
      tpu.vector_store_idx %arg13[%iota3A, %broadcast_in_dim3A_1080], %gather3A_1081 : memref<32x512xf32, #tpu.memory_space<vmem>>[vector<16xi32>, vector<16xi32>], vector<16xf32>,
      tpu.vector_store_idx %arg13[%add3A_5, %broadcast_in_dim3A_1080], %gather3A_1082 : memref<32x512xf32, #tpu.memory_space<vmem>>[vector<16xi32>, vector<16xi32>], vector<16xf32>,
      %and3A_1083 = arith.constant 127 : i32
      %and3A_1084 = arith.andi %squeeze3A_1038, %and3A_1083 : i32
      %add3A_1085 = arith.constant 384 : i32
      %add3A_1086 = arith.addi %and3A_1084, %add3A_1085 : i32
      %broadcast_in_dim3A_1087 = vector.broadcast %add3A_1086 : i32 to vector<16xi32>
      %mul3A_1088 = arith.constant 8 : i32
      %mul3A_1089 = arith.muli %min3A_1025, %mul3A_1088 : i32
      %add3A_1090 = arith.constant 3 : i32
      %add3A_1091 = arith.addi %mul3A_1089, %add3A_1090 : i32
      %broadcast_in_dim3A_1092 = vector.broadcast %add3A_1091 : i32 to vector<16xi32>
      %gather3A_1093 = tpu.vector_load_idx %arg11[%iota3A, %broadcast_in_dim3A_1087] : memref<32x1024xf32, #tpu.memory_space<vmem>>[vector<16xi32>, vector<16xi32>], vector<16xf32>,
      %gather3A_1094 = tpu.vector_load_idx %arg11[%add3A_5, %broadcast_in_dim3A_1087] : memref<32x1024xf32, #tpu.memory_space<vmem>>[vector<16xi32>, vector<16xi32>], vector<16xf32>,
      tpu.vector_store_idx %arg13[%iota3A, %broadcast_in_dim3A_1092], %gather3A_1093 : memref<32x512xf32, #tpu.memory_space<vmem>>[vector<16xi32>, vector<16xi32>], vector<16xf32>,
      tpu.vector_store_idx %arg13[%add3A_5, %broadcast_in_dim3A_1092], %gather3A_1094 : memref<32x512xf32, #tpu.memory_space<vmem>>[vector<16xi32>, vector<16xi32>], vector<16xf32>,
      %and3A_1095 = arith.constant 127 : i32
      %and3A_1096 = arith.andi %squeeze3A_1040, %and3A_1095 : i32
      %add3A_1097 = arith.constant 512 : i32
      %add3A_1098 = arith.addi %and3A_1096, %add3A_1097 : i32
      %broadcast_in_dim3A_1099 = vector.broadcast %add3A_1098 : i32 to vector<16xi32>
      %mul3A_1100 = arith.constant 8 : i32
      %mul3A_1101 = arith.muli %min3A_1025, %mul3A_1100 : i32
      %add3A_1102 = arith.constant 4 : i32
      %add3A_1103 = arith.addi %mul3A_1101, %add3A_1102 : i32
      %broadcast_in_dim3A_1104 = vector.broadcast %add3A_1103 : i32 to vector<16xi32>
      %gather3A_1105 = tpu.vector_load_idx %arg11[%iota3A, %broadcast_in_dim3A_1099] : memref<32x1024xf32, #tpu.memory_space<vmem>>[vector<16xi32>, vector<16xi32>], vector<16xf32>,
      %gather3A_1106 = tpu.vector_load_idx %arg11[%add3A_5, %broadcast_in_dim3A_1099] : memref<32x1024xf32, #tpu.memory_space<vmem>>[vector<16xi32>, vector<16xi32>], vector<16xf32>,
      tpu.vector_store_idx %arg13[%iota3A, %broadcast_in_dim3A_1104], %gather3A_1105 : memref<32x512xf32, #tpu.memory_space<vmem>>[vector<16xi32>, vector<16xi32>], vector<16xf32>,
      tpu.vector_store_idx %arg13[%add3A_5, %broadcast_in_dim3A_1104], %gather3A_1106 : memref<32x512xf32, #tpu.memory_space<vmem>>[vector<16xi32>, vector<16xi32>], vector<16xf32>,
      %and3A_1107 = arith.constant 127 : i32
      %and3A_1108 = arith.andi %squeeze3A_1042, %and3A_1107 : i32
      %add3A_1109 = arith.constant 640 : i32
      %add3A_1110 = arith.addi %and3A_1108, %add3A_1109 : i32
      %broadcast_in_dim3A_1111 = vector.broadcast %add3A_1110 : i32 to vector<16xi32>
      %mul3A_1112 = arith.constant 8 : i32
      %mul3A_1113 = arith.muli %min3A_1025, %mul3A_1112 : i32
      %add3A_1114 = arith.constant 5 : i32
      %add3A_1115 = arith.addi %mul3A_1113, %add3A_1114 : i32
      %broadcast_in_dim3A_1116 = vector.broadcast %add3A_1115 : i32 to vector<16xi32>
      %gather3A_1117 = tpu.vector_load_idx %arg11[%iota3A, %broadcast_in_dim3A_1111] : memref<32x1024xf32, #tpu.memory_space<vmem>>[vector<16xi32>, vector<16xi32>], vector<16xf32>,
      %gather3A_1118 = tpu.vector_load_idx %arg11[%add3A_5, %broadcast_in_dim3A_1111] : memref<32x1024xf32, #tpu.memory_space<vmem>>[vector<16xi32>, vector<16xi32>], vector<16xf32>,
      tpu.vector_store_idx %arg13[%iota3A, %broadcast_in_dim3A_1116], %gather3A_1117 : memref<32x512xf32, #tpu.memory_space<vmem>>[vector<16xi32>, vector<16xi32>], vector<16xf32>,
      tpu.vector_store_idx %arg13[%add3A_5, %broadcast_in_dim3A_1116], %gather3A_1118 : memref<32x512xf32, #tpu.memory_space<vmem>>[vector<16xi32>, vector<16xi32>], vector<16xf32>,
      %and3A_1119 = arith.constant 127 : i32
      %and3A_1120 = arith.andi %squeeze3A_1044, %and3A_1119 : i32
      %add3A_1121 = arith.constant 768 : i32
      %add3A_1122 = arith.addi %and3A_1120, %add3A_1121 : i32
      %broadcast_in_dim3A_1123 = vector.broadcast %add3A_1122 : i32 to vector<16xi32>
      %mul3A_1124 = arith.constant 8 : i32
      %mul3A_1125 = arith.muli %min3A_1025, %mul3A_1124 : i32
      %add3A_1126 = arith.constant 6 : i32
      %add3A_1127 = arith.addi %mul3A_1125, %add3A_1126 : i32
      %broadcast_in_dim3A_1128 = vector.broadcast %add3A_1127 : i32 to vector<16xi32>
      %gather3A_1129 = tpu.vector_load_idx %arg11[%iota3A, %broadcast_in_dim3A_1123] : memref<32x1024xf32, #tpu.memory_space<vmem>>[vector<16xi32>, vector<16xi32>], vector<16xf32>,
      %gather3A_1130 = tpu.vector_load_idx %arg11[%add3A_5, %broadcast_in_dim3A_1123] : memref<32x1024xf32, #tpu.memory_space<vmem>>[vector<16xi32>, vector<16xi32>], vector<16xf32>,
      tpu.vector_store_idx %arg13[%iota3A, %broadcast_in_dim3A_1128], %gather3A_1129 : memref<32x512xf32, #tpu.memory_space<vmem>>[vector<16xi32>, vector<16xi32>], vector<16xf32>,
      tpu.vector_store_idx %arg13[%add3A_5, %broadcast_in_dim3A_1128], %gather3A_1130 : memref<32x512xf32, #tpu.memory_space<vmem>>[vector<16xi32>, vector<16xi32>], vector<16xf32>,
      %and3A_1131 = arith.constant 127 : i32
      %and3A_1132 = arith.andi %squeeze3A_1046, %and3A_1131 : i32
      %add3A_1133 = arith.constant 896 : i32
      %add3A_1134 = arith.addi %and3A_1132, %add3A_1133 : i32
      %broadcast_in_dim3A_1135 = vector.broadcast %add3A_1134 : i32 to vector<16xi32>
      %mul3A_1136 = arith.constant 8 : i32
      %mul3A_1137 = arith.muli %min3A_1025, %mul3A_1136 : i32
      %add3A_1138 = arith.constant 7 : i32
      %add3A_1139 = arith.addi %mul3A_1137, %add3A_1138 : i32
      %broadcast_in_dim3A_1140 = vector.broadcast %add3A_1139 : i32 to vector<16xi32>
      %gather3A_1141 = tpu.vector_load_idx %arg11[%iota3A, %broadcast_in_dim3A_1135] : memref<32x1024xf32, #tpu.memory_space<vmem>>[vector<16xi32>, vector<16xi32>], vector<16xf32>,
      %gather3A_1142 = tpu.vector_load_idx %arg11[%add3A_5, %broadcast_in_dim3A_1135] : memref<32x1024xf32, #tpu.memory_space<vmem>>[vector<16xi32>, vector<16xi32>], vector<16xf32>,
      tpu.vector_store_idx %arg13[%iota3A, %broadcast_in_dim3A_1140], %gather3A_1141 : memref<32x512xf32, #tpu.memory_space<vmem>>[vector<16xi32>, vector<16xi32>], vector<16xf32>,
      tpu.vector_store_idx %arg13[%add3A_5, %broadcast_in_dim3A_1140], %gather3A_1142 : memref<32x512xf32, #tpu.memory_space<vmem>>[vector<16xi32>, vector<16xi32>], vector<16xf32>,
      %mul3A_1143 = arith.constant 3 : i32
      %mul3A_1144 = arith.muli %mul3A_1143, %scan3A_597 : i32
      %add3A_1145 = arith.constant 2 : i32
      %add3A_1146 = arith.addi %mul3A_1144, %add3A_1145 : i32
      %add3A_1147 = arith.constant 2 : i32
      %add3A_1148 = arith.addi %add3A_1146, %add3A_1147 : i32
      %min3A_1149 = arith.constant 63 : i32
      %min3A_1150 = arith.minsi %add3A_1148, %min3A_1149 : i32
      %mul3A_1151 = arith.constant 8 : i32
      %mul3A_1152 = arith.muli %min3A_1150, %mul3A_1151 : i32
      %multiple_of3A_1153 = tpu.assume_multiple %mul3A_1152, 8 : i32
      %get3A_1154 = arith.index_cast %multiple_of3A_1153 : i32 to index
      %get3A_1155 = tpu.vector_load %arg9[%get3A_1154] {strides = array<i32>} : memref<528xi32, #tpu.memory_space<vmem>>, vector<16xi32>,
      %slice3A_1156 = vector.extract_strided_slice %get3A_1155 {offsets = [0], sizes = [1], strides = [1]} : vector<16xi32> to vector<1xi32>
      %squeeze3A_1157 = vector.extract %slice3A_1156[0] : i32 from vector<1xi32>
      %slice3A_1158 = vector.extract_strided_slice %get3A_1155 {offsets = [1], sizes = [1], strides = [1]} : vector<16xi32> to vector<1xi32>
      %squeeze3A_1159 = vector.extract %slice3A_1158[0] : i32 from vector<1xi32>
      %slice3A_1160 = vector.extract_strided_slice %get3A_1155 {offsets = [2], sizes = [1], strides = [1]} : vector<16xi32> to vector<1xi32>
      %squeeze3A_1161 = vector.extract %slice3A_1160[0] : i32 from vector<1xi32>
      %slice3A_1162 = vector.extract_strided_slice %get3A_1155 {offsets = [3], sizes = [1], strides = [1]} : vector<16xi32> to vector<1xi32>
      %squeeze3A_1163 = vector.extract %slice3A_1162[0] : i32 from vector<1xi32>
      %slice3A_1164 = vector.extract_strided_slice %get3A_1155 {offsets = [4], sizes = [1], strides = [1]} : vector<16xi32> to vector<1xi32>
      %squeeze3A_1165 = vector.extract %slice3A_1164[0] : i32 from vector<1xi32>
      %slice3A_1166 = vector.extract_strided_slice %get3A_1155 {offsets = [5], sizes = [1], strides = [1]} : vector<16xi32> to vector<1xi32>
      %squeeze3A_1167 = vector.extract %slice3A_1166[0] : i32 from vector<1xi32>
      %slice3A_1168 = vector.extract_strided_slice %get3A_1155 {offsets = [6], sizes = [1], strides = [1]} : vector<16xi32> to vector<1xi32>
      %squeeze3A_1169 = vector.extract %slice3A_1168[0] : i32 from vector<1xi32>
      %slice3A_1170 = vector.extract_strided_slice %get3A_1155 {offsets = [7], sizes = [1], strides = [1]} : vector<16xi32> to vector<1xi32>
      %squeeze3A_1171 = vector.extract %slice3A_1170[0] : i32 from vector<1xi32>
      %shift_right_arithmetic3A_1172 = arith.constant 7 : i32
      %shift_right_arithmetic3A_1173 = arith.shrsi %squeeze3A_1157, %shift_right_arithmetic3A_1172 : i32
      %mul3A_1174 = arith.constant 128 : i32
      %mul3A_1175 = arith.muli %shift_right_arithmetic3A_1173, %mul3A_1174 : i32
      %multiple_of3A_1176 = tpu.assume_multiple %mul3A_1175, 128 : i32
      %dma_start3A_1177 = arith.constant 0 : i32
      %dma_start3A_1178 = arith.constant 0 : i32
      %dma_start3A_1179 = tpu.memref_slice %arg11[%dma_start3A_1177, %dma_start3A_1178] : memref<32x1024xf32, #tpu.memory_space<vmem>> -> memref<32x128xf32, #tpu.memory_space<vmem>>
      %dma_start3A_1180 = arith.constant 0 : i32
      %dma_start3A_1181 = tpu.memref_slice %arg5[%dma_start3A_1180, %multiple_of3A_1176] : memref<32x1000000xf32, #tpu.memory_space<hbm>> -> memref<32x128xf32, #tpu.memory_space<hbm>>
      %dma_start3A_1182 = arith.constant 0 : i32
      %dma_start3A_1183 = arith.constant 0 : i32
      %dma_start3A_1184 = tpu.memref_slice %arg11[%dma_start3A_1182, %dma_start3A_1183] : memref<32x1024xf32, #tpu.memory_space<vmem>> -> memref<32x128xf32, #tpu.memory_space<vmem>>
      %dma_start3A_1185 = arith.constant 0 : i32
      %dma_start3A_1186 = tpu.memref_slice %arg5[%dma_start3A_1185, %multiple_of3A_1176] : memref<32x1000000xf32, #tpu.memory_space<hbm>> -> memref<32x128xf32, #tpu.memory_space<hbm>>
      tpu.enqueue_dma source(%dma_start3A_1186 : memref<32x128xf32, #tpu.memory_space<hbm>>) target(%dma_start3A_1184 : memref<32x128xf32, #tpu.memory_space<vmem>>) target_semaphore(%arg15 : memref<!tpu.dma_semaphore, #tpu.memory_space<semaphore_mem>>)
      %shift_right_arithmetic3A_1187 = arith.constant 7 : i32
      %shift_right_arithmetic3A_1188 = arith.shrsi %squeeze3A_1159, %shift_right_arithmetic3A_1187 : i32
      %mul3A_1189 = arith.constant 128 : i32
      %mul3A_1190 = arith.muli %shift_right_arithmetic3A_1188, %mul3A_1189 : i32
      %multiple_of3A_1191 = tpu.assume_multiple %mul3A_1190, 128 : i32
      %dma_start3A_1192 = arith.constant 0 : i32
      %dma_start3A_1193 = arith.constant 128 : i32
      %dma_start3A_1194 = tpu.memref_slice %arg11[%dma_start3A_1192, %dma_start3A_1193] : memref<32x1024xf32, #tpu.memory_space<vmem>> -> memref<32x128xf32, #tpu.memory_space<vmem>>
      %dma_start3A_1195 = arith.constant 0 : i32
      %dma_start3A_1196 = tpu.memref_slice %arg5[%dma_start3A_1195, %multiple_of3A_1191] : memref<32x1000000xf32, #tpu.memory_space<hbm>> -> memref<32x128xf32, #tpu.memory_space<hbm>>
      %dma_start3A_1197 = arith.constant 0 : i32
      %dma_start3A_1198 = arith.constant 128 : i32
      %dma_start3A_1199 = tpu.memref_slice %arg11[%dma_start3A_1197, %dma_start3A_1198] : memref<32x1024xf32, #tpu.memory_space<vmem>> -> memref<32x128xf32, #tpu.memory_space<vmem>>
      %dma_start3A_1200 = arith.constant 0 : i32
      %dma_start3A_1201 = tpu.memref_slice %arg5[%dma_start3A_1200, %multiple_of3A_1191] : memref<32x1000000xf32, #tpu.memory_space<hbm>> -> memref<32x128xf32, #tpu.memory_space<hbm>>
      tpu.enqueue_dma source(%dma_start3A_1201 : memref<32x128xf32, #tpu.memory_space<hbm>>) target(%dma_start3A_1199 : memref<32x128xf32, #tpu.memory_space<vmem>>) target_semaphore(%arg15 : memref<!tpu.dma_semaphore, #tpu.memory_space<semaphore_mem>>)
      %shift_right_arithmetic3A_1202 = arith.constant 7 : i32
      %shift_right_arithmetic3A_1203 = arith.shrsi %squeeze3A_1161, %shift_right_arithmetic3A_1202 : i32
      %mul3A_1204 = arith.constant 128 : i32
      %mul3A_1205 = arith.muli %shift_right_arithmetic3A_1203, %mul3A_1204 : i32
      %multiple_of3A_1206 = tpu.assume_multiple %mul3A_1205, 128 : i32
      %dma_start3A_1207 = arith.constant 0 : i32
      %dma_start3A_1208 = arith.constant 256 : i32
      %dma_start3A_1209 = tpu.memref_slice %arg11[%dma_start3A_1207, %dma_start3A_1208] : memref<32x1024xf32, #tpu.memory_space<vmem>> -> memref<32x128xf32, #tpu.memory_space<vmem>>
      %dma_start3A_1210 = arith.constant 0 : i32
      %dma_start3A_1211 = tpu.memref_slice %arg5[%dma_start3A_1210, %multiple_of3A_1206] : memref<32x1000000xf32, #tpu.memory_space<hbm>> -> memref<32x128xf32, #tpu.memory_space<hbm>>
      %dma_start3A_1212 = arith.constant 0 : i32
      %dma_start3A_1213 = arith.constant 256 : i32
      %dma_start3A_1214 = tpu.memref_slice %arg11[%dma_start3A_1212, %dma_start3A_1213] : memref<32x1024xf32, #tpu.memory_space<vmem>> -> memref<32x128xf32, #tpu.memory_space<vmem>>
      %dma_start3A_1215 = arith.constant 0 : i32
      %dma_start3A_1216 = tpu.memref_slice %arg5[%dma_start3A_1215, %multiple_of3A_1206] : memref<32x1000000xf32, #tpu.memory_space<hbm>> -> memref<32x128xf32, #tpu.memory_space<hbm>>
      tpu.enqueue_dma source(%dma_start3A_1216 : memref<32x128xf32, #tpu.memory_space<hbm>>) target(%dma_start3A_1214 : memref<32x128xf32, #tpu.memory_space<vmem>>) target_semaphore(%arg15 : memref<!tpu.dma_semaphore, #tpu.memory_space<semaphore_mem>>)
      %shift_right_arithmetic3A_1217 = arith.constant 7 : i32
      %shift_right_arithmetic3A_1218 = arith.shrsi %squeeze3A_1163, %shift_right_arithmetic3A_1217 : i32
      %mul3A_1219 = arith.constant 128 : i32
      %mul3A_1220 = arith.muli %shift_right_arithmetic3A_1218, %mul3A_1219 : i32
      %multiple_of3A_1221 = tpu.assume_multiple %mul3A_1220, 128 : i32
      %dma_start3A_1222 = arith.constant 0 : i32
      %dma_start3A_1223 = arith.constant 384 : i32
      %dma_start3A_1224 = tpu.memref_slice %arg11[%dma_start3A_1222, %dma_start3A_1223] : memref<32x1024xf32, #tpu.memory_space<vmem>> -> memref<32x128xf32, #tpu.memory_space<vmem>>
      %dma_start3A_1225 = arith.constant 0 : i32
      %dma_start3A_1226 = tpu.memref_slice %arg5[%dma_start3A_1225, %multiple_of3A_1221] : memref<32x1000000xf32, #tpu.memory_space<hbm>> -> memref<32x128xf32, #tpu.memory_space<hbm>>
      %dma_start3A_1227 = arith.constant 0 : i32
      %dma_start3A_1228 = arith.constant 384 : i32
      %dma_start3A_1229 = tpu.memref_slice %arg11[%dma_start3A_1227, %dma_start3A_1228] : memref<32x1024xf32, #tpu.memory_space<vmem>> -> memref<32x128xf32, #tpu.memory_space<vmem>>
      %dma_start3A_1230 = arith.constant 0 : i32
      %dma_start3A_1231 = tpu.memref_slice %arg5[%dma_start3A_1230, %multiple_of3A_1221] : memref<32x1000000xf32, #tpu.memory_space<hbm>> -> memref<32x128xf32, #tpu.memory_space<hbm>>
      tpu.enqueue_dma source(%dma_start3A_1231 : memref<32x128xf32, #tpu.memory_space<hbm>>) target(%dma_start3A_1229 : memref<32x128xf32, #tpu.memory_space<vmem>>) target_semaphore(%arg15 : memref<!tpu.dma_semaphore, #tpu.memory_space<semaphore_mem>>)
      %shift_right_arithmetic3A_1232 = arith.constant 7 : i32
      %shift_right_arithmetic3A_1233 = arith.shrsi %squeeze3A_1165, %shift_right_arithmetic3A_1232 : i32
      %mul3A_1234 = arith.constant 128 : i32
      %mul3A_1235 = arith.muli %shift_right_arithmetic3A_1233, %mul3A_1234 : i32
      %multiple_of3A_1236 = tpu.assume_multiple %mul3A_1235, 128 : i32
      %dma_start3A_1237 = arith.constant 0 : i32
      %dma_start3A_1238 = arith.constant 512 : i32
      %dma_start3A_1239 = tpu.memref_slice %arg11[%dma_start3A_1237, %dma_start3A_1238] : memref<32x1024xf32, #tpu.memory_space<vmem>> -> memref<32x128xf32, #tpu.memory_space<vmem>>
      %dma_start3A_1240 = arith.constant 0 : i32
      %dma_start3A_1241 = tpu.memref_slice %arg5[%dma_start3A_1240, %multiple_of3A_1236] : memref<32x1000000xf32, #tpu.memory_space<hbm>> -> memref<32x128xf32, #tpu.memory_space<hbm>>
      %dma_start3A_1242 = arith.constant 0 : i32
      %dma_start3A_1243 = arith.constant 512 : i32
      %dma_start3A_1244 = tpu.memref_slice %arg11[%dma_start3A_1242, %dma_start3A_1243] : memref<32x1024xf32, #tpu.memory_space<vmem>> -> memref<32x128xf32, #tpu.memory_space<vmem>>
      %dma_start3A_1245 = arith.constant 0 : i32
      %dma_start3A_1246 = tpu.memref_slice %arg5[%dma_start3A_1245, %multiple_of3A_1236] : memref<32x1000000xf32, #tpu.memory_space<hbm>> -> memref<32x128xf32, #tpu.memory_space<hbm>>
      tpu.enqueue_dma source(%dma_start3A_1246 : memref<32x128xf32, #tpu.memory_space<hbm>>) target(%dma_start3A_1244 : memref<32x128xf32, #tpu.memory_space<vmem>>) target_semaphore(%arg15 : memref<!tpu.dma_semaphore, #tpu.memory_space<semaphore_mem>>)
      %shift_right_arithmetic3A_1247 = arith.constant 7 : i32
      %shift_right_arithmetic3A_1248 = arith.shrsi %squeeze3A_1167, %shift_right_arithmetic3A_1247 : i32
      %mul3A_1249 = arith.constant 128 : i32
      %mul3A_1250 = arith.muli %shift_right_arithmetic3A_1248, %mul3A_1249 : i32
      %multiple_of3A_1251 = tpu.assume_multiple %mul3A_1250, 128 : i32
      %dma_start3A_1252 = arith.constant 0 : i32
      %dma_start3A_1253 = arith.constant 640 : i32
      %dma_start3A_1254 = tpu.memref_slice %arg11[%dma_start3A_1252, %dma_start3A_1253] : memref<32x1024xf32, #tpu.memory_space<vmem>> -> memref<32x128xf32, #tpu.memory_space<vmem>>
      %dma_start3A_1255 = arith.constant 0 : i32
      %dma_start3A_1256 = tpu.memref_slice %arg5[%dma_start3A_1255, %multiple_of3A_1251] : memref<32x1000000xf32, #tpu.memory_space<hbm>> -> memref<32x128xf32, #tpu.memory_space<hbm>>
      %dma_start3A_1257 = arith.constant 0 : i32
      %dma_start3A_1258 = arith.constant 640 : i32
      %dma_start3A_1259 = tpu.memref_slice %arg11[%dma_start3A_1257, %dma_start3A_1258] : memref<32x1024xf32, #tpu.memory_space<vmem>> -> memref<32x128xf32, #tpu.memory_space<vmem>>
      %dma_start3A_1260 = arith.constant 0 : i32
      %dma_start3A_1261 = tpu.memref_slice %arg5[%dma_start3A_1260, %multiple_of3A_1251] : memref<32x1000000xf32, #tpu.memory_space<hbm>> -> memref<32x128xf32, #tpu.memory_space<hbm>>
      tpu.enqueue_dma source(%dma_start3A_1261 : memref<32x128xf32, #tpu.memory_space<hbm>>) target(%dma_start3A_1259 : memref<32x128xf32, #tpu.memory_space<vmem>>) target_semaphore(%arg15 : memref<!tpu.dma_semaphore, #tpu.memory_space<semaphore_mem>>)
      %shift_right_arithmetic3A_1262 = arith.constant 7 : i32
      %shift_right_arithmetic3A_1263 = arith.shrsi %squeeze3A_1169, %shift_right_arithmetic3A_1262 : i32
      %mul3A_1264 = arith.constant 128 : i32
      %mul3A_1265 = arith.muli %shift_right_arithmetic3A_1263, %mul3A_1264 : i32
      %multiple_of3A_1266 = tpu.assume_multiple %mul3A_1265, 128 : i32
      %dma_start3A_1267 = arith.constant 0 : i32
      %dma_start3A_1268 = arith.constant 768 : i32
      %dma_start3A_1269 = tpu.memref_slice %arg11[%dma_start3A_1267, %dma_start3A_1268] : memref<32x1024xf32, #tpu.memory_space<vmem>> -> memref<32x128xf32, #tpu.memory_space<vmem>>
      %dma_start3A_1270 = arith.constant 0 : i32
      %dma_start3A_1271 = tpu.memref_slice %arg5[%dma_start3A_1270, %multiple_of3A_1266] : memref<32x1000000xf32, #tpu.memory_space<hbm>> -> memref<32x128xf32, #tpu.memory_space<hbm>>
      %dma_start3A_1272 = arith.constant 0 : i32
      %dma_start3A_1273 = arith.constant 768 : i32
      %dma_start3A_1274 = tpu.memref_slice %arg11[%dma_start3A_1272, %dma_start3A_1273] : memref<32x1024xf32, #tpu.memory_space<vmem>> -> memref<32x128xf32, #tpu.memory_space<vmem>>
      %dma_start3A_1275 = arith.constant 0 : i32
      %dma_start3A_1276 = tpu.memref_slice %arg5[%dma_start3A_1275, %multiple_of3A_1266] : memref<32x1000000xf32, #tpu.memory_space<hbm>> -> memref<32x128xf32, #tpu.memory_space<hbm>>
      tpu.enqueue_dma source(%dma_start3A_1276 : memref<32x128xf32, #tpu.memory_space<hbm>>) target(%dma_start3A_1274 : memref<32x128xf32, #tpu.memory_space<vmem>>) target_semaphore(%arg15 : memref<!tpu.dma_semaphore, #tpu.memory_space<semaphore_mem>>)
      %shift_right_arithmetic3A_1277 = arith.constant 7 : i32
      %shift_right_arithmetic3A_1278 = arith.shrsi %squeeze3A_1171, %shift_right_arithmetic3A_1277 : i32
      %mul3A_1279 = arith.constant 128 : i32
      %mul3A_1280 = arith.muli %shift_right_arithmetic3A_1278, %mul3A_1279 : i32
      %multiple_of3A_1281 = tpu.assume_multiple %mul3A_1280, 128 : i32
      %dma_start3A_1282 = arith.constant 0 : i32
      %dma_start3A_1283 = arith.constant 896 : i32
      %dma_start3A_1284 = tpu.memref_slice %arg11[%dma_start3A_1282, %dma_start3A_1283] : memref<32x1024xf32, #tpu.memory_space<vmem>> -> memref<32x128xf32, #tpu.memory_space<vmem>>
      %dma_start3A_1285 = arith.constant 0 : i32
      %dma_start3A_1286 = tpu.memref_slice %arg5[%dma_start3A_1285, %multiple_of3A_1281] : memref<32x1000000xf32, #tpu.memory_space<hbm>> -> memref<32x128xf32, #tpu.memory_space<hbm>>
      %dma_start3A_1287 = arith.constant 0 : i32
      %dma_start3A_1288 = arith.constant 896 : i32
      %dma_start3A_1289 = tpu.memref_slice %arg11[%dma_start3A_1287, %dma_start3A_1288] : memref<32x1024xf32, #tpu.memory_space<vmem>> -> memref<32x128xf32, #tpu.memory_space<vmem>>
      %dma_start3A_1290 = arith.constant 0 : i32
      %dma_start3A_1291 = tpu.memref_slice %arg5[%dma_start3A_1290, %multiple_of3A_1281] : memref<32x1000000xf32, #tpu.memory_space<hbm>> -> memref<32x128xf32, #tpu.memory_space<hbm>>
      tpu.enqueue_dma source(%dma_start3A_1291 : memref<32x128xf32, #tpu.memory_space<hbm>>) target(%dma_start3A_1289 : memref<32x128xf32, #tpu.memory_space<vmem>>) target_semaphore(%arg15 : memref<!tpu.dma_semaphore, #tpu.memory_space<semaphore_mem>>)
      %dma_wait3A_1292 = arith.constant 0 : i32
      %dma_wait3A_1293 = arith.constant 0 : i32
      %dma_wait3A_1294 = tpu.memref_slice %arg5[%dma_wait3A_1292, %dma_wait3A_1293] : memref<32x1000000xf32, #tpu.memory_space<hbm>> -> memref<32x1024xf32, #tpu.memory_space<hbm>>
      %dma_wait3A_1295 = arith.constant 0 : i32
      %dma_wait3A_1296 = arith.constant 0 : i32
      %dma_wait3A_1297 = tpu.memref_slice %arg5[%dma_wait3A_1295, %dma_wait3A_1296] : memref<32x1000000xf32, #tpu.memory_space<hbm>> -> memref<32x1024xf32, #tpu.memory_space<hbm>>
      tpu.wait_dma2 semaphore(%arg16 : memref<!tpu.dma_semaphore, #tpu.memory_space<semaphore_mem>>) src(%dma_wait3A_1297 : memref<32x1024xf32, #tpu.memory_space<hbm>>) dst(%arg12 : memref<32x1024xf32, #tpu.memory_space<vmem>>)
      %min3A_1298 = arith.constant 63 : i32
      %min3A_1299 = arith.minsi %add3A_1146, %min3A_1298 : i32
      %mul3A_1300 = arith.constant 8 : i32
      %mul3A_1301 = arith.muli %min3A_1299, %mul3A_1300 : i32
      %multiple_of3A_1302 = tpu.assume_multiple %mul3A_1301, 8 : i32
      %get3A_1303 = arith.index_cast %multiple_of3A_1302 : i32 to index
      %get3A_1304 = tpu.vector_load %arg9[%get3A_1303] {strides = array<i32>} : memref<528xi32, #tpu.memory_space<vmem>>, vector<16xi32>,
      %slice3A_1305 = vector.extract_strided_slice %get3A_1304 {offsets = [0], sizes = [1], strides = [1]} : vector<16xi32> to vector<1xi32>
      %squeeze3A_1306 = vector.extract %slice3A_1305[0] : i32 from vector<1xi32>
      %slice3A_1307 = vector.extract_strided_slice %get3A_1304 {offsets = [1], sizes = [1], strides = [1]} : vector<16xi32> to vector<1xi32>
      %squeeze3A_1308 = vector.extract %slice3A_1307[0] : i32 from vector<1xi32>
      %slice3A_1309 = vector.extract_strided_slice %get3A_1304 {offsets = [2], sizes = [1], strides = [1]} : vector<16xi32> to vector<1xi32>
      %squeeze3A_1310 = vector.extract %slice3A_1309[0] : i32 from vector<1xi32>
      %slice3A_1311 = vector.extract_strided_slice %get3A_1304 {offsets = [3], sizes = [1], strides = [1]} : vector<16xi32> to vector<1xi32>
      %squeeze3A_1312 = vector.extract %slice3A_1311[0] : i32 from vector<1xi32>
      %slice3A_1313 = vector.extract_strided_slice %get3A_1304 {offsets = [4], sizes = [1], strides = [1]} : vector<16xi32> to vector<1xi32>
      %squeeze3A_1314 = vector.extract %slice3A_1313[0] : i32 from vector<1xi32>
      %slice3A_1315 = vector.extract_strided_slice %get3A_1304 {offsets = [5], sizes = [1], strides = [1]} : vector<16xi32> to vector<1xi32>
      %squeeze3A_1316 = vector.extract %slice3A_1315[0] : i32 from vector<1xi32>
      %slice3A_1317 = vector.extract_strided_slice %get3A_1304 {offsets = [6], sizes = [1], strides = [1]} : vector<16xi32> to vector<1xi32>
      %squeeze3A_1318 = vector.extract %slice3A_1317[0] : i32 from vector<1xi32>
      %slice3A_1319 = vector.extract_strided_slice %get3A_1304 {offsets = [7], sizes = [1], strides = [1]} : vector<16xi32> to vector<1xi32>
      %squeeze3A_1320 = vector.extract %slice3A_1319[0] : i32 from vector<1xi32>
      %and3A_1321 = arith.constant 127 : i32
      %and3A_1322 = arith.andi %squeeze3A_1306, %and3A_1321 : i32
      %add3A_1323 = arith.constant 0 : i32
      %add3A_1324 = arith.addi %and3A_1322, %add3A_1323 : i32
      %broadcast_in_dim3A_1325 = vector.broadcast %add3A_1324 : i32 to vector<16xi32>
      %mul3A_1326 = arith.constant 8 : i32
      %mul3A_1327 = arith.muli %min3A_1299, %mul3A_1326 : i32
      %add3A_1328 = arith.constant 0 : i32
      %add3A_1329 = arith.addi %mul3A_1327, %add3A_1328 : i32
      %broadcast_in_dim3A_1330 = vector.broadcast %add3A_1329 : i32 to vector<16xi32>
      %gather3A_1331 = tpu.vector_load_idx %arg12[%iota3A, %broadcast_in_dim3A_1325] : memref<32x1024xf32, #tpu.memory_space<vmem>>[vector<16xi32>, vector<16xi32>], vector<16xf32>,
      %gather3A_1332 = tpu.vector_load_idx %arg12[%add3A_5, %broadcast_in_dim3A_1325] : memref<32x1024xf32, #tpu.memory_space<vmem>>[vector<16xi32>, vector<16xi32>], vector<16xf32>,
      tpu.vector_store_idx %arg13[%iota3A, %broadcast_in_dim3A_1330], %gather3A_1331 : memref<32x512xf32, #tpu.memory_space<vmem>>[vector<16xi32>, vector<16xi32>], vector<16xf32>,
      tpu.vector_store_idx %arg13[%add3A_5, %broadcast_in_dim3A_1330], %gather3A_1332 : memref<32x512xf32, #tpu.memory_space<vmem>>[vector<16xi32>, vector<16xi32>], vector<16xf32>,
      %and3A_1333 = arith.constant 127 : i32
      %and3A_1334 = arith.andi %squeeze3A_1308, %and3A_1333 : i32
      %add3A_1335 = arith.constant 128 : i32
      %add3A_1336 = arith.addi %and3A_1334, %add3A_1335 : i32
      %broadcast_in_dim3A_1337 = vector.broadcast %add3A_1336 : i32 to vector<16xi32>
      %mul3A_1338 = arith.constant 8 : i32
      %mul3A_1339 = arith.muli %min3A_1299, %mul3A_1338 : i32
      %add3A_1340 = arith.constant 1 : i32
      %add3A_1341 = arith.addi %mul3A_1339, %add3A_1340 : i32
      %broadcast_in_dim3A_1342 = vector.broadcast %add3A_1341 : i32 to vector<16xi32>
      %gather3A_1343 = tpu.vector_load_idx %arg12[%iota3A, %broadcast_in_dim3A_1337] : memref<32x1024xf32, #tpu.memory_space<vmem>>[vector<16xi32>, vector<16xi32>], vector<16xf32>,
      %gather3A_1344 = tpu.vector_load_idx %arg12[%add3A_5, %broadcast_in_dim3A_1337] : memref<32x1024xf32, #tpu.memory_space<vmem>>[vector<16xi32>, vector<16xi32>], vector<16xf32>,
      tpu.vector_store_idx %arg13[%iota3A, %broadcast_in_dim3A_1342], %gather3A_1343 : memref<32x512xf32, #tpu.memory_space<vmem>>[vector<16xi32>, vector<16xi32>], vector<16xf32>,
      tpu.vector_store_idx %arg13[%add3A_5, %broadcast_in_dim3A_1342], %gather3A_1344 : memref<32x512xf32, #tpu.memory_space<vmem>>[vector<16xi32>, vector<16xi32>], vector<16xf32>,
      %and3A_1345 = arith.constant 127 : i32
      %and3A_1346 = arith.andi %squeeze3A_1310, %and3A_1345 : i32
      %add3A_1347 = arith.constant 256 : i32
      %add3A_1348 = arith.addi %and3A_1346, %add3A_1347 : i32
      %broadcast_in_dim3A_1349 = vector.broadcast %add3A_1348 : i32 to vector<16xi32>
      %mul3A_1350 = arith.constant 8 : i32
      %mul3A_1351 = arith.muli %min3A_1299, %mul3A_1350 : i32
      %add3A_1352 = arith.constant 2 : i32
      %add3A_1353 = arith.addi %mul3A_1351, %add3A_1352 : i32
      %broadcast_in_dim3A_1354 = vector.broadcast %add3A_1353 : i32 to vector<16xi32>
      %gather3A_1355 = tpu.vector_load_idx %arg12[%iota3A, %broadcast_in_dim3A_1349] : memref<32x1024xf32, #tpu.memory_space<vmem>>[vector<16xi32>, vector<16xi32>], vector<16xf32>,
      %gather3A_1356 = tpu.vector_load_idx %arg12[%add3A_5, %broadcast_in_dim3A_1349] : memref<32x1024xf32, #tpu.memory_space<vmem>>[vector<16xi32>, vector<16xi32>], vector<16xf32>,
      tpu.vector_store_idx %arg13[%iota3A, %broadcast_in_dim3A_1354], %gather3A_1355 : memref<32x512xf32, #tpu.memory_space<vmem>>[vector<16xi32>, vector<16xi32>], vector<16xf32>,
      tpu.vector_store_idx %arg13[%add3A_5, %broadcast_in_dim3A_1354], %gather3A_1356 : memref<32x512xf32, #tpu.memory_space<vmem>>[vector<16xi32>, vector<16xi32>], vector<16xf32>,
      %and3A_1357 = arith.constant 127 : i32
      %and3A_1358 = arith.andi %squeeze3A_1312, %and3A_1357 : i32
      %add3A_1359 = arith.constant 384 : i32
      %add3A_1360 = arith.addi %and3A_1358, %add3A_1359 : i32
      %broadcast_in_dim3A_1361 = vector.broadcast %add3A_1360 : i32 to vector<16xi32>
      %mul3A_1362 = arith.constant 8 : i32
      %mul3A_1363 = arith.muli %min3A_1299, %mul3A_1362 : i32
      %add3A_1364 = arith.constant 3 : i32
      %add3A_1365 = arith.addi %mul3A_1363, %add3A_1364 : i32
      %broadcast_in_dim3A_1366 = vector.broadcast %add3A_1365 : i32 to vector<16xi32>
      %gather3A_1367 = tpu.vector_load_idx %arg12[%iota3A, %broadcast_in_dim3A_1361] : memref<32x1024xf32, #tpu.memory_space<vmem>>[vector<16xi32>, vector<16xi32>], vector<16xf32>,
      %gather3A_1368 = tpu.vector_load_idx %arg12[%add3A_5, %broadcast_in_dim3A_1361] : memref<32x1024xf32, #tpu.memory_space<vmem>>[vector<16xi32>, vector<16xi32>], vector<16xf32>,
      tpu.vector_store_idx %arg13[%iota3A, %broadcast_in_dim3A_1366], %gather3A_1367 : memref<32x512xf32, #tpu.memory_space<vmem>>[vector<16xi32>, vector<16xi32>], vector<16xf32>,
      tpu.vector_store_idx %arg13[%add3A_5, %broadcast_in_dim3A_1366], %gather3A_1368 : memref<32x512xf32, #tpu.memory_space<vmem>>[vector<16xi32>, vector<16xi32>], vector<16xf32>,
      %and3A_1369 = arith.constant 127 : i32
      %and3A_1370 = arith.andi %squeeze3A_1314, %and3A_1369 : i32
      %add3A_1371 = arith.constant 512 : i32
      %add3A_1372 = arith.addi %and3A_1370, %add3A_1371 : i32
      %broadcast_in_dim3A_1373 = vector.broadcast %add3A_1372 : i32 to vector<16xi32>
      %mul3A_1374 = arith.constant 8 : i32
      %mul3A_1375 = arith.muli %min3A_1299, %mul3A_1374 : i32
      %add3A_1376 = arith.constant 4 : i32
      %add3A_1377 = arith.addi %mul3A_1375, %add3A_1376 : i32
      %broadcast_in_dim3A_1378 = vector.broadcast %add3A_1377 : i32 to vector<16xi32>
      %gather3A_1379 = tpu.vector_load_idx %arg12[%iota3A, %broadcast_in_dim3A_1373] : memref<32x1024xf32, #tpu.memory_space<vmem>>[vector<16xi32>, vector<16xi32>], vector<16xf32>,
      %gather3A_1380 = tpu.vector_load_idx %arg12[%add3A_5, %broadcast_in_dim3A_1373] : memref<32x1024xf32, #tpu.memory_space<vmem>>[vector<16xi32>, vector<16xi32>], vector<16xf32>,
      tpu.vector_store_idx %arg13[%iota3A, %broadcast_in_dim3A_1378], %gather3A_1379 : memref<32x512xf32, #tpu.memory_space<vmem>>[vector<16xi32>, vector<16xi32>], vector<16xf32>,
      tpu.vector_store_idx %arg13[%add3A_5, %broadcast_in_dim3A_1378], %gather3A_1380 : memref<32x512xf32, #tpu.memory_space<vmem>>[vector<16xi32>, vector<16xi32>], vector<16xf32>,
      %and3A_1381 = arith.constant 127 : i32
      %and3A_1382 = arith.andi %squeeze3A_1316, %and3A_1381 : i32
      %add3A_1383 = arith.constant 640 : i32
      %add3A_1384 = arith.addi %and3A_1382, %add3A_1383 : i32
      %broadcast_in_dim3A_1385 = vector.broadcast %add3A_1384 : i32 to vector<16xi32>
      %mul3A_1386 = arith.constant 8 : i32
      %mul3A_1387 = arith.muli %min3A_1299, %mul3A_1386 : i32
      %add3A_1388 = arith.constant 5 : i32
      %add3A_1389 = arith.addi %mul3A_1387, %add3A_1388 : i32
      %broadcast_in_dim3A_1390 = vector.broadcast %add3A_1389 : i32 to vector<16xi32>
      %gather3A_1391 = tpu.vector_load_idx %arg12[%iota3A, %broadcast_in_dim3A_1385] : memref<32x1024xf32, #tpu.memory_space<vmem>>[vector<16xi32>, vector<16xi32>], vector<16xf32>,
      %gather3A_1392 = tpu.vector_load_idx %arg12[%add3A_5, %broadcast_in_dim3A_1385] : memref<32x1024xf32, #tpu.memory_space<vmem>>[vector<16xi32>, vector<16xi32>], vector<16xf32>,
      tpu.vector_store_idx %arg13[%iota3A, %broadcast_in_dim3A_1390], %gather3A_1391 : memref<32x512xf32, #tpu.memory_space<vmem>>[vector<16xi32>, vector<16xi32>], vector<16xf32>,
      tpu.vector_store_idx %arg13[%add3A_5, %broadcast_in_dim3A_1390], %gather3A_1392 : memref<32x512xf32, #tpu.memory_space<vmem>>[vector<16xi32>, vector<16xi32>], vector<16xf32>,
      %and3A_1393 = arith.constant 127 : i32
      %and3A_1394 = arith.andi %squeeze3A_1318, %and3A_1393 : i32
      %add3A_1395 = arith.constant 768 : i32
      %add3A_1396 = arith.addi %and3A_1394, %add3A_1395 : i32
      %broadcast_in_dim3A_1397 = vector.broadcast %add3A_1396 : i32 to vector<16xi32>
      %mul3A_1398 = arith.constant 8 : i32
      %mul3A_1399 = arith.muli %min3A_1299, %mul3A_1398 : i32
      %add3A_1400 = arith.constant 6 : i32
      %add3A_1401 = arith.addi %mul3A_1399, %add3A_1400 : i32
      %broadcast_in_dim3A_1402 = vector.broadcast %add3A_1401 : i32 to vector<16xi32>
      %gather3A_1403 = tpu.vector_load_idx %arg12[%iota3A, %broadcast_in_dim3A_1397] : memref<32x1024xf32, #tpu.memory_space<vmem>>[vector<16xi32>, vector<16xi32>], vector<16xf32>,
      %gather3A_1404 = tpu.vector_load_idx %arg12[%add3A_5, %broadcast_in_dim3A_1397] : memref<32x1024xf32, #tpu.memory_space<vmem>>[vector<16xi32>, vector<16xi32>], vector<16xf32>,
      tpu.vector_store_idx %arg13[%iota3A, %broadcast_in_dim3A_1402], %gather3A_1403 : memref<32x512xf32, #tpu.memory_space<vmem>>[vector<16xi32>, vector<16xi32>], vector<16xf32>,
      tpu.vector_store_idx %arg13[%add3A_5, %broadcast_in_dim3A_1402], %gather3A_1404 : memref<32x512xf32, #tpu.memory_space<vmem>>[vector<16xi32>, vector<16xi32>], vector<16xf32>,
      %and3A_1405 = arith.constant 127 : i32
      %and3A_1406 = arith.andi %squeeze3A_1320, %and3A_1405 : i32
      %add3A_1407 = arith.constant 896 : i32
      %add3A_1408 = arith.addi %and3A_1406, %add3A_1407 : i32
      %broadcast_in_dim3A_1409 = vector.broadcast %add3A_1408 : i32 to vector<16xi32>
      %mul3A_1410 = arith.constant 8 : i32
      %mul3A_1411 = arith.muli %min3A_1299, %mul3A_1410 : i32
      %add3A_1412 = arith.constant 7 : i32
      %add3A_1413 = arith.addi %mul3A_1411, %add3A_1412 : i32
      %broadcast_in_dim3A_1414 = vector.broadcast %add3A_1413 : i32 to vector<16xi32>
      %gather3A_1415 = tpu.vector_load_idx %arg12[%iota3A, %broadcast_in_dim3A_1409] : memref<32x1024xf32, #tpu.memory_space<vmem>>[vector<16xi32>, vector<16xi32>], vector<16xf32>,
      %gather3A_1416 = tpu.vector_load_idx %arg12[%add3A_5, %broadcast_in_dim3A_1409] : memref<32x1024xf32, #tpu.memory_space<vmem>>[vector<16xi32>, vector<16xi32>], vector<16xf32>,
      tpu.vector_store_idx %arg13[%iota3A, %broadcast_in_dim3A_1414], %gather3A_1415 : memref<32x512xf32, #tpu.memory_space<vmem>>[vector<16xi32>, vector<16xi32>], vector<16xf32>,
      tpu.vector_store_idx %arg13[%add3A_5, %broadcast_in_dim3A_1414], %gather3A_1416 : memref<32x512xf32, #tpu.memory_space<vmem>>[vector<16xi32>, vector<16xi32>], vector<16xf32>,
      %scan3A_1417 = arith.constant 0 : i32
      scf.yield %scan3A_1417 : i32
    }
    %scan3A_584 = arith.constant 22 : i32
    %dma_wait3A_585 = arith.constant 0 : i32
    %dma_wait3A_586 = arith.constant 0 : i32
    %dma_wait3A_587 = tpu.memref_slice %arg5[%dma_wait3A_585, %dma_wait3A_586] : memref<32x1000000xf32, #tpu.memory_space<hbm>> -> memref<32x1024xf32, #tpu.memory_space<hbm>>
    %dma_wait3A_588 = arith.constant 0 : i32
    %dma_wait3A_589 = arith.constant 0 : i32
    %dma_wait3A_590 = tpu.memref_slice %arg5[%dma_wait3A_588, %dma_wait3A_589] : memref<32x1000000xf32, #tpu.memory_space<hbm>> -> memref<32x1024xf32, #tpu.memory_space<hbm>>
    tpu.wait_dma2 semaphore(%arg14 : memref<!tpu.dma_semaphore, #tpu.memory_space<semaphore_mem>>) src(%dma_wait3A_590 : memref<32x1024xf32, #tpu.memory_space<hbm>>) dst(%arg10 : memref<32x1024xf32, #tpu.memory_space<vmem>>)
    %dma_wait3A_591 = arith.constant 0 : i32
    %dma_wait3A_592 = arith.constant 0 : i32
    %dma_wait3A_593 = tpu.memref_slice %arg5[%dma_wait3A_591, %dma_wait3A_592] : memref<32x1000000xf32, #tpu.memory_space<hbm>> -> memref<32x1024xf32, #tpu.memory_space<hbm>>
    %dma_wait3A_594 = arith.constant 0 : i32
    %dma_wait3A_595 = arith.constant 0 : i32
    %dma_wait3A_596 = tpu.memref_slice %arg5[%dma_wait3A_594, %dma_wait3A_595] : memref<32x1000000xf32, #tpu.memory_space<hbm>> -> memref<32x1024xf32, #tpu.memory_space<hbm>>
    tpu.wait_dma2 semaphore(%arg15 : memref<!tpu.dma_semaphore, #tpu.memory_space<semaphore_mem>>) src(%dma_wait3A_596 : memref<32x1024xf32, #tpu.memory_space<hbm>>) dst(%arg11 : memref<32x1024xf32, #tpu.memory_space<vmem>>)
    "tpu.region"() ({
      %run_scoped3A = tpu.sem_alloc : memref<!tpu.dma_semaphore, #tpu.memory_space<semaphore_mem>>
      %dma_start3A_597 = arith.constant 0 : i32
      %dma_start3A_598 = tpu.memref_slice %arg7[%dma_start3A_597, %multiple_of3A] : memref<32x16384xf32, #tpu.memory_space<hbm>> -> memref<32x512xf32, #tpu.memory_space<hbm>>
      %dma_start3A_599 = arith.constant 0 : i32
      %dma_start3A_600 = tpu.memref_slice %arg7[%dma_start3A_599, %multiple_of3A] : memref<32x16384xf32, #tpu.memory_space<hbm>> -> memref<32x512xf32, #tpu.memory_space<hbm>>
      tpu.enqueue_dma source(%arg13 : memref<32x512xf32, #tpu.memory_space<vmem>>) target(%dma_start3A_600 : memref<32x512xf32, #tpu.memory_space<hbm>>) target_semaphore(%run_scoped3A : memref<!tpu.dma_semaphore, #tpu.memory_space<semaphore_mem>>)
      %dma_wait3A_601 = arith.constant 0 : i32
      %dma_wait3A_602 = tpu.memref_slice %arg7[%dma_wait3A_601, %multiple_of3A] : memref<32x16384xf32, #tpu.memory_space<hbm>> -> memref<32x512xf32, #tpu.memory_space<hbm>>
      %dma_wait3A_603 = arith.constant 0 : i32
      %dma_wait3A_604 = tpu.memref_slice %arg7[%dma_wait3A_603, %multiple_of3A] : memref<32x16384xf32, #tpu.memory_space<hbm>> -> memref<32x512xf32, #tpu.memory_space<hbm>>
      tpu.wait_dma2 semaphore(%run_scoped3A : memref<!tpu.dma_semaphore, #tpu.memory_space<semaphore_mem>>) src(%arg13 : memref<32x512xf32, #tpu.memory_space<vmem>>) dst(%dma_wait3A_604 : memref<32x512xf32, #tpu.memory_space<hbm>>)
      tpu.yield
    }) : () -> ()
    return
  }
}

module attributes {stable_mosaic.version = 14 : i64} {
  func.func @_mlp_body(%arg0: i32, %arg1: memref<32x2048xf32, #tpu.memory_space<vmem>>, %arg2: memref<32x2048xf32, #tpu.memory_space<vmem>>, %arg3: memref<96x96xf32, #tpu.memory_space<vmem>>, %arg4: memref<96x1xf32, #tpu.memory_space<vmem>>, %arg5: memref<64x96xf32, #tpu.memory_space<vmem>>, %arg6: memref<64x1xf32, #tpu.memory_space<vmem>>, %arg7: memref<64x1xf32, #tpu.memory_space<vmem>>, %arg8: memref<1x1xf32, #tpu.memory_space<vmem>>, %arg9: memref<2048xf32, #tpu.memory_space<vmem>>, %arg10: memref<2048xf32, #tpu.memory_space<vmem>>) attributes {dimension_semantics = [#tpu.dimension_semantics<arbitrary>], iteration_bounds = array<i64: 8>, scalar_prefetch = 0 : i64, scratch_operands = 0 : i64, tpu.core_type = #tpu.core_type<tc>, window_params = [{transform_indices = @transform_0, window_bounds = array<i64: 32, 2048>}, {transform_indices = @transform_1, window_bounds = array<i64: 32, 2048>}, {pipeline_mode = #tpu.pipeline_mode<synchronous>, transform_indices = @transform_2, window_bounds = array<i64: 96, 96>}, {pipeline_mode = #tpu.pipeline_mode<synchronous>, transform_indices = @transform_3, window_bounds = array<i64: 96, 1>}, {pipeline_mode = #tpu.pipeline_mode<synchronous>, transform_indices = @transform_4, window_bounds = array<i64: 64, 96>}, {pipeline_mode = #tpu.pipeline_mode<synchronous>, transform_indices = @transform_5, window_bounds = array<i64: 64, 1>}, {pipeline_mode = #tpu.pipeline_mode<synchronous>, transform_indices = @transform_6, window_bounds = array<i64: 64, 1>}, {pipeline_mode = #tpu.pipeline_mode<synchronous>, transform_indices = @transform_7, window_bounds = array<i64: 1, 1>}, {transform_indices = @transform_8, window_bounds = array<i64: 2048>}, {transform_indices = @transform_9, window_bounds = array<i64: 2048>}]} {
    %get3A = arith.constant 0 : index
    %get3A_0 = arith.constant 0 : index
    %get3A_1 = vector.load %arg1[%get3A, %get3A_0] : memref<32x2048xf32, #tpu.memory_space<vmem>>, vector<32x2048xf32>
    %get3A_2 = arith.constant 0 : index
    %get3A_3 = arith.constant 0 : index
    %get3A_4 = vector.load %arg2[%get3A_2, %get3A_3] : memref<32x2048xf32, #tpu.memory_space<vmem>>, vector<32x2048xf32>
    %mul3A = arith.mulf %get3A_1, %get3A_4 : vector<32x2048xf32>
    %reduce_sum3A = arith.constant dense<0.000000e+00> : vector<2048xf32>
    %reduce_sum3A_5 = vector.multi_reduction <add>, %mul3A, %reduce_sum3A [0] : vector<32x2048xf32> to vector<2048xf32>
    %logistic3A = arith.negf %reduce_sum3A_5 : vector<2048xf32>
    %logistic3A_6 = math.exp %logistic3A : vector<2048xf32>
    %logistic3A_7 = arith.constant 1.000000e+00 : f32
    %logistic3A_8 = vector.broadcast %logistic3A_7 : f32 to vector<2048xf32>
    %logistic3A_9 = arith.addf %logistic3A_8, %logistic3A_6 : vector<2048xf32>
    %logistic3A_10 = arith.divf %logistic3A_8, %logistic3A_9 : vector<2048xf32>
    %swap3A = arith.constant 0 : index
    %swap3A_11 = vector.load %arg9[%swap3A] : memref<2048xf32, #tpu.memory_space<vmem>>, vector<2048xf32>
    tpu.vector_store %arg9[%swap3A], %logistic3A_10 {strides = array<i32>} : memref<2048xf32, #tpu.memory_space<vmem>>, vector<2048xf32>,
    %concatenate3A = tpu.concatenate %get3A_1, %get3A_4, %mul3A in 0 : vector<32x2048xf32>, vector<32x2048xf32>, vector<32x2048xf32> -> vector<96x2048xf32>
    %get3A_12 = arith.constant 0 : index
    %get3A_13 = arith.constant 0 : index
    %get3A_14 = vector.load %arg3[%get3A_12, %get3A_13] : memref<96x96xf32, #tpu.memory_space<vmem>>, vector<96x96xf32>
    %dot_general3A = arith.constant dense<0.000000e+00> : vector<96x2048xf32>
    %dot_general3A_15 = tpu.matmul %get3A_14, %concatenate3A, %dot_general3A {dimension_numbers = #tpu.dot_dimension_numbers<[1], [0], [0], [1], [0, 0, 1, 1], [], []>, transpose_lhs_hint = false} : vector<96x96xf32>, vector<96x2048xf32>, vector<96x2048xf32> -> vector<96x2048xf32>
    %get3A_16 = arith.constant 0 : index
    %get3A_17 = arith.constant 0 : index
    %get3A_18 = vector.load %arg4[%get3A_16, %get3A_17] : memref<96x1xf32, #tpu.memory_space<vmem>>, vector<96x1xf32>
    %add3A = vector.broadcast %get3A_18 : vector<96x1xf32> to vector<96x2048xf32>
    %add3A_19 = arith.addf %dot_general3A_15, %add3A : vector<96x2048xf32>
    %max3A = arith.constant 0.000000e+00 : f32
    %max3A_20 = vector.broadcast %max3A : f32 to vector<96x2048xf32>
    %max3A_21 = arith.maximumf %add3A_19, %max3A_20 : vector<96x2048xf32>
    %get3A_22 = arith.constant 0 : index
    %get3A_23 = arith.constant 0 : index
    %get3A_24 = vector.load %arg5[%get3A_22, %get3A_23] : memref<64x96xf32, #tpu.memory_space<vmem>>, vector<64x96xf32>
    %dot_general3A_25 = arith.constant dense<0.000000e+00> : vector<64x2048xf32>
    %dot_general3A_26 = tpu.matmul %get3A_24, %max3A_21, %dot_general3A_25 {dimension_numbers = #tpu.dot_dimension_numbers<[1], [0], [0], [1], [0, 0, 1, 1], [], []>, transpose_lhs_hint = false} : vector<64x96xf32>, vector<96x2048xf32>, vector<64x2048xf32> -> vector<64x2048xf32>
    %get3A_27 = arith.constant 0 : index
    %get3A_28 = arith.constant 0 : index
    %get3A_29 = vector.load %arg6[%get3A_27, %get3A_28] : memref<64x1xf32, #tpu.memory_space<vmem>>, vector<64x1xf32>
    %add3A_30 = vector.broadcast %get3A_29 : vector<64x1xf32> to vector<64x2048xf32>
    %add3A_31 = arith.addf %dot_general3A_26, %add3A_30 : vector<64x2048xf32>
    %max3A_32 = arith.constant 0.000000e+00 : f32
    %max3A_33 = vector.broadcast %max3A_32 : f32 to vector<64x2048xf32>
    %max3A_34 = arith.maximumf %add3A_31, %max3A_33 : vector<64x2048xf32>
    %get3A_35 = arith.constant 0 : index
    %get3A_36 = arith.constant 0 : index
    %get3A_37 = vector.load %arg7[%get3A_35, %get3A_36] : memref<64x1xf32, #tpu.memory_space<vmem>>, vector<64x1xf32>
    %mul3A_38 = vector.broadcast %get3A_37 : vector<64x1xf32> to vector<64x2048xf32>
    %mul3A_39 = arith.mulf %max3A_34, %mul3A_38 : vector<64x2048xf32>
    %reduce_sum3A_40 = arith.constant dense<0.000000e+00> : vector<2048xf32>
    %reduce_sum3A_41 = vector.multi_reduction <add>, %mul3A_39, %reduce_sum3A_40 [0] : vector<64x2048xf32> to vector<2048xf32>
    %get3A_42 = arith.constant 0 : index
    %get3A_43 = arith.constant 0 : index
    %get3A_44 = vector.load %arg8[%get3A_42, %get3A_43] : memref<1x1xf32, #tpu.memory_space<vmem>>, vector<1x1xf32>
    %get3A_45 = vector.extract %get3A_44[0, 0] : f32 from vector<1x1xf32>
    %add3A_46 = vector.broadcast %get3A_45 : f32 to vector<2048xf32>
    %add3A_47 = arith.addf %reduce_sum3A_41, %add3A_46 : vector<2048xf32>
    %swap3A_48 = arith.constant 0 : index
    %swap3A_49 = vector.load %arg10[%swap3A_48] : memref<2048xf32, #tpu.memory_space<vmem>>, vector<2048xf32>
    tpu.vector_store %arg10[%swap3A_48], %add3A_47 {strides = array<i32>} : memref<2048xf32, #tpu.memory_space<vmem>>, vector<2048xf32>,
    return
  }
  func.func @transform_0(%arg0: i32) -> (i32, i32) {
    %c0_i32 = arith.constant 0 : i32
    %c0_i32_0 = arith.constant 0 : i32
    return %c0_i32, %arg0 : i32, i32
  }
  func.func @transform_1(%arg0: i32) -> (i32, i32) {
    %c0_i32 = arith.constant 0 : i32
    %c0_i32_0 = arith.constant 0 : i32
    return %c0_i32, %arg0 : i32, i32
  }
  func.func @transform_2(%arg0: i32) -> (i32, i32) {
    %c0_i32 = arith.constant 0 : i32
    %c0_i32_0 = arith.constant 0 : i32
    %c0_i32_1 = arith.constant 0 : i32
    return %c0_i32, %c0_i32_0 : i32, i32
  }
  func.func @transform_3(%arg0: i32) -> (i32, i32) {
    %c0_i32 = arith.constant 0 : i32
    %c0_i32_0 = arith.constant 0 : i32
    %c0_i32_1 = arith.constant 0 : i32
    return %c0_i32, %c0_i32_0 : i32, i32
  }
  func.func @transform_4(%arg0: i32) -> (i32, i32) {
    %c0_i32 = arith.constant 0 : i32
    %c0_i32_0 = arith.constant 0 : i32
    %c0_i32_1 = arith.constant 0 : i32
    return %c0_i32, %c0_i32_0 : i32, i32
  }
  func.func @transform_5(%arg0: i32) -> (i32, i32) {
    %c0_i32 = arith.constant 0 : i32
    %c0_i32_0 = arith.constant 0 : i32
    %c0_i32_1 = arith.constant 0 : i32
    return %c0_i32, %c0_i32_0 : i32, i32
  }
  func.func @transform_6(%arg0: i32) -> (i32, i32) {
    %c0_i32 = arith.constant 0 : i32
    %c0_i32_0 = arith.constant 0 : i32
    %c0_i32_1 = arith.constant 0 : i32
    return %c0_i32, %c0_i32_0 : i32, i32
  }
  func.func @transform_7(%arg0: i32) -> (i32, i32) {
    %c0_i32 = arith.constant 0 : i32
    %c0_i32_0 = arith.constant 0 : i32
    %c0_i32_1 = arith.constant 0 : i32
    return %c0_i32, %c0_i32_0 : i32, i32
  }
  func.func @transform_8(%arg0: i32) -> i32 {
    %c0_i32 = arith.constant 0 : i32
    return %arg0 : i32
  }
  func.func @transform_9(%arg0: i32) -> i32 {
    %c0_i32 = arith.constant 0 : i32
    return %arg0 : i32
  }
}

</mosaic_0001>

<sc_bundles>
// kernel: kernel.4.cloned.1.call-start
scs
__scs_entry_jumppad:
0x0: {  	(pc) =	sbr.rel $0x88, $3  }
0x1: {  	(tag) =	ssettag $0x0;
	lr =	simm.s32 $0x1  }
0x2: {  	[smem:$0x3F97] =	sst lr;
	_ =	strace $0xD0000000  }
0x3: {  	_ = 	snop  }
0x4: {  	_ = 	snop  }
0x5: {  	_ = 	snop  }
0x6: {  	_ = 	snop  }
0x7: {  	_ = 	snop  }
__scs_overlays_trampoline_lowered:
0x8: {  	[smem:$0x3FA6] =	sst s0  }
0x9: {  	[smem:$0x3FA7] =	sst s1  }
0xa: {  	[smem:$0x3FA8] =	sst s2  }
0xb: {  	[smem:$0x3FA9] =	sst s3  }
0xc: {  	[smem:$0x3FAA] =	sst s4  }
0xd: {  	[smem:$0x3FAB] =	sst s5  }
0xe: {  	[smem:$0x3FAC] =	sst s6  }
0xf: {  	[smem:$0x3FAD] =	sst s7  }
0x10: {  	[smem:$0x3FAE] =	sst s8  }
0x11: {  	[smem:$0x3FAF] =	sst s9;
	s0 =	simm.s32 @!p0 $0x0  }
0x12: {  	s1 =	sld [smem:$0x3F95];
	s0 =	simm.s32 @p0 $0x1  }
0x13: {  	[smem:$0x3FB0] =	sst s0;
	s0 =	simm.s32 @!p1 $0x0  }
0x14: {  	s2 =	sld [smem:$0x3F94];
	s0 =	simm.s32 @p1 $0x1  }
0x15: {  	[smem:$0x3FB1] =	sst s0;
	s0 =	simm.s32 @!p2 $0x0  }
0x16: {  	s3 =	sld [smem:$0x3FDB];
	s0 =	simm.s32 @p2 $0x1  }
0x17: {  	s4 =	simm.s32 $0x1BF5;
	[smem:$0x3FB3] =	sst s0  }
0x18: {  	s0 =	sld [smem:$0x3F96];
	_ =	swait.ge [sflag:s4], $0x0  }
0x19: {  	s7 =	sld [smem:$0x3F97]  }
0x1a: {  	s8 =	sadd.s32 $0xFFFFE003, lr  }
0x1b: {  	s9 =	sadd.s32 $0xFFFFFEF7, lr;
	s5 =	simm.s32 $0xFFFFFFFF;
	p2 =	slt.u32 s8, $0xFFFFF086  }
0x1c: {  	p1 =	slt.u32 s9, $0xF7A;
	s5 =	simm.s32 @!p2 $0x0  }
0x1d: {  	s5 =	simm.s32 @p1 $0x1;
	p0 =	seq.s32 s7, s2  }
0x1e: {  	s7 =	smul.u32 @!p0 $0xF7A, s2;
	p2 =	seq.s32 @!p0 s5, $0x0  }
0x1f: {  	s9 =	smul.u32 $0xF7A, s1;
	s8 =	simm.s32 @!p0 $0x1BF5;
	p2 =	por !p2, p0  }
0x20: {  	[sflag:s8] =	ssyncset.s32 @!p0 $0xFFFFF086;
	s6 =	sadd.s32 @!p0 s3, s7;
	s7 =	simm.s32 @!p0 $0x108  }
0x21: {  	s3 =	sadd.s32 s3, s9;
	s6 =	sadd.s32 @!p0 $0x88, s6;
	s7 =	simm.s32 @p2 $0x1082  }
0x22: {  	[simem:s7], [sflag:s8] =	dma.local @!p0 [hbm:s6], $0xF7A  }
0x23: {  	s9 =	sor.u32 $0xD0000000, s2;
	s6 =	simm.s32 $0x108;
	_ =	swait.ge @!p0 [sflag:s8], $0x0  }
0x24: {  	s3 =	sadd.s32 $0x88, s3;
	s6 =	simm.s32 @!p1 $0x1082;
	[sflag:s4] =	ssyncset.s32 $0xFFFFF086  }
0x25: {  	[simem:s6], [sflag:s4] =	dma.local [hbm:s3], $0xF7A  }
0x26: {  	[smem:$0x3F97] =	sst s1;
	(tag) =	ssettag s2;
	_ =	strace s9  }
0x27: {  	s1 =	sld [smem:$0x3FA7]  }
0x28: {  	s2 =	sld [smem:$0x3FA8]  }
0x29: {  	s4 =	sld [smem:$0x3FAA]  }
0x2a: {  	p0 =	seq.s32 s5, $0x0;
	s5 =	sld [smem:$0x3FAB]  }
0x2b: {  	s6 =	sld [smem:$0x3FAC]  }
0x2c: {  	s7 =	sld [smem:$0x3FAD]  }
0x2d: {  	s3 =	simm.s32 $0x108;
	s8 =	sld [smem:$0x3FAE]  }
0x2e: {  	s3 =	simm.s32 @!p0 $0x1082;
	s9 =	sld [smem:$0x3FAF]  }
0x2f: {  	lr =	sadd.s32 s0, s3;
	s0 =	sld [smem:$0x3FA6]  }
0x30: {  	s3 =	sld [smem:$0x3FA9]  }
0x31: {  	[smem:$0x3FB2] =	sst s10  }
0x32: {  	s10 =	sld [smem:$0x3FB0];
	_ =	sdelay $0x3  }
0x33: {  	p0 =	seq.s32 s10, $0x1;
	s10 =	sld [smem:$0x3FB2];
	_ =	sdelay $0x3  }
0x34: {  	[smem:$0x3FB2] =	sst s10  }
0x35: {  	s10 =	sld [smem:$0x3FB1];
	_ =	sdelay $0x3  }
0x36: {  	p1 =	seq.s32 s10, $0x1;
	s10 =	sld [smem:$0x3FB2];
	_ =	sdelay $0x3  }
0x37: {  	[smem:$0x3FB2] =	sst s10  }
0x38: {  	s10 =	sld [smem:$0x3FB3]  }
0x39: {  	_ = 	snop;
	(pc) =	sbr.ind lr, $3  }
0x3a: {  	_ = 	snop  }
0x3b: {  	_ = 	snop  }
0x3c: {  	p2 =	seq.s32 s10, $0x1;
	s10 =	sld [smem:$0x3FB2]  }
0x3d: {  	_ =	shalt  }
0x3e: {  	_ =	shalt  }
0x3f: {  	_ =	shalt  }
0x40: {  	_ =	shalt  }
0x41: {  	_ =	shalt  }
0x42: {  	_ =	shalt  }
0x43: {  	_ =	shalt  }
0x44: {  	_ =	shalt  }
0x45: {  	_ =	shalt  }
0x46: {  	_ =	shalt  }
0x47: {  	_ =	shalt  }
0x48: {  	_ =	shalt  }
0x49: {  	_ =	shalt  }
0x4a: {  	_ =	shalt  }
0x4b: {  	_ =	shalt  }
0x4c: {  	_ =	shalt  }
0x4d: {  	_ =	shalt  }
0x4e: {  	_ =	shalt  }
0x4f: {  	_ =	shalt  }
0x50: {  	_ =	shalt  }
0x51: {  	_ =	shalt  }
0x52: {  	_ =	shalt  }
0x53: {  	_ =	shalt  }
0x54: {  	_ =	shalt  }
0x55: {  	_ =	shalt  }
0x56: {  	_ =	shalt  }
0x57: {  	_ =	shalt  }
0x58: {  	_ =	shalt  }
0x59: {  	_ =	shalt  }
0x5a: {  	_ =	shalt  }
0x5b: {  	_ =	shalt  }
0x5c: {  	_ =	shalt  }
0x5d: {  	_ =	shalt  }
0x5e: {  	_ =	shalt  }
0x5f: {  	_ =	shalt  }
0x60: {  	_ =	shalt  }
0x61: {  	_ =	shalt  }
0x62: {  	_ =	shalt  }
0x63: {  	_ =	shalt  }
0x64: {  	_ =	shalt  }
0x65: {  	_ =	shalt  }
0x66: {  	_ =	shalt  }
0x67: {  	_ =	shalt  }
0x68: {  	_ =	shalt  }
0x69: {  	_ =	shalt  }
0x6a: {  	_ =	shalt  }
0x6b: {  	_ =	shalt  }
0x6c: {  	_ =	shalt  }
0x6d: {  	_ =	shalt  }
0x6e: {  	_ =	shalt  }
0x6f: {  	_ =	shalt  }
0x70: {  	_ =	shalt  }
0x71: {  	_ =	shalt  }
0x72: {  	_ =	shalt  }
0x73: {  	_ =	shalt  }
0x74: {  	_ =	shalt  }
0x75: {  	_ =	shalt  }
0x76: {  	_ =	shalt  }
0x77: {  	_ =	shalt  }
0x78: {  	_ =	shalt  }
0x79: {  	_ =	shalt  }
0x7a: {  	_ =	shalt  }
0x7b: {  	_ =	shalt  }
0x7c: {  	_ =	shalt  }
0x7d: {  	_ =	shalt  }
0x7e: {  	_ =	shalt  }
0x7f: {  	_ =	shalt  }
0x80: {  	_ =	shalt  }
0x81: {  	_ =	shalt  }
0x82: {  	_ =	shalt  }
0x83: {  	_ =	shalt  }
0x84: {  	_ =	shalt  }
0x85: {  	_ =	shalt  }
0x86: {  	_ =	shalt  }
0x87: {  	_ =	shalt  }
.Lfunc_end0:
.L_simem_size_0:
called_computation_lowered:
.L_overlay_start_0:
0x88: {  	s2 =	sld [smem:$0x3FD9]  }
0x89: {  	s3 =	sld [smem:$0x3FFE];
	_ =	sdelay $0x1  }
0x8a: {  	s1 =	srdreg.scid  }
0x8b: {  	s0 =	sand.u32 $0x1, s1  }
0x8c: {  	s17 =	sshll.u32 s0, $0xA;
	s2 =	sadd.s32 s3, s2  }
0x8d: {  	s2 =	sadd.s32 s2, s17  }
0x8e: {  	[smem:$0x3FBE] =	sst s2  }
0x8f: {  	_ = 	snop  }
0x90: {  	s2 =	sld [smem:$0x3FC9]  }
0x91: {  	s18 =	sld [smem:$0x3FC8]  }
0x92: {  	s4 =	sld [smem:$0x3FC7]  }
0x93: {  	s5 =	sld [smem:$0x3FC6];
	(tm) =	ssettm $0x1  }
0x94: {  	s6 =	sld [smem:$0x3FFB];
	_ =	sdelay $0x3  }
0x95: {  	_ =	strace s6  }
0x96: {  	s6 =	sld [smem:$0x3FFC];
	_ =	sdelay $0x3  }
0x97: {  	_ =	strace s6  }
0x98: {  	s6 =	sld [smem:$0x3FFD];
	_ =	sdelay $0x3  }
0x99: {  	_ =	strace s6  }
0x9a: {  	_ =	strace $0x8FFFFFFF  }
0x9b: {  	s19 =	sld [smem:$0x3FDB];
	_ =	sdelay $0x1  }
0x9c: {  	s7 =	simm.s32 $_scs_section_size  }
0x9d: {  	s8 =	simm.s32 $_size__tile_overlayer_lowered;
	s9 =	simm.s32 $_tile_overlayer_lowered  }
0x9e: {  	s22 =	simm.s32 $0x1BFF;
	s21 =	sshll.u32 s9, $0x1;
	s6 =	sadd.s32 s7, s19  }
0x9f: {  	s10 =	simm.s32 $0x0;
	s20 =	sshll.u32 s8, $0x1;
	s8 =	sadd.s32 s21, s6  }
0xa0: {  	[timem:s10], [sflag:s22] =	dma.local [hbm:s8], s20  }
0xa1: {  	_ =	swait.ge [sflag:s22], s20  }
0xa2: {  	s7 =	ssub.s32 $0x0, s20;
	[sflag:s22] =	ssyncset.done $0x0  }
0xa3: {  	[sflag:s22] =	ssyncadd.s32 s7;
	_ =	sdelay $0x1  }
0xa4: {  	s23 =	simm.s32 $0x1B8B  }
0xa5: {  	_ =	swait.ge [sflag:s23], $0x1  }
0xa6: {  	[sflag:s23] =	ssyncset.done $0x0  }
0xa7: {  	s25 =	simm.s32 $0x1B8E;
	s24 =	sld [smem:$0x3FFE];
	[sflag:s23] =	ssyncadd.s32 $0xFFFFFFFF  }
0xa8: {  	s26 =	simm.s32 $execute0_lowered;
	[smem:$0x3FD2] =	sst s25  }
0xa9: {  	s8 =	sshll.u32 s26, $0x1;
	_ =	strace $0x80000046;
	[dreg:$0x1] =	wrdreg $0xFFFFFFFF  }
0xaa: {  	s28 =	simm.s32 $_size_execute0_lowered;
	s6 =	sadd.s32 s6, s8;
	[dreg:$0x0] =	wrdreg $0x0  }
0xab: {  	s8 =	sshll.u32 s28, $0x1;
	[dreg:$0x2] =	wrdreg s6  }
0xac: {  	[dreg:$0x3] =	wrdreg s8  }
0xad: {  	[dreg:$0x4] =	wrdreg $0xC0  }
0xae: {  	_ =	task [dreg:s10], $0x5FFFF  }
0xaf: {  	[dreg:$0x1] =	wrdreg $0xFFFFFFFF  }
0xb0: {  	[dreg:$0x0] =	wrdreg $0x60  }
0xb1: {  	[dreg:$0x2] =	wrdreg s2  }
0xb2: {  	[dreg:$0x3] =	wrdreg s18  }
0xb3: {  	[dreg:$0x4] =	wrdreg s4  }
0xb4: {  	[dreg:$0x5] =	wrdreg s5  }
0xb5: {  	[dreg:$0x6] =	wrdreg s24  }
0xb6: {  	[dreg:$0x7] =	wrdreg $0x9  }
0xb7: {  	_ =	task.clear_ibuf [dreg:s10], $0x8FFFF;
	_ =	strace $0x90000046  }
0xb8: {  	s29 =	simm.s32 $0x9;
	_ =	strace $0x80000048  }
0xb9: {  	_ =	swait.ge [sflag:s29], $0x1  }
0xba: {  	[sflag:s29] =	ssyncadd.s32 $0xFFFFFFFF  }
0xbb: {  	_ =	strace $0x90000048  }
0xbc: {  	_ =	sfence  }
0xbd: {  	s30 =	sld [smem:$0x0];
	_ =	sdelay $0x2  }
0xbe: {  	s31 =	sshll.u32 s1, $0xD;
	s1 =	sshrl.u32 s1, $0x2  }
0xbf: {  	s3 =	sand.u32 $0x4000, s31;
	s1 =	sadd.s32 s1, s30  }
0xc0: {  	s0 =	sor.u32 s3, s0;
	s1 =	sshll.u32 s1, $0x11  }
0xc1: {  	s0 =	sor.u32 s1, s0  }
0xc2: {  	s0 =	sadd.s32 $0x8F2B, s0  }
0xc3: {  	[sflag:s0] =	ssyncadd.remote.s32 $0x1  }
0xc4: {  	_ =	sfence.sel $0xFFFF  }
0xc5: {  	[dreg:$0x0] =	wrdreg $0xFFFFFFFF;
	(pc) =	sbr.abs _section_cstart, $3  }
0xc6: {  	[dreg:$0x1] =	wrdreg $0xFFFFFFFF  }
0xc7: {  	_ =	task.clear_ibuf [dreg:s10], $0x2FFFF;
	_ =	strace $0x9FFFFFFF  }
0xc8: {  	(tm) =	ssettm $0x7FFFFFFF  }
0xc9: {  	_ =	shalt  }
tec
execute0_lowered:
.L_overlay_start_1:
0x0: {  	(tag) =	ssettag $0x1  }
0x1: {  	vm14 =	vcmask $0x300;
	v0 =	vimm.s32 $0x2380  }
0x2: {  	vm13 =	vcmask $0x704;
	vm12 =	vcmask $0xB08;
	vm11 =	vcmask $0xF0C  }
0x3: {  	vm10 =	vcmask $0x1310;
	vm9 =	vcmask $0x1714;
	vm8 =	vcmask $0x1B18  }
0x4: {  	vm7 =	vcmask $0x1F1C;
	v1 =	vimm.s32 $0x6380;
	v2 =	vimm.s32 $0x1380  }
0x5: {  	vm0 =	vcmask $0x2320;
	vm1 =	vcmask $0x2724;
	vm2 =	vcmask $0x2B28  }
0x6: {  	vm3 =	vcmask $0x2F2C;
	vm4 =	vcmask $0x3330;
	vm5 =	vcmask $0x3734  }
0x7: {  	vm6 =	vcmask $0x3B38;
	v9 =	vimm.s32 $0x3380;
	v3 =	vimm.s32 $0x2780  }
0x8: {  	v5 =	vimm.s32 $0x6780;
	v7 =	vimm.s32 $0x6B80;
	v8 =	vimm.s32 $0x2F80  }
0x9: {  	v10 =	vimm.s32 $0x6F80;
	v11 =	vimm.s32 $0x7380;
	v13 =	vimm.s32 $0x7780  }
0xa: {  	v14 =	vimm.s32 $0x3B80;
	v15 =	vimm.s32 $0x7B80;
	v16 =	vimm.s32 $0x3F80  }
0xb: {  	v17 =	vimm.s32 $0x7F80;
	v0 =	vsel vm14, $0x0, v0;
	v1 =	vsel vm14, $0x4000, v1  }
0xc: {  	v2 =	vsel vm14, $0x0, v2;
	v4 =	vsel vm14, $0x2000, v9;
	v3 =	vsel vm14, $0x400, v3  }
0xd: {  	v5 =	vsel vm14, $0x4400, v5;
	v7 =	vsel vm14, $0x4800, v7;
	v8 =	vsel vm14, $0xC00, v8  }
0xe: {  	v10 =	vsel vm14, $0x4C00, v10;
	v9 =	vsel vm14, $0x1000, v9;
	v11 =	vsel vm14, $0x5000, v11  }
0xf: {  	v13 =	vsel vm14, $0x5400, v13;
	v14 =	vsel vm14, $0x1800, v14;
	v15 =	vsel vm14, $0x5800, v15  }
0x10: {  	v16 =	vsel vm14, $0x1C00, v16;
	v17 =	vsel vm14, $0x5C00, v17;
	v0 =	vsel vm13, $0x80, v0  }
0x11: {  	v1 =	vsel vm13, $0x4080, v1;
	v2 =	vsel vm13, $0x80, v2;
	v4 =	vsel vm13, $0x2080, v4  }
0x12: {  	v3 =	vsel vm13, $0x480, v3;
	v5 =	vsel vm13, $0x4480, v5;
	v7 =	vsel vm13, $0x4880, v7  }
0x13: {  	v8 =	vsel vm13, $0xC80, v8;
	v10 =	vsel vm13, $0x4C80, v10;
	v9 =	vsel vm13, $0x1080, v9  }
0x14: {  	v11 =	vsel vm13, $0x5080, v11;
	v13 =	vsel vm13, $0x5480, v13;
	v14 =	vsel vm13, $0x1880, v14  }
0x15: {  	v15 =	vsel vm13, $0x5880, v15;
	v16 =	vsel vm13, $0x1C80, v16;
	v17 =	vsel vm13, $0x5C80, v17  }
0x16: {  	v0 =	vsel vm12, $0x100, v0;
	v1 =	vsel vm12, $0x4100, v1;
	v2 =	vsel vm12, $0x100, v2  }
0x17: {  	v4 =	vsel vm12, $0x2100, v4;
	v3 =	vsel vm12, $0x500, v3;
	v5 =	vsel vm12, $0x4500, v5  }
0x18: {  	v7 =	vsel vm12, $0x4900, v7;
	v8 =	vsel vm12, $0xD00, v8;
	v10 =	vsel vm12, $0x4D00, v10  }
0x19: {  	v9 =	vsel vm12, $0x1100, v9;
	v11 =	vsel vm12, $0x5100, v11;
	v13 =	vsel vm12, $0x5500, v13  }
0x1a: {  	v14 =	vsel vm12, $0x1900, v14;
	v15 =	vsel vm12, $0x5900, v15;
	v16 =	vsel vm12, $0x1D00, v16  }
0x1b: {  	v17 =	vsel vm12, $0x5D00, v17;
	v0 =	vsel vm11, $0x180, v0;
	v1 =	vsel vm11, $0x4180, v1  }
0x1c: {  	v2 =	vsel vm11, $0x180, v2;
	v4 =	vsel vm11, $0x2180, v4;
	v3 =	vsel vm11, $0x580, v3  }
0x1d: {  	v5 =	vsel vm11, $0x4580, v5;
	v7 =	vsel vm11, $0x4980, v7;
	v8 =	vsel vm11, $0xD80, v8  }
0x1e: {  	v10 =	vsel vm11, $0x4D80, v10;
	v9 =	vsel vm11, $0x1180, v9;
	v11 =	vsel vm11, $0x5180, v11  }
0x1f: {  	v13 =	vsel vm11, $0x5580, v13;
	v14 =	vsel vm11, $0x1980, v14;
	v15 =	vsel vm11, $0x5980, v15  }
0x20: {  	v16 =	vsel vm11, $0x1D80, v16;
	v17 =	vsel vm11, $0x5D80, v17;
	v0 =	vsel vm10, $0x200, v0  }
0x21: {  	v1 =	vsel vm10, $0x4200, v1;
	v2 =	vsel vm10, $0x200, v2;
	v4 =	vsel vm10, $0x2200, v4  }
0x22: {  	v3 =	vsel vm10, $0x600, v3;
	v5 =	vsel vm10, $0x4600, v5;
	v7 =	vsel vm10, $0x4A00, v7  }
0x23: {  	v8 =	vsel vm10, $0xE00, v8;
	v10 =	vsel vm10, $0x4E00, v10;
	v9 =	vsel vm10, $0x1200, v9  }
0x24: {  	v11 =	vsel vm10, $0x5200, v11;
	v13 =	vsel vm10, $0x5600, v13;
	v14 =	vsel vm10, $0x1A00, v14  }
0x25: {  	v15 =	vsel vm10, $0x5A00, v15;
	v16 =	vsel vm10, $0x1E00, v16;
	v17 =	vsel vm10, $0x5E00, v17  }
0x26: {  	v0 =	vsel vm9, $0x280, v0;
	v1 =	vsel vm9, $0x4280, v1;
	v2 =	vsel vm9, $0x280, v2  }
0x27: {  	v4 =	vsel vm9, $0x2280, v4;
	v3 =	vsel vm9, $0x680, v3;
	v5 =	vsel vm9, $0x4680, v5  }
0x28: {  	v7 =	vsel vm9, $0x4A80, v7;
	v8 =	vsel vm9, $0xE80, v8;
	v10 =	vsel vm9, $0x4E80, v10  }
0x29: {  	v9 =	vsel vm9, $0x1280, v9;
	v11 =	vsel vm9, $0x5280, v11;
	v13 =	vsel vm9, $0x5680, v13  }
0x2a: {  	v14 =	vsel vm9, $0x1A80, v14;
	v15 =	vsel vm9, $0x5A80, v15;
	v16 =	vsel vm9, $0x1E80, v16  }
0x2b: {  	v17 =	vsel vm9, $0x5E80, v17;
	v0 =	vsel vm8, $0x300, v0;
	v1 =	vsel vm8, $0x4300, v1  }
0x2c: {  	v2 =	vsel vm8, $0x300, v2;
	v4 =	vsel vm8, $0x2300, v4;
	v3 =	vsel vm8, $0x700, v3  }
0x2d: {  	v5 =	vsel vm8, $0x4700, v5;
	v7 =	vsel vm8, $0x4B00, v7;
	v8 =	vsel vm8, $0xF00, v8  }
0x2e: {  	v10 =	vsel vm8, $0x4F00, v10;
	v9 =	vsel vm8, $0x1300, v9;
	v11 =	vsel vm8, $0x5300, v11  }
0x2f: {  	v13 =	vsel vm8, $0x5700, v13;
	v14 =	vsel vm8, $0x1B00, v14;
	v15 =	vsel vm8, $0x5B00, v15  }
0x30: {  	v16 =	vsel vm8, $0x1F00, v16;
	v17 =	vsel vm8, $0x5F00, v17;
	v0 =	vsel vm7, $0x380, v0  }
0x31: {  	v1 =	vsel vm7, $0x4380, v1;
	v2 =	vsel vm7, $0x380, v2;
	v4 =	vsel vm7, $0x2380, v4  }
0x32: {  	v3 =	vsel vm7, $0x780, v3;
	v5 =	vsel vm7, $0x4780, v5;
	v7 =	vsel vm7, $0x4B80, v7  }
0x33: {  	v8 =	vsel vm7, $0xF80, v8;
	v10 =	vsel vm7, $0x4F80, v10;
	v9 =	vsel vm7, $0x1380, v9  }
0x34: {  	v11 =	vsel vm7, $0x5380, v11;
	v13 =	vsel vm7, $0x5780, v13;
	v14 =	vsel vm7, $0x1B80, v14  }
0x35: {  	v15 =	vsel vm7, $0x5B80, v15;
	v16 =	vsel vm7, $0x1F80, v16;
	v17 =	vsel vm7, $0x5F80, v17  }
0x36: {  	v0 =	vsel vm0, $0x2000, v0;
	v1 =	vsel vm0, $0x6000, v1;
	v2 =	vsel vm0, $0x1000, v2  }
0x37: {  	v4 =	vsel vm0, $0x3000, v4;
	v3 =	vsel vm0, $0x2400, v3;
	v5 =	vsel vm0, $0x6400, v5  }
0x38: {  	v7 =	vsel vm0, $0x6800, v7;
	v8 =	vsel vm0, $0x2C00, v8;
	v10 =	vsel vm0, $0x6C00, v10  }
0x39: {  	v9 =	vsel vm0, $0x3000, v9;
	v11 =	vsel vm0, $0x7000, v11;
	v13 =	vsel vm0, $0x7400, v13  }
0x3a: {  	v14 =	vsel vm0, $0x3800, v14;
	v15 =	vsel vm0, $0x7800, v15;
	v16 =	vsel vm0, $0x3C00, v16  }
0x3b: {  	v17 =	vsel vm0, $0x7C00, v17;
	v0 =	vsel vm1, $0x2080, v0;
	v1 =	vsel vm1, $0x6080, v1  }
0x3c: {  	v2 =	vsel vm1, $0x1080, v2;
	v4 =	vsel vm1, $0x3080, v4;
	v3 =	vsel vm1, $0x2480, v3  }
0x3d: {  	v5 =	vsel vm1, $0x6480, v5;
	v7 =	vsel vm1, $0x6880, v7;
	v8 =	vsel vm1, $0x2C80, v8  }
0x3e: {  	v10 =	vsel vm1, $0x6C80, v10;
	v9 =	vsel vm1, $0x3080, v9;
	v11 =	vsel vm1, $0x7080, v11  }
0x3f: {  	v13 =	vsel vm1, $0x7480, v13;
	v14 =	vsel vm1, $0x3880, v14;
	v15 =	vsel vm1, $0x7880, v15  }
0x40: {  	v16 =	vsel vm1, $0x3C80, v16;
	v17 =	vsel vm1, $0x7C80, v17;
	v0 =	vsel vm2, $0x2100, v0  }
0x41: {  	v1 =	vsel vm2, $0x6100, v1;
	v2 =	vsel vm2, $0x1100, v2;
	v4 =	vsel vm2, $0x3100, v4  }
0x42: {  	v3 =	vsel vm2, $0x2500, v3;
	v5 =	vsel vm2, $0x6500, v5;
	v7 =	vsel vm2, $0x6900, v7  }
0x43: {  	v8 =	vsel vm2, $0x2D00, v8;
	v10 =	vsel vm2, $0x6D00, v10;
	v9 =	vsel vm2, $0x3100, v9  }
0x44: {  	v11 =	vsel vm2, $0x7100, v11;
	v13 =	vsel vm2, $0x7500, v13;
	v14 =	vsel vm2, $0x3900, v14  }
0x45: {  	v15 =	vsel vm2, $0x7900, v15;
	v16 =	vsel vm2, $0x3D00, v16;
	v17 =	vsel vm2, $0x7D00, v17  }
0x46: {  	v0 =	vsel vm3, $0x2180, v0;
	v1 =	vsel vm3, $0x6180, v1;
	v2 =	vsel vm3, $0x1180, v2  }
0x47: {  	v4 =	vsel vm3, $0x3180, v4;
	v3 =	vsel vm3, $0x2580, v3;
	v5 =	vsel vm3, $0x6580, v5  }
0x48: {  	v7 =	vsel vm3, $0x6980, v7;
	v8 =	vsel vm3, $0x2D80, v8;
	v10 =	vsel vm3, $0x6D80, v10  }
0x49: {  	v9 =	vsel vm3, $0x3180, v9;
	v11 =	vsel vm3, $0x7180, v11;
	v13 =	vsel vm3, $0x7580, v13  }
0x4a: {  	v14 =	vsel vm3, $0x3980, v14;
	v15 =	vsel vm3, $0x7980, v15;
	v16 =	vsel vm3, $0x3D80, v16  }
0x4b: {  	v17 =	vsel vm3, $0x7D80, v17;
	v0 =	vsel vm4, $0x2200, v0;
	v1 =	vsel vm4, $0x6200, v1  }
0x4c: {  	v2 =	vsel vm4, $0x1200, v2;
	v4 =	vsel vm4, $0x3200, v4;
	v3 =	vsel vm4, $0x2600, v3  }
0x4d: {  	v5 =	vsel vm4, $0x6600, v5;
	v7 =	vsel vm4, $0x6A00, v7;
	v8 =	vsel vm4, $0x2E00, v8  }
0x4e: {  	v10 =	vsel vm4, $0x6E00, v10;
	v9 =	vsel vm4, $0x3200, v9;
	v11 =	vsel vm4, $0x7200, v11  }
0x4f: {  	v13 =	vsel vm4, $0x7600, v13;
	v14 =	vsel vm4, $0x3A00, v14;
	v15 =	vsel vm4, $0x7A00, v15  }
0x50: {  	v16 =	vsel vm4, $0x3E00, v16;
	v17 =	vsel vm4, $0x7E00, v17;
	v0 =	vsel vm5, $0x2280, v0  }
0x51: {  	s2 =	rddreg [dreg:$0x0];
	v1 =	vsel vm5, $0x6280, v1;
	v2 =	vsel vm5, $0x1280, v2;
	v4 =	vsel vm5, $0x3280, v4  }
0x52: {  	s3 =	rddreg [dreg:$0x1];
	v6 =	vsel vm5, $0x2680, v3;
	v5 =	vsel vm5, $0x6680, v5;
	v7 =	vsel vm5, $0x6A80, v7  }
0x53: {  	s0 =	rddreg [dreg:$0x2];
	v8 =	vsel vm5, $0x2E80, v8;
	v10 =	vsel vm5, $0x6E80, v10;
	v12 =	vsel vm5, $0x3280, v9  }
0x54: {  	s1 =	rddreg [dreg:$0x3];
	v11 =	vsel vm5, $0x7280, v11;
	v13 =	vsel vm5, $0x7680, v13;
	v14 =	vsel vm5, $0x3A80, v14  }
0x55: {  	s5 =	rddreg [dreg:$0x4];
	s6 =	srdreg.scid;
	s4 =	simm.s32 $0x0;
	v3 =	vsel vm6, $0x3300, v4;
	v4 =	vsel vm6, $0x2700, v6;
	v6 =	vimm.s32 $0x2B80  }
0x56: {  	s7 =	stileid.u32;
	s11 =	simm.s32 $0x4;
	s12 =	simm.s32 $0x500;
	v9 =	vsel vm6, $0x6F00, v10;
	v10 =	vsel vm6, $0x3300, v12;
	v12 =	vimm.s32 $0x3780  }
0x57: {  	s16 =	simm.s32 $0x2500;
	s29 =	simm.s32 $0x4500;
	s18 =	simm.s32 $0x6500;
	v15 =	vsel vm5, $0x7A80, v15;
	v6 =	vsel vm14, $0x800, v6;
	v12 =	vsel vm14, $0x1400, v12  }
0x58: {  	s19 =	simm.s32 $0x900;
	s30 =	simm.s32 $0x2900;
	s20 =	simm.s32 $0x6900;
	v16 =	vsel vm5, $0x3E80, v16;
	v6 =	vsel vm13, $0x880, v6;
	v12 =	vsel vm13, $0x1480, v12  }
0x59: {  	s21 =	simm.s32 $0x2D00;
	s22 =	simm.s32 $0x4D00;
	s28 =	simm.s32 $0x3100;
	v17 =	vsel vm5, $0x7E80, v17;
	v6 =	vsel vm12, $0x900, v6;
	v12 =	vsel vm12, $0x1500, v12  }
0x5a: {  	s14 =	simm.s32 $0x3500;
	s15 =	simm.s32 $0x5500;
	s17 =	simm.s32 $0x8500;
	v0 =	vsel vm6, $0x2300, v0;
	v6 =	vsel vm11, $0x980, v6;
	v12 =	vsel vm11, $0x1580, v12  }
0x5b: {  	s9 =	simm.s32 $0x1;
	s10 =	simm.s32 $0x18500;
	s6 =	sand.u32 $0x1, s6;
	v1 =	vsel vm6, $0x6300, v1;
	v6 =	vsel vm10, $0xA00, v6;
	v12 =	vsel vm10, $0x1600, v12  }
0x5c: {  	[smem:$0x7FF] =	sst s4;
	s7 =	sshll.u32 s7, $0xA;
	s8 =	sshll.u32 s6, $0x9;
	v2 =	vsel vm6, $0x1300, v2;
	v6 =	vsel vm9, $0xA80, v6;
	v12 =	vsel vm9, $0x1680, v12  }
0x5d: {  	s13 =	simm.s32 $0x0;
	_ =	strace $0x80000047;
	s7 =	sor.u32 s8, s7;
	v5 =	vsel vm6, $0x6700, v5;
	v6 =	vsel vm8, $0xB00, v6;
	v12 =	vsel vm8, $0x1700, v12  }
0x5e: {  	s6 =	ssub.s32 $0x2, s6;
	s5 =	sadd.s32 s7, s5;
	s7 =	sshrl.u32 s7, $0x3;
	v7 =	vsel vm6, $0x6B00, v7;
	v6 =	vsel vm7, $0xB80, v6;
	v12 =	vsel vm7, $0x1780, v12  }
0x5f: {  	s23 =	sshrl.u32 s6, $0x1;
	s8 =	simm.s32 $0x5100;
	s2 =	sadd.s32 s2, s7;
	v8 =	vsel vm6, $0x2F00, v8;
	v6 =	vsel vm0, $0x2800, v6;
	v12 =	vsel vm0, $0x3400, v12  }
0x60: {  	s6 =	ssub.s32 s6, s23;
	s24 =	sadd.s32 s3, s7;
	[dreg:$0x6] =	wrdreg s2;
	v11 =	vsel vm6, $0x7300, v11;
	v6 =	vsel vm1, $0x2880, v6;
	v12 =	vsel vm1, $0x3480, v12  }
0x61: {  	s23 =	simm.s32 $0x10500;
	s25 =	sadd.s32 $0x1600, s5;
	[dreg:$0x7] =	wrdreg s24;
	v13 =	vsel vm6, $0x7700, v13;
	v6 =	vsel vm2, $0x2900, v6;
	v12 =	vsel vm2, $0x3500, v12  }
0x62: {  	s26 =	sadd.s32 $0x11600, s5;
	s31 =	smax.u32 s6, $0x1;
	[dreg:$0x8] =	wrdreg s25;
	v14 =	vsel vm6, $0x3B00, v14;
	v6 =	vsel vm3, $0x2980, v6;
	v12 =	vsel vm3, $0x3580, v12  }
0x63: {  	s5 =	simm.s32 $0x4900;
	s6 =	simm.s32 $0xD00;
	[dreg:$0x9] =	wrdreg s26;
	v15 =	vsel vm6, $0x7B00, v15;
	v6 =	vsel vm4, $0x2A00, v6;
	v12 =	vsel vm4, $0x3600, v12  }
0x64: {  	s7 =	simm.s32 $0x6D00;
	[dreg:$0xa] =	wrdreg s31;
	s24 =	simm.s32 $0x7100;
	v16 =	vsel vm6, $0x3F00, v16;
	v6 =	vsel vm5, $0x2A80, v6;
	v12 =	vsel vm5, $0x3680, v12  }
0x65: {  	s26 =	simm.s32 $0x1500;
	s25 =	simm.s32 $0x2;
	s2 =	simm.s32 $0x3;
	v17 =	vsel vm6, $0x7F00, v17;
	v6 =	vsel vm6, $0x2B00, v6;
	v12 =	vsel vm6, $0x3700, v12  }
.LBB2_1:
0x66: {  	[dreg:$0xb] =	wrdreg s13  }
0x67: {  	s3 =	rddreg [dreg:$0x6]  }
0x68: {  	[tilespmem:s4], [sflag:$0x4] =	stream.linear.gather [hbm4b:s3+s4], $0x200, $0x38;
	[tilespmem:$0x1C500] =	vst v63  }
0x69: {  	_ =	swait.ge [sflag:s11], $0x200  }
0x6a: {  	[sflag:s11] =	ssyncset.done $0x0  }
0x6b: {  	s31 =	simm.s32 $0x280;
	s13 =	rddreg [dreg:$0x7];
	[sflag:s11] =	ssyncadd.s32 $0xFFFFFE00  }
0x6c: {  	[tilespmem:s31], [sflag:$0x4] =	stream.linear.gather [hbm4b:s13+s4], $0x200, $0x38;
	[tilespmem:$0x1C500] =	vst v63  }
0x6d: {  	_ =	swait.ge [sflag:s11], $0x200  }
0x6e: {  	[sflag:s11] =	ssyncset.done $0x0  }
0x6f: {  	[sflag:s11] =	ssyncadd.s32 $0xFFFFFE00  }
0x70: {  	v18 =	vld [tilespmem:$0x0];
	_ =	sdelay $0x4  }
0x71: {  	(v2sf) =	vpush v18, $0x0;
	_ =	sdelay $0x7  }
0x72: {  	(v2sf) =	vpush v18, $0x1;
	_ =	sdelay $0x6  }
0x73: {  	s11 =	spop (v2sf)  }
0x74: {  	s3 =	sand.u32 $0xFFFFF80, s11  }
0x75: {  	(v2sf) =	vpush v18, $0x2;
	s3 =	sadd.s32 s0, s3  }
0x76: {  	[tilespmem:s12], [sflag:$0x1] =	stream.linear.gather [hbm4b:s3+s4], $0x400, $0x38;
	[tilespmem:$0x1C500] =	vst v63  }
0x77: {  	s13 =	sadd.s32 $0xF4280, s3  }
0x78: {  	[tilespmem:s16], [sflag:$0x1] =	stream.linear.gather [hbm4b:s13+s4], $0x400, $0x38;
	[tilespmem:$0x1C500] =	vst v63  }
0x79: {  	s31 =	sadd.s32 $0x1E8500, s3  }
0x7a: {  	[tilespmem:s29], [sflag:$0x1] =	stream.linear.gather [hbm4b:s31+s4], $0x400, $0x38;
	[tilespmem:$0x1C500] =	vst v63  }
0x7b: {  	s11 =	spop (v2sf);
	s3 =	sadd.s32 $0x2DC780, s3  }
0x7c: {  	[tilespmem:s18], [sflag:$0x1] =	stream.linear.gather [hbm4b:s3+s4], $0x400, $0x38;
	[tilespmem:$0x1C500] =	vst v63  }
0x7d: {  	s3 =	sand.u32 $0xFFFFF80, s11  }
0x7e: {  	(v2sf) =	vpush v18, $0x3;
	s3 =	sadd.s32 s0, s3  }
0x7f: {  	[tilespmem:s19], [sflag:$0x1] =	stream.linear.gather [hbm4b:s3+s4], $0x400, $0x38;
	[tilespmem:$0x1C500] =	vst v63  }
0x80: {  	s13 =	sadd.s32 $0xF4280, s3  }
0x81: {  	[tilespmem:s30], [sflag:$0x1] =	stream.linear.gather [hbm4b:s13+s4], $0x400, $0x38;
	[tilespmem:$0x1C500] =	vst v63  }
0x82: {  	s31 =	sadd.s32 $0x1E8500, s3  }
0x83: {  	[tilespmem:s5], [sflag:$0x1] =	stream.linear.gather [hbm4b:s31+s4], $0x400, $0x38;
	[tilespmem:$0x1C500] =	vst v63  }
0x84: {  	s3 =	sadd.s32 $0x2DC780, s3;
	s11 =	spop (v2sf)  }
0x85: {  	[tilespmem:s20], [sflag:$0x1] =	stream.linear.gather [hbm4b:s3+s4], $0x400, $0x38;
	[tilespmem:$0x1C500] =	vst v63  }
0x86: {  	s3 =	sand.u32 $0xFFFFF80, s11  }
0x87: {  	(v2sf) =	vpush v18, $0x4;
	s3 =	sadd.s32 s0, s3  }
0x88: {  	[tilespmem:s6], [sflag:$0x1] =	stream.linear.gather [hbm4b:s3+s4], $0x400, $0x38;
	[tilespmem:$0x1C500] =	vst v63  }
0x89: {  	s13 =	sadd.s32 $0xF4280, s3  }
0x8a: {  	[tilespmem:s21], [sflag:$0x1] =	stream.linear.gather [hbm4b:s13+s4], $0x400, $0x38;
	[tilespmem:$0x1C500] =	vst v63  }
0x8b: {  	s31 =	sadd.s32 $0x1E8500, s3  }
0x8c: {  	[tilespmem:s22], [sflag:$0x1] =	stream.linear.gather [hbm4b:s31+s4], $0x400, $0x38;
	[tilespmem:$0x1C500] =	vst v63  }
0x8d: {  	s3 =	sadd.s32 $0x2DC780, s3;
	s13 =	spop (v2sf)  }
0x8e: {  	[tilespmem:s7], [sflag:$0x1] =	stream.linear.gather [hbm4b:s3+s4], $0x400, $0x38;
	[tilespmem:$0x1C500] =	vst v63  }
0x8f: {  	s3 =	sand.u32 $0xFFFFF80, s13  }
0x90: {  	(v2sf) =	vpush v18, $0x5;
	s31 =	simm.s32 $0x1100;
	s3 =	sadd.s32 s0, s3  }
0x91: {  	[tilespmem:s31], [sflag:$0x1] =	stream.linear.gather [hbm4b:s3+s4], $0x400, $0x38;
	[tilespmem:$0x1C500] =	vst v63  }
0x92: {  	s13 =	sadd.s32 $0xF4280, s3  }
0x93: {  	[tilespmem:s28], [sflag:$0x1] =	stream.linear.gather [hbm4b:s13+s4], $0x400, $0x38;
	[tilespmem:$0x1C500] =	vst v63  }
0x94: {  	s31 =	sadd.s32 $0x1E8500, s3  }
0x95: {  	[tilespmem:s8], [sflag:$0x1] =	stream.linear.gather [hbm4b:s31+s4], $0x400, $0x38;
	[tilespmem:$0x1C500] =	vst v63  }
0x96: {  	s3 =	sadd.s32 $0x2DC780, s3;
	s11 =	spop (v2sf)  }
0x97: {  	[tilespmem:s24], [sflag:$0x1] =	stream.linear.gather [hbm4b:s3+s4], $0x400, $0x38;
	[tilespmem:$0x1C500] =	vst v63  }
0x98: {  	s3 =	sand.u32 $0xFFFFF80, s11  }
0x99: {  	(v2sf) =	vpush v18, $0x6;
	s3 =	sadd.s32 s0, s3  }
0x9a: {  	[tilespmem:s26], [sflag:$0x1] =	stream.linear.gather [hbm4b:s3+s4], $0x400, $0x38;
	[tilespmem:$0x1C500] =	vst v63  }
0x9b: {  	s13 =	sadd.s32 $0xF4280, s3  }
0x9c: {  	[tilespmem:s14], [sflag:$0x1] =	stream.linear.gather [hbm4b:s13+s4], $0x400, $0x38;
	[tilespmem:$0x1C500] =	vst v63  }
0x9d: {  	s26 =	sadd.s32 $0x1E8500, s3  }
0x9e: {  	[tilespmem:s15], [sflag:$0x1] =	stream.linear.gather [hbm4b:s26+s4], $0x400, $0x38;
	[tilespmem:$0x1C500] =	vst v63  }
0x9f: {  	s31 =	simm.s32 $0x7500;
	s3 =	sadd.s32 $0x2DC780, s3;
	s11 =	spop (v2sf)  }
0xa0: {  	[tilespmem:s31], [sflag:$0x1] =	stream.linear.gather [hbm4b:s3+s4], $0x400, $0x38;
	[tilespmem:$0x1C500] =	vst v63  }
0xa1: {  	s3 =	sand.u32 $0xFFFFF80, s11  }
0xa2: {  	(v2sf) =	vpush v18, $0x7;
	s13 =	simm.s32 $0x1900;
	s3 =	sadd.s32 s0, s3  }
0xa3: {  	[tilespmem:s13], [sflag:$0x1] =	stream.linear.gather [hbm4b:s3+s4], $0x400, $0x38;
	[tilespmem:$0x1C500] =	vst v63  }
0xa4: {  	s15 =	simm.s32 $0x3900;
	s14 =	sadd.s32 $0xF4280, s3  }
0xa5: {  	[tilespmem:s15], [sflag:$0x1] =	stream.linear.gather [hbm4b:s14+s4], $0x400, $0x38;
	[tilespmem:$0x1C500] =	vst v63  }
0xa6: {  	s31 =	simm.s32 $0x5900;
	s26 =	sadd.s32 $0x1E8500, s3  }
0xa7: {  	[tilespmem:s31], [sflag:$0x1] =	stream.linear.gather [hbm4b:s26+s4], $0x400, $0x38;
	[tilespmem:$0x1C500] =	vst v63  }
0xa8: {  	s3 =	sadd.s32 $0x2DC780, s3;
	s13 =	simm.s32 $0x7900;
	s14 =	spop (v2sf)  }
0xa9: {  	[tilespmem:s13], [sflag:$0x1] =	stream.linear.gather [hbm4b:s3+s4], $0x400, $0x38;
	[tilespmem:$0x1C500] =	vst v63  }
0xaa: {  	s3 =	sand.u32 $0xFFFFF80, s14  }
0xab: {  	s15 =	simm.s32 $0x1D00;
	s3 =	sadd.s32 s0, s3  }
0xac: {  	[tilespmem:s15], [sflag:$0x1] =	stream.linear.gather [hbm4b:s3+s4], $0x400, $0x38;
	[tilespmem:$0x1C500] =	vst v63  }
0xad: {  	s31 =	simm.s32 $0x3D00;
	s26 =	sadd.s32 $0xF4280, s3  }
0xae: {  	[tilespmem:s31], [sflag:$0x1] =	stream.linear.gather [hbm4b:s26+s4], $0x400, $0x38;
	[tilespmem:$0x1C500] =	vst v63  }
0xaf: {  	s14 =	simm.s32 $0x5D00;
	s13 =	sadd.s32 $0x1E8500, s3  }
0xb0: {  	[tilespmem:s14], [sflag:$0x1] =	stream.linear.gather [hbm4b:s13+s4], $0x400, $0x38;
	[tilespmem:$0x1C500] =	vst v63  }
0xb1: {  	s3 =	sadd.s32 $0x2DC780, s3;
	s15 =	simm.s32 $0x7D00;
	s26 =	spop (v2sf)  }
0xb2: {  	[tilespmem:s15], [sflag:$0x1] =	stream.linear.gather [hbm4b:s3+s4], $0x400, $0x38;
	[tilespmem:$0x1C500] =	vst v63  }
0xb3: {  	s3 =	sand.u32 $0xFFFFF80, s26  }
0xb4: {  	s31 =	simm.s32 $0x2100;
	s3 =	sadd.s32 s0, s3  }
0xb5: {  	[tilespmem:s31], [sflag:$0x1] =	stream.linear.gather [hbm4b:s3+s4], $0x400, $0x38;
	[tilespmem:$0x1C500] =	vst v63  }
0xb6: {  	s14 =	simm.s32 $0x4100;
	s13 =	sadd.s32 $0xF4280, s3  }
0xb7: {  	[tilespmem:s14], [sflag:$0x1] =	stream.linear.gather [hbm4b:s13+s4], $0x400, $0x38;
	[tilespmem:$0x1C500] =	vst v63  }
0xb8: {  	s26 =	simm.s32 $0x6100;
	s15 =	sadd.s32 $0x1E8500, s3  }
0xb9: {  	[tilespmem:s26], [sflag:$0x1] =	stream.linear.gather [hbm4b:s15+s4], $0x400, $0x38;
	[tilespmem:$0x1C500] =	vst v63  }
0xba: {  	s3 =	sadd.s32 $0x2DC780, s3;
	s31 =	simm.s32 $0x8100  }
0xbb: {  	[tilespmem:s31], [sflag:$0x1] =	stream.linear.gather [hbm4b:s3+s4], $0x400, $0x38;
	[tilespmem:$0x1C500] =	vst v63  }
0xbc: {  	v18 =	vld [tilespmem:$0x8];
	_ =	sdelay $0x4  }
0xbd: {  	(v2sf) =	vpush v18, $0x0;
	_ =	sdelay $0x7  }
0xbe: {  	(v2sf) =	vpush v18, $0x1;
	_ =	sdelay $0x6  }
0xbf: {  	s11 =	spop (v2sf)  }
0xc0: {  	s3 =	sand.u32 $0xFFFFF80, s11  }
0xc1: {  	(v2sf) =	vpush v18, $0x2;
	s3 =	sadd.s32 s0, s3  }
0xc2: {  	[tilespmem:s17], [sflag:$0x2] =	stream.linear.gather [hbm4b:s3+s4], $0x400, $0x38;
	[tilespmem:$0x1C500] =	vst v63  }
0xc3: {  	s14 =	simm.s32 $0xA500;
	s13 =	sadd.s32 $0xF4280, s3  }
0xc4: {  	[tilespmem:s14], [sflag:$0x2] =	stream.linear.gather [hbm4b:s13+s4], $0x400, $0x38;
	[tilespmem:$0x1C500] =	vst v63  }
0xc5: {  	s26 =	simm.s32 $0xC500;
	s15 =	sadd.s32 $0x1E8500, s3  }
0xc6: {  	[tilespmem:s26], [sflag:$0x2] =	stream.linear.gather [hbm4b:s15+s4], $0x400, $0x38;
	[tilespmem:$0x1C500] =	vst v63  }
0xc7: {  	s31 =	simm.s32 $0xE500;
	s11 =	spop (v2sf);
	s3 =	sadd.s32 $0x2DC780, s3  }
0xc8: {  	[tilespmem:s31], [sflag:$0x2] =	stream.linear.gather [hbm4b:s3+s4], $0x400, $0x38;
	[tilespmem:$0x1C500] =	vst v63  }
0xc9: {  	s3 =	sand.u32 $0xFFFFF80, s11  }
0xca: {  	(v2sf) =	vpush v18, $0x3;
	s13 =	simm.s32 $0x8900;
	s3 =	sadd.s32 s0, s3  }
0xcb: {  	[tilespmem:s13], [sflag:$0x2] =	stream.linear.gather [hbm4b:s3+s4], $0x400, $0x38;
	[tilespmem:$0x1C500] =	vst v63  }
0xcc: {  	s15 =	simm.s32 $0xA900;
	s14 =	sadd.s32 $0xF4280, s3  }
0xcd: {  	[tilespmem:s15], [sflag:$0x2] =	stream.linear.gather [hbm4b:s14+s4], $0x400, $0x38;
	[tilespmem:$0x1C500] =	vst v63  }
0xce: {  	s31 =	simm.s32 $0xC900;
	s26 =	sadd.s32 $0x1E8500, s3  }
0xcf: {  	[tilespmem:s31], [sflag:$0x2] =	stream.linear.gather [hbm4b:s26+s4], $0x400, $0x38;
	[tilespmem:$0x1C500] =	vst v63  }
0xd0: {  	s3 =	sadd.s32 $0x2DC780, s3;
	s13 =	simm.s32 $0xE900;
	s14 =	spop (v2sf)  }
0xd1: {  	[tilespmem:s13], [sflag:$0x2] =	stream.linear.gather [hbm4b:s3+s4], $0x400, $0x38;
	[tilespmem:$0x1C500] =	vst v63  }
0xd2: {  	s3 =	sand.u32 $0xFFFFF80, s14  }
0xd3: {  	s15 =	simm.s32 $0x8D00;
	(v2sf) =	vpush v18, $0x4;
	s3 =	sadd.s32 s0, s3  }
0xd4: {  	[tilespmem:s15], [sflag:$0x2] =	stream.linear.gather [hbm4b:s3+s4], $0x400, $0x38;
	[tilespmem:$0x1C500] =	vst v63  }
0xd5: {  	s31 =	simm.s32 $0xAD00;
	s26 =	sadd.s32 $0xF4280, s3  }
0xd6: {  	[tilespmem:s31], [sflag:$0x2] =	stream.linear.gather [hbm4b:s26+s4], $0x400, $0x38;
	[tilespmem:$0x1C500] =	vst v63  }
0xd7: {  	s14 =	simm.s32 $0xCD00;
	s13 =	sadd.s32 $0x1E8500, s3  }
0xd8: {  	[tilespmem:s14], [sflag:$0x2] =	stream.linear.gather [hbm4b:s13+s4], $0x400, $0x38;
	[tilespmem:$0x1C500] =	vst v63  }
0xd9: {  	s3 =	sadd.s32 $0x2DC780, s3;
	s15 =	simm.s32 $0xED00;
	s26 =	spop (v2sf)  }
0xda: {  	[tilespmem:s15], [sflag:$0x2] =	stream.linear.gather [hbm4b:s3+s4], $0x400, $0x38;
	[tilespmem:$0x1C500] =	vst v63  }
0xdb: {  	s3 =	sand.u32 $0xFFFFF80, s26  }
0xdc: {  	s31 =	simm.s32 $0x9100;
	(v2sf) =	vpush v18, $0x5;
	s3 =	sadd.s32 s0, s3  }
0xdd: {  	[tilespmem:s31], [sflag:$0x2] =	stream.linear.gather [hbm4b:s3+s4], $0x400, $0x38;
	[tilespmem:$0x1C500] =	vst v63  }
0xde: {  	s14 =	simm.s32 $0xB100;
	s13 =	sadd.s32 $0xF4280, s3  }
0xdf: {  	[tilespmem:s14], [sflag:$0x2] =	stream.linear.gather [hbm4b:s13+s4], $0x400, $0x38;
	[tilespmem:$0x1C500] =	vst v63  }
0xe0: {  	s26 =	simm.s32 $0xD100;
	s15 =	sadd.s32 $0x1E8500, s3  }
0xe1: {  	[tilespmem:s26], [sflag:$0x2] =	stream.linear.gather [hbm4b:s15+s4], $0x400, $0x38;
	[tilespmem:$0x1C500] =	vst v63  }
0xe2: {  	s3 =	sadd.s32 $0x2DC780, s3;
	s31 =	simm.s32 $0xF100;
	s11 =	spop (v2sf)  }
0xe3: {  	(v2sf) =	vpush v18, $0x6;
	[tilespmem:s31], [sflag:$0x2] =	stream.linear.gather [hbm4b:s3+s4], $0x400, $0x38;
	[tilespmem:$0x1C500] =	vst v63  }
0xe4: {  	s3 =	sand.u32 $0xFFFFF80, s11  }
0xe5: {  	s13 =	simm.s32 $0x9500;
	s3 =	sadd.s32 s0, s3  }
0xe6: {  	[tilespmem:s13], [sflag:$0x2] =	stream.linear.gather [hbm4b:s3+s4], $0x400, $0x38;
	[tilespmem:$0x1C500] =	vst v63  }
0xe7: {  	s15 =	simm.s32 $0xB500;
	s14 =	sadd.s32 $0xF4280, s3  }
0xe8: {  	[tilespmem:s15], [sflag:$0x2] =	stream.linear.gather [hbm4b:s14+s4], $0x400, $0x38;
	[tilespmem:$0x1C500] =	vst v63  }
0xe9: {  	s31 =	simm.s32 $0xD500;
	s26 =	sadd.s32 $0x1E8500, s3  }
0xea: {  	[tilespmem:s31], [sflag:$0x2] =	stream.linear.gather [hbm4b:s26+s4], $0x400, $0x38;
	[tilespmem:$0x1C500] =	vst v63  }
0xeb: {  	s3 =	sadd.s32 $0x2DC780, s3;
	s13 =	simm.s32 $0xF500;
	s14 =	spop (v2sf)  }
0xec: {  	[tilespmem:s13], [sflag:$0x2] =	stream.linear.gather [hbm4b:s3+s4], $0x400, $0x38;
	[tilespmem:$0x1C500] =	vst v63  }
0xed: {  	(v2sf) =	vpush v18, $0x7;
	s3 =	sand.u32 $0xFFFFF80, s14  }
0xee: {  	s15 =	simm.s32 $0x9900;
	s3 =	sadd.s32 s0, s3  }
0xef: {  	[tilespmem:s15], [sflag:$0x2] =	stream.linear.gather [hbm4b:s3+s4], $0x400, $0x38;
	[tilespmem:$0x1C500] =	vst v63  }
0xf0: {  	s31 =	simm.s32 $0xB900;
	s26 =	sadd.s32 $0xF4280, s3;
	s14 =	sadd.s32 $0x1E8500, s3  }
0xf1: {  	[tilespmem:s31], [sflag:$0x2] =	stream.linear.gather [hbm4b:s26+s4], $0x400, $0x38;
	[tilespmem:$0x1C500] =	vst v63  }
0xf2: {  	s15 =	simm.s32 $0xD900;
	s3 =	sadd.s32 $0x2DC780, s3;
	s26 =	spop (v2sf)  }
0xf3: {  	[tilespmem:s15], [sflag:$0x2] =	stream.linear.gather [hbm4b:s14+s4], $0x400, $0x38;
	[tilespmem:$0x1C500] =	vst v63  }
0xf4: {  	s31 =	simm.s32 $0xF900;
	s14 =	sand.u32 $0xFFFFF80, s26  }
0xf5: {  	[tilespmem:s31], [sflag:$0x2] =	stream.linear.gather [hbm4b:s3+s4], $0x400, $0x38;
	[tilespmem:$0x1C500] =	vst v63  }
0xf6: {  	s15 =	simm.s32 $0x9D00;
	s3 =	sadd.s32 s0, s14  }
0xf7: {  	[tilespmem:s15], [sflag:$0x2] =	stream.linear.gather [hbm4b:s3+s4], $0x400, $0x38;
	[tilespmem:$0x1C500] =	vst v63  }
0xf8: {  	s31 =	simm.s32 $0xBD00;
	s26 =	sadd.s32 $0xF4280, s3  }
0xf9: {  	[tilespmem:s31], [sflag:$0x2] =	stream.linear.gather [hbm4b:s26+s4], $0x400, $0x38;
	[tilespmem:$0x1C500] =	vst v63  }
0xfa: {  	s14 =	simm.s32 $0xDD00;
	s13 =	sadd.s32 $0x1E8500, s3  }
0xfb: {  	[tilespmem:s14], [sflag:$0x2] =	stream.linear.gather [hbm4b:s13+s4], $0x400, $0x38;
	[tilespmem:$0x1C500] =	vst v63  }
0xfc: {  	s3 =	sadd.s32 $0x2DC780, s3;
	s15 =	simm.s32 $0xFD00;
	s26 =	spop (v2sf)  }
0xfd: {  	[tilespmem:s15], [sflag:$0x2] =	stream.linear.gather [hbm4b:s3+s4], $0x400, $0x38;
	[tilespmem:$0x1C500] =	vst v63  }
0xfe: {  	s3 =	sand.u32 $0xFFFFF80, s26  }
0xff: {  	s31 =	simm.s32 $0xA100;
	s3 =	sadd.s32 s0, s3  }
0x100: {  	[tilespmem:s31], [sflag:$0x2] =	stream.linear.gather [hbm4b:s3+s4], $0x400, $0x38;
	[tilespmem:$0x1C500] =	vst v63  }
0x101: {  	s14 =	simm.s32 $0xC100;
	s13 =	sadd.s32 $0xF4280, s3  }
0x102: {  	[tilespmem:s14], [sflag:$0x2] =	stream.linear.gather [hbm4b:s13+s4], $0x400, $0x38;
	[tilespmem:$0x1C500] =	vst v63  }
0x103: {  	s26 =	simm.s32 $0xE100;
	s15 =	sadd.s32 $0x1E8500, s3  }
0x104: {  	[tilespmem:s26], [sflag:$0x2] =	stream.linear.gather [hbm4b:s15+s4], $0x400, $0x38;
	[tilespmem:$0x1C500] =	vst v63  }
0x105: {  	s3 =	sadd.s32 $0x2DC780, s3;
	s31 =	simm.s32 $0x10100  }
0x106: {  	[tilespmem:s31], [sflag:$0x2] =	stream.linear.gather [hbm4b:s3+s4], $0x400, $0x38;
	[tilespmem:$0x1C500] =	vst v63  }
0x107: {  	s13 =	simm.s32 $0x0;
	s14 =	simm.s32 $0x0;
	s3 =	simm.s32 $0x0  }
.LBB2_2:
0x108: {  	s11 =	smin.u32 s13, $0x3D  }
0x109: {  	s15 =	sshll.u32 s11, $0x3  }
0x10a: {  	v18 =	vld [tilespmem:s15+$0x10];
	_ =	sdelay $0x4  }
0x10b: {  	(v2sf) =	vpush v18, $0x0;
	_ =	sdelay $0x7  }
0x10c: {  	(v2sf) =	vpush v18, $0x1;
	_ =	sdelay $0x6  }
0x10d: {  	s26 =	spop (v2sf)  }
0x10e: {  	s11 =	sand.u32 $0xFFFFF80, s26  }
0x10f: {  	(v2sf) =	vpush v18, $0x2;
	s11 =	sadd.s32 s0, s11  }
0x110: {  	[tilespmem:s23], [sflag:$0x3] =	stream.linear.gather [hbm4b:s11+s4], $0x400, $0x38;
	[tilespmem:$0x1C500] =	vst v63  }
0x111: {  	s31 =	simm.s32 $0x12500;
	s26 =	sadd.s32 $0xF4280, s11  }
0x112: {  	[tilespmem:s31], [sflag:$0x3] =	stream.linear.gather [hbm4b:s26+s4], $0x400, $0x38;
	[tilespmem:$0x1C500] =	vst v63  }
0x113: {  	s26 =	sadd.s32 $0x1E8500, s11;
	s31 =	simm.s32 $0x14500  }
0x114: {  	[tilespmem:s31], [sflag:$0x3] =	stream.linear.gather [hbm4b:s26+s4], $0x400, $0x38;
	[tilespmem:$0x1C500] =	vst v63  }
0x115: {  	s11 =	sadd.s32 $0x2DC780, s11;
	s31 =	simm.s32 $0x16500;
	s26 =	spop (v2sf)  }
0x116: {  	[tilespmem:s31], [sflag:$0x3] =	stream.linear.gather [hbm4b:s11+s4], $0x400, $0x38;
	[tilespmem:$0x1C500] =	vst v63  }
0x117: {  	s11 =	sand.u32 $0xFFFFF80, s26  }
0x118: {  	(v2sf) =	vpush v18, $0x3;
	s31 =	simm.s32 $0x10900;
	s11 =	sadd.s32 s0, s11  }
0x119: {  	[tilespmem:s31], [sflag:$0x3] =	stream.linear.gather [hbm4b:s11+s4], $0x400, $0x38;
	[tilespmem:$0x1C500] =	vst v63  }
0x11a: {  	s26 =	sadd.s32 $0xF4280, s11;
	s31 =	simm.s32 $0x12900  }
0x11b: {  	[tilespmem:s31], [sflag:$0x3] =	stream.linear.gather [hbm4b:s26+s4], $0x400, $0x38;
	[tilespmem:$0x1C500] =	vst v63  }
0x11c: {  	s26 =	sadd.s32 $0x1E8500, s11;
	s31 =	simm.s32 $0x14900  }
0x11d: {  	[tilespmem:s31], [sflag:$0x3] =	stream.linear.gather [hbm4b:s26+s4], $0x400, $0x38;
	[tilespmem:$0x1C500] =	vst v63  }
0x11e: {  	s11 =	sadd.s32 $0x2DC780, s11;
	s31 =	simm.s32 $0x16900;
	s26 =	spop (v2sf)  }
0x11f: {  	[tilespmem:s31], [sflag:$0x3] =	stream.linear.gather [hbm4b:s11+s4], $0x400, $0x38;
	[tilespmem:$0x1C500] =	vst v63  }
0x120: {  	s11 =	sand.u32 $0xFFFFF80, s26  }
0x121: {  	(v2sf) =	vpush v18, $0x4;
	s31 =	simm.s32 $0x10D00;
	s11 =	sadd.s32 s0, s11  }
0x122: {  	[tilespmem:s31], [sflag:$0x3] =	stream.linear.gather [hbm4b:s11+s4], $0x400, $0x38;
	[tilespmem:$0x1C500] =	vst v63  }
0x123: {  	s26 =	sadd.s32 $0xF4280, s11;
	s31 =	simm.s32 $0x12D00  }
0x124: {  	[tilespmem:s31], [sflag:$0x3] =	stream.linear.gather [hbm4b:s26+s4], $0x400, $0x38;
	[tilespmem:$0x1C500] =	vst v63  }
0x125: {  	s26 =	sadd.s32 $0x1E8500, s11;
	s31 =	simm.s32 $0x14D00  }
0x126: {  	[tilespmem:s31], [sflag:$0x3] =	stream.linear.gather [hbm4b:s26+s4], $0x400, $0x38;
	[tilespmem:$0x1C500] =	vst v63  }
0x127: {  	s11 =	sadd.s32 $0x2DC780, s11;
	s31 =	simm.s32 $0x16D00;
	s26 =	spop (v2sf)  }
0x128: {  	[tilespmem:s31], [sflag:$0x3] =	stream.linear.gather [hbm4b:s11+s4], $0x400, $0x38;
	[tilespmem:$0x1C500] =	vst v63  }
0x129: {  	s11 =	sand.u32 $0xFFFFF80, s26  }
0x12a: {  	(v2sf) =	vpush v18, $0x5;
	s31 =	simm.s32 $0x11100;
	s11 =	sadd.s32 s0, s11  }
0x12b: {  	[tilespmem:s31], [sflag:$0x3] =	stream.linear.gather [hbm4b:s11+s4], $0x400, $0x38;
	[tilespmem:$0x1C500] =	vst v63  }
0x12c: {  	s26 =	sadd.s32 $0xF4280, s11;
	s31 =	simm.s32 $0x13100  }
0x12d: {  	[tilespmem:s31], [sflag:$0x3] =	stream.linear.gather [hbm4b:s26+s4], $0x400, $0x38;
	[tilespmem:$0x1C500] =	vst v63  }
0x12e: {  	s26 =	sadd.s32 $0x1E8500, s11;
	s31 =	simm.s32 $0x15100  }
0x12f: {  	[tilespmem:s31], [sflag:$0x3] =	stream.linear.gather [hbm4b:s26+s4], $0x400, $0x38;
	[tilespmem:$0x1C500] =	vst v63  }
0x130: {  	s11 =	sadd.s32 $0x2DC780, s11;
	s31 =	simm.s32 $0x17100;
	s26 =	spop (v2sf)  }
0x131: {  	[tilespmem:s31], [sflag:$0x3] =	stream.linear.gather [hbm4b:s11+s4], $0x400, $0x38;
	[tilespmem:$0x1C500] =	vst v63  }
0x132: {  	s11 =	sand.u32 $0xFFFFF80, s26  }
0x133: {  	(v2sf) =	vpush v18, $0x6;
	s31 =	simm.s32 $0x11500;
	s11 =	sadd.s32 s0, s11  }
0x134: {  	[tilespmem:s31], [sflag:$0x3] =	stream.linear.gather [hbm4b:s11+s4], $0x400, $0x38;
	[tilespmem:$0x1C500] =	vst v63  }
0x135: {  	s26 =	sadd.s32 $0xF4280, s11;
	s31 =	simm.s32 $0x13500  }
0x136: {  	[tilespmem:s31], [sflag:$0x3] =	stream.linear.gather [hbm4b:s26+s4], $0x400, $0x38;
	[tilespmem:$0x1C500] =	vst v63  }
0x137: {  	s26 =	sadd.s32 $0x1E8500, s11;
	s31 =	simm.s32 $0x15500  }
0x138: {  	[tilespmem:s31], [sflag:$0x3] =	stream.linear.gather [hbm4b:s26+s4], $0x400, $0x38;
	[tilespmem:$0x1C500] =	vst v63  }
0x139: {  	s11 =	sadd.s32 $0x2DC780, s11;
	s31 =	simm.s32 $0x17500;
	s26 =	spop (v2sf)  }
0x13a: {  	[tilespmem:s31], [sflag:$0x3] =	stream.linear.gather [hbm4b:s11+s4], $0x400, $0x38;
	[tilespmem:$0x1C500] =	vst v63  }
0x13b: {  	s11 =	sand.u32 $0xFFFFF80, s26  }
0x13c: {  	(v2sf) =	vpush v18, $0x7;
	s31 =	simm.s32 $0x11900;
	s11 =	sadd.s32 s0, s11  }
0x13d: {  	[tilespmem:s31], [sflag:$0x3] =	stream.linear.gather [hbm4b:s11+s4], $0x400, $0x38;
	[tilespmem:$0x1C500] =	vst v63  }
0x13e: {  	s26 =	sadd.s32 $0xF4280, s11;
	s31 =	simm.s32 $0x13900  }
0x13f: {  	[tilespmem:s31], [sflag:$0x3] =	stream.linear.gather [hbm4b:s26+s4], $0x400, $0x38;
	[tilespmem:$0x1C500] =	vst v63  }
0x140: {  	s26 =	sadd.s32 $0x1E8500, s11;
	s31 =	simm.s32 $0x15900  }
0x141: {  	[tilespmem:s31], [sflag:$0x3] =	stream.linear.gather [hbm4b:s26+s4], $0x400, $0x38;
	[tilespmem:$0x1C500] =	vst v63  }
0x142: {  	s11 =	sadd.s32 $0x2DC780, s11;
	s31 =	simm.s32 $0x17900;
	s26 =	spop (v2sf)  }
0x143: {  	[tilespmem:s31], [sflag:$0x3] =	stream.linear.gather [hbm4b:s11+s4], $0x400, $0x38;
	[tilespmem:$0x1C500] =	vst v63  }
0x144: {  	s11 =	sand.u32 $0xFFFFF80, s26  }
0x145: {  	s31 =	simm.s32 $0x11D00;
	s11 =	sadd.s32 s0, s11  }
0x146: {  	[tilespmem:s31], [sflag:$0x3] =	stream.linear.gather [hbm4b:s11+s4], $0x400, $0x38;
	[tilespmem:$0x1C500] =	vst v63  }
0x147: {  	s26 =	sadd.s32 $0xF4280, s11;
	s31 =	simm.s32 $0x13D00  }
0x148: {  	[tilespmem:s31], [sflag:$0x3] =	stream.linear.gather [hbm4b:s26+s4], $0x400, $0x38;
	[tilespmem:$0x1C500] =	vst v63  }
0x149: {  	s26 =	sadd.s32 $0x1E8500, s11;
	s31 =	simm.s32 $0x15D00  }
0x14a: {  	[tilespmem:s31], [sflag:$0x3] =	stream.linear.gather [hbm4b:s26+s4], $0x400, $0x38;
	[tilespmem:$0x1C500] =	vst v63  }
0x14b: {  	s11 =	sadd.s32 $0x2DC780, s11;
	s31 =	simm.s32 $0x17D00;
	s26 =	spop (v2sf)  }
0x14c: {  	[tilespmem:s31], [sflag:$0x3] =	stream.linear.gather [hbm4b:s11+s4], $0x400, $0x38;
	[tilespmem:$0x1C500] =	vst v63  }
0x14d: {  	s11 =	sand.u32 $0xFFFFF80, s26  }
0x14e: {  	s31 =	simm.s32 $0x12100;
	s11 =	sadd.s32 s0, s11  }
0x14f: {  	[tilespmem:s31], [sflag:$0x3] =	stream.linear.gather [hbm4b:s11+s4], $0x400, $0x38;
	[tilespmem:$0x1C500] =	vst v63  }
0x150: {  	s26 =	sadd.s32 $0xF4280, s11;
	s31 =	simm.s32 $0x14100  }
0x151: {  	[tilespmem:s31], [sflag:$0x3] =	stream.linear.gather [hbm4b:s26+s4], $0x400, $0x38;
	[tilespmem:$0x1C500] =	vst v63  }
0x152: {  	s26 =	sadd.s32 $0x1E8500, s11;
	s31 =	simm.s32 $0x16100  }
0x153: {  	[tilespmem:s31], [sflag:$0x3] =	stream.linear.gather [hbm4b:s26+s4], $0x400, $0x38;
	[tilespmem:$0x1C500] =	vst v63  }
0x154: {  	s11 =	sadd.s32 $0x2DC780, s11;
	s31 =	simm.s32 $0x18100  }
0x155: {  	[tilespmem:s31], [sflag:$0x3] =	stream.linear.gather [hbm4b:s11+s4], $0x400, $0x38;
	[tilespmem:$0x1C500] =	vst v63  }
0x156: {  	_ =	swait.ge [sflag:s9], $0x8000  }
0x157: {  	[sflag:s9] =	ssyncset.done $0x0  }
0x158: {  	[sflag:s9] =	ssyncadd.s32 $0xFFFF8000  }
0x159: {  	v18 =	vld [tilespmem:s3+$0x0];
	_ =	sdelay $0x4  }
0x15a: {  	(v2sf) =	vpush v18, $0x0;
	_ =	sdelay $0xe  }
0x15b: {  	s31 =	spop (v2sf)  }
0x15c: {  	s11 =	sand.u32 $0x7F, s31  }
0x15d: {  	v19 =	vor.u32 s11, v0  }
0x15e: {  	v20 =	vmov s14;
	v21 =	vor.u32 s11, v1  }
0x15f: {  	v22 =	vshll.u32 v20, $0x3  }
0x160: {  	v20 =	vand.u32 $0x78, v20;
	v22 =	vand.u32 $0xC00, v22  }
0x161: {  	v20 =	vor.u32 v20, v22;
	v18 =	vand.u32 $0x7F, v18  }
0x162: {  	v22 =	vor.u32 v2, v20;
	v23 =	vbroadcast v18, $0x1;
	v19 =	vld.idx.msk [tilespmem:v19+s12+$0x0], $0xffff  }
0x163: {  	v20 =	vor.u32 v3, v20;
	v21 =	vld.idx.msk [tilespmem:v21+s12+$0x0], $0xffff  }
0x164: {  	s26 =	sadd.s32 $0x1, s14;
	v24 =	vor.u32 v4, v23  }
0x165: {  	v25 =	vmov s26;
	v23 =	vor.u32 v5, v23  }
0x166: {  	v26 =	vshll.u32 v25, $0x3  }
0x167: {  	v30 =	vand.u32 $0x7FFFFC00, v26;
	[tilespmem:v22+s10+$0x0] =	vst.idx.msk $0xffff, v19;
	v19 =	vand.u32 $0x79, v25  }
0x168: {  	[tilespmem:v20+s10+$0x0] =	vst.idx.msk $0xffff, v21;
	v19 =	vor.u32 v19, v30  }
0x169: {  	v32 =	vbroadcast v18, $0x2;
	v20 =	vld.idx.msk [tilespmem:v24+s12+$0x0], $0xffff;
	v31 =	vadd.s32 v2, v19  }
0x16a: {  	v23 =	vld.idx.msk [tilespmem:v23+s12+$0x0], $0xffff;
	v19 =	vadd.s32 v3, v19  }
0x16b: {  	v33 =	vor.u32 v6, v32;
	s31 =	sadd.s32 $0x2, s14  }
0x16c: {  	v34 =	vmov s31;
	v22 =	vor.u32 v7, v32  }
0x16d: {  	v35 =	vshll.u32 v34, $0x3  }
0x16e: {  	v36 =	vand.u32 $0x7A, v34;
	v37 =	vand.u32 $0x7FFFFC00, v35;
	[tilespmem:v31+s10+$0x0] =	vst.idx.msk $0xffff, v20  }
0x16f: {  	[tilespmem:v19+s10+$0x0] =	vst.idx.msk $0xffff, v23;
	v19 =	vor.u32 v36, v37  }
0x170: {  	v39 =	vbroadcast v18, $0x3;
	v38 =	vld.idx.msk [tilespmem:v33+s12+$0x0], $0xffff;
	v21 =	vadd.s32 v2, v19  }
0x171: {  	v22 =	vld.idx.msk [tilespmem:v22+s12+$0x0], $0xffff;
	v19 =	vadd.s32 v3, v19  }
0x172: {  	s26 =	sadd.s32 $0x3, s14;
	v40 =	vor.u32 v8, v39  }
0x173: {  	v41 =	vmov s26;
	v23 =	vor.u32 v9, v39  }
0x174: {  	v42 =	vshll.u32 v41, $0x3  }
0x175: {  	v43 =	vand.u32 $0x7B, v41;
	v44 =	vand.u32 $0x7FFFFC00, v42;
	[tilespmem:v21+s10+$0x0] =	vst.idx.msk $0xffff, v38  }
0x176: {  	[tilespmem:v19+s10+$0x0] =	vst.idx.msk $0xffff, v22;
	v19 =	vor.u32 v43, v44  }
0x177: {  	v46 =	vbroadcast v18, $0x4;
	v45 =	vld.idx.msk [tilespmem:v40+s12+$0x0], $0xffff;
	v21 =	vadd.s32 v2, v19  }
0x178: {  	v23 =	vld.idx.msk [tilespmem:v23+s12+$0x0], $0xffff;
	v19 =	vadd.s32 v3, v19  }
0x179: {  	v47 =	vor.u32 v10, v46;
	s31 =	sadd.s32 $0x4, s14  }
0x17a: {  	v48 =	vmov s31;
	v22 =	vor.u32 v11, v46  }
0x17b: {  	v49 =	vshll.u32 v48, $0x3  }
0x17c: {  	v50 =	vand.u32 $0x7C, v48;
	v51 =	vand.u32 $0x7FFFFC00, v49;
	[tilespmem:v21+s10+$0x0] =	vst.idx.msk $0xffff, v45  }
0x17d: {  	[tilespmem:v19+s10+$0x0] =	vst.idx.msk $0xffff, v23;
	v19 =	vor.u32 v50, v51  }
0x17e: {  	v53 =	vbroadcast v18, $0x5;
	v52 =	vld.idx.msk [tilespmem:v47+s12+$0x0], $0xffff;
	v21 =	vadd.s32 v2, v19  }
0x17f: {  	v22 =	vld.idx.msk [tilespmem:v22+s12+$0x0], $0xffff;
	v19 =	vadd.s32 v3, v19  }
0x180: {  	s26 =	sadd.s32 $0x5, s14;
	v54 =	vor.u32 v12, v53  }
0x181: {  	v55 =	vmov s26;
	v23 =	vor.u32 v13, v53  }
0x182: {  	v56 =	vshll.u32 v55, $0x3  }
0x183: {  	v57 =	vand.u32 $0x7D, v55;
	v58 =	vand.u32 $0x7FFFFC00, v56;
	[tilespmem:v21+s10+$0x0] =	vst.idx.msk $0xffff, v52  }
0x184: {  	[tilespmem:v19+s10+$0x0] =	vst.idx.msk $0xffff, v22;
	v19 =	vor.u32 v57, v58  }
0x185: {  	v60 =	vbroadcast v18, $0x6;
	v59 =	vld.idx.msk [tilespmem:v54+s12+$0x0], $0xffff;
	v21 =	vadd.s32 v2, v19  }
0x186: {  	v23 =	vld.idx.msk [tilespmem:v23+s12+$0x0], $0xffff;
	v19 =	vadd.s32 v3, v19  }
0x187: {  	v61 =	vor.u32 v14, v60;
	s31 =	sadd.s32 $0x6, s14  }
0x188: {  	v62 =	vmov s31;
	v22 =	vor.u32 v15, v60  }
0x189: {  	v63 =	vshll.u32 v62, $0x3  }
0x18a: {  	v28 =	vand.u32 $0x7E, v62;
	v29 =	vand.u32 $0x7FFFFC00, v63;
	[tilespmem:v21+s10+$0x0] =	vst.idx.msk $0xffff, v59  }
0x18b: {  	[tilespmem:v19+s10+$0x0] =	vst.idx.msk $0xffff, v23;
	v19 =	vor.u32 v28, v29  }
0x18c: {  	v18 =	vbroadcast v18, $0x7;
	v30 =	vld.idx.msk [tilespmem:v61+s12+$0x0], $0xffff;
	v21 =	vadd.s32 v2, v19  }
0x18d: {  	v22 =	vld.idx.msk [tilespmem:v22+s12+$0x0], $0xffff;
	v19 =	vadd.s32 v3, v19  }
0x18e: {  	s26 =	sadd.s32 $0x7, s14;
	v31 =	vor.u32 v16, v18  }
0x18f: {  	v32 =	vmov s26;
	v18 =	vor.u32 v17, v18  }
0x190: {  	v33 =	vshll.u32 v32, $0x3  }
0x191: {  	v34 =	vand.u32 $0x7F, v32;
	v35 =	vand.u32 $0x7FFFFC00, v33;
	[tilespmem:v21+s10+$0x0] =	vst.idx.msk $0xffff, v30  }
0x192: {  	[tilespmem:v19+s10+$0x0] =	vst.idx.msk $0xffff, v22;
	v19 =	vor.u32 v34, v35  }
0x193: {  	v36 =	vld.idx.msk [tilespmem:v31+s12+$0x0], $0xffff;
	v21 =	vadd.s32 v2, v19  }
0x194: {  	v18 =	vld.idx.msk [tilespmem:v18+s12+$0x0], $0xffff;
	v19 =	vadd.s32 v3, v19;
	_ =	sdelay $0x3  }
0x195: {  	s31 =	smin.u32 s13, $0x3C;
	[tilespmem:v21+s10+$0x0] =	vst.idx.msk $0xffff, v36  }
0x196: {  	s11 =	sshll.u32 s31, $0x3;
	[tilespmem:v19+s10+$0x0] =	vst.idx.msk $0xffff, v18  }
0x197: {  	v18 =	vld [tilespmem:s11+$0x18];
	_ =	sdelay $0x4  }
0x198: {  	(v2sf) =	vpush v18, $0x0;
	_ =	sdelay $0x7  }
0x199: {  	(v2sf) =	vpush v18, $0x1;
	_ =	sdelay $0x6  }
0x19a: {  	s26 =	spop (v2sf)  }
0x19b: {  	s11 =	sand.u32 $0xFFFFF80, s26  }
0x19c: {  	(v2sf) =	vpush v18, $0x2;
	s11 =	sadd.s32 s0, s11  }
0x19d: {  	[tilespmem:s12], [sflag:$0x1] =	stream.linear.gather [hbm4b:s11+s4], $0x400, $0x38;
	[tilespmem:$0x1C500] =	vst v63  }
0x19e: {  	s31 =	sadd.s32 $0xF4280, s11  }
0x19f: {  	[tilespmem:s16], [sflag:$0x1] =	stream.linear.gather [hbm4b:s31+s4], $0x400, $0x38;
	[tilespmem:$0x1C500] =	vst v63  }
0x1a0: {  	s16 =	sadd.s32 $0x1E8500, s11  }
0x1a1: {  	[tilespmem:s29], [sflag:$0x1] =	stream.linear.gather [hbm4b:s16+s4], $0x400, $0x38;
	[tilespmem:$0x1C500] =	vst v63  }
0x1a2: {  	s26 =	spop (v2sf);
	s11 =	sadd.s32 $0x2DC780, s11  }
0x1a3: {  	[tilespmem:s18], [sflag:$0x1] =	stream.linear.gather [hbm4b:s11+s4], $0x400, $0x38;
	[tilespmem:$0x1C500] =	vst v63  }
0x1a4: {  	s11 =	sand.u32 $0xFFFFF80, s26  }
0x1a5: {  	(v2sf) =	vpush v18, $0x3;
	s11 =	sadd.s32 s0, s11  }
0x1a6: {  	[tilespmem:s19], [sflag:$0x1] =	stream.linear.gather [hbm4b:s11+s4], $0x400, $0x38;
	[tilespmem:$0x1C500] =	vst v63  }
0x1a7: {  	s31 =	sadd.s32 $0xF4280, s11  }
0x1a8: {  	[tilespmem:s30], [sflag:$0x1] =	stream.linear.gather [hbm4b:s31+s4], $0x400, $0x38;
	[tilespmem:$0x1C500] =	vst v63  }
0x1a9: {  	s16 =	sadd.s32 $0x1E8500, s11  }
0x1aa: {  	[tilespmem:s5], [sflag:$0x1] =	stream.linear.gather [hbm4b:s16+s4], $0x400, $0x38;
	[tilespmem:$0x1C500] =	vst v63  }
0x1ab: {  	s11 =	sadd.s32 $0x2DC780, s11;
	s31 =	spop (v2sf)  }
0x1ac: {  	[tilespmem:s20], [sflag:$0x1] =	stream.linear.gather [hbm4b:s11+s4], $0x400, $0x38;
	[tilespmem:$0x1C500] =	vst v63  }
0x1ad: {  	s11 =	sand.u32 $0xFFFFF80, s31  }
0x1ae: {  	(v2sf) =	vpush v18, $0x4;
	s11 =	sadd.s32 s0, s11  }
0x1af: {  	[tilespmem:s6], [sflag:$0x1] =	stream.linear.gather [hbm4b:s11+s4], $0x400, $0x38;
	[tilespmem:$0x1C500] =	vst v63  }
0x1b0: {  	s16 =	sadd.s32 $0xF4280, s11  }
0x1b1: {  	[tilespmem:s21], [sflag:$0x1] =	stream.linear.gather [hbm4b:s16+s4], $0x400, $0x38;
	[tilespmem:$0x1C500] =	vst v63  }
0x1b2: {  	s31 =	sadd.s32 $0x1E8500, s11  }
0x1b3: {  	[tilespmem:s22], [sflag:$0x1] =	stream.linear.gather [hbm4b:s31+s4], $0x400, $0x38;
	[tilespmem:$0x1C500] =	vst v63  }
0x1b4: {  	s11 =	sadd.s32 $0x2DC780, s11;
	s16 =	spop (v2sf)  }
0x1b5: {  	[tilespmem:s7], [sflag:$0x1] =	stream.linear.gather [hbm4b:s11+s4], $0x400, $0x38;
	[tilespmem:$0x1C500] =	vst v63  }
0x1b6: {  	s11 =	sand.u32 $0xFFFFF80, s16  }
0x1b7: {  	s26 =	simm.s32 $0x1100;
	(v2sf) =	vpush v18, $0x5;
	s11 =	sadd.s32 s0, s11  }
0x1b8: {  	[tilespmem:s26], [sflag:$0x1] =	stream.linear.gather [hbm4b:s11+s4], $0x400, $0x38;
	[tilespmem:$0x1C500] =	vst v63  }
0x1b9: {  	s31 =	sadd.s32 $0xF4280, s11  }
0x1ba: {  	[tilespmem:s28], [sflag:$0x1] =	stream.linear.gather [hbm4b:s31+s4], $0x400, $0x38;
	[tilespmem:$0x1C500] =	vst v63  }
0x1bb: {  	s16 =	sadd.s32 $0x1E8500, s11  }
0x1bc: {  	[tilespmem:s8], [sflag:$0x1] =	stream.linear.gather [hbm4b:s16+s4], $0x400, $0x38;
	[tilespmem:$0x1C500] =	vst v63  }
0x1bd: {  	s11 =	sadd.s32 $0x2DC780, s11;
	s26 =	spop (v2sf)  }
0x1be: {  	[tilespmem:s24], [sflag:$0x1] =	stream.linear.gather [hbm4b:s11+s4], $0x400, $0x38;
	[tilespmem:$0x1C500] =	vst v63  }
0x1bf: {  	s11 =	sand.u32 $0xFFFFF80, s26  }
0x1c0: {  	s31 =	simm.s32 $0x1500;
	(v2sf) =	vpush v18, $0x6;
	s11 =	sadd.s32 s0, s11  }
0x1c1: {  	[tilespmem:s31], [sflag:$0x1] =	stream.linear.gather [hbm4b:s11+s4], $0x400, $0x38;
	[tilespmem:$0x1C500] =	vst v63  }
0x1c2: {  	s16 =	sadd.s32 $0xF4280, s11;
	s31 =	simm.s32 $0x3500  }
0x1c3: {  	[tilespmem:s31], [sflag:$0x1] =	stream.linear.gather [hbm4b:s16+s4], $0x400, $0x38;
	[tilespmem:$0x1C500] =	vst v63  }
0x1c4: {  	s16 =	sadd.s32 $0x1E8500, s11;
	s31 =	simm.s32 $0x5500  }
0x1c5: {  	[tilespmem:s31], [sflag:$0x1] =	stream.linear.gather [hbm4b:s16+s4], $0x400, $0x38;
	[tilespmem:$0x1C500] =	vst v63  }
0x1c6: {  	s26 =	spop (v2sf);
	s11 =	sadd.s32 $0x2DC780, s11;
	s31 =	simm.s32 $0x7500  }
0x1c7: {  	[tilespmem:s31], [sflag:$0x1] =	stream.linear.gather [hbm4b:s11+s4], $0x400, $0x38;
	[tilespmem:$0x1C500] =	vst v63  }
0x1c8: {  	s11 =	sand.u32 $0xFFFFF80, s26  }
0x1c9: {  	(v2sf) =	vpush v18, $0x7;
	s31 =	simm.s32 $0x1900;
	s11 =	sadd.s32 s0, s11  }
0x1ca: {  	[tilespmem:s31], [sflag:$0x1] =	stream.linear.gather [hbm4b:s11+s4], $0x400, $0x38;
	[tilespmem:$0x1C500] =	vst v63  }
0x1cb: {  	s16 =	sadd.s32 $0xF4280, s11;
	s31 =	simm.s32 $0x3900  }
0x1cc: {  	[tilespmem:s31], [sflag:$0x1] =	stream.linear.gather [hbm4b:s16+s4], $0x400, $0x38;
	[tilespmem:$0x1C500] =	vst v63  }
0x1cd: {  	s16 =	sadd.s32 $0x1E8500, s11;
	s31 =	simm.s32 $0x5900  }
0x1ce: {  	[tilespmem:s31], [sflag:$0x1] =	stream.linear.gather [hbm4b:s16+s4], $0x400, $0x38;
	[tilespmem:$0x1C500] =	vst v63  }
0x1cf: {  	s11 =	sadd.s32 $0x2DC780, s11;
	s26 =	spop (v2sf);
	s31 =	simm.s32 $0x7900  }
0x1d0: {  	[tilespmem:s31], [sflag:$0x1] =	stream.linear.gather [hbm4b:s11+s4], $0x400, $0x38;
	[tilespmem:$0x1C500] =	vst v63  }
0x1d1: {  	s11 =	sand.u32 $0xFFFFF80, s26  }
0x1d2: {  	s31 =	simm.s32 $0x1D00;
	s11 =	sadd.s32 s0, s11  }
0x1d3: {  	[tilespmem:s31], [sflag:$0x1] =	stream.linear.gather [hbm4b:s11+s4], $0x400, $0x38;
	[tilespmem:$0x1C500] =	vst v63  }
0x1d4: {  	s16 =	sadd.s32 $0xF4280, s11;
	s31 =	simm.s32 $0x3D00  }
0x1d5: {  	[tilespmem:s31], [sflag:$0x1] =	stream.linear.gather [hbm4b:s16+s4], $0x400, $0x38;
	[tilespmem:$0x1C500] =	vst v63  }
0x1d6: {  	s16 =	sadd.s32 $0x1E8500, s11;
	s31 =	simm.s32 $0x5D00  }
0x1d7: {  	[tilespmem:s31], [sflag:$0x1] =	stream.linear.gather [hbm4b:s16+s4], $0x400, $0x38;
	[tilespmem:$0x1C500] =	vst v63  }
0x1d8: {  	s26 =	spop (v2sf);
	s11 =	sadd.s32 $0x2DC780, s11;
	s31 =	simm.s32 $0x7D00  }
0x1d9: {  	[tilespmem:s31], [sflag:$0x1] =	stream.linear.gather [hbm4b:s11+s4], $0x400, $0x38;
	[tilespmem:$0x1C500] =	vst v63  }
0x1da: {  	s11 =	sand.u32 $0xFFFFF80, s26  }
0x1db: {  	s31 =	simm.s32 $0x2100;
	s11 =	sadd.s32 s0, s11  }
0x1dc: {  	[tilespmem:s31], [sflag:$0x1] =	stream.linear.gather [hbm4b:s11+s4], $0x400, $0x38;
	[tilespmem:$0x1C500] =	vst v63  }
0x1dd: {  	s16 =	sadd.s32 $0xF4280, s11;
	s31 =	simm.s32 $0x4100  }
0x1de: {  	[tilespmem:s31], [sflag:$0x1] =	stream.linear.gather [hbm4b:s16+s4], $0x400, $0x38;
	[tilespmem:$0x1C500] =	vst v63  }
0x1df: {  	s16 =	sadd.s32 $0x1E8500, s11;
	s31 =	simm.s32 $0x6100  }
0x1e0: {  	[tilespmem:s31], [sflag:$0x1] =	stream.linear.gather [hbm4b:s16+s4], $0x400, $0x38;
	[tilespmem:$0x1C500] =	vst v63  }
0x1e1: {  	s26 =	simm.s32 $0x8100;
	s11 =	sadd.s32 $0x2DC780, s11  }
0x1e2: {  	[tilespmem:s26], [sflag:$0x1] =	stream.linear.gather [hbm4b:s11+s4], $0x400, $0x38;
	[tilespmem:$0x1C500] =	vst v63  }
0x1e3: {  	_ =	swait.ge [sflag:s25], $0x8000  }
0x1e4: {  	s31 =	smin.u32 s13, $0x3E;
	[sflag:s25] =	ssyncset.done $0x0  }
0x1e5: {  	s11 =	sshll.u32 s31, $0x3;
	[sflag:s25] =	ssyncadd.s32 $0xFFFF8000  }
0x1e6: {  	v18 =	vld [tilespmem:s11+$0x8];
	_ =	sdelay $0x4  }
0x1e7: {  	(v2sf) =	vpush v18, $0x0;
	_ =	sdelay $0xe  }
0x1e8: {  	s16 =	spop (v2sf)  }
0x1e9: {  	s26 =	sand.u32 $0x7F, s16  }
0x1ea: {  	s31 =	sadd.s32 $0x8, s11;
	v19 =	vor.u32 s26, v0  }
0x1eb: {  	v37 =	vmov s31;
	v38 =	vor.u32 s26, v1  }
0x1ec: {  	v39 =	vshll.u32 v37, $0x3  }
0x1ed: {  	v20 =	vand.u32 $0x78, v37;
	v22 =	vand.u32 $0x1C00, v39  }
0x1ee: {  	v20 =	vor.u32 v20, v22;
	v18 =	vand.u32 $0x7F, v18  }
0x1ef: {  	v22 =	vadd.s32 v2, v20;
	v40 =	vbroadcast v18, $0x1;
	v19 =	vld.idx.msk [tilespmem:v19+s17+$0x0], $0xffff  }
0x1f0: {  	v20 =	vadd.s32 v3, v20;
	v21 =	vld.idx.msk [tilespmem:v38+s17+$0x0], $0xffff  }
0x1f1: {  	s31 =	sadd.s32 $0x9, s11;
	v41 =	vor.u32 v4, v40  }
0x1f2: {  	v42 =	vmov s31;
	v23 =	vor.u32 v5, v40  }
0x1f3: {  	v43 =	vshll.u32 v42, $0x3  }
0x1f4: {  	v44 =	vand.u32 $0x7FFFFC00, v43;
	[tilespmem:v22+s10+$0x0] =	vst.idx.msk $0xffff, v19;
	v19 =	vand.u32 $0x79, v42  }
0x1f5: {  	[tilespmem:v20+s10+$0x0] =	vst.idx.msk $0xffff, v21;
	v19 =	vor.u32 v19, v44  }
0x1f6: {  	v46 =	vbroadcast v18, $0x2;
	v20 =	vld.idx.msk [tilespmem:v41+s17+$0x0], $0xffff;
	v45 =	vadd.s32 v2, v19  }
0x1f7: {  	v23 =	vld.idx.msk [tilespmem:v23+s17+$0x0], $0xffff;
	v19 =	vadd.s32 v3, v19  }
0x1f8: {  	s31 =	sadd.s32 $0xA, s11;
	v47 =	vor.u32 v6, v46  }
0x1f9: {  	v48 =	vmov s31;
	v22 =	vor.u32 v7, v46  }
0x1fa: {  	v49 =	vshll.u32 v48, $0x3  }
0x1fb: {  	v50 =	vand.u32 $0x7A, v48;
	v51 =	vand.u32 $0x7FFFFC00, v49;
	[tilespmem:v45+s10+$0x0] =	vst.idx.msk $0xffff, v20  }
0x1fc: {  	[tilespmem:v19+s10+$0x0] =	vst.idx.msk $0xffff, v23;
	v19 =	vor.u32 v50, v51  }
0x1fd: {  	v53 =	vbroadcast v18, $0x3;
	v52 =	vld.idx.msk [tilespmem:v47+s17+$0x0], $0xffff;
	v21 =	vadd.s32 v2, v19  }
0x1fe: {  	v22 =	vld.idx.msk [tilespmem:v22+s17+$0x0], $0xffff;
	v19 =	vadd.s32 v3, v19  }
0x1ff: {  	s31 =	sadd.s32 $0xB, s11;
	v54 =	vor.u32 v8, v53  }
0x200: {  	v55 =	vmov s31;
	v23 =	vor.u32 v9, v53  }
0x201: {  	v56 =	vshll.u32 v55, $0x3  }
0x202: {  	v57 =	vand.u32 $0x7B, v55;
	v58 =	vand.u32 $0x7FFFFC00, v56;
	[tilespmem:v21+s10+$0x0] =	vst.idx.msk $0xffff, v52  }
0x203: {  	[tilespmem:v19+s10+$0x0] =	vst.idx.msk $0xffff, v22;
	v19 =	vor.u32 v57, v58  }
0x204: {  	v60 =	vbroadcast v18, $0x4;
	v59 =	vld.idx.msk [tilespmem:v54+s17+$0x0], $0xffff;
	v21 =	vadd.s32 v2, v19  }
0x205: {  	v23 =	vld.idx.msk [tilespmem:v23+s17+$0x0], $0xffff;
	v19 =	vadd.s32 v3, v19  }
0x206: {  	s31 =	sadd.s32 $0xC, s11;
	v61 =	vor.u32 v10, v60  }
0x207: {  	v62 =	vmov s31;
	v22 =	vor.u32 v11, v60  }
0x208: {  	v63 =	vshll.u32 v62, $0x3  }
0x209: {  	v28 =	vand.u32 $0x7C, v62;
	v29 =	vand.u32 $0x7FFFFC00, v63;
	[tilespmem:v21+s10+$0x0] =	vst.idx.msk $0xffff, v59  }
0x20a: {  	[tilespmem:v19+s10+$0x0] =	vst.idx.msk $0xffff, v23;
	v19 =	vor.u32 v28, v29  }
0x20b: {  	v31 =	vbroadcast v18, $0x5;
	v30 =	vld.idx.msk [tilespmem:v61+s17+$0x0], $0xffff;
	v21 =	vadd.s32 v2, v19  }
0x20c: {  	v22 =	vld.idx.msk [tilespmem:v22+s17+$0x0], $0xffff;
	v19 =	vadd.s32 v3, v19  }
0x20d: {  	s31 =	sadd.s32 $0xD, s11;
	v32 =	vor.u32 v12, v31  }
0x20e: {  	v33 =	vmov s31;
	v23 =	vor.u32 v13, v31  }
0x20f: {  	v34 =	vshll.u32 v33, $0x3  }
0x210: {  	v35 =	vand.u32 $0x7D, v33;
	v36 =	vand.u32 $0x7FFFFC00, v34;
	[tilespmem:v21+s10+$0x0] =	vst.idx.msk $0xffff, v30  }
0x211: {  	[tilespmem:v19+s10+$0x0] =	vst.idx.msk $0xffff, v22;
	v19 =	vor.u32 v35, v36  }
0x212: {  	v38 =	vbroadcast v18, $0x6;
	v37 =	vld.idx.msk [tilespmem:v32+s17+$0x0], $0xffff;
	v21 =	vadd.s32 v2, v19  }
0x213: {  	v23 =	vld.idx.msk [tilespmem:v23+s17+$0x0], $0xffff;
	v19 =	vadd.s32 v3, v19  }
0x214: {  	s31 =	sadd.s32 $0xE, s11;
	v39 =	vor.u32 v14, v38  }
0x215: {  	v40 =	vmov s31;
	v22 =	vor.u32 v15, v38  }
0x216: {  	v41 =	vshll.u32 v40, $0x3  }
0x217: {  	v42 =	vand.u32 $0x7E, v40;
	v43 =	vand.u32 $0x7FFFFC00, v41;
	[tilespmem:v21+s10+$0x0] =	vst.idx.msk $0xffff, v37  }
0x218: {  	[tilespmem:v19+s10+$0x0] =	vst.idx.msk $0xffff, v23;
	v19 =	vor.u32 v42, v43  }
0x219: {  	v18 =	vbroadcast v18, $0x7;
	v44 =	vld.idx.msk [tilespmem:v39+s17+$0x0], $0xffff;
	v21 =	vadd.s32 v2, v19  }
0x21a: {  	v22 =	vld.idx.msk [tilespmem:v22+s17+$0x0], $0xffff;
	v19 =	vadd.s32 v3, v19  }
0x21b: {  	s11 =	sadd.s32 $0xF, s11;
	v45 =	vor.u32 v16, v18  }
0x21c: {  	v46 =	vmov s11;
	v18 =	vor.u32 v17, v18  }
0x21d: {  	v47 =	vshll.u32 v46, $0x3  }
0x21e: {  	v48 =	vand.u32 $0x7F, v46;
	v49 =	vand.u32 $0x7FFFFC00, v47;
	[tilespmem:v21+s10+$0x0] =	vst.idx.msk $0xffff, v44  }
0x21f: {  	[tilespmem:v19+s10+$0x0] =	vst.idx.msk $0xffff, v22;
	v19 =	vor.u32 v48, v49  }
0x220: {  	v50 =	vld.idx.msk [tilespmem:v45+s17+$0x0], $0xffff;
	v21 =	vadd.s32 v2, v19  }
0x221: {  	v18 =	vld.idx.msk [tilespmem:v18+s17+$0x0], $0xffff;
	v19 =	vadd.s32 v3, v19;
	_ =	sdelay $0x3  }
0x222: {  	s31 =	smin.u32 s13, $0x3B;
	[tilespmem:v21+s10+$0x0] =	vst.idx.msk $0xffff, v50  }
0x223: {  	s11 =	sshll.u32 s31, $0x3;
	[tilespmem:v19+s10+$0x0] =	vst.idx.msk $0xffff, v18  }
0x224: {  	v18 =	vld [tilespmem:s11+$0x20];
	_ =	sdelay $0x4  }
0x225: {  	(v2sf) =	vpush v18, $0x0;
	_ =	sdelay $0x7  }
0x226: {  	(v2sf) =	vpush v18, $0x1;
	_ =	sdelay $0x6  }
0x227: {  	s16 =	spop (v2sf)  }
0x228: {  	s11 =	sand.u32 $0xFFFFF80, s16  }
0x229: {  	(v2sf) =	vpush v18, $0x2;
	s11 =	sadd.s32 s0, s11  }
0x22a: {  	[tilespmem:s17], [sflag:$0x2] =	stream.linear.gather [hbm4b:s11+s4], $0x400, $0x38;
	[tilespmem:$0x1C500] =	vst v63  }
0x22b: {  	s26 =	simm.s32 $0xA500;
	s31 =	sadd.s32 $0xF4280, s11  }
0x22c: {  	[tilespmem:s26], [sflag:$0x2] =	stream.linear.gather [hbm4b:s31+s4], $0x400, $0x38;
	[tilespmem:$0x1C500] =	vst v63  }
0x22d: {  	s16 =	sadd.s32 $0x1E8500, s11;
	s31 =	simm.s32 $0xC500  }
0x22e: {  	[tilespmem:s31], [sflag:$0x2] =	stream.linear.gather [hbm4b:s16+s4], $0x400, $0x38;
	[tilespmem:$0x1C500] =	vst v63  }
0x22f: {  	s11 =	sadd.s32 $0x2DC780, s11;
	s31 =	simm.s32 $0xE500;
	s16 =	spop (v2sf)  }
0x230: {  	[tilespmem:s31], [sflag:$0x2] =	stream.linear.gather [hbm4b:s11+s4], $0x400, $0x38;
	[tilespmem:$0x1C500] =	vst v63  }
0x231: {  	s11 =	sand.u32 $0xFFFFF80, s16  }
0x232: {  	(v2sf) =	vpush v18, $0x3;
	s31 =	simm.s32 $0x8900;
	s11 =	sadd.s32 s0, s11  }
0x233: {  	[tilespmem:s31], [sflag:$0x2] =	stream.linear.gather [hbm4b:s11+s4], $0x400, $0x38;
	[tilespmem:$0x1C500] =	vst v63  }
0x234: {  	s16 =	sadd.s32 $0xF4280, s11;
	s31 =	simm.s32 $0xA900  }
0x235: {  	[tilespmem:s31], [sflag:$0x2] =	stream.linear.gather [hbm4b:s16+s4], $0x400, $0x38;
	[tilespmem:$0x1C500] =	vst v63  }
0x236: {  	s16 =	sadd.s32 $0x1E8500, s11;
	s31 =	simm.s32 $0xC900  }
0x237: {  	[tilespmem:s31], [sflag:$0x2] =	stream.linear.gather [hbm4b:s16+s4], $0x400, $0x38;
	[tilespmem:$0x1C500] =	vst v63  }
0x238: {  	s11 =	sadd.s32 $0x2DC780, s11;
	s31 =	simm.s32 $0xE900;
	s16 =	spop (v2sf)  }
0x239: {  	[tilespmem:s31], [sflag:$0x2] =	stream.linear.gather [hbm4b:s11+s4], $0x400, $0x38;
	[tilespmem:$0x1C500] =	vst v63  }
0x23a: {  	s11 =	sand.u32 $0xFFFFF80, s16  }
0x23b: {  	(v2sf) =	vpush v18, $0x4;
	s31 =	simm.s32 $0x8D00;
	s11 =	sadd.s32 s0, s11  }
0x23c: {  	[tilespmem:s31], [sflag:$0x2] =	stream.linear.gather [hbm4b:s11+s4], $0x400, $0x38;
	[tilespmem:$0x1C500] =	vst v63  }
0x23d: {  	s16 =	sadd.s32 $0xF4280, s11;
	s31 =	simm.s32 $0xAD00  }
0x23e: {  	[tilespmem:s31], [sflag:$0x2] =	stream.linear.gather [hbm4b:s16+s4], $0x400, $0x38;
	[tilespmem:$0x1C500] =	vst v63  }
0x23f: {  	s16 =	sadd.s32 $0x1E8500, s11;
	s31 =	simm.s32 $0xCD00  }
0x240: {  	[tilespmem:s31], [sflag:$0x2] =	stream.linear.gather [hbm4b:s16+s4], $0x400, $0x38;
	[tilespmem:$0x1C500] =	vst v63  }
0x241: {  	s11 =	sadd.s32 $0x2DC780, s11;
	s31 =	simm.s32 $0xED00;
	s16 =	spop (v2sf)  }
0x242: {  	[tilespmem:s31], [sflag:$0x2] =	stream.linear.gather [hbm4b:s11+s4], $0x400, $0x38;
	[tilespmem:$0x1C500] =	vst v63  }
0x243: {  	s11 =	sand.u32 $0xFFFFF80, s16  }
0x244: {  	(v2sf) =	vpush v18, $0x5;
	s31 =	simm.s32 $0x9100;
	s11 =	sadd.s32 s0, s11  }
0x245: {  	[tilespmem:s31], [sflag:$0x2] =	stream.linear.gather [hbm4b:s11+s4], $0x400, $0x38;
	[tilespmem:$0x1C500] =	vst v63  }
0x246: {  	s16 =	sadd.s32 $0xF4280, s11;
	s31 =	simm.s32 $0xB100  }
0x247: {  	[tilespmem:s31], [sflag:$0x2] =	stream.linear.gather [hbm4b:s16+s4], $0x400, $0x38;
	[tilespmem:$0x1C500] =	vst v63  }
0x248: {  	s16 =	sadd.s32 $0x1E8500, s11;
	s31 =	simm.s32 $0xD100  }
0x249: {  	[tilespmem:s31], [sflag:$0x2] =	stream.linear.gather [hbm4b:s16+s4], $0x400, $0x38;
	[tilespmem:$0x1C500] =	vst v63  }
0x24a: {  	s11 =	sadd.s32 $0x2DC780, s11;
	s31 =	simm.s32 $0xF100;
	s16 =	spop (v2sf)  }
0x24b: {  	[tilespmem:s31], [sflag:$0x2] =	stream.linear.gather [hbm4b:s11+s4], $0x400, $0x38;
	[tilespmem:$0x1C500] =	vst v63  }
0x24c: {  	s11 =	sand.u32 $0xFFFFF80, s16  }
0x24d: {  	(v2sf) =	vpush v18, $0x6;
	s31 =	simm.s32 $0x9500;
	s11 =	sadd.s32 s0, s11  }
0x24e: {  	[tilespmem:s31], [sflag:$0x2] =	stream.linear.gather [hbm4b:s11+s4], $0x400, $0x38;
	[tilespmem:$0x1C500] =	vst v63  }
0x24f: {  	s16 =	sadd.s32 $0xF4280, s11;
	s31 =	simm.s32 $0xB500  }
0x250: {  	[tilespmem:s31], [sflag:$0x2] =	stream.linear.gather [hbm4b:s16+s4], $0x400, $0x38;
	[tilespmem:$0x1C500] =	vst v63  }
0x251: {  	s16 =	sadd.s32 $0x1E8500, s11;
	s31 =	simm.s32 $0xD500  }
0x252: {  	[tilespmem:s31], [sflag:$0x2] =	stream.linear.gather [hbm4b:s16+s4], $0x400, $0x38;
	[tilespmem:$0x1C500] =	vst v63  }
0x253: {  	s11 =	sadd.s32 $0x2DC780, s11;
	s31 =	simm.s32 $0xF500;
	s16 =	spop (v2sf)  }
0x254: {  	[tilespmem:s31], [sflag:$0x2] =	stream.linear.gather [hbm4b:s11+s4], $0x400, $0x38;
	[tilespmem:$0x1C500] =	vst v63  }
0x255: {  	s11 =	sand.u32 $0xFFFFF80, s16  }
0x256: {  	(v2sf) =	vpush v18, $0x7;
	s31 =	simm.s32 $0x9900;
	s11 =	sadd.s32 s0, s11  }
0x257: {  	[tilespmem:s31], [sflag:$0x2] =	stream.linear.gather [hbm4b:s11+s4], $0x400, $0x38;
	[tilespmem:$0x1C500] =	vst v63  }
0x258: {  	s16 =	sadd.s32 $0xF4280, s11;
	s31 =	simm.s32 $0xB900  }
0x259: {  	[tilespmem:s31], [sflag:$0x2] =	stream.linear.gather [hbm4b:s16+s4], $0x400, $0x38;
	[tilespmem:$0x1C500] =	vst v63  }
0x25a: {  	s16 =	sadd.s32 $0x1E8500, s11;
	s31 =	simm.s32 $0xD900  }
0x25b: {  	[tilespmem:s31], [sflag:$0x2] =	stream.linear.gather [hbm4b:s16+s4], $0x400, $0x38;
	[tilespmem:$0x1C500] =	vst v63  }
0x25c: {  	s11 =	sadd.s32 $0x2DC780, s11;
	s16 =	spop (v2sf)  }
0x25d: {  	s31 =	simm.s32 $0xF900;
	s16 =	sand.u32 $0xFFFFF80, s16  }
0x25e: {  	[tilespmem:s31], [sflag:$0x2] =	stream.linear.gather [hbm4b:s11+s4], $0x400, $0x38;
	[tilespmem:$0x1C500] =	vst v63  }
0x25f: {  	s11 =	sadd.s32 s0, s16;
	s31 =	simm.s32 $0x9D00  }
0x260: {  	[tilespmem:s31], [sflag:$0x2] =	stream.linear.gather [hbm4b:s11+s4], $0x400, $0x38;
	[tilespmem:$0x1C500] =	vst v63  }
0x261: {  	s16 =	sadd.s32 $0xF4280, s11;
	s31 =	simm.s32 $0xBD00  }
0x262: {  	[tilespmem:s31], [sflag:$0x2] =	stream.linear.gather [hbm4b:s16+s4], $0x400, $0x38;
	[tilespmem:$0x1C500] =	vst v63  }
0x263: {  	s16 =	sadd.s32 $0x1E8500, s11;
	s31 =	simm.s32 $0xDD00  }
0x264: {  	[tilespmem:s31], [sflag:$0x2] =	stream.linear.gather [hbm4b:s16+s4], $0x400, $0x38;
	[tilespmem:$0x1C500] =	vst v63  }
0x265: {  	s11 =	sadd.s32 $0x2DC780, s11;
	s31 =	simm.s32 $0xFD00;
	s16 =	spop (v2sf)  }
0x266: {  	[tilespmem:s31], [sflag:$0x2] =	stream.linear.gather [hbm4b:s11+s4], $0x400, $0x38;
	[tilespmem:$0x1C500] =	vst v63  }
0x267: {  	s11 =	sand.u32 $0xFFFFF80, s16  }
0x268: {  	s31 =	simm.s32 $0xA100;
	s11 =	sadd.s32 s0, s11  }
0x269: {  	[tilespmem:s31], [sflag:$0x2] =	stream.linear.gather [hbm4b:s11+s4], $0x400, $0x38;
	[tilespmem:$0x1C500] =	vst v63  }
0x26a: {  	s16 =	sadd.s32 $0xF4280, s11;
	s31 =	simm.s32 $0xC100  }
0x26b: {  	[tilespmem:s31], [sflag:$0x2] =	stream.linear.gather [hbm4b:s16+s4], $0x400, $0x38;
	[tilespmem:$0x1C500] =	vst v63  }
0x26c: {  	s16 =	sadd.s32 $0x1E8500, s11;
	s31 =	simm.s32 $0xE100  }
0x26d: {  	[tilespmem:s31], [sflag:$0x2] =	stream.linear.gather [hbm4b:s16+s4], $0x400, $0x38;
	[tilespmem:$0x1C500] =	vst v63  }
0x26e: {  	s11 =	sadd.s32 $0x2DC780, s11;
	s31 =	simm.s32 $0x10100  }
0x26f: {  	[tilespmem:s31], [sflag:$0x2] =	stream.linear.gather [hbm4b:s11+s4], $0x400, $0x38;
	[tilespmem:$0x1C500] =	vst v63  }
0x270: {  	_ =	swait.ge [sflag:s2], $0x8000  }
0x271: {  	[sflag:s2] =	ssyncset.done $0x0  }
0x272: {  	[sflag:s2] =	ssyncadd.s32 $0xFFFF8000  }
0x273: {  	v18 =	vld [tilespmem:s15+$0x10];
	_ =	sdelay $0x4  }
0x274: {  	(v2sf) =	vpush v18, $0x0;
	_ =	sdelay $0xe  }
0x275: {  	s16 =	spop (v2sf)  }
0x276: {  	s11 =	sand.u32 $0x7F, s16  }
0x277: {  	s31 =	sadd.s32 $0x10, s15;
	v19 =	vor.u32 s11, v0  }
0x278: {  	v51 =	vmov s31;
	v52 =	vor.u32 s11, v1  }
0x279: {  	v53 =	vshll.u32 v51, $0x3  }
0x27a: {  	v20 =	vand.u32 $0x78, v51;
	v22 =	vand.u32 $0x1C00, v53  }
0x27b: {  	v20 =	vor.u32 v20, v22;
	v18 =	vand.u32 $0x7F, v18  }
0x27c: {  	v22 =	vadd.s32 v2, v20;
	v54 =	vbroadcast v18, $0x1;
	v19 =	vld.idx.msk [tilespmem:v19+s23+$0x0], $0xffff  }
0x27d: {  	v20 =	vadd.s32 v3, v20;
	v21 =	vld.idx.msk [tilespmem:v52+s23+$0x0], $0xffff  }
0x27e: {  	s31 =	sadd.s32 $0x11, s15;
	v55 =	vor.u32 v4, v54  }
0x27f: {  	v56 =	vmov s31;
	v23 =	vor.u32 v5, v54  }
0x280: {  	v57 =	vshll.u32 v56, $0x3  }
0x281: {  	v58 =	vand.u32 $0x7FFFFC00, v57;
	[tilespmem:v22+s10+$0x0] =	vst.idx.msk $0xffff, v19;
	v19 =	vand.u32 $0x79, v56  }
0x282: {  	[tilespmem:v20+s10+$0x0] =	vst.idx.msk $0xffff, v21;
	v19 =	vor.u32 v19, v58  }
0x283: {  	v60 =	vbroadcast v18, $0x2;
	v20 =	vld.idx.msk [tilespmem:v55+s23+$0x0], $0xffff;
	v59 =	vadd.s32 v2, v19  }
0x284: {  	v23 =	vld.idx.msk [tilespmem:v23+s23+$0x0], $0xffff;
	v19 =	vadd.s32 v3, v19  }
0x285: {  	s31 =	sadd.s32 $0x12, s15;
	v61 =	vor.u32 v6, v60  }
0x286: {  	v62 =	vmov s31;
	v22 =	vor.u32 v7, v60  }
0x287: {  	v63 =	vshll.u32 v62, $0x3  }
0x288: {  	v27 =	vand.u32 $0x7A, v62;
	v28 =	vand.u32 $0x7FFFFC00, v63;
	[tilespmem:v59+s10+$0x0] =	vst.idx.msk $0xffff, v20  }
0x289: {  	[tilespmem:v19+s10+$0x0] =	vst.idx.msk $0xffff, v23;
	v19 =	vor.u32 v27, v28  }
0x28a: {  	v30 =	vbroadcast v18, $0x3;
	v29 =	vld.idx.msk [tilespmem:v61+s23+$0x0], $0xffff;
	v21 =	vadd.s32 v2, v19  }
0x28b: {  	v22 =	vld.idx.msk [tilespmem:v22+s23+$0x0], $0xffff;
	v19 =	vadd.s32 v3, v19  }
0x28c: {  	s31 =	sadd.s32 $0x13, s15;
	v31 =	vor.u32 v8, v30  }
0x28d: {  	v32 =	vmov s31;
	v23 =	vor.u32 v9, v30  }
0x28e: {  	v33 =	vshll.u32 v32, $0x3  }
0x28f: {  	v34 =	vand.u32 $0x7B, v32;
	v35 =	vand.u32 $0x7FFFFC00, v33;
	[tilespmem:v21+s10+$0x0] =	vst.idx.msk $0xffff, v29  }
0x290: {  	[tilespmem:v19+s10+$0x0] =	vst.idx.msk $0xffff, v22;
	v19 =	vor.u32 v34, v35  }
0x291: {  	v37 =	vbroadcast v18, $0x4;
	v36 =	vld.idx.msk [tilespmem:v31+s23+$0x0], $0xffff;
	v21 =	vadd.s32 v2, v19  }
0x292: {  	v23 =	vld.idx.msk [tilespmem:v23+s23+$0x0], $0xffff;
	v19 =	vadd.s32 v3, v19  }
0x293: {  	s31 =	sadd.s32 $0x14, s15;
	v38 =	vor.u32 v10, v37  }
0x294: {  	v39 =	vmov s31;
	v22 =	vor.u32 v11, v37  }
0x295: {  	v40 =	vshll.u32 v39, $0x3  }
0x296: {  	v41 =	vand.u32 $0x7C, v39;
	v42 =	vand.u32 $0x7FFFFC00, v40;
	[tilespmem:v21+s10+$0x0] =	vst.idx.msk $0xffff, v36  }
0x297: {  	[tilespmem:v19+s10+$0x0] =	vst.idx.msk $0xffff, v23;
	v19 =	vor.u32 v41, v42  }
0x298: {  	v44 =	vbroadcast v18, $0x5;
	v43 =	vld.idx.msk [tilespmem:v38+s23+$0x0], $0xffff;
	v21 =	vadd.s32 v2, v19  }
0x299: {  	v22 =	vld.idx.msk [tilespmem:v22+s23+$0x0], $0xffff;
	v19 =	vadd.s32 v3, v19  }
0x29a: {  	s31 =	sadd.s32 $0x15, s15;
	v45 =	vor.u32 v12, v44  }
0x29b: {  	v46 =	vmov s31;
	v23 =	vor.u32 v13, v44  }
0x29c: {  	v47 =	vshll.u32 v46, $0x3  }
0x29d: {  	v48 =	vand.u32 $0x7D, v46;
	v49 =	vand.u32 $0x7FFFFC00, v47;
	[tilespmem:v21+s10+$0x0] =	vst.idx.msk $0xffff, v43  }
0x29e: {  	[tilespmem:v19+s10+$0x0] =	vst.idx.msk $0xffff, v22;
	v19 =	vor.u32 v48, v49  }
0x29f: {  	v51 =	vbroadcast v18, $0x6;
	v50 =	vld.idx.msk [tilespmem:v45+s23+$0x0], $0xffff;
	v21 =	vadd.s32 v2, v19  }
0x2a0: {  	v23 =	vld.idx.msk [tilespmem:v23+s23+$0x0], $0xffff;
	v19 =	vadd.s32 v3, v19  }
0x2a1: {  	s31 =	sadd.s32 $0x16, s15;
	v52 =	vor.u32 v14, v51  }
0x2a2: {  	v53 =	vmov s31;
	v22 =	vor.u32 v15, v51  }
0x2a3: {  	v54 =	vshll.u32 v53, $0x3  }
0x2a4: {  	v56 =	vand.u32 $0x7FFFFC00, v54;
	v55 =	vand.u32 $0x7E, v53;
	[tilespmem:v21+s10+$0x0] =	vst.idx.msk $0xffff, v50  }
0x2a5: {  	[tilespmem:v19+s10+$0x0] =	vst.idx.msk $0xffff, v23;
	v19 =	vor.u32 v55, v56  }
0x2a6: {  	v18 =	vbroadcast v18, $0x7;
	v57 =	vld.idx.msk [tilespmem:v52+s23+$0x0], $0xffff;
	v21 =	vadd.s32 v2, v19  }
0x2a7: {  	v22 =	vld.idx.msk [tilespmem:v22+s23+$0x0], $0xffff;
	v19 =	vadd.s32 v3, v19  }
0x2a8: {  	s31 =	sadd.s32 $0x17, s15;
	v58 =	vor.u32 v16, v18  }
0x2a9: {  	v18 =	vor.u32 v17, v18;
	v59 =	vmov s31  }
0x2aa: {  	v60 =	vshll.u32 v59, $0x3  }
0x2ab: {  	v61 =	vand.u32 $0x7F, v59;
	v62 =	vand.u32 $0x7FFFFC00, v60;
	[tilespmem:v21+s10+$0x0] =	vst.idx.msk $0xffff, v57  }
0x2ac: {  	[tilespmem:v19+s10+$0x0] =	vst.idx.msk $0xffff, v22;
	v19 =	vor.u32 v61, v62  }
0x2ad: {  	v63 =	vld.idx.msk [tilespmem:v58+s23+$0x0], $0xffff;
	v21 =	vadd.s32 v2, v19  }
0x2ae: {  	p0 =	sne.s32 s14, $0x1F8;
	v18 =	vld.idx.msk [tilespmem:v18+s23+$0x0], $0xffff;
	v19 =	vadd.s32 v3, v19  }
.Ltmp0:
0x2af: {  	_ = 	snop;
	(pc) =	sbr.rel @p0 .LBB2_2-.Ltmp0, $3  }
0x2b0: {  	_ =	sdelay $0x1  }
0x2b1: {  	s3 =	sadd.s32 $0x18, s3;
	[tilespmem:v21+s10+$0x0] =	vst.idx.msk $0xffff, v63  }
0x2b2: {  	s14 =	sadd.s32 $0x18, s14;
	s13 =	sadd.s32 $0x3, s13;
	s16 =	simm.s32 $0x2500;
	[tilespmem:v19+s10+$0x0] =	vst.idx.msk $0xffff, v18  }
0x2b3: {  	_ =	swait.ge [sflag:s9], $0x8000  }
0x2b4: {  	[sflag:s9] =	ssyncset.done $0x0  }
0x2b5: {  	[sflag:s9] =	ssyncadd.s32 $0xFFFF8000  }
0x2b6: {  	_ =	swait.ge [sflag:s25], $0x8000  }
0x2b7: {  	s11 =	simm.s32 $0x1000;
	[sflag:s25] =	ssyncset.done $0x0  }
0x2b8: {  	s13 =	simm.s32 $0x20000;
	s3 =	rddreg [dreg:$0x8];
	[sflag:s25] =	ssyncadd.s32 $0xFFFF8000  }
0x2b9: {  	[hbm4b:s3+s11] =	stream.strided.scatter [tilespmem:s10], [sflag:$0x4], $0x4000, s13, s11, $0x38;
	[tilespmem:$0x1C500] =	vst v63  }
0x2ba: {  	s11 =	simm.s32 $0x4  }
0x2bb: {  	_ =	swait.ge [sflag:s11], $0x4000  }
0x2bc: {  	[sflag:s11] =	ssyncset.done $0x0  }
0x2bd: {  	[sflag:s11] =	ssyncadd.s32 $0xFFFFC000  }
0x2be: {  	v18 =	vld [tilespmem:$0x280];
	_ =	sdelay $0x4  }
0x2bf: {  	(v2sf) =	vpush v18, $0x0;
	_ =	sdelay $0x7  }
0x2c0: {  	(v2sf) =	vpush v18, $0x1;
	_ =	sdelay $0x6  }
0x2c1: {  	s13 =	spop (v2sf)  }
0x2c2: {  	s3 =	sand.u32 $0xFFFFF80, s13  }
0x2c3: {  	(v2sf) =	vpush v18, $0x2;
	s13 =	simm.s32 $0x0;
	s3 =	sadd.s32 s1, s3  }
0x2c4: {  	[tilespmem:s12], [sflag:$0x1] =	stream.linear.gather [hbm4b:s3+s13], $0x400, $0x38;
	[tilespmem:$0x1C500] =	vst v63  }
0x2c5: {  	s14 =	sadd.s32 $0xF4280, s3  }
0x2c6: {  	[tilespmem:s16], [sflag:$0x1] =	stream.linear.gather [hbm4b:s14+s13], $0x400, $0x38;
	[tilespmem:$0x1C500] =	vst v63  }
0x2c7: {  	s15 =	sadd.s32 $0x1E8500, s3  }
0x2c8: {  	[tilespmem:s29], [sflag:$0x1] =	stream.linear.gather [hbm4b:s15+s13], $0x400, $0x38;
	[tilespmem:$0x1C500] =	vst v63  }
0x2c9: {  	s3 =	sadd.s32 $0x2DC780, s3;
	s16 =	spop (v2sf)  }
0x2ca: {  	[tilespmem:s18], [sflag:$0x1] =	stream.linear.gather [hbm4b:s3+s13], $0x400, $0x38;
	[tilespmem:$0x1C500] =	vst v63  }
0x2cb: {  	s3 =	sand.u32 $0xFFFFF80, s16  }
0x2cc: {  	(v2sf) =	vpush v18, $0x3;
	s3 =	sadd.s32 s1, s3  }
0x2cd: {  	[tilespmem:s19], [sflag:$0x1] =	stream.linear.gather [hbm4b:s3+s13], $0x400, $0x38;
	[tilespmem:$0x1C500] =	vst v63  }
0x2ce: {  	s18 =	sadd.s32 $0xF4280, s3  }
0x2cf: {  	[tilespmem:s30], [sflag:$0x1] =	stream.linear.gather [hbm4b:s18+s13], $0x400, $0x38;
	[tilespmem:$0x1C500] =	vst v63  }
0x2d0: {  	s19 =	sadd.s32 $0x1E8500, s3  }
0x2d1: {  	[tilespmem:s5], [sflag:$0x1] =	stream.linear.gather [hbm4b:s19+s13], $0x400, $0x38;
	[tilespmem:$0x1C500] =	vst v63  }
0x2d2: {  	s3 =	sadd.s32 $0x2DC780, s3;
	s14 =	spop (v2sf)  }
0x2d3: {  	[tilespmem:s20], [sflag:$0x1] =	stream.linear.gather [hbm4b:s3+s13], $0x400, $0x38;
	[tilespmem:$0x1C500] =	vst v63  }
0x2d4: {  	s3 =	sand.u32 $0xFFFFF80, s14  }
0x2d5: {  	(v2sf) =	vpush v18, $0x4;
	s3 =	sadd.s32 s1, s3  }
0x2d6: {  	[tilespmem:s6], [sflag:$0x1] =	stream.linear.gather [hbm4b:s3+s13], $0x400, $0x38;
	[tilespmem:$0x1C500] =	vst v63  }
0x2d7: {  	s15 =	sadd.s32 $0xF4280, s3  }
0x2d8: {  	[tilespmem:s21], [sflag:$0x1] =	stream.linear.gather [hbm4b:s15+s13], $0x400, $0x38;
	[tilespmem:$0x1C500] =	vst v63  }
0x2d9: {  	s16 =	sadd.s32 $0x1E8500, s3  }
0x2da: {  	[tilespmem:s22], [sflag:$0x1] =	stream.linear.gather [hbm4b:s16+s13], $0x400, $0x38;
	[tilespmem:$0x1C500] =	vst v63  }
0x2db: {  	s3 =	sadd.s32 $0x2DC780, s3;
	s18 =	spop (v2sf)  }
0x2dc: {  	[tilespmem:s7], [sflag:$0x1] =	stream.linear.gather [hbm4b:s3+s13], $0x400, $0x38;
	[tilespmem:$0x1C500] =	vst v63  }
0x2dd: {  	s3 =	sand.u32 $0xFFFFF80, s18  }
0x2de: {  	s19 =	simm.s32 $0x1100;
	(v2sf) =	vpush v18, $0x5;
	s3 =	sadd.s32 s1, s3  }
0x2df: {  	[tilespmem:s19], [sflag:$0x1] =	stream.linear.gather [hbm4b:s3+s13], $0x400, $0x38;
	[tilespmem:$0x1C500] =	vst v63  }
0x2e0: {  	s20 =	sadd.s32 $0xF4280, s3  }
0x2e1: {  	[tilespmem:s28], [sflag:$0x1] =	stream.linear.gather [hbm4b:s20+s13], $0x400, $0x38;
	[tilespmem:$0x1C500] =	vst v63  }
0x2e2: {  	s21 =	sadd.s32 $0x1E8500, s3  }
0x2e3: {  	[tilespmem:s8], [sflag:$0x1] =	stream.linear.gather [hbm4b:s21+s13], $0x400, $0x38;
	[tilespmem:$0x1C500] =	vst v63  }
0x2e4: {  	s3 =	sadd.s32 $0x2DC780, s3;
	s22 =	spop (v2sf)  }
0x2e5: {  	[tilespmem:s24], [sflag:$0x1] =	stream.linear.gather [hbm4b:s3+s13], $0x400, $0x38;
	[tilespmem:$0x1C500] =	vst v63  }
0x2e6: {  	s3 =	sand.u32 $0xFFFFF80, s22  }
0x2e7: {  	(v2sf) =	vpush v18, $0x6;
	s24 =	simm.s32 $0x1500;
	s3 =	sadd.s32 s1, s3  }
0x2e8: {  	[tilespmem:s24], [sflag:$0x1] =	stream.linear.gather [hbm4b:s3+s13], $0x400, $0x38;
	[tilespmem:$0x1C500] =	vst v63  }
0x2e9: {  	s6 =	simm.s32 $0x3500;
	s5 =	sadd.s32 $0xF4280, s3  }
0x2ea: {  	[tilespmem:s6], [sflag:$0x1] =	stream.linear.gather [hbm4b:s5+s13], $0x400, $0x38;
	[tilespmem:$0x1C500] =	vst v63  }
0x2eb: {  	s8 =	simm.s32 $0x5500;
	s7 =	sadd.s32 $0x1E8500, s3  }
0x2ec: {  	[tilespmem:s8], [sflag:$0x1] =	stream.linear.gather [hbm4b:s7+s13], $0x400, $0x38;
	[tilespmem:$0x1C500] =	vst v63  }
0x2ed: {  	s11 =	simm.s32 $0x7500;
	s3 =	sadd.s32 $0x2DC780, s3;
	s14 =	spop (v2sf)  }
0x2ee: {  	[tilespmem:s11], [sflag:$0x1] =	stream.linear.gather [hbm4b:s3+s13], $0x400, $0x38;
	[tilespmem:$0x1C500] =	vst v63  }
0x2ef: {  	s3 =	sand.u32 $0xFFFFF80, s14  }
0x2f0: {  	s15 =	simm.s32 $0x1900;
	(v2sf) =	vpush v18, $0x7;
	s3 =	sadd.s32 s1, s3  }
0x2f1: {  	[tilespmem:s15], [sflag:$0x1] =	stream.linear.gather [hbm4b:s3+s13], $0x400, $0x38;
	[tilespmem:$0x1C500] =	vst v63  }
0x2f2: {  	s18 =	simm.s32 $0x3900;
	s16 =	sadd.s32 $0xF4280, s3  }
0x2f3: {  	[tilespmem:s18], [sflag:$0x1] =	stream.linear.gather [hbm4b:s16+s13], $0x400, $0x38;
	[tilespmem:$0x1C500] =	vst v63  }
0x2f4: {  	s20 =	simm.s32 $0x5900;
	s19 =	sadd.s32 $0x1E8500, s3  }
0x2f5: {  	[tilespmem:s20], [sflag:$0x1] =	stream.linear.gather [hbm4b:s19+s13], $0x400, $0x38;
	[tilespmem:$0x1C500] =	vst v63  }
0x2f6: {  	s21 =	simm.s32 $0x7900;
	s3 =	sadd.s32 $0x2DC780, s3;
	s22 =	spop (v2sf)  }
0x2f7: {  	[tilespmem:s21], [sflag:$0x1] =	stream.linear.gather [hbm4b:s3+s13], $0x400, $0x38;
	[tilespmem:$0x1C500] =	vst v63  }
0x2f8: {  	s3 =	sand.u32 $0xFFFFF80, s22  }
0x2f9: {  	s24 =	simm.s32 $0x1D00;
	s3 =	sadd.s32 s1, s3  }
0x2fa: {  	[tilespmem:s24], [sflag:$0x1] =	stream.linear.gather [hbm4b:s3+s13], $0x400, $0x38;
	[tilespmem:$0x1C500] =	vst v63  }
0x2fb: {  	s7 =	simm.s32 $0x3D00;
	s6 =	sadd.s32 $0xF4280, s3  }
0x2fc: {  	[tilespmem:s7], [sflag:$0x1] =	stream.linear.gather [hbm4b:s6+s13], $0x400, $0x38;
	[tilespmem:$0x1C500] =	vst v63  }
0x2fd: {  	s14 =	simm.s32 $0x5D00;
	s8 =	sadd.s32 $0x1E8500, s3  }
0x2fe: {  	[tilespmem:s14], [sflag:$0x1] =	stream.linear.gather [hbm4b:s8+s13], $0x400, $0x38;
	[tilespmem:$0x1C500] =	vst v63  }
0x2ff: {  	s15 =	simm.s32 $0x7D00;
	s16 =	spop (v2sf);
	s3 =	sadd.s32 $0x2DC780, s3  }
0x300: {  	[tilespmem:s15], [sflag:$0x1] =	stream.linear.gather [hbm4b:s3+s13], $0x400, $0x38;
	[tilespmem:$0x1C500] =	vst v63  }
0x301: {  	s3 =	sand.u32 $0xFFFFF80, s16  }
0x302: {  	s18 =	simm.s32 $0x2100;
	s3 =	sadd.s32 s1, s3  }
0x303: {  	[tilespmem:s18], [sflag:$0x1] =	stream.linear.gather [hbm4b:s3+s13], $0x400, $0x38;
	[tilespmem:$0x1C500] =	vst v63  }
0x304: {  	s20 =	simm.s32 $0x4100;
	s19 =	sadd.s32 $0xF4280, s3  }
0x305: {  	[tilespmem:s20], [sflag:$0x1] =	stream.linear.gather [hbm4b:s19+s13], $0x400, $0x38;
	[tilespmem:$0x1C500] =	vst v63  }
0x306: {  	s22 =	simm.s32 $0x6100;
	s21 =	sadd.s32 $0x1E8500, s3  }
0x307: {  	[tilespmem:s22], [sflag:$0x1] =	stream.linear.gather [hbm4b:s21+s13], $0x400, $0x38;
	[tilespmem:$0x1C500] =	vst v63  }
0x308: {  	s24 =	simm.s32 $0x8100;
	s3 =	sadd.s32 $0x2DC780, s3  }
0x309: {  	[tilespmem:s24], [sflag:$0x1] =	stream.linear.gather [hbm4b:s3+s13], $0x400, $0x38;
	[tilespmem:$0x1C500] =	vst v63  }
0x30a: {  	v18 =	vld [tilespmem:$0x288];
	_ =	sdelay $0x4  }
0x30b: {  	(v2sf) =	vpush v18, $0x0;
	_ =	sdelay $0x7  }
0x30c: {  	(v2sf) =	vpush v18, $0x1;
	_ =	sdelay $0x6  }
0x30d: {  	s5 =	spop (v2sf)  }
0x30e: {  	s3 =	sand.u32 $0xFFFFF80, s5  }
0x30f: {  	(v2sf) =	vpush v18, $0x2;
	s3 =	sadd.s32 s1, s3  }
0x310: {  	[tilespmem:s17], [sflag:$0x2] =	stream.linear.gather [hbm4b:s3+s13], $0x400, $0x38;
	[tilespmem:$0x1C500] =	vst v63  }
0x311: {  	s6 =	sadd.s32 $0xF4280, s3  }
0x312: {  	[tilespmem:s26], [sflag:$0x2] =	stream.linear.gather [hbm4b:s6+s13], $0x400, $0x38;
	[tilespmem:$0x1C500] =	vst v63  }
0x313: {  	s8 =	simm.s32 $0xC500;
	s7 =	sadd.s32 $0x1E8500, s3  }
0x314: {  	[tilespmem:s8], [sflag:$0x2] =	stream.linear.gather [hbm4b:s7+s13], $0x400, $0x38;
	[tilespmem:$0x1C500] =	vst v63  }
0x315: {  	s14 =	simm.s32 $0xE500;
	s15 =	spop (v2sf);
	s3 =	sadd.s32 $0x2DC780, s3  }
0x316: {  	[tilespmem:s14], [sflag:$0x2] =	stream.linear.gather [hbm4b:s3+s13], $0x400, $0x38;
	[tilespmem:$0x1C500] =	vst v63  }
0x317: {  	s3 =	sand.u32 $0xFFFFF80, s15  }
0x318: {  	s16 =	simm.s32 $0x8900;
	(v2sf) =	vpush v18, $0x3;
	s3 =	sadd.s32 s1, s3  }
0x319: {  	[tilespmem:s16], [sflag:$0x2] =	stream.linear.gather [hbm4b:s3+s13], $0x400, $0x38;
	[tilespmem:$0x1C500] =	vst v63  }
0x31a: {  	s19 =	simm.s32 $0xA900;
	s18 =	sadd.s32 $0xF4280, s3  }
0x31b: {  	[tilespmem:s19], [sflag:$0x2] =	stream.linear.gather [hbm4b:s18+s13], $0x400, $0x38;
	[tilespmem:$0x1C500] =	vst v63  }
0x31c: {  	s21 =	simm.s32 $0xC900;
	s20 =	sadd.s32 $0x1E8500, s3  }
0x31d: {  	[tilespmem:s21], [sflag:$0x2] =	stream.linear.gather [hbm4b:s20+s13], $0x400, $0x38;
	[tilespmem:$0x1C500] =	vst v63  }
0x31e: {  	s22 =	simm.s32 $0xE900;
	s3 =	sadd.s32 $0x2DC780, s3;
	s24 =	spop (v2sf)  }
0x31f: {  	[tilespmem:s22], [sflag:$0x2] =	stream.linear.gather [hbm4b:s3+s13], $0x400, $0x38;
	[tilespmem:$0x1C500] =	vst v63  }
0x320: {  	s3 =	sand.u32 $0xFFFFF80, s24  }
0x321: {  	s26 =	simm.s32 $0x8D00;
	(v2sf) =	vpush v18, $0x4;
	s3 =	sadd.s32 s1, s3  }
0x322: {  	[tilespmem:s26], [sflag:$0x2] =	stream.linear.gather [hbm4b:s3+s13], $0x400, $0x38;
	[tilespmem:$0x1C500] =	vst v63  }
0x323: {  	s6 =	simm.s32 $0xAD00;
	s5 =	sadd.s32 $0xF4280, s3  }
0x324: {  	[tilespmem:s6], [sflag:$0x2] =	stream.linear.gather [hbm4b:s5+s13], $0x400, $0x38;
	[tilespmem:$0x1C500] =	vst v63  }
0x325: {  	s8 =	simm.s32 $0xCD00;
	s7 =	sadd.s32 $0x1E8500, s3  }
0x326: {  	[tilespmem:s8], [sflag:$0x2] =	stream.linear.gather [hbm4b:s7+s13], $0x400, $0x38;
	[tilespmem:$0x1C500] =	vst v63  }
0x327: {  	s14 =	simm.s32 $0xED00;
	s15 =	spop (v2sf);
	s3 =	sadd.s32 $0x2DC780, s3  }
0x328: {  	[tilespmem:s14], [sflag:$0x2] =	stream.linear.gather [hbm4b:s3+s13], $0x400, $0x38;
	[tilespmem:$0x1C500] =	vst v63  }
0x329: {  	s3 =	sand.u32 $0xFFFFF80, s15  }
0x32a: {  	s16 =	simm.s32 $0x9100;
	(v2sf) =	vpush v18, $0x5;
	s3 =	sadd.s32 s1, s3  }
0x32b: {  	[tilespmem:s16], [sflag:$0x2] =	stream.linear.gather [hbm4b:s3+s13], $0x400, $0x38;
	[tilespmem:$0x1C500] =	vst v63  }
0x32c: {  	s19 =	simm.s32 $0xB100;
	s18 =	sadd.s32 $0xF4280, s3  }
0x32d: {  	[tilespmem:s19], [sflag:$0x2] =	stream.linear.gather [hbm4b:s18+s13], $0x400, $0x38;
	[tilespmem:$0x1C500] =	vst v63  }
0x32e: {  	s21 =	simm.s32 $0xD100;
	s20 =	sadd.s32 $0x1E8500, s3  }
0x32f: {  	[tilespmem:s21], [sflag:$0x2] =	stream.linear.gather [hbm4b:s20+s13], $0x400, $0x38;
	[tilespmem:$0x1C500] =	vst v63  }
0x330: {  	s22 =	simm.s32 $0xF100;
	s3 =	sadd.s32 $0x2DC780, s3;
	s24 =	spop (v2sf)  }
0x331: {  	(v2sf) =	vpush v18, $0x6;
	[tilespmem:s22], [sflag:$0x2] =	stream.linear.gather [hbm4b:s3+s13], $0x400, $0x38;
	[tilespmem:$0x1C500] =	vst v63  }
0x332: {  	s3 =	sand.u32 $0xFFFFF80, s24  }
0x333: {  	s26 =	simm.s32 $0x9500;
	s3 =	sadd.s32 s1, s3  }
0x334: {  	[tilespmem:s26], [sflag:$0x2] =	stream.linear.gather [hbm4b:s3+s13], $0x400, $0x38;
	[tilespmem:$0x1C500] =	vst v63  }
0x335: {  	s7 =	simm.s32 $0xB500;
	s6 =	sadd.s32 $0xF4280, s3  }
0x336: {  	[tilespmem:s7], [sflag:$0x2] =	stream.linear.gather [hbm4b:s6+s13], $0x400, $0x38;
	[tilespmem:$0x1C500] =	vst v63  }
0x337: {  	s31 =	simm.s32 $0x6D00;
	s14 =	simm.s32 $0xD500;
	s8 =	sadd.s32 $0x1E8500, s3  }
0x338: {  	[tilespmem:s14], [sflag:$0x2] =	stream.linear.gather [hbm4b:s8+s13], $0x400, $0x38;
	[tilespmem:$0x1C500] =	vst v63  }
0x339: {  	s15 =	simm.s32 $0xF500;
	s16 =	spop (v2sf);
	(v2sf) =	vpush v18, $0x7;
	s3 =	sadd.s32 $0x2DC780, s3  }
0x33a: {  	[tilespmem:s15], [sflag:$0x2] =	stream.linear.gather [hbm4b:s3+s13], $0x400, $0x38;
	[tilespmem:$0x1C500] =	vst v63  }
0x33b: {  	s29 =	simm.s32 $0x2500;
	s30 =	simm.s32 $0x900;
	s3 =	sand.u32 $0xFFFFF80, s16  }
0x33c: {  	s28 =	simm.s32 $0x1100;
	s18 =	simm.s32 $0x9900;
	s3 =	sadd.s32 s1, s3  }
0x33d: {  	[tilespmem:s18], [sflag:$0x2] =	stream.linear.gather [hbm4b:s3+s13], $0x400, $0x38;
	[tilespmem:$0x1C500] =	vst v63  }
0x33e: {  	s20 =	simm.s32 $0xB900;
	s22 =	simm.s32 $0xD900;
	s19 =	sadd.s32 $0xF4280, s3  }
0x33f: {  	[tilespmem:s20], [sflag:$0x2] =	stream.linear.gather [hbm4b:s19+s13], $0x400, $0x38;
	[tilespmem:$0x1C500] =	vst v63  }
0x340: {  	s26 =	simm.s32 $0xF900;
	s21 =	sadd.s32 $0x1E8500, s3;
	s24 =	spop (v2sf)  }
0x341: {  	[tilespmem:s22], [sflag:$0x2] =	stream.linear.gather [hbm4b:s21+s13], $0x400, $0x38;
	[tilespmem:$0x1C500] =	vst v63  }
0x342: {  	s3 =	sadd.s32 $0x2DC780, s3;
	s5 =	sand.u32 $0xFFFFF80, s24  }
0x343: {  	[tilespmem:s26], [sflag:$0x2] =	stream.linear.gather [hbm4b:s3+s13], $0x400, $0x38;
	[tilespmem:$0x1C500] =	vst v63  }
0x344: {  	s6 =	simm.s32 $0x9D00;
	s8 =	simm.s32 $0xBD00;
	s3 =	sadd.s32 s1, s5  }
0x345: {  	[tilespmem:s6], [sflag:$0x2] =	stream.linear.gather [hbm4b:s3+s13], $0x400, $0x38;
	[tilespmem:$0x1C500] =	vst v63  }
0x346: {  	s15 =	simm.s32 $0xDD00;
	s16 =	simm.s32 $0xFD00;
	s7 =	sadd.s32 $0xF4280, s3  }
0x347: {  	[tilespmem:s8], [sflag:$0x2] =	stream.linear.gather [hbm4b:s7+s13], $0x400, $0x38;
	[tilespmem:$0x1C500] =	vst v63  }
0x348: {  	s19 =	simm.s32 $0xA100;
	s18 =	spop (v2sf);
	s14 =	sadd.s32 $0x1E8500, s3  }
0x349: {  	[tilespmem:s15], [sflag:$0x2] =	stream.linear.gather [hbm4b:s14+s13], $0x400, $0x38;
	[tilespmem:$0x1C500] =	vst v63  }
0x34a: {  	s24 =	simm.s32 $0xE100;
	s21 =	simm.s32 $0xC100;
	s3 =	sadd.s32 $0x2DC780, s3  }
0x34b: {  	[tilespmem:s16], [sflag:$0x2] =	stream.linear.gather [hbm4b:s3+s13], $0x400, $0x38;
	[tilespmem:$0x1C500] =	vst v63  }
0x34c: {  	s26 =	simm.s32 $0x10100;
	s5 =	simm.s32 $0x2900;
	s3 =	sand.u32 $0xFFFFF80, s18  }
0x34d: {  	s6 =	simm.s32 $0x6900;
	s7 =	simm.s32 $0x7100;
	s3 =	sadd.s32 s1, s3  }
0x34e: {  	[tilespmem:s19], [sflag:$0x2] =	stream.linear.gather [hbm4b:s3+s13], $0x400, $0x38;
	[tilespmem:$0x1C500] =	vst v63  }
0x34f: {  	s8 =	simm.s32 $0x3100;
	s18 =	simm.s32 $0xA500;
	s20 =	sadd.s32 $0xF4280, s3  }
0x350: {  	[tilespmem:s21], [sflag:$0x2] =	stream.linear.gather [hbm4b:s20+s13], $0x400, $0x38;
	[tilespmem:$0x1C500] =	vst v63  }
0x351: {  	s14 =	simm.s32 $0x0;
	s22 =	sadd.s32 $0x1E8500, s3;
	s3 =	sadd.s32 $0x2DC780, s3  }
0x352: {  	[tilespmem:s24], [sflag:$0x2] =	stream.linear.gather [hbm4b:s22+s13], $0x400, $0x38;
	[tilespmem:$0x1C500] =	vst v63  }
0x353: {  	s19 =	simm.s32 $0x6500;
	s21 =	simm.s32 $0xD00;
	s24 =	simm.s32 $0x5100  }
0x354: {  	[tilespmem:s26], [sflag:$0x2] =	stream.linear.gather [hbm4b:s3+s13], $0x400, $0x38;
	[tilespmem:$0x1C500] =	vst v63  }
0x355: {  	s22 =	simm.s32 $0x2D00;
	s3 =	simm.s32 $0x280;
	s26 =	simm.s32 $0x1500  }
.LBB2_4:
0x356: {  	s11 =	smin.u32 s13, $0x3D  }
0x357: {  	s15 =	sshll.u32 s11, $0x3  }
0x358: {  	v18 =	vld [tilespmem:s15+$0x290];
	_ =	sdelay $0x4  }
0x359: {  	(v2sf) =	vpush v18, $0x0;
	_ =	sdelay $0x7  }
0x35a: {  	(v2sf) =	vpush v18, $0x1;
	_ =	sdelay $0x6  }
0x35b: {  	s16 =	spop (v2sf)  }
0x35c: {  	s11 =	sand.u32 $0xFFFFF80, s16  }
0x35d: {  	(v2sf) =	vpush v18, $0x2;
	s11 =	sadd.s32 s1, s11  }
0x35e: {  	[tilespmem:s23], [sflag:$0x3] =	stream.linear.gather [hbm4b:s11+s4], $0x400, $0x38;
	[tilespmem:$0x1C500] =	vst v63  }
0x35f: {  	s20 =	simm.s32 $0x12500;
	s16 =	sadd.s32 $0xF4280, s11  }
0x360: {  	[tilespmem:s20], [sflag:$0x3] =	stream.linear.gather [hbm4b:s16+s4], $0x400, $0x38;
	[tilespmem:$0x1C500] =	vst v63  }
0x361: {  	s16 =	sadd.s32 $0x1E8500, s11;
	s20 =	simm.s32 $0x14500  }
0x362: {  	[tilespmem:s20], [sflag:$0x3] =	stream.linear.gather [hbm4b:s16+s4], $0x400, $0x38;
	[tilespmem:$0x1C500] =	vst v63  }
0x363: {  	s11 =	sadd.s32 $0x2DC780, s11;
	s20 =	simm.s32 $0x16500;
	s16 =	spop (v2sf)  }
0x364: {  	[tilespmem:s20], [sflag:$0x3] =	stream.linear.gather [hbm4b:s11+s4], $0x400, $0x38;
	[tilespmem:$0x1C500] =	vst v63  }
0x365: {  	s11 =	sand.u32 $0xFFFFF80, s16  }
0x366: {  	(v2sf) =	vpush v18, $0x3;
	s20 =	simm.s32 $0x10900;
	s11 =	sadd.s32 s1, s11  }
0x367: {  	[tilespmem:s20], [sflag:$0x3] =	stream.linear.gather [hbm4b:s11+s4], $0x400, $0x38;
	[tilespmem:$0x1C500] =	vst v63  }
0x368: {  	s16 =	sadd.s32 $0xF4280, s11;
	s20 =	simm.s32 $0x12900  }
0x369: {  	[tilespmem:s20], [sflag:$0x3] =	stream.linear.gather [hbm4b:s16+s4], $0x400, $0x38;
	[tilespmem:$0x1C500] =	vst v63  }
0x36a: {  	s16 =	sadd.s32 $0x1E8500, s11;
	s20 =	simm.s32 $0x14900  }
0x36b: {  	[tilespmem:s20], [sflag:$0x3] =	stream.linear.gather [hbm4b:s16+s4], $0x400, $0x38;
	[tilespmem:$0x1C500] =	vst v63  }
0x36c: {  	s11 =	sadd.s32 $0x2DC780, s11;
	s20 =	simm.s32 $0x16900;
	s16 =	spop (v2sf)  }
0x36d: {  	[tilespmem:s20], [sflag:$0x3] =	stream.linear.gather [hbm4b:s11+s4], $0x400, $0x38;
	[tilespmem:$0x1C500] =	vst v63  }
0x36e: {  	s11 =	sand.u32 $0xFFFFF80, s16  }
0x36f: {  	(v2sf) =	vpush v18, $0x4;
	s20 =	simm.s32 $0x10D00;
	s11 =	sadd.s32 s1, s11  }
0x370: {  	[tilespmem:s20], [sflag:$0x3] =	stream.linear.gather [hbm4b:s11+s4], $0x400, $0x38;
	[tilespmem:$0x1C500] =	vst v63  }
0x371: {  	s16 =	sadd.s32 $0xF4280, s11;
	s20 =	simm.s32 $0x12D00  }
0x372: {  	[tilespmem:s20], [sflag:$0x3] =	stream.linear.gather [hbm4b:s16+s4], $0x400, $0x38;
	[tilespmem:$0x1C500] =	vst v63  }
0x373: {  	s16 =	sadd.s32 $0x1E8500, s11;
	s20 =	simm.s32 $0x14D00  }
0x374: {  	[tilespmem:s20], [sflag:$0x3] =	stream.linear.gather [hbm4b:s16+s4], $0x400, $0x38;
	[tilespmem:$0x1C500] =	vst v63  }
0x375: {  	s11 =	sadd.s32 $0x2DC780, s11;
	s20 =	simm.s32 $0x16D00;
	s16 =	spop (v2sf)  }
0x376: {  	[tilespmem:s20], [sflag:$0x3] =	stream.linear.gather [hbm4b:s11+s4], $0x400, $0x38;
	[tilespmem:$0x1C500] =	vst v63  }
0x377: {  	s11 =	sand.u32 $0xFFFFF80, s16  }
0x378: {  	(v2sf) =	vpush v18, $0x5;
	s20 =	simm.s32 $0x11100;
	s11 =	sadd.s32 s1, s11  }
0x379: {  	[tilespmem:s20], [sflag:$0x3] =	stream.linear.gather [hbm4b:s11+s4], $0x400, $0x38;
	[tilespmem:$0x1C500] =	vst v63  }
0x37a: {  	s16 =	sadd.s32 $0xF4280, s11;
	s20 =	simm.s32 $0x13100  }
0x37b: {  	[tilespmem:s20], [sflag:$0x3] =	stream.linear.gather [hbm4b:s16+s4], $0x400, $0x38;
	[tilespmem:$0x1C500] =	vst v63  }
0x37c: {  	s16 =	sadd.s32 $0x1E8500, s11;
	s20 =	simm.s32 $0x15100  }
0x37d: {  	[tilespmem:s20], [sflag:$0x3] =	stream.linear.gather [hbm4b:s16+s4], $0x400, $0x38;
	[tilespmem:$0x1C500] =	vst v63  }
0x37e: {  	s11 =	sadd.s32 $0x2DC780, s11;
	s20 =	simm.s32 $0x17100;
	s16 =	spop (v2sf)  }
0x37f: {  	[tilespmem:s20], [sflag:$0x3] =	stream.linear.gather [hbm4b:s11+s4], $0x400, $0x38;
	[tilespmem:$0x1C500] =	vst v63  }
0x380: {  	s11 =	sand.u32 $0xFFFFF80, s16  }
0x381: {  	(v2sf) =	vpush v18, $0x6;
	s20 =	simm.s32 $0x11500;
	s11 =	sadd.s32 s1, s11  }
0x382: {  	[tilespmem:s20], [sflag:$0x3] =	stream.linear.gather [hbm4b:s11+s4], $0x400, $0x38;
	[tilespmem:$0x1C500] =	vst v63  }
0x383: {  	s16 =	sadd.s32 $0xF4280, s11;
	s20 =	simm.s32 $0x13500  }
0x384: {  	[tilespmem:s20], [sflag:$0x3] =	stream.linear.gather [hbm4b:s16+s4], $0x400, $0x38;
	[tilespmem:$0x1C500] =	vst v63  }
0x385: {  	s16 =	sadd.s32 $0x1E8500, s11;
	s20 =	simm.s32 $0x15500  }
0x386: {  	[tilespmem:s20], [sflag:$0x3] =	stream.linear.gather [hbm4b:s16+s4], $0x400, $0x38;
	[tilespmem:$0x1C500] =	vst v63  }
0x387: {  	s11 =	sadd.s32 $0x2DC780, s11;
	s20 =	simm.s32 $0x17500;
	s16 =	spop (v2sf)  }
0x388: {  	[tilespmem:s20], [sflag:$0x3] =	stream.linear.gather [hbm4b:s11+s4], $0x400, $0x38;
	[tilespmem:$0x1C500] =	vst v63  }
0x389: {  	s11 =	sand.u32 $0xFFFFF80, s16  }
0x38a: {  	(v2sf) =	vpush v18, $0x7;
	s20 =	simm.s32 $0x11900;
	s11 =	sadd.s32 s1, s11  }
0x38b: {  	[tilespmem:s20], [sflag:$0x3] =	stream.linear.gather [hbm4b:s11+s4], $0x400, $0x38;
	[tilespmem:$0x1C500] =	vst v63  }
0x38c: {  	s16 =	sadd.s32 $0xF4280, s11;
	s20 =	simm.s32 $0x13900  }
0x38d: {  	[tilespmem:s20], [sflag:$0x3] =	stream.linear.gather [hbm4b:s16+s4], $0x400, $0x38;
	[tilespmem:$0x1C500] =	vst v63  }
0x38e: {  	s16 =	sadd.s32 $0x1E8500, s11;
	s20 =	simm.s32 $0x15900  }
0x38f: {  	[tilespmem:s20], [sflag:$0x3] =	stream.linear.gather [hbm4b:s16+s4], $0x400, $0x38;
	[tilespmem:$0x1C500] =	vst v63  }
0x390: {  	s11 =	sadd.s32 $0x2DC780, s11;
	s20 =	simm.s32 $0x17900;
	s16 =	spop (v2sf)  }
0x391: {  	[tilespmem:s20], [sflag:$0x3] =	stream.linear.gather [hbm4b:s11+s4], $0x400, $0x38;
	[tilespmem:$0x1C500] =	vst v63  }
0x392: {  	s11 =	sand.u32 $0xFFFFF80, s16  }
0x393: {  	s20 =	simm.s32 $0x11D00;
	s11 =	sadd.s32 s1, s11  }
0x394: {  	[tilespmem:s20], [sflag:$0x3] =	stream.linear.gather [hbm4b:s11+s4], $0x400, $0x38;
	[tilespmem:$0x1C500] =	vst v63  }
0x395: {  	s16 =	sadd.s32 $0xF4280, s11;
	s20 =	simm.s32 $0x13D00  }
0x396: {  	[tilespmem:s20], [sflag:$0x3] =	stream.linear.gather [hbm4b:s16+s4], $0x400, $0x38;
	[tilespmem:$0x1C500] =	vst v63  }
0x397: {  	s16 =	sadd.s32 $0x1E8500, s11;
	s20 =	simm.s32 $0x15D00  }
0x398: {  	[tilespmem:s20], [sflag:$0x3] =	stream.linear.gather [hbm4b:s16+s4], $0x400, $0x38;
	[tilespmem:$0x1C500] =	vst v63  }
0x399: {  	s11 =	sadd.s32 $0x2DC780, s11;
	s20 =	simm.s32 $0x17D00;
	s16 =	spop (v2sf)  }
0x39a: {  	[tilespmem:s20], [sflag:$0x3] =	stream.linear.gather [hbm4b:s11+s4], $0x400, $0x38;
	[tilespmem:$0x1C500] =	vst v63  }
0x39b: {  	s11 =	sand.u32 $0xFFFFF80, s16  }
0x39c: {  	s20 =	simm.s32 $0x12100;
	s11 =	sadd.s32 s1, s11  }
0x39d: {  	[tilespmem:s20], [sflag:$0x3] =	stream.linear.gather [hbm4b:s11+s4], $0x400, $0x38;
	[tilespmem:$0x1C500] =	vst v63  }
0x39e: {  	s16 =	sadd.s32 $0xF4280, s11;
	s20 =	simm.s32 $0x14100  }
0x39f: {  	[tilespmem:s20], [sflag:$0x3] =	stream.linear.gather [hbm4b:s16+s4], $0x400, $0x38;
	[tilespmem:$0x1C500] =	vst v63  }
0x3a0: {  	s16 =	sadd.s32 $0x1E8500, s11;
	s20 =	simm.s32 $0x16100  }
0x3a1: {  	[tilespmem:s20], [sflag:$0x3] =	stream.linear.gather [hbm4b:s16+s4], $0x400, $0x38;
	[tilespmem:$0x1C500] =	vst v63  }
0x3a2: {  	s11 =	sadd.s32 $0x2DC780, s11;
	s20 =	simm.s32 $0x18100  }
0x3a3: {  	[tilespmem:s20], [sflag:$0x3] =	stream.linear.gather [hbm4b:s11+s4], $0x400, $0x38;
	[tilespmem:$0x1C500] =	vst v63  }
0x3a4: {  	_ =	swait.ge [sflag:s9], $0x8000  }
0x3a5: {  	[sflag:s9] =	ssyncset.done $0x0  }
0x3a6: {  	[sflag:s9] =	ssyncadd.s32 $0xFFFF8000  }
0x3a7: {  	v18 =	vld [tilespmem:s3+$0x0];
	_ =	sdelay $0x4  }
0x3a8: {  	(v2sf) =	vpush v18, $0x0;
	_ =	sdelay $0xe  }
0x3a9: {  	s20 =	spop (v2sf)  }
0x3aa: {  	s11 =	sand.u32 $0x7F, s20  }
0x3ab: {  	v19 =	vor.u32 s11, v0  }
0x3ac: {  	v20 =	vmov s14;
	v21 =	vor.u32 s11, v1  }
0x3ad: {  	v22 =	vshll.u32 v20, $0x3  }
0x3ae: {  	v20 =	vand.u32 $0x78, v20;
	v22 =	vand.u32 $0xC00, v22  }
0x3af: {  	v20 =	vor.u32 v20, v22;
	v18 =	vand.u32 $0x7F, v18  }
0x3b0: {  	v22 =	vor.u32 v2, v20;
	v23 =	vbroadcast v18, $0x1;
	v19 =	vld.idx.msk [tilespmem:v19+s12+$0x0], $0xffff  }
0x3b1: {  	v20 =	vor.u32 v3, v20;
	v21 =	vld.idx.msk [tilespmem:v21+s12+$0x0], $0xffff  }
0x3b2: {  	s16 =	sadd.s32 $0x1, s14;
	v24 =	vor.u32 v4, v23  }
0x3b3: {  	v25 =	vmov s16;
	v23 =	vor.u32 v5, v23  }
0x3b4: {  	v26 =	vshll.u32 v25, $0x3  }
0x3b5: {  	v30 =	vand.u32 $0x7FFFFC00, v26;
	[tilespmem:v22+s10+$0x0] =	vst.idx.msk $0xffff, v19;
	v19 =	vand.u32 $0x79, v25  }
0x3b6: {  	[tilespmem:v20+s10+$0x0] =	vst.idx.msk $0xffff, v21;
	v19 =	vor.u32 v19, v30  }
0x3b7: {  	v32 =	vbroadcast v18, $0x2;
	v20 =	vld.idx.msk [tilespmem:v24+s12+$0x0], $0xffff;
	v31 =	vadd.s32 v2, v19  }
0x3b8: {  	v23 =	vld.idx.msk [tilespmem:v23+s12+$0x0], $0xffff;
	v19 =	vadd.s32 v3, v19  }
0x3b9: {  	v33 =	vor.u32 v6, v32;
	s20 =	sadd.s32 $0x2, s14  }
0x3ba: {  	v34 =	vmov s20;
	v22 =	vor.u32 v7, v32  }
0x3bb: {  	v35 =	vshll.u32 v34, $0x3  }
0x3bc: {  	v36 =	vand.u32 $0x7A, v34;
	v37 =	vand.u32 $0x7FFFFC00, v35;
	[tilespmem:v31+s10+$0x0] =	vst.idx.msk $0xffff, v20  }
0x3bd: {  	[tilespmem:v19+s10+$0x0] =	vst.idx.msk $0xffff, v23;
	v19 =	vor.u32 v36, v37  }
0x3be: {  	v39 =	vbroadcast v18, $0x3;
	v38 =	vld.idx.msk [tilespmem:v33+s12+$0x0], $0xffff;
	v21 =	vadd.s32 v2, v19  }
0x3bf: {  	v22 =	vld.idx.msk [tilespmem:v22+s12+$0x0], $0xffff;
	v19 =	vadd.s32 v3, v19  }
0x3c0: {  	s16 =	sadd.s32 $0x3, s14;
	v40 =	vor.u32 v8, v39  }
0x3c1: {  	v41 =	vmov s16;
	v23 =	vor.u32 v9, v39  }
0x3c2: {  	v42 =	vshll.u32 v41, $0x3  }
0x3c3: {  	v43 =	vand.u32 $0x7B, v41;
	v44 =	vand.u32 $0x7FFFFC00, v42;
	[tilespmem:v21+s10+$0x0] =	vst.idx.msk $0xffff, v38  }
0x3c4: {  	[tilespmem:v19+s10+$0x0] =	vst.idx.msk $0xffff, v22;
	v19 =	vor.u32 v43, v44  }
0x3c5: {  	v46 =	vbroadcast v18, $0x4;
	v45 =	vld.idx.msk [tilespmem:v40+s12+$0x0], $0xffff;
	v21 =	vadd.s32 v2, v19  }
0x3c6: {  	v23 =	vld.idx.msk [tilespmem:v23+s12+$0x0], $0xffff;
	v19 =	vadd.s32 v3, v19  }
0x3c7: {  	v47 =	vor.u32 v10, v46;
	s20 =	sadd.s32 $0x4, s14  }
0x3c8: {  	v48 =	vmov s20;
	v22 =	vor.u32 v11, v46  }
0x3c9: {  	v49 =	vshll.u32 v48, $0x3  }
0x3ca: {  	v50 =	vand.u32 $0x7C, v48;
	v51 =	vand.u32 $0x7FFFFC00, v49;
	[tilespmem:v21+s10+$0x0] =	vst.idx.msk $0xffff, v45  }
0x3cb: {  	[tilespmem:v19+s10+$0x0] =	vst.idx.msk $0xffff, v23;
	v19 =	vor.u32 v50, v51  }
0x3cc: {  	v53 =	vbroadcast v18, $0x5;
	v52 =	vld.idx.msk [tilespmem:v47+s12+$0x0], $0xffff;
	v21 =	vadd.s32 v2, v19  }
0x3cd: {  	v22 =	vld.idx.msk [tilespmem:v22+s12+$0x0], $0xffff;
	v19 =	vadd.s32 v3, v19  }
0x3ce: {  	s16 =	sadd.s32 $0x5, s14;
	v54 =	vor.u32 v12, v53  }
0x3cf: {  	v55 =	vmov s16;
	v23 =	vor.u32 v13, v53  }
0x3d0: {  	v56 =	vshll.u32 v55, $0x3  }
0x3d1: {  	v57 =	vand.u32 $0x7D, v55;
	v58 =	vand.u32 $0x7FFFFC00, v56;
	[tilespmem:v21+s10+$0x0] =	vst.idx.msk $0xffff, v52  }
0x3d2: {  	[tilespmem:v19+s10+$0x0] =	vst.idx.msk $0xffff, v22;
	v19 =	vor.u32 v57, v58  }
0x3d3: {  	v60 =	vbroadcast v18, $0x6;
	v59 =	vld.idx.msk [tilespmem:v54+s12+$0x0], $0xffff;
	v21 =	vadd.s32 v2, v19  }
0x3d4: {  	v23 =	vld.idx.msk [tilespmem:v23+s12+$0x0], $0xffff;
	v19 =	vadd.s32 v3, v19  }
0x3d5: {  	v61 =	vor.u32 v14, v60;
	s20 =	sadd.s32 $0x6, s14  }
0x3d6: {  	v62 =	vmov s20;
	v22 =	vor.u32 v15, v60  }
0x3d7: {  	v63 =	vshll.u32 v62, $0x3  }
0x3d8: {  	v28 =	vand.u32 $0x7E, v62;
	v29 =	vand.u32 $0x7FFFFC00, v63;
	[tilespmem:v21+s10+$0x0] =	vst.idx.msk $0xffff, v59  }
0x3d9: {  	[tilespmem:v19+s10+$0x0] =	vst.idx.msk $0xffff, v23;
	v19 =	vor.u32 v28, v29  }
0x3da: {  	v18 =	vbroadcast v18, $0x7;
	v30 =	vld.idx.msk [tilespmem:v61+s12+$0x0], $0xffff;
	v21 =	vadd.s32 v2, v19  }
0x3db: {  	v22 =	vld.idx.msk [tilespmem:v22+s12+$0x0], $0xffff;
	v19 =	vadd.s32 v3, v19  }
0x3dc: {  	s16 =	sadd.s32 $0x7, s14;
	v31 =	vor.u32 v16, v18  }
0x3dd: {  	v32 =	vmov s16;
	v18 =	vor.u32 v17, v18  }
0x3de: {  	v33 =	vshll.u32 v32, $0x3  }
0x3df: {  	v34 =	vand.u32 $0x7F, v32;
	v35 =	vand.u32 $0x7FFFFC00, v33;
	[tilespmem:v21+s10+$0x0] =	vst.idx.msk $0xffff, v30  }
0x3e0: {  	[tilespmem:v19+s10+$0x0] =	vst.idx.msk $0xffff, v22;
	v19 =	vor.u32 v34, v35  }
0x3e1: {  	v36 =	vld.idx.msk [tilespmem:v31+s12+$0x0], $0xffff;
	v21 =	vadd.s32 v2, v19  }
0x3e2: {  	v18 =	vld.idx.msk [tilespmem:v18+s12+$0x0], $0xffff;
	v19 =	vadd.s32 v3, v19;
	_ =	sdelay $0x3  }
0x3e3: {  	s20 =	smin.u32 s13, $0x3C;
	[tilespmem:v21+s10+$0x0] =	vst.idx.msk $0xffff, v36  }
0x3e4: {  	s11 =	sshll.u32 s20, $0x3;
	[tilespmem:v19+s10+$0x0] =	vst.idx.msk $0xffff, v18  }
0x3e5: {  	v18 =	vld [tilespmem:s11+$0x298];
	_ =	sdelay $0x4  }
0x3e6: {  	(v2sf) =	vpush v18, $0x0;
	_ =	sdelay $0x7  }
0x3e7: {  	(v2sf) =	vpush v18, $0x1;
	_ =	sdelay $0x6  }
0x3e8: {  	s16 =	spop (v2sf)  }
0x3e9: {  	s11 =	sand.u32 $0xFFFFF80, s16  }
0x3ea: {  	(v2sf) =	vpush v18, $0x2;
	s11 =	sadd.s32 s1, s11  }
0x3eb: {  	[tilespmem:s12], [sflag:$0x1] =	stream.linear.gather [hbm4b:s11+s4], $0x400, $0x38;
	[tilespmem:$0x1C500] =	vst v63  }
0x3ec: {  	s20 =	sadd.s32 $0xF4280, s11  }
0x3ed: {  	[tilespmem:s29], [sflag:$0x1] =	stream.linear.gather [hbm4b:s20+s4], $0x400, $0x38;
	[tilespmem:$0x1C500] =	vst v63  }
0x3ee: {  	s16 =	sadd.s32 $0x1E8500, s11;
	s20 =	simm.s32 $0x4500  }
0x3ef: {  	[tilespmem:s20], [sflag:$0x1] =	stream.linear.gather [hbm4b:s16+s4], $0x400, $0x38;
	[tilespmem:$0x1C500] =	vst v63  }
0x3f0: {  	s11 =	sadd.s32 $0x2DC780, s11;
	s16 =	spop (v2sf)  }
0x3f1: {  	[tilespmem:s19], [sflag:$0x1] =	stream.linear.gather [hbm4b:s11+s4], $0x400, $0x38;
	[tilespmem:$0x1C500] =	vst v63  }
0x3f2: {  	s11 =	sand.u32 $0xFFFFF80, s16  }
0x3f3: {  	(v2sf) =	vpush v18, $0x3;
	s11 =	sadd.s32 s1, s11  }
0x3f4: {  	[tilespmem:s30], [sflag:$0x1] =	stream.linear.gather [hbm4b:s11+s4], $0x400, $0x38;
	[tilespmem:$0x1C500] =	vst v63  }
0x3f5: {  	s20 =	sadd.s32 $0xF4280, s11  }
0x3f6: {  	[tilespmem:s5], [sflag:$0x1] =	stream.linear.gather [hbm4b:s20+s4], $0x400, $0x38;
	[tilespmem:$0x1C500] =	vst v63  }
0x3f7: {  	s16 =	sadd.s32 $0x1E8500, s11;
	s20 =	simm.s32 $0x4900  }
0x3f8: {  	[tilespmem:s20], [sflag:$0x1] =	stream.linear.gather [hbm4b:s16+s4], $0x400, $0x38;
	[tilespmem:$0x1C500] =	vst v63  }
0x3f9: {  	s11 =	sadd.s32 $0x2DC780, s11;
	s16 =	spop (v2sf)  }
0x3fa: {  	[tilespmem:s6], [sflag:$0x1] =	stream.linear.gather [hbm4b:s11+s4], $0x400, $0x38;
	[tilespmem:$0x1C500] =	vst v63  }
0x3fb: {  	s11 =	sand.u32 $0xFFFFF80, s16  }
0x3fc: {  	(v2sf) =	vpush v18, $0x4;
	s11 =	sadd.s32 s1, s11  }
0x3fd: {  	[tilespmem:s21], [sflag:$0x1] =	stream.linear.gather [hbm4b:s11+s4], $0x400, $0x38;
	[tilespmem:$0x1C500] =	vst v63  }
0x3fe: {  	s20 =	sadd.s32 $0xF4280, s11  }
0x3ff: {  	[tilespmem:s22], [sflag:$0x1] =	stream.linear.gather [hbm4b:s20+s4], $0x400, $0x38;
	[tilespmem:$0x1C500] =	vst v63  }
0x400: {  	s16 =	sadd.s32 $0x1E8500, s11;
	s20 =	simm.s32 $0x4D00  }
0x401: {  	[tilespmem:s20], [sflag:$0x1] =	stream.linear.gather [hbm4b:s16+s4], $0x400, $0x38;
	[tilespmem:$0x1C500] =	vst v63  }
0x402: {  	s11 =	sadd.s32 $0x2DC780, s11;
	s16 =	spop (v2sf)  }
0x403: {  	[tilespmem:s31], [sflag:$0x1] =	stream.linear.gather [hbm4b:s11+s4], $0x400, $0x38;
	[tilespmem:$0x1C500] =	vst v63  }
0x404: {  	s11 =	sand.u32 $0xFFFFF80, s16  }
0x405: {  	(v2sf) =	vpush v18, $0x5;
	s11 =	sadd.s32 s1, s11  }
0x406: {  	[tilespmem:s28], [sflag:$0x1] =	stream.linear.gather [hbm4b:s11+s4], $0x400, $0x38;
	[tilespmem:$0x1C500] =	vst v63  }
0x407: {  	s20 =	sadd.s32 $0xF4280, s11  }
0x408: {  	[tilespmem:s8], [sflag:$0x1] =	stream.linear.gather [hbm4b:s20+s4], $0x400, $0x38;
	[tilespmem:$0x1C500] =	vst v63  }
0x409: {  	s20 =	sadd.s32 $0x1E8500, s11  }
0x40a: {  	[tilespmem:s24], [sflag:$0x1] =	stream.linear.gather [hbm4b:s20+s4], $0x400, $0x38;
	[tilespmem:$0x1C500] =	vst v63  }
0x40b: {  	s11 =	sadd.s32 $0x2DC780, s11;
	s16 =	spop (v2sf)  }
0x40c: {  	[tilespmem:s7], [sflag:$0x1] =	stream.linear.gather [hbm4b:s11+s4], $0x400, $0x38;
	[tilespmem:$0x1C500] =	vst v63  }
0x40d: {  	s11 =	sand.u32 $0xFFFFF80, s16  }
0x40e: {  	(v2sf) =	vpush v18, $0x6;
	s11 =	sadd.s32 s1, s11  }
0x40f: {  	[tilespmem:s26], [sflag:$0x1] =	stream.linear.gather [hbm4b:s11+s4], $0x400, $0x38;
	[tilespmem:$0x1C500] =	vst v63  }
0x410: {  	s20 =	sadd.s32 $0xF4280, s11;
	s26 =	simm.s32 $0x3500  }
0x411: {  	[tilespmem:s26], [sflag:$0x1] =	stream.linear.gather [hbm4b:s20+s4], $0x400, $0x38;
	[tilespmem:$0x1C500] =	vst v63  }
0x412: {  	s20 =	sadd.s32 $0x1E8500, s11;
	s26 =	simm.s32 $0x5500  }
0x413: {  	[tilespmem:s26], [sflag:$0x1] =	stream.linear.gather [hbm4b:s20+s4], $0x400, $0x38;
	[tilespmem:$0x1C500] =	vst v63  }
0x414: {  	s11 =	sadd.s32 $0x2DC780, s11;
	s16 =	spop (v2sf);
	s26 =	simm.s32 $0x7500  }
0x415: {  	[tilespmem:s26], [sflag:$0x1] =	stream.linear.gather [hbm4b:s11+s4], $0x400, $0x38;
	[tilespmem:$0x1C500] =	vst v63  }
0x416: {  	s11 =	sand.u32 $0xFFFFF80, s16  }
0x417: {  	(v2sf) =	vpush v18, $0x7;
	s20 =	simm.s32 $0x1900;
	s11 =	sadd.s32 s1, s11  }
0x418: {  	[tilespmem:s20], [sflag:$0x1] =	stream.linear.gather [hbm4b:s11+s4], $0x400, $0x38;
	[tilespmem:$0x1C500] =	vst v63  }
0x419: {  	s26 =	sadd.s32 $0xF4280, s11;
	s20 =	simm.s32 $0x3900  }
0x41a: {  	[tilespmem:s20], [sflag:$0x1] =	stream.linear.gather [hbm4b:s26+s4], $0x400, $0x38;
	[tilespmem:$0x1C500] =	vst v63  }
0x41b: {  	s26 =	sadd.s32 $0x1E8500, s11;
	s20 =	simm.s32 $0x5900  }
0x41c: {  	[tilespmem:s20], [sflag:$0x1] =	stream.linear.gather [hbm4b:s26+s4], $0x400, $0x38;
	[tilespmem:$0x1C500] =	vst v63  }
0x41d: {  	s11 =	sadd.s32 $0x2DC780, s11;
	s16 =	spop (v2sf);
	s26 =	simm.s32 $0x7900  }
0x41e: {  	[tilespmem:s26], [sflag:$0x1] =	stream.linear.gather [hbm4b:s11+s4], $0x400, $0x38;
	[tilespmem:$0x1C500] =	vst v63  }
0x41f: {  	s11 =	sand.u32 $0xFFFFF80, s16  }
0x420: {  	s20 =	simm.s32 $0x1D00;
	s11 =	sadd.s32 s1, s11  }
0x421: {  	[tilespmem:s20], [sflag:$0x1] =	stream.linear.gather [hbm4b:s11+s4], $0x400, $0x38;
	[tilespmem:$0x1C500] =	vst v63  }
0x422: {  	s26 =	sadd.s32 $0xF4280, s11;
	s20 =	simm.s32 $0x3D00  }
0x423: {  	[tilespmem:s20], [sflag:$0x1] =	stream.linear.gather [hbm4b:s26+s4], $0x400, $0x38;
	[tilespmem:$0x1C500] =	vst v63  }
0x424: {  	s26 =	sadd.s32 $0x1E8500, s11;
	s20 =	simm.s32 $0x5D00  }
0x425: {  	[tilespmem:s20], [sflag:$0x1] =	stream.linear.gather [hbm4b:s26+s4], $0x400, $0x38;
	[tilespmem:$0x1C500] =	vst v63  }
0x426: {  	s11 =	sadd.s32 $0x2DC780, s11;
	s16 =	spop (v2sf);
	s26 =	simm.s32 $0x7D00  }
0x427: {  	[tilespmem:s26], [sflag:$0x1] =	stream.linear.gather [hbm4b:s11+s4], $0x400, $0x38;
	[tilespmem:$0x1C500] =	vst v63  }
0x428: {  	s11 =	sand.u32 $0xFFFFF80, s16  }
0x429: {  	s20 =	simm.s32 $0x2100;
	s11 =	sadd.s32 s1, s11  }
0x42a: {  	[tilespmem:s20], [sflag:$0x1] =	stream.linear.gather [hbm4b:s11+s4], $0x400, $0x38;
	[tilespmem:$0x1C500] =	vst v63  }
0x42b: {  	s26 =	sadd.s32 $0xF4280, s11;
	s20 =	simm.s32 $0x4100  }
0x42c: {  	[tilespmem:s20], [sflag:$0x1] =	stream.linear.gather [hbm4b:s26+s4], $0x400, $0x38;
	[tilespmem:$0x1C500] =	vst v63  }
0x42d: {  	s26 =	sadd.s32 $0x1E8500, s11;
	s20 =	simm.s32 $0x6100  }
0x42e: {  	[tilespmem:s20], [sflag:$0x1] =	stream.linear.gather [hbm4b:s26+s4], $0x400, $0x38;
	[tilespmem:$0x1C500] =	vst v63  }
0x42f: {  	s11 =	sadd.s32 $0x2DC780, s11;
	s26 =	simm.s32 $0x8100  }
0x430: {  	[tilespmem:s26], [sflag:$0x1] =	stream.linear.gather [hbm4b:s11+s4], $0x400, $0x38;
	[tilespmem:$0x1C500] =	vst v63  }
0x431: {  	_ =	swait.ge [sflag:s25], $0x8000  }
0x432: {  	s20 =	smin.u32 s13, $0x3E;
	[sflag:s25] =	ssyncset.done $0x0  }
0x433: {  	s11 =	sshll.u32 s20, $0x3;
	[sflag:s25] =	ssyncadd.s32 $0xFFFF8000  }
0x434: {  	v18 =	vld [tilespmem:s11+$0x288];
	_ =	sdelay $0x4  }
0x435: {  	(v2sf) =	vpush v18, $0x0;
	_ =	sdelay $0xe  }
0x436: {  	s26 =	spop (v2sf)  }
0x437: {  	s16 =	sand.u32 $0x7F, s26  }
0x438: {  	s20 =	sadd.s32 $0x8, s11;
	v19 =	vor.u32 s16, v0  }
0x439: {  	v37 =	vmov s20;
	v38 =	vor.u32 s16, v1  }
0x43a: {  	v39 =	vshll.u32 v37, $0x3  }
0x43b: {  	v20 =	vand.u32 $0x78, v37;
	v22 =	vand.u32 $0x1C00, v39  }
0x43c: {  	v20 =	vor.u32 v20, v22;
	v18 =	vand.u32 $0x7F, v18  }
0x43d: {  	v22 =	vadd.s32 v2, v20;
	v40 =	vbroadcast v18, $0x1;
	v19 =	vld.idx.msk [tilespmem:v19+s17+$0x0], $0xffff  }
0x43e: {  	v20 =	vadd.s32 v3, v20;
	v21 =	vld.idx.msk [tilespmem:v38+s17+$0x0], $0xffff  }
0x43f: {  	s20 =	sadd.s32 $0x9, s11;
	v41 =	vor.u32 v4, v40  }
0x440: {  	v42 =	vmov s20;
	v23 =	vor.u32 v5, v40  }
0x441: {  	v43 =	vshll.u32 v42, $0x3  }
0x442: {  	v44 =	vand.u32 $0x7FFFFC00, v43;
	[tilespmem:v22+s10+$0x0] =	vst.idx.msk $0xffff, v19;
	v19 =	vand.u32 $0x79, v42  }
0x443: {  	[tilespmem:v20+s10+$0x0] =	vst.idx.msk $0xffff, v21;
	v19 =	vor.u32 v19, v44  }
0x444: {  	v46 =	vbroadcast v18, $0x2;
	v20 =	vld.idx.msk [tilespmem:v41+s17+$0x0], $0xffff;
	v45 =	vadd.s32 v2, v19  }
0x445: {  	v23 =	vld.idx.msk [tilespmem:v23+s17+$0x0], $0xffff;
	v19 =	vadd.s32 v3, v19  }
0x446: {  	s20 =	sadd.s32 $0xA, s11;
	v47 =	vor.u32 v6, v46  }
0x447: {  	v48 =	vmov s20;
	v22 =	vor.u32 v7, v46  }
0x448: {  	v49 =	vshll.u32 v48, $0x3  }
0x449: {  	v50 =	vand.u32 $0x7A, v48;
	v51 =	vand.u32 $0x7FFFFC00, v49;
	[tilespmem:v45+s10+$0x0] =	vst.idx.msk $0xffff, v20  }
0x44a: {  	[tilespmem:v19+s10+$0x0] =	vst.idx.msk $0xffff, v23;
	v19 =	vor.u32 v50, v51  }
0x44b: {  	v53 =	vbroadcast v18, $0x3;
	v52 =	vld.idx.msk [tilespmem:v47+s17+$0x0], $0xffff;
	v21 =	vadd.s32 v2, v19  }
0x44c: {  	v22 =	vld.idx.msk [tilespmem:v22+s17+$0x0], $0xffff;
	v19 =	vadd.s32 v3, v19  }
0x44d: {  	s20 =	sadd.s32 $0xB, s11;
	v54 =	vor.u32 v8, v53  }
0x44e: {  	v55 =	vmov s20;
	v23 =	vor.u32 v9, v53  }
0x44f: {  	v56 =	vshll.u32 v55, $0x3  }
0x450: {  	v57 =	vand.u32 $0x7B, v55;
	v58 =	vand.u32 $0x7FFFFC00, v56;
	[tilespmem:v21+s10+$0x0] =	vst.idx.msk $0xffff, v52  }
0x451: {  	[tilespmem:v19+s10+$0x0] =	vst.idx.msk $0xffff, v22;
	v19 =	vor.u32 v57, v58  }
0x452: {  	v60 =	vbroadcast v18, $0x4;
	v59 =	vld.idx.msk [tilespmem:v54+s17+$0x0], $0xffff;
	v21 =	vadd.s32 v2, v19  }
0x453: {  	v23 =	vld.idx.msk [tilespmem:v23+s17+$0x0], $0xffff;
	v19 =	vadd.s32 v3, v19  }
0x454: {  	s20 =	sadd.s32 $0xC, s11;
	v61 =	vor.u32 v10, v60  }
0x455: {  	v62 =	vmov s20;
	v22 =	vor.u32 v11, v60  }
0x456: {  	v63 =	vshll.u32 v62, $0x3  }
0x457: {  	v28 =	vand.u32 $0x7C, v62;
	v29 =	vand.u32 $0x7FFFFC00, v63;
	[tilespmem:v21+s10+$0x0] =	vst.idx.msk $0xffff, v59  }
0x458: {  	[tilespmem:v19+s10+$0x0] =	vst.idx.msk $0xffff, v23;
	v19 =	vor.u32 v28, v29  }
0x459: {  	v31 =	vbroadcast v18, $0x5;
	v30 =	vld.idx.msk [tilespmem:v61+s17+$0x0], $0xffff;
	v21 =	vadd.s32 v2, v19  }
0x45a: {  	v22 =	vld.idx.msk [tilespmem:v22+s17+$0x0], $0xffff;
	v19 =	vadd.s32 v3, v19  }
0x45b: {  	s20 =	sadd.s32 $0xD, s11;
	v32 =	vor.u32 v12, v31  }
0x45c: {  	v33 =	vmov s20;
	v23 =	vor.u32 v13, v31  }
0x45d: {  	v34 =	vshll.u32 v33, $0x3  }
0x45e: {  	v35 =	vand.u32 $0x7D, v33;
	v36 =	vand.u32 $0x7FFFFC00, v34;
	[tilespmem:v21+s10+$0x0] =	vst.idx.msk $0xffff, v30  }
0x45f: {  	[tilespmem:v19+s10+$0x0] =	vst.idx.msk $0xffff, v22;
	v19 =	vor.u32 v35, v36  }
0x460: {  	v38 =	vbroadcast v18, $0x6;
	v37 =	vld.idx.msk [tilespmem:v32+s17+$0x0], $0xffff;
	v21 =	vadd.s32 v2, v19  }
0x461: {  	v23 =	vld.idx.msk [tilespmem:v23+s17+$0x0], $0xffff;
	v19 =	vadd.s32 v3, v19  }
0x462: {  	s20 =	sadd.s32 $0xE, s11;
	v39 =	vor.u32 v14, v38  }
0x463: {  	v40 =	vmov s20;
	v22 =	vor.u32 v15, v38  }
0x464: {  	v41 =	vshll.u32 v40, $0x3  }
0x465: {  	v42 =	vand.u32 $0x7E, v40;
	v43 =	vand.u32 $0x7FFFFC00, v41;
	[tilespmem:v21+s10+$0x0] =	vst.idx.msk $0xffff, v37  }
0x466: {  	[tilespmem:v19+s10+$0x0] =	vst.idx.msk $0xffff, v23;
	v19 =	vor.u32 v42, v43  }
0x467: {  	v18 =	vbroadcast v18, $0x7;
	v44 =	vld.idx.msk [tilespmem:v39+s17+$0x0], $0xffff;
	v21 =	vadd.s32 v2, v19  }
0x468: {  	v22 =	vld.idx.msk [tilespmem:v22+s17+$0x0], $0xffff;
	v19 =	vadd.s32 v3, v19  }
0x469: {  	s11 =	sadd.s32 $0xF, s11;
	v45 =	vor.u32 v16, v18  }
0x46a: {  	v46 =	vmov s11;
	v18 =	vor.u32 v17, v18  }
0x46b: {  	v47 =	vshll.u32 v46, $0x3  }
0x46c: {  	v48 =	vand.u32 $0x7F, v46;
	v49 =	vand.u32 $0x7FFFFC00, v47;
	[tilespmem:v21+s10+$0x0] =	vst.idx.msk $0xffff, v44  }
0x46d: {  	[tilespmem:v19+s10+$0x0] =	vst.idx.msk $0xffff, v22;
	v19 =	vor.u32 v48, v49  }
0x46e: {  	v50 =	vld.idx.msk [tilespmem:v45+s17+$0x0], $0xffff;
	v21 =	vadd.s32 v2, v19  }
0x46f: {  	v18 =	vld.idx.msk [tilespmem:v18+s17+$0x0], $0xffff;
	v19 =	vadd.s32 v3, v19;
	_ =	sdelay $0x3  }
0x470: {  	s20 =	smin.u32 s13, $0x3B;
	[tilespmem:v21+s10+$0x0] =	vst.idx.msk $0xffff, v50  }
0x471: {  	s11 =	sshll.u32 s20, $0x3;
	[tilespmem:v19+s10+$0x0] =	vst.idx.msk $0xffff, v18  }
0x472: {  	v18 =	vld [tilespmem:s11+$0x2A0];
	_ =	sdelay $0x4  }
0x473: {  	(v2sf) =	vpush v18, $0x0;
	_ =	sdelay $0x7  }
0x474: {  	(v2sf) =	vpush v18, $0x1;
	_ =	sdelay $0x6  }
0x475: {  	s16 =	spop (v2sf)  }
0x476: {  	s11 =	sand.u32 $0xFFFFF80, s16  }
0x477: {  	(v2sf) =	vpush v18, $0x2;
	s11 =	sadd.s32 s1, s11  }
0x478: {  	[tilespmem:s17], [sflag:$0x2] =	stream.linear.gather [hbm4b:s11+s4], $0x400, $0x38;
	[tilespmem:$0x1C500] =	vst v63  }
0x479: {  	s20 =	sadd.s32 $0xF4280, s11  }
0x47a: {  	[tilespmem:s18], [sflag:$0x2] =	stream.linear.gather [hbm4b:s20+s4], $0x400, $0x38;
	[tilespmem:$0x1C500] =	vst v63  }
0x47b: {  	s16 =	sadd.s32 $0x1E8500, s11;
	s20 =	simm.s32 $0xC500  }
0x47c: {  	[tilespmem:s20], [sflag:$0x2] =	stream.linear.gather [hbm4b:s16+s4], $0x400, $0x38;
	[tilespmem:$0x1C500] =	vst v63  }
0x47d: {  	s11 =	sadd.s32 $0x2DC780, s11;
	s20 =	simm.s32 $0xE500;
	s16 =	spop (v2sf)  }
0x47e: {  	[tilespmem:s20], [sflag:$0x2] =	stream.linear.gather [hbm4b:s11+s4], $0x400, $0x38;
	[tilespmem:$0x1C500] =	vst v63  }
0x47f: {  	s11 =	sand.u32 $0xFFFFF80, s16  }
0x480: {  	(v2sf) =	vpush v18, $0x3;
	s20 =	simm.s32 $0x8900;
	s11 =	sadd.s32 s1, s11  }
0x481: {  	[tilespmem:s20], [sflag:$0x2] =	stream.linear.gather [hbm4b:s11+s4], $0x400, $0x38;
	[tilespmem:$0x1C500] =	vst v63  }
0x482: {  	s16 =	sadd.s32 $0xF4280, s11;
	s20 =	simm.s32 $0xA900  }
0x483: {  	[tilespmem:s20], [sflag:$0x2] =	stream.linear.gather [hbm4b:s16+s4], $0x400, $0x38;
	[tilespmem:$0x1C500] =	vst v63  }
0x484: {  	s16 =	sadd.s32 $0x1E8500, s11;
	s20 =	simm.s32 $0xC900  }
0x485: {  	[tilespmem:s20], [sflag:$0x2] =	stream.linear.gather [hbm4b:s16+s4], $0x400, $0x38;
	[tilespmem:$0x1C500] =	vst v63  }
0x486: {  	s11 =	sadd.s32 $0x2DC780, s11;
	s20 =	simm.s32 $0xE900;
	s16 =	spop (v2sf)  }
0x487: {  	[tilespmem:s20], [sflag:$0x2] =	stream.linear.gather [hbm4b:s11+s4], $0x400, $0x38;
	[tilespmem:$0x1C500] =	vst v63  }
0x488: {  	s11 =	sand.u32 $0xFFFFF80, s16  }
0x489: {  	(v2sf) =	vpush v18, $0x4;
	s20 =	simm.s32 $0x8D00;
	s11 =	sadd.s32 s1, s11  }
0x48a: {  	[tilespmem:s20], [sflag:$0x2] =	stream.linear.gather [hbm4b:s11+s4], $0x400, $0x38;
	[tilespmem:$0x1C500] =	vst v63  }
0x48b: {  	s16 =	sadd.s32 $0xF4280, s11;
	s20 =	simm.s32 $0xAD00  }
0x48c: {  	[tilespmem:s20], [sflag:$0x2] =	stream.linear.gather [hbm4b:s16+s4], $0x400, $0x38;
	[tilespmem:$0x1C500] =	vst v63  }
0x48d: {  	s16 =	sadd.s32 $0x1E8500, s11;
	s20 =	simm.s32 $0xCD00  }
0x48e: {  	[tilespmem:s20], [sflag:$0x2] =	stream.linear.gather [hbm4b:s16+s4], $0x400, $0x38;
	[tilespmem:$0x1C500] =	vst v63  }
0x48f: {  	s11 =	sadd.s32 $0x2DC780, s11;
	s20 =	simm.s32 $0xED00;
	s16 =	spop (v2sf)  }
0x490: {  	[tilespmem:s20], [sflag:$0x2] =	stream.linear.gather [hbm4b:s11+s4], $0x400, $0x38;
	[tilespmem:$0x1C500] =	vst v63  }
0x491: {  	s11 =	sand.u32 $0xFFFFF80, s16  }
0x492: {  	(v2sf) =	vpush v18, $0x5;
	s20 =	simm.s32 $0x9100;
	s11 =	sadd.s32 s1, s11  }
0x493: {  	[tilespmem:s20], [sflag:$0x2] =	stream.linear.gather [hbm4b:s11+s4], $0x400, $0x38;
	[tilespmem:$0x1C500] =	vst v63  }
0x494: {  	s16 =	sadd.s32 $0xF4280, s11;
	s20 =	simm.s32 $0xB100  }
0x495: {  	[tilespmem:s20], [sflag:$0x2] =	stream.linear.gather [hbm4b:s16+s4], $0x400, $0x38;
	[tilespmem:$0x1C500] =	vst v63  }
0x496: {  	s16 =	sadd.s32 $0x1E8500, s11;
	s20 =	simm.s32 $0xD100  }
0x497: {  	[tilespmem:s20], [sflag:$0x2] =	stream.linear.gather [hbm4b:s16+s4], $0x400, $0x38;
	[tilespmem:$0x1C500] =	vst v63  }
0x498: {  	s11 =	sadd.s32 $0x2DC780, s11;
	s20 =	simm.s32 $0xF100;
	s16 =	spop (v2sf)  }
0x499: {  	[tilespmem:s20], [sflag:$0x2] =	stream.linear.gather [hbm4b:s11+s4], $0x400, $0x38;
	[tilespmem:$0x1C500] =	vst v63  }
0x49a: {  	s11 =	sand.u32 $0xFFFFF80, s16  }
0x49b: {  	(v2sf) =	vpush v18, $0x6;
	s20 =	simm.s32 $0x9500;
	s11 =	sadd.s32 s1, s11  }
0x49c: {  	[tilespmem:s20], [sflag:$0x2] =	stream.linear.gather [hbm4b:s11+s4], $0x400, $0x38;
	[tilespmem:$0x1C500] =	vst v63  }
0x49d: {  	s16 =	sadd.s32 $0xF4280, s11;
	s20 =	simm.s32 $0xB500  }
0x49e: {  	[tilespmem:s20], [sflag:$0x2] =	stream.linear.gather [hbm4b:s16+s4], $0x400, $0x38;
	[tilespmem:$0x1C500] =	vst v63  }
0x49f: {  	s16 =	sadd.s32 $0x1E8500, s11;
	s20 =	simm.s32 $0xD500  }
0x4a0: {  	[tilespmem:s20], [sflag:$0x2] =	stream.linear.gather [hbm4b:s16+s4], $0x400, $0x38;
	[tilespmem:$0x1C500] =	vst v63  }
0x4a1: {  	s11 =	sadd.s32 $0x2DC780, s11;
	s20 =	simm.s32 $0xF500;
	s16 =	spop (v2sf)  }
0x4a2: {  	[tilespmem:s20], [sflag:$0x2] =	stream.linear.gather [hbm4b:s11+s4], $0x400, $0x38;
	[tilespmem:$0x1C500] =	vst v63  }
0x4a3: {  	s11 =	sand.u32 $0xFFFFF80, s16  }
0x4a4: {  	(v2sf) =	vpush v18, $0x7;
	s20 =	simm.s32 $0x9900;
	s11 =	sadd.s32 s1, s11  }
0x4a5: {  	[tilespmem:s20], [sflag:$0x2] =	stream.linear.gather [hbm4b:s11+s4], $0x400, $0x38;
	[tilespmem:$0x1C500] =	vst v63  }
0x4a6: {  	s16 =	sadd.s32 $0xF4280, s11;
	s20 =	simm.s32 $0xB900  }
0x4a7: {  	[tilespmem:s20], [sflag:$0x2] =	stream.linear.gather [hbm4b:s16+s4], $0x400, $0x38;
	[tilespmem:$0x1C500] =	vst v63  }
0x4a8: {  	s16 =	sadd.s32 $0x1E8500, s11;
	s20 =	simm.s32 $0xD900  }
0x4a9: {  	[tilespmem:s20], [sflag:$0x2] =	stream.linear.gather [hbm4b:s16+s4], $0x400, $0x38;
	[tilespmem:$0x1C500] =	vst v63  }
0x4aa: {  	s11 =	sadd.s32 $0x2DC780, s11;
	s16 =	spop (v2sf)  }
0x4ab: {  	s20 =	simm.s32 $0xF900;
	s16 =	sand.u32 $0xFFFFF80, s16  }
0x4ac: {  	[tilespmem:s20], [sflag:$0x2] =	stream.linear.gather [hbm4b:s11+s4], $0x400, $0x38;
	[tilespmem:$0x1C500] =	vst v63  }
0x4ad: {  	s11 =	sadd.s32 s1, s16;
	s20 =	simm.s32 $0x9D00  }
0x4ae: {  	[tilespmem:s20], [sflag:$0x2] =	stream.linear.gather [hbm4b:s11+s4], $0x400, $0x38;
	[tilespmem:$0x1C500] =	vst v63  }
0x4af: {  	s16 =	sadd.s32 $0xF4280, s11;
	s20 =	simm.s32 $0xBD00  }
0x4b0: {  	[tilespmem:s20], [sflag:$0x2] =	stream.linear.gather [hbm4b:s16+s4], $0x400, $0x38;
	[tilespmem:$0x1C500] =	vst v63  }
0x4b1: {  	s16 =	sadd.s32 $0x1E8500, s11;
	s20 =	simm.s32 $0xDD00  }
0x4b2: {  	[tilespmem:s20], [sflag:$0x2] =	stream.linear.gather [hbm4b:s16+s4], $0x400, $0x38;
	[tilespmem:$0x1C500] =	vst v63  }
0x4b3: {  	s11 =	sadd.s32 $0x2DC780, s11;
	s20 =	simm.s32 $0xFD00;
	s16 =	spop (v2sf)  }
0x4b4: {  	[tilespmem:s20], [sflag:$0x2] =	stream.linear.gather [hbm4b:s11+s4], $0x400, $0x38;
	[tilespmem:$0x1C500] =	vst v63  }
0x4b5: {  	s11 =	sand.u32 $0xFFFFF80, s16  }
0x4b6: {  	s20 =	simm.s32 $0xA100;
	s11 =	sadd.s32 s1, s11  }
0x4b7: {  	[tilespmem:s20], [sflag:$0x2] =	stream.linear.gather [hbm4b:s11+s4], $0x400, $0x38;
	[tilespmem:$0x1C500] =	vst v63  }
0x4b8: {  	s16 =	sadd.s32 $0xF4280, s11;
	s20 =	simm.s32 $0xC100  }
0x4b9: {  	[tilespmem:s20], [sflag:$0x2] =	stream.linear.gather [hbm4b:s16+s4], $0x400, $0x38;
	[tilespmem:$0x1C500] =	vst v63  }
0x4ba: {  	s16 =	sadd.s32 $0x1E8500, s11;
	s20 =	simm.s32 $0xE100  }
0x4bb: {  	[tilespmem:s20], [sflag:$0x2] =	stream.linear.gather [hbm4b:s16+s4], $0x400, $0x38;
	[tilespmem:$0x1C500] =	vst v63  }
0x4bc: {  	s11 =	sadd.s32 $0x2DC780, s11;
	s20 =	simm.s32 $0x10100  }
0x4bd: {  	[tilespmem:s20], [sflag:$0x2] =	stream.linear.gather [hbm4b:s11+s4], $0x400, $0x38;
	[tilespmem:$0x1C500] =	vst v63  }
0x4be: {  	_ =	swait.ge [sflag:s2], $0x8000  }
0x4bf: {  	[sflag:s2] =	ssyncset.done $0x0  }
0x4c0: {  	[sflag:s2] =	ssyncadd.s32 $0xFFFF8000  }
0x4c1: {  	v18 =	vld [tilespmem:s15+$0x290];
	_ =	sdelay $0x4  }
0x4c2: {  	(v2sf) =	vpush v18, $0x0;
	_ =	sdelay $0xe  }
0x4c3: {  	s16 =	spop (v2sf)  }
0x4c4: {  	s11 =	sand.u32 $0x7F, s16  }
0x4c5: {  	s20 =	sadd.s32 $0x10, s15;
	v19 =	vor.u32 s11, v0  }
0x4c6: {  	v51 =	vmov s20;
	v52 =	vor.u32 s11, v1  }
0x4c7: {  	v53 =	vshll.u32 v51, $0x3  }
0x4c8: {  	v20 =	vand.u32 $0x78, v51;
	v22 =	vand.u32 $0x1C00, v53  }
0x4c9: {  	v20 =	vor.u32 v20, v22;
	v18 =	vand.u32 $0x7F, v18  }
0x4ca: {  	v22 =	vadd.s32 v2, v20;
	v54 =	vbroadcast v18, $0x1;
	v19 =	vld.idx.msk [tilespmem:v19+s23+$0x0], $0xffff  }
0x4cb: {  	v20 =	vadd.s32 v3, v20;
	v21 =	vld.idx.msk [tilespmem:v52+s23+$0x0], $0xffff  }
0x4cc: {  	s20 =	sadd.s32 $0x11, s15;
	v55 =	vor.u32 v4, v54  }
0x4cd: {  	v56 =	vmov s20;
	v23 =	vor.u32 v5, v54  }
0x4ce: {  	v57 =	vshll.u32 v56, $0x3  }
0x4cf: {  	v58 =	vand.u32 $0x7FFFFC00, v57;
	[tilespmem:v22+s10+$0x0] =	vst.idx.msk $0xffff, v19;
	v19 =	vand.u32 $0x79, v56  }
0x4d0: {  	[tilespmem:v20+s10+$0x0] =	vst.idx.msk $0xffff, v21;
	v19 =	vor.u32 v19, v58  }
0x4d1: {  	v60 =	vbroadcast v18, $0x2;
	v20 =	vld.idx.msk [tilespmem:v55+s23+$0x0], $0xffff;
	v59 =	vadd.s32 v2, v19  }
0x4d2: {  	v23 =	vld.idx.msk [tilespmem:v23+s23+$0x0], $0xffff;
	v19 =	vadd.s32 v3, v19  }
0x4d3: {  	v61 =	vor.u32 v6, v60;
	s16 =	sadd.s32 $0x12, s15  }
0x4d4: {  	v62 =	vmov s16;
	v22 =	vor.u32 v7, v60  }
0x4d5: {  	v63 =	vshll.u32 v62, $0x3  }
0x4d6: {  	v27 =	vand.u32 $0x7A, v62;
	v28 =	vand.u32 $0x7FFFFC00, v63;
	[tilespmem:v59+s10+$0x0] =	vst.idx.msk $0xffff, v20  }
0x4d7: {  	[tilespmem:v19+s10+$0x0] =	vst.idx.msk $0xffff, v23;
	v19 =	vor.u32 v27, v28  }
0x4d8: {  	v30 =	vbroadcast v18, $0x3;
	v29 =	vld.idx.msk [tilespmem:v61+s23+$0x0], $0xffff;
	v21 =	vadd.s32 v2, v19  }
0x4d9: {  	v22 =	vld.idx.msk [tilespmem:v22+s23+$0x0], $0xffff;
	v19 =	vadd.s32 v3, v19  }
0x4da: {  	s20 =	sadd.s32 $0x13, s15;
	v31 =	vor.u32 v8, v30  }
0x4db: {  	v32 =	vmov s20;
	v23 =	vor.u32 v9, v30  }
0x4dc: {  	v33 =	vshll.u32 v32, $0x3  }
0x4dd: {  	v34 =	vand.u32 $0x7B, v32;
	v35 =	vand.u32 $0x7FFFFC00, v33;
	[tilespmem:v21+s10+$0x0] =	vst.idx.msk $0xffff, v29  }
0x4de: {  	[tilespmem:v19+s10+$0x0] =	vst.idx.msk $0xffff, v22;
	v19 =	vor.u32 v34, v35  }
0x4df: {  	v37 =	vbroadcast v18, $0x4;
	v36 =	vld.idx.msk [tilespmem:v31+s23+$0x0], $0xffff;
	v21 =	vadd.s32 v2, v19  }
0x4e0: {  	v23 =	vld.idx.msk [tilespmem:v23+s23+$0x0], $0xffff;
	v19 =	vadd.s32 v3, v19  }
0x4e1: {  	v38 =	vor.u32 v10, v37;
	s16 =	sadd.s32 $0x14, s15  }
0x4e2: {  	v39 =	vmov s16;
	v22 =	vor.u32 v11, v37  }
0x4e3: {  	v40 =	vshll.u32 v39, $0x3  }
0x4e4: {  	v41 =	vand.u32 $0x7C, v39;
	v42 =	vand.u32 $0x7FFFFC00, v40;
	[tilespmem:v21+s10+$0x0] =	vst.idx.msk $0xffff, v36  }
0x4e5: {  	[tilespmem:v19+s10+$0x0] =	vst.idx.msk $0xffff, v23;
	v19 =	vor.u32 v41, v42  }
0x4e6: {  	v44 =	vbroadcast v18, $0x5;
	v43 =	vld.idx.msk [tilespmem:v38+s23+$0x0], $0xffff;
	v21 =	vadd.s32 v2, v19  }
0x4e7: {  	v22 =	vld.idx.msk [tilespmem:v22+s23+$0x0], $0xffff;
	v19 =	vadd.s32 v3, v19  }
0x4e8: {  	s20 =	sadd.s32 $0x15, s15;
	v45 =	vor.u32 v12, v44  }
0x4e9: {  	v46 =	vmov s20;
	v23 =	vor.u32 v13, v44  }
0x4ea: {  	v47 =	vshll.u32 v46, $0x3  }
0x4eb: {  	v48 =	vand.u32 $0x7D, v46;
	v49 =	vand.u32 $0x7FFFFC00, v47;
	[tilespmem:v21+s10+$0x0] =	vst.idx.msk $0xffff, v43  }
0x4ec: {  	[tilespmem:v19+s10+$0x0] =	vst.idx.msk $0xffff, v22;
	v19 =	vor.u32 v48, v49  }
0x4ed: {  	v51 =	vbroadcast v18, $0x6;
	v50 =	vld.idx.msk [tilespmem:v45+s23+$0x0], $0xffff;
	v21 =	vadd.s32 v2, v19  }
0x4ee: {  	v23 =	vld.idx.msk [tilespmem:v23+s23+$0x0], $0xffff;
	v19 =	vadd.s32 v3, v19  }
0x4ef: {  	s16 =	sadd.s32 $0x16, s15;
	v52 =	vor.u32 v14, v51  }
0x4f0: {  	v53 =	vmov s16;
	v22 =	vor.u32 v15, v51  }
0x4f1: {  	v54 =	vshll.u32 v53, $0x3  }
0x4f2: {  	v56 =	vand.u32 $0x7FFFFC00, v54;
	v55 =	vand.u32 $0x7E, v53;
	[tilespmem:v21+s10+$0x0] =	vst.idx.msk $0xffff, v50  }
0x4f3: {  	[tilespmem:v19+s10+$0x0] =	vst.idx.msk $0xffff, v23;
	v19 =	vor.u32 v55, v56  }
0x4f4: {  	v18 =	vbroadcast v18, $0x7;
	v57 =	vld.idx.msk [tilespmem:v52+s23+$0x0], $0xffff;
	v21 =	vadd.s32 v2, v19  }
0x4f5: {  	v22 =	vld.idx.msk [tilespmem:v22+s23+$0x0], $0xffff;
	v19 =	vadd.s32 v3, v19  }
0x4f6: {  	s20 =	sadd.s32 $0x17, s15;
	v58 =	vor.u32 v16, v18  }
0x4f7: {  	v18 =	vor.u32 v17, v18;
	v59 =	vmov s20  }
0x4f8: {  	v60 =	vshll.u32 v59, $0x3  }
0x4f9: {  	v61 =	vand.u32 $0x7F, v59;
	v62 =	vand.u32 $0x7FFFFC00, v60;
	[tilespmem:v21+s10+$0x0] =	vst.idx.msk $0xffff, v57  }
0x4fa: {  	[tilespmem:v19+s10+$0x0] =	vst.idx.msk $0xffff, v22;
	v19 =	vor.u32 v61, v62  }
0x4fb: {  	v63 =	vld.idx.msk [tilespmem:v58+s23+$0x0], $0xffff;
	v21 =	vadd.s32 v2, v19  }
0x4fc: {  	p0 =	sne.s32 s14, $0x1F8;
	v18 =	vld.idx.msk [tilespmem:v18+s23+$0x0], $0xffff;
	v19 =	vadd.s32 v3, v19  }
.Ltmp1:
0x4fd: {  	_ = 	snop;
	(pc) =	sbr.rel @p0 .LBB2_4-.Ltmp1, $3  }
0x4fe: {  	_ =	sdelay $0x1  }
0x4ff: {  	s3 =	sadd.s32 $0x18, s3;
	[tilespmem:v21+s10+$0x0] =	vst.idx.msk $0xffff, v63  }
0x500: {  	s14 =	sadd.s32 $0x18, s14;
	s13 =	sadd.s32 $0x3, s13;
	s26 =	simm.s32 $0x1500;
	[tilespmem:v19+s10+$0x0] =	vst.idx.msk $0xffff, v18  }
0x501: {  	_ =	swait.ge [sflag:s9], $0x8000  }
0x502: {  	[sflag:s9] =	ssyncset.done $0x0  }
0x503: {  	[sflag:s9] =	ssyncadd.s32 $0xFFFF8000  }
0x504: {  	_ =	swait.ge [sflag:s25], $0x8000  }
0x505: {  	s5 =	simm.s32 $0x1000;
	s6 =	simm.s32 $0x20000;
	[sflag:s25] =	ssyncset.done $0x0  }
0x506: {  	s11 =	simm.s32 $0x4;
	s3 =	rddreg [dreg:$0x9];
	[sflag:s25] =	ssyncadd.s32 $0xFFFF8000  }
0x507: {  	[hbm4b:s3+s5] =	stream.strided.scatter [tilespmem:s10], [sflag:$0x4], $0x4000, s6, s5, $0x38;
	[tilespmem:$0x1C500] =	vst v63  }
0x508: {  	_ =	swait.ge [sflag:s11], $0x4000  }
0x509: {  	s16 =	simm.s32 $0x2500;
	s13 =	rddreg [dreg:$0xb]  }
0x50a: {  	s29 =	simm.s32 $0x4500;
	s31 =	rddreg [dreg:$0xa];
	s13 =	sadd.s32 $0x1, s13  }
0x50b: {  	s18 =	simm.s32 $0x6500;
	s19 =	simm.s32 $0x900;
	p0 =	sne.s32 s13, s31  }
.Ltmp2:
0x50c: {  	s30 =	simm.s32 $0x2900;
	s20 =	simm.s32 $0x6900;
	(pc) =	sbr.rel @p0 .LBB2_1-.Ltmp2, $4  }
0x50d: {  	s21 =	simm.s32 $0x2D00;
	s22 =	simm.s32 $0x4D00;
	s7 =	simm.s32 $0x6D00  }
0x50e: {  	s28 =	simm.s32 $0x3100;
	s8 =	simm.s32 $0x5100;
	s24 =	simm.s32 $0x7100  }
0x50f: {  	s14 =	simm.s32 $0x3500;
	s15 =	simm.s32 $0x5500;
	[sflag:s11] =	ssyncset.done $0x0  }
0x510: {  	s5 =	simm.s32 $0x4900;
	s6 =	simm.s32 $0xD00;
	[sflag:s11] =	ssyncadd.s32 $0xFFFFC000  }
0x511: {  	_ =	sfence.sel $0x180000  }
0x512: {  	[bflag:$0x0] =	sbarrier.arrive $0xFFFF  }
0x513: {  	_ =	strace $0x90000047  }
0x514: {  	s0 =	stileid.u32;
	[bflag:$0x2] =	sbarrier.arrive $0xFFFF  }
0x515: {  	p0 =	sne.s32 s0, $0x0;
	s0 =	rddreg [dreg:$0x5]  }
0x516: {  	s0 =	sadd.s32 @!p0 $0x100000, s0  }
0x517: {  	[sflag:s0] =	ssyncadd.tile.s32 @!p0 $0x1;
	_ =	shalt  }
.Lfunc_end2:
_tile_overlayer_lowered:
.L_overlay_start_2:
0x518: {  	(tag) =	ssettag $0x2  }
0x519: {  	s0 =	rddreg [dreg:$0x0];
	s2 =	stileid.u32  }
0x51a: {  	s1 =	rddreg [dreg:$0x1];
	p0 =	sne.s32 s2, $0x0  }
0x51b: {  	s3 =	rddreg [dreg:$0x2];
	[bflag:$0x3] =	sbarrier.arrive $0xFFFF;
	s2 =	simm.s32 @!p0 $0x1C04  }
0x51c: {  	[timem:s3], [sflag:s2] =	dma.local @!p0 [hbm:s0], s1  }
0x51d: {  	s0 =	simm.s32 @!p0 $0x4  }
0x51e: {  	_ =	swait.ge @!p0 [sflag:s0], s1  }
0x51f: {  	s1 =	ssub.s32 @!p0 $0x0, s1;
	[sflag:s0] =	ssyncset.done @!p0 $0x0  }
0x520: {  	[sflag:s0] =	ssyncadd.s32 @!p0 s1  }
0x521: {  	[bflag:$0x3] =	sbarrier.arrive $0xFFFF  }
0x522: {  	_ =	shalt  }

</sc_bundles>
